<compile_context>
chip_gen: v7x
topology: tpu7x:2x2x1
jax: 0.10.2.dev20260603
libtpu: 0.0.44.dev20260713+nightly
codegen_flags: <defaults>
</compile_context>

<pallas_src>
import functools

import jax
import jax.numpy as jnp
from jax import lax
from jax.experimental import pallas as pl
from jax.experimental.pallas import tpu as pltpu
from jax.experimental.pallas import tpu_sc as plsc

N_TOK = 8192
D_IN = 2048
D_OUT = 2048
N_EXP = 8

TM = 256
NT = N_TOK // TM
WMAX = NT + N_EXP - 1
NR = N_TOK // 128

_SC_NC = 2
_SC_NS = 16
_NW = _SC_NC * _SC_NS
_ROWS_PER_W = N_TOK // _NW
_CH = 16
_NB = 3
_NCH = _ROWS_PER_W // _CH


def _prologue_body(e_ref, pos_ref, m_ref, eo_ref, lo_ref, hi_ref):
  E = e_ref[...]
  lane = lax.broadcasted_iota(jnp.int32, (128, 128), 0)
  lane_c = lax.broadcasted_iota(jnp.int32, (128, 128), 1)
  A = (lane <= lane_c).astype(jnp.float32)
  rowi = lax.broadcasted_iota(jnp.int32, (NR, NR), 0)
  rowi_c = lax.broadcasted_iota(jnp.int32, (NR, NR), 1)
  Texc = (rowi_c < rowi).astype(jnp.float32)

  pos_acc = jnp.zeros((NR, 128), jnp.float32)
  start = jnp.float32(0.0)
  starts, ends = [], []
  for e in range(N_EXP):
    M = (E == e).astype(jnp.float32)
    P = jnp.dot(M, A, preferred_element_type=jnp.float32)
    tot = P[:, 127:128]
    B = jnp.dot(Texc, tot, preferred_element_type=jnp.float32)
    rank = B + P - 1.0
    pos_acc = pos_acc + M * (start + rank)
    starts.append(start)
    start = start + jnp.sum(M)
    ends.append(start)
  pos_ref[...] = pos_acc.astype(jnp.int32)

  wids = lax.broadcasted_iota(jnp.int32, (1, 128), 1).astype(jnp.float32)
  ws = jnp.float32(0.0)
  wstart, t0s = [], []
  for e in range(N_EXP):
    s, en = starts[e], ends[e]
    nonempty = en > s
    t0 = jnp.floor(s / TM)
    t1 = jnp.floor((en - 1.0) / TM)
    ntiles = jnp.where(nonempty, t1 - t0 + 1.0, 0.0)
    t0s.append(jnp.where(nonempty, t0, 0.0))
    wstart.append(ws)
    ws = ws + ntiles
  n_work = ws
  valid = wids < n_work
  e_of = jnp.zeros((1, 128), jnp.float32)
  for e in range(1, N_EXP):
    e_of = e_of + (wids >= wstart[e]).astype(jnp.float32)
  e_last = jnp.float32(0.0)
  for e in range(N_EXP):
    e_last = jnp.where(ends[e] > starts[e], jnp.float32(e), e_last)
  e_of = jnp.where(valid, e_of, e_last)
  t0_sel = jnp.zeros((1, 128), jnp.float32)
  ws_sel = jnp.zeros((1, 128), jnp.float32)
  st_sel = jnp.zeros((1, 128), jnp.float32)
  en_sel = jnp.zeros((1, 128), jnp.float32)
  for e in range(N_EXP):
    sel = (e_of == e).astype(jnp.float32)
    t0_sel += sel * t0s[e]
    ws_sel += sel * wstart[e]
    st_sel += sel * starts[e]
    en_sel += sel * ends[e]
  m_of = jnp.where(valid, t0_sel + (wids - ws_sel), jnp.float32(NT - 1))
  lo = jnp.where(valid, jnp.clip(st_sel - m_of * TM, 0.0, float(TM)), 0.0)
  hi = jnp.where(valid, jnp.clip(en_sel - m_of * TM, 0.0, float(TM)), 0.0)
  m_ref[...] = m_of.astype(jnp.int32)
  eo_ref[...] = e_of.astype(jnp.int32)
  lo_ref[...] = lo.astype(jnp.int32)
  hi_ref[...] = hi.astype(jnp.int32)


def _prologue(e32):
  pos, m_of, e_of, lo, hi = pl.pallas_call(
      _prologue_body,
      out_shape=[
          jax.ShapeDtypeStruct((NR, 128), jnp.int32),
          jax.ShapeDtypeStruct((1, 128), jnp.int32),
          jax.ShapeDtypeStruct((1, 128), jnp.int32),
          jax.ShapeDtypeStruct((1, 128), jnp.int32),
          jax.ShapeDtypeStruct((1, 128), jnp.int32),
      ],
  )(e32.reshape(NR, 128))
  return (pos.reshape(N_TOK), m_of.reshape(128), e_of.reshape(128),
          lo.reshape(128), hi.reshape(128))


def _sc_mesh():
  return plsc.VectorSubcoreMesh(
      core_axis_name="c", subcore_axis_name="s",
      num_cores=_SC_NC, num_subcores=_SC_NS)


@functools.lru_cache(maxsize=None)
def _make_row_scatter(n_cols):
  @functools.partial(
      pl.kernel,
      out_type=jax.ShapeDtypeStruct((N_TOK, n_cols), jnp.float32),
      mesh=_sc_mesh(),
      scratch_types=[
          pltpu.VMEM((_ROWS_PER_W,), jnp.int32),
          pltpu.VMEM((_NB, _CH, n_cols), jnp.float32),
          pltpu.SemaphoreType.DMA((_NB,)),
          pltpu.SemaphoreType.DMA((_NB,)),
      ],
  )
  def scatter_kernel(src_hbm, idx_hbm, out_hbm, idx_v, rows_v, gsem, wsem):
    wid = lax.axis_index("s") * _SC_NC + lax.axis_index("c")
    base = wid * _ROWS_PER_W
    pltpu.sync_copy(idx_hbm.at[pl.ds(base, _ROWS_PER_W)], idx_v)

    gd = [None] * _NCH
    wd = [None] * _NCH

    def put(k):
      iv = idx_v[pl.ds(k * _CH, _CH)]
      wd[k] = pltpu.async_copy(
          rows_v.at[k % _NB], out_hbm.at[iv], wsem.at[k % _NB])

    for k in range(_NCH):
      b = k % _NB
      if k >= _NB:
        wd[k - _NB].wait()
      gd[k] = pltpu.async_copy(
          src_hbm.at[pl.ds(base + k * _CH, _CH)], rows_v.at[b], gsem.at[b])
      if k >= 1:
        gd[k - 1].wait()
        put(k - 1)
    gd[_NCH - 1].wait()
    put(_NCH - 1)
    for k in range(_NCH - _NB, _NCH):
      wd[k].wait()

  return scatter_kernel


@functools.lru_cache(maxsize=None)
def _make_row_gather(n_cols):
  @functools.partial(
      pl.kernel,
      out_type=jax.ShapeDtypeStruct((N_TOK, n_cols), jnp.float32),
      mesh=_sc_mesh(),
      scratch_types=[
          pltpu.VMEM((_ROWS_PER_W,), jnp.int32),
          pltpu.VMEM((_NB, _CH, n_cols), jnp.float32),
          pltpu.SemaphoreType.DMA((_NB,)),
          pltpu.SemaphoreType.DMA((_NB,)),
      ],
  )
  def gather_kernel(src_hbm, idx_hbm, out_hbm, idx_v, rows_v, gsem, wsem):
    wid = lax.axis_index("s") * _SC_NC + lax.axis_index("c")
    base = wid * _ROWS_PER_W
    pltpu.sync_copy(idx_hbm.at[pl.ds(base, _ROWS_PER_W)], idx_v)

    gd = [None] * _NCH
    wd = [None] * _NCH

    def put(k):
      wd[k] = pltpu.async_copy(
          rows_v.at[k % _NB],
          out_hbm.at[pl.ds(base + k * _CH, _CH)],
          wsem.at[k % _NB])

    for k in range(_NCH):
      b = k % _NB
      if k >= _NB:
        wd[k - _NB].wait()
      iv = idx_v[pl.ds(k * _CH, _CH)]
      gd[k] = pltpu.async_copy(src_hbm.at[iv], rows_v.at[b], gsem.at[b])
      if k >= 1:
        gd[k - 1].wait()
        put(k - 1)
    gd[_NCH - 1].wait()
    put(_NCH - 1)
    for k in range(_NCH - _NB, _NCH):
      wd[k].wait()

  return gather_kernel


def _mm_body(m_ref, e_ref, lo_ref, hi_ref, xs_ref, w_ref, b_ref, out_ref):
  i = pl.program_id(0)
  lo = lo_ref[i]
  hi = hi_ref[i]

  @pl.when(hi > lo)
  def _():
    acc = jnp.dot(xs_ref[...], w_ref[0], preferred_element_type=jnp.float32)
    val = jnp.maximum(acc + b_ref[0, 0][None, :], 0.0)

    @pl.when((lo == 0) & (hi == TM))
    def _():
      out_ref[...] = val

    @pl.when((lo > 0) | (hi < TM))
    def _():
      rows = lax.broadcasted_iota(jnp.int32, (TM, 1), 0)
      mask = (rows >= lo) & (rows < hi)
      out_ref[...] = jnp.where(mask, val, out_ref[...])


def _grouped_matmul(xs, w, b, m_of_w, e_of_w, lo_w, hi_w):
  grid_spec = pltpu.PrefetchScalarGridSpec(
      num_scalar_prefetch=4,
      grid=(WMAX,),
      in_specs=[
          pl.BlockSpec((TM, D_IN), lambda i, m, e, lo, hi: (m[i], 0)),
          pl.BlockSpec((1, D_IN, D_OUT), lambda i, m, e, lo, hi: (e[i], 0, 0)),
          pl.BlockSpec((1, 1, D_OUT), lambda i, m, e, lo, hi: (e[i], 0, 0)),
      ],
      out_specs=pl.BlockSpec((TM, D_OUT), lambda i, m, e, lo, hi: (m[i], 0)),
  )
  return pl.pallas_call(
      _mm_body,
      grid_spec=grid_spec,
      out_shape=jax.ShapeDtypeStruct((N_TOK, D_OUT), jnp.float32),
      compiler_params=pltpu.CompilerParams(
          dimension_semantics=("arbitrary",),
          vmem_limit_bytes=100 * 1024 * 1024,
      ),
  )(m_of_w, e_of_w, lo_w, hi_w, xs, w, b.reshape(N_EXP, 1, D_OUT))


def kernel(x, idxs, w, b):
  e32 = idxs.astype(jnp.int32)
  pos, m_of_w, e_of_w, lo_w, hi_w = _prologue(e32)
  xs = _make_row_scatter(D_IN)(x, pos)
  ys = _grouped_matmul(xs, w, b, m_of_w, e_of_w, lo_w, hi_w)
  return _make_row_gather(D_OUT)(ys, pos)

# --- scband reference (transcript-rebuilt; emitter-appended) ---
"""Pipeline reference for scband-add-mm-30700426232147 (READ-ONLY COPY).

The authoritative reference and input builder live on the scoring server;
editing this copy changes nothing except your own understanding.
"""

import jax, jax.numpy as jnp
import numpy as np

N_TOKENS = 8192
D_IN = 2048
D_OUT = 2048
N_MODELS = 8

def setup_inputs(seed: int = 0) -> dict:
    key = jax.random.key(seed)
    k1, k2, k3, k4 = jax.random.split(key, 4)
    x = jax.random.normal(k1, (N_TOKENS, D_IN), dtype=jnp.float32)
    idxs = jax.random.randint(k2, (N_TOKENS,), 0, N_MODELS, dtype=jnp.int64)
    w = jax.random.normal(k3, (N_MODELS, D_IN, D_OUT), dtype=jnp.float32) * 0.02
    b = jax.random.normal(k4, (N_MODELS, D_OUT), dtype=jnp.float32) * 0.02
    return {"x": x, "idxs": idxs, "w": w, "b": b}

def reference(x, idxs, w, b):
    # Faithful translation: for each expert i, tokens with idxs==i get
    # addmm(b[i], x_i, w[i]); then relu over the assembled output.
    n_models = w.shape[0]
    y = jnp.zeros((x.shape[0], w.shape[2]), dtype=x.dtype)
    for i in range(n_models):
        mask = (idxs == i)
        yi = x @ w[i] + b[i]
        y = jnp.where(mask[:, None], yi, y)
    return jax.nn.relu(y)

if __name__ == "__main__":
    import jax
    _d = setup_inputs()
    print(jax.jit(kernel)(*tuple(_d.values())))

</pallas_src>

<mosaic_0001>
#map = affine_map<(d0, d1) -> (0, 0)>
#map1 = affine_map<(d0, d1) -> (0)>
module attributes {stable_mosaic.version = 14 : i64} {
  func.func @gather_kernel(%arg0: i32, %arg1: i32, %arg2: memref<8192x2048xf32, #tpu.memory_space<hbm>>, %arg3: memref<8192xi32, #tpu.memory_space<hbm>>, %arg4: memref<8192x2048xf32, #tpu.memory_space<hbm>>, %arg5: memref<256xi32, #tpu.memory_space<vmem>>, %arg6: memref<3x16x2048xf32, #tpu.memory_space<vmem>>, %arg7: memref<3x!tpu.dma_semaphore, #tpu.memory_space<semaphore_mem>>, %arg8: memref<3x!tpu.dma_semaphore, #tpu.memory_space<semaphore_mem>>) attributes {dimension_semantics = [#tpu.dimension_semantics<core_parallel>, #tpu.dimension_semantics<subcore_parallel>], iteration_bounds = array<i64: 2, 16>, scalar_prefetch = 0 : i64, scratch_operands = 4 : i64, tpu.core_type = #tpu.core_type<sc_vector_subcore>, window_params = [{transform_indices = #map}, {transform_indices = #map1}, {transform_indices = #map}]} {
    %mul3A = arith.constant 2 : i32
    %mul3A_0 = arith.muli %arg1, %mul3A : i32
    %add3A = arith.addi %mul3A_0, %arg0 : i32
    %mul3A_1 = arith.constant 256 : i32
    %mul3A_2 = arith.muli %add3A, %mul3A_1 : i32
    "tpu.region"() ({
      %run_scoped3A = tpu.sem_alloc : memref<!tpu.dma_semaphore, #tpu.memory_space<semaphore_mem>>
      %dma_start3A_944 = tpu.memref_slice %arg3[%mul3A_2] : memref<8192xi32, #tpu.memory_space<hbm>> -> memref<256xi32, #tpu.memory_space<hbm>>
      %dma_start3A_945 = tpu.memref_slice %arg3[%mul3A_2] : memref<8192xi32, #tpu.memory_space<hbm>> -> memref<256xi32, #tpu.memory_space<hbm>>
      tpu.enqueue_dma source(%dma_start3A_945 : memref<256xi32, #tpu.memory_space<hbm>>) target(%arg5 : memref<256xi32, #tpu.memory_space<vmem>>) target_semaphore(%run_scoped3A : memref<!tpu.dma_semaphore, #tpu.memory_space<semaphore_mem>>)
      %dma_wait3A_946 = tpu.memref_slice %arg3[%mul3A_2] : memref<8192xi32, #tpu.memory_space<hbm>> -> memref<256xi32, #tpu.memory_space<hbm>>
      %dma_wait3A_947 = tpu.memref_slice %arg3[%mul3A_2] : memref<8192xi32, #tpu.memory_space<hbm>> -> memref<256xi32, #tpu.memory_space<hbm>>
      tpu.wait_dma2 semaphore(%run_scoped3A : memref<!tpu.dma_semaphore, #tpu.memory_space<semaphore_mem>>) src(%dma_wait3A_947 : memref<256xi32, #tpu.memory_space<hbm>>) dst(%arg5 : memref<256xi32, #tpu.memory_space<vmem>>)
      tpu.yield
    }) : () -> ()
    %get3A = arith.constant 0 : index
    %get3A_3 = tpu.vector_load %arg5[%get3A] {strides = array<i32>} : memref<256xi32, #tpu.memory_space<vmem>>, vector<16xi32>,
    %get3A_4 = vector.shape_cast %get3A_3 : vector<16xi32> to vector<16xi32>
    %dma_start3A = arith.constant 0 : i32
    %dma_start3A_5 = arith.constant 0 : i32
    %dma_start3A_6 = arith.constant 0 : i32
    %dma_start3A_7 = arith.constant 0 : i32
    %dma_start3A_8 = tpu.memref_slice %arg6[%dma_start3A, %dma_start3A_6, %dma_start3A_7] : memref<3x16x2048xf32, #tpu.memory_space<vmem>> -> memref<1x16x2048xf32, #tpu.memory_space<vmem>>
    %dma_start3A_9 = tpu.memref_squeeze %dma_start3A_8 : memref<1x16x2048xf32, #tpu.memory_space<vmem>> -> memref<16x2048xf32, #tpu.memory_space<vmem>>
    %dma_start3A_10 = arith.constant 0 : i32
    %dma_start3A_11 = arith.constant 0 : i32
    %dma_start3A_12 = tpu.memref_slice %arg2[%dma_start3A_10, %dma_start3A_11] : memref<8192x2048xf32, #tpu.memory_space<hbm>> -> memref<8192x2048xf32, #tpu.memory_space<hbm>>
    %dma_start3A_13 = tpu.memref_slice %arg7[%dma_start3A_5] : memref<3x!tpu.dma_semaphore, #tpu.memory_space<semaphore_mem>> -> memref<1x!tpu.dma_semaphore, #tpu.memory_space<semaphore_mem>>
    %dma_start3A_14 = tpu.memref_squeeze %dma_start3A_13 : memref<1x!tpu.dma_semaphore, #tpu.memory_space<semaphore_mem>> -> memref<!tpu.dma_semaphore, #tpu.memory_space<semaphore_mem>>
    tpu.enqueue_indirect_dma source(%dma_start3A_12 : memref<8192x2048xf32, #tpu.memory_space<hbm>>) target(%dma_start3A_9 : memref<16x2048xf32, #tpu.memory_space<vmem>>) offsets(%get3A_4 : vector<16xi32>) semaphore(%dma_start3A_14 : memref<!tpu.dma_semaphore, #tpu.memory_space<semaphore_mem>>)
    %get3A_15 = arith.constant 16 : index
    %get3A_16 = tpu.vector_load %arg5[%get3A_15] {strides = array<i32>} : memref<256xi32, #tpu.memory_space<vmem>>, vector<16xi32>,
    %get3A_17 = vector.shape_cast %get3A_16 : vector<16xi32> to vector<16xi32>
    %dma_start3A_18 = arith.constant 1 : i32
    %dma_start3A_19 = arith.constant 1 : i32
    %dma_start3A_20 = arith.constant 0 : i32
    %dma_start3A_21 = arith.constant 0 : i32
    %dma_start3A_22 = tpu.memref_slice %arg6[%dma_start3A_18, %dma_start3A_20, %dma_start3A_21] : memref<3x16x2048xf32, #tpu.memory_space<vmem>> -> memref<1x16x2048xf32, #tpu.memory_space<vmem>>
    %dma_start3A_23 = tpu.memref_squeeze %dma_start3A_22 : memref<1x16x2048xf32, #tpu.memory_space<vmem>> -> memref<16x2048xf32, #tpu.memory_space<vmem>>
    %dma_start3A_24 = arith.constant 0 : i32
    %dma_start3A_25 = arith.constant 0 : i32
    %dma_start3A_26 = tpu.memref_slice %arg2[%dma_start3A_24, %dma_start3A_25] : memref<8192x2048xf32, #tpu.memory_space<hbm>> -> memref<8192x2048xf32, #tpu.memory_space<hbm>>
    %dma_start3A_27 = tpu.memref_slice %arg7[%dma_start3A_19] : memref<3x!tpu.dma_semaphore, #tpu.memory_space<semaphore_mem>> -> memref<1x!tpu.dma_semaphore, #tpu.memory_space<semaphore_mem>>
    %dma_start3A_28 = tpu.memref_squeeze %dma_start3A_27 : memref<1x!tpu.dma_semaphore, #tpu.memory_space<semaphore_mem>> -> memref<!tpu.dma_semaphore, #tpu.memory_space<semaphore_mem>>
    tpu.enqueue_indirect_dma source(%dma_start3A_26 : memref<8192x2048xf32, #tpu.memory_space<hbm>>) target(%dma_start3A_23 : memref<16x2048xf32, #tpu.memory_space<vmem>>) offsets(%get3A_17 : vector<16xi32>) semaphore(%dma_start3A_28 : memref<!tpu.dma_semaphore, #tpu.memory_space<semaphore_mem>>)
    %dma_wait3A = arith.constant 0 : i32
    %dma_wait3A_29 = arith.constant 0 : i32
    %dma_wait3A_30 = arith.constant 0 : i32
    %dma_wait3A_31 = arith.constant 0 : i32
    %dma_wait3A_32 = tpu.memref_slice %arg6[%dma_wait3A, %dma_wait3A_30, %dma_wait3A_31] : memref<3x16x2048xf32, #tpu.memory_space<vmem>> -> memref<1x16x2048xf32, #tpu.memory_space<vmem>>
    %dma_wait3A_33 = tpu.memref_squeeze %dma_wait3A_32 : memref<1x16x2048xf32, #tpu.memory_space<vmem>> -> memref<16x2048xf32, #tpu.memory_space<vmem>>
    %dma_wait3A_34 = arith.constant 0 : i32
    %dma_wait3A_35 = arith.constant 0 : i32
    %dma_wait3A_36 = tpu.memref_slice %arg2[%dma_wait3A_34, %dma_wait3A_35] : memref<8192x2048xf32, #tpu.memory_space<hbm>> -> memref<8192x2048xf32, #tpu.memory_space<hbm>>
    %dma_wait3A_37 = tpu.memref_slice %arg7[%dma_wait3A_29] : memref<3x!tpu.dma_semaphore, #tpu.memory_space<semaphore_mem>> -> memref<1x!tpu.dma_semaphore, #tpu.memory_space<semaphore_mem>>
    %dma_wait3A_38 = tpu.memref_squeeze %dma_wait3A_37 : memref<1x!tpu.dma_semaphore, #tpu.memory_space<semaphore_mem>> -> memref<!tpu.dma_semaphore, #tpu.memory_space<semaphore_mem>>
    tpu.wait_indirect_dma semaphore(%dma_wait3A_38 : memref<!tpu.dma_semaphore, #tpu.memory_space<semaphore_mem>>) src(%dma_wait3A_36 : memref<8192x2048xf32, #tpu.memory_space<hbm>>) dst(%dma_wait3A_33 : memref<16x2048xf32, #tpu.memory_space<vmem>>)
    %add3A_39 = arith.constant 0 : i32
    %add3A_40 = arith.addi %mul3A_2, %add3A_39 : i32
    %dma_start3A_41 = arith.constant 0 : i32
    %dma_start3A_42 = arith.constant 0 : i32
    %dma_start3A_43 = arith.constant 0 : i32
    %dma_start3A_44 = arith.constant 0 : i32
    %dma_start3A_45 = tpu.memref_slice %arg6[%dma_start3A_41, %dma_start3A_43, %dma_start3A_44] : memref<3x16x2048xf32, #tpu.memory_space<vmem>> -> memref<1x16x2048xf32, #tpu.memory_space<vmem>>
    %dma_start3A_46 = tpu.memref_squeeze %dma_start3A_45 : memref<1x16x2048xf32, #tpu.memory_space<vmem>> -> memref<16x2048xf32, #tpu.memory_space<vmem>>
    %dma_start3A_47 = arith.constant 0 : i32
    %dma_start3A_48 = tpu.memref_slice %arg4[%add3A_40, %dma_start3A_47] : memref<8192x2048xf32, #tpu.memory_space<hbm>> -> memref<16x2048xf32, #tpu.memory_space<hbm>>
    %dma_start3A_49 = tpu.memref_slice %arg8[%dma_start3A_42] : memref<3x!tpu.dma_semaphore, #tpu.memory_space<semaphore_mem>> -> memref<1x!tpu.dma_semaphore, #tpu.memory_space<semaphore_mem>>
    %dma_start3A_50 = tpu.memref_squeeze %dma_start3A_49 : memref<1x!tpu.dma_semaphore, #tpu.memory_space<semaphore_mem>> -> memref<!tpu.dma_semaphore, #tpu.memory_space<semaphore_mem>>
    %dma_start3A_51 = arith.constant 0 : i32
    %dma_start3A_52 = tpu.memref_slice %arg4[%add3A_40, %dma_start3A_51] : memref<8192x2048xf32, #tpu.memory_space<hbm>> -> memref<16x2048xf32, #tpu.memory_space<hbm>>
    %dma_start3A_53 = arith.constant 0 : i32
    %dma_start3A_54 = arith.constant 0 : i32
    %dma_start3A_55 = tpu.memref_slice %arg6[%dma_start3A_41, %dma_start3A_53, %dma_start3A_54] : memref<3x16x2048xf32, #tpu.memory_space<vmem>> -> memref<1x16x2048xf32, #tpu.memory_space<vmem>>
    %dma_start3A_56 = tpu.memref_squeeze %dma_start3A_55 : memref<1x16x2048xf32, #tpu.memory_space<vmem>> -> memref<16x2048xf32, #tpu.memory_space<vmem>>
    tpu.enqueue_dma source(%dma_start3A_56 : memref<16x2048xf32, #tpu.memory_space<vmem>>) target(%dma_start3A_52 : memref<16x2048xf32, #tpu.memory_space<hbm>>) target_semaphore(%dma_start3A_50 : memref<!tpu.dma_semaphore, #tpu.memory_space<semaphore_mem>>)
    %get3A_57 = arith.constant 32 : index
    %get3A_58 = tpu.vector_load %arg5[%get3A_57] {strides = array<i32>} : memref<256xi32, #tpu.memory_space<vmem>>, vector<16xi32>,
    %get3A_59 = vector.shape_cast %get3A_58 : vector<16xi32> to vector<16xi32>
    %dma_start3A_60 = arith.constant 2 : i32
    %dma_start3A_61 = arith.constant 2 : i32
    %dma_start3A_62 = arith.constant 0 : i32
    %dma_start3A_63 = arith.constant 0 : i32
    %dma_start3A_64 = tpu.memref_slice %arg6[%dma_start3A_60, %dma_start3A_62, %dma_start3A_63] : memref<3x16x2048xf32, #tpu.memory_space<vmem>> -> memref<1x16x2048xf32, #tpu.memory_space<vmem>>
    %dma_start3A_65 = tpu.memref_squeeze %dma_start3A_64 : memref<1x16x2048xf32, #tpu.memory_space<vmem>> -> memref<16x2048xf32, #tpu.memory_space<vmem>>
    %dma_start3A_66 = arith.constant 0 : i32
    %dma_start3A_67 = arith.constant 0 : i32
    %dma_start3A_68 = tpu.memref_slice %arg2[%dma_start3A_66, %dma_start3A_67] : memref<8192x2048xf32, #tpu.memory_space<hbm>> -> memref<8192x2048xf32, #tpu.memory_space<hbm>>
    %dma_start3A_69 = tpu.memref_slice %arg7[%dma_start3A_61] : memref<3x!tpu.dma_semaphore, #tpu.memory_space<semaphore_mem>> -> memref<1x!tpu.dma_semaphore, #tpu.memory_space<semaphore_mem>>
    %dma_start3A_70 = tpu.memref_squeeze %dma_start3A_69 : memref<1x!tpu.dma_semaphore, #tpu.memory_space<semaphore_mem>> -> memref<!tpu.dma_semaphore, #tpu.memory_space<semaphore_mem>>
    tpu.enqueue_indirect_dma source(%dma_start3A_68 : memref<8192x2048xf32, #tpu.memory_space<hbm>>) target(%dma_start3A_65 : memref<16x2048xf32, #tpu.memory_space<vmem>>) offsets(%get3A_59 : vector<16xi32>) semaphore(%dma_start3A_70 : memref<!tpu.dma_semaphore, #tpu.memory_space<semaphore_mem>>)
    %dma_wait3A_71 = arith.constant 1 : i32
    %dma_wait3A_72 = arith.constant 1 : i32
    %dma_wait3A_73 = arith.constant 0 : i32
    %dma_wait3A_74 = arith.constant 0 : i32
    %dma_wait3A_75 = tpu.memref_slice %arg6[%dma_wait3A_71, %dma_wait3A_73, %dma_wait3A_74] : memref<3x16x2048xf32, #tpu.memory_space<vmem>> -> memref<1x16x2048xf32, #tpu.memory_space<vmem>>
    %dma_wait3A_76 = tpu.memref_squeeze %dma_wait3A_75 : memref<1x16x2048xf32, #tpu.memory_space<vmem>> -> memref<16x2048xf32, #tpu.memory_space<vmem>>
    %dma_wait3A_77 = arith.constant 0 : i32
    %dma_wait3A_78 = arith.constant 0 : i32
    %dma_wait3A_79 = tpu.memref_slice %arg2[%dma_wait3A_77, %dma_wait3A_78] : memref<8192x2048xf32, #tpu.memory_space<hbm>> -> memref<8192x2048xf32, #tpu.memory_space<hbm>>
    %dma_wait3A_80 = tpu.memref_slice %arg7[%dma_wait3A_72] : memref<3x!tpu.dma_semaphore, #tpu.memory_space<semaphore_mem>> -> memref<1x!tpu.dma_semaphore, #tpu.memory_space<semaphore_mem>>
    %dma_wait3A_81 = tpu.memref_squeeze %dma_wait3A_80 : memref<1x!tpu.dma_semaphore, #tpu.memory_space<semaphore_mem>> -> memref<!tpu.dma_semaphore, #tpu.memory_space<semaphore_mem>>
    tpu.wait_indirect_dma semaphore(%dma_wait3A_81 : memref<!tpu.dma_semaphore, #tpu.memory_space<semaphore_mem>>) src(%dma_wait3A_79 : memref<8192x2048xf32, #tpu.memory_space<hbm>>) dst(%dma_wait3A_76 : memref<16x2048xf32, #tpu.memory_space<vmem>>)
    %add3A_82 = arith.constant 16 : i32
    %add3A_83 = arith.addi %mul3A_2, %add3A_82 : i32
    %dma_start3A_84 = arith.constant 1 : i32
    %dma_start3A_85 = arith.constant 1 : i32
    %dma_start3A_86 = arith.constant 0 : i32
    %dma_start3A_87 = arith.constant 0 : i32
    %dma_start3A_88 = tpu.memref_slice %arg6[%dma_start3A_84, %dma_start3A_86, %dma_start3A_87] : memref<3x16x2048xf32, #tpu.memory_space<vmem>> -> memref<1x16x2048xf32, #tpu.memory_space<vmem>>
    %dma_start3A_89 = tpu.memref_squeeze %dma_start3A_88 : memref<1x16x2048xf32, #tpu.memory_space<vmem>> -> memref<16x2048xf32, #tpu.memory_space<vmem>>
    %dma_start3A_90 = arith.constant 0 : i32
    %dma_start3A_91 = tpu.memref_slice %arg4[%add3A_83, %dma_start3A_90] : memref<8192x2048xf32, #tpu.memory_space<hbm>> -> memref<16x2048xf32, #tpu.memory_space<hbm>>
    %dma_start3A_92 = tpu.memref_slice %arg8[%dma_start3A_85] : memref<3x!tpu.dma_semaphore, #tpu.memory_space<semaphore_mem>> -> memref<1x!tpu.dma_semaphore, #tpu.memory_space<semaphore_mem>>
    %dma_start3A_93 = tpu.memref_squeeze %dma_start3A_92 : memref<1x!tpu.dma_semaphore, #tpu.memory_space<semaphore_mem>> -> memref<!tpu.dma_semaphore, #tpu.memory_space<semaphore_mem>>
    %dma_start3A_94 = arith.constant 0 : i32
    %dma_start3A_95 = tpu.memref_slice %arg4[%add3A_83, %dma_start3A_94] : memref<8192x2048xf32, #tpu.memory_space<hbm>> -> memref<16x2048xf32, #tpu.memory_space<hbm>>
    %dma_start3A_96 = arith.constant 0 : i32
    %dma_start3A_97 = arith.constant 0 : i32
    %dma_start3A_98 = tpu.memref_slice %arg6[%dma_start3A_84, %dma_start3A_96, %dma_start3A_97] : memref<3x16x2048xf32, #tpu.memory_space<vmem>> -> memref<1x16x2048xf32, #tpu.memory_space<vmem>>
    %dma_start3A_99 = tpu.memref_squeeze %dma_start3A_98 : memref<1x16x2048xf32, #tpu.memory_space<vmem>> -> memref<16x2048xf32, #tpu.memory_space<vmem>>
    tpu.enqueue_dma source(%dma_start3A_99 : memref<16x2048xf32, #tpu.memory_space<vmem>>) target(%dma_start3A_95 : memref<16x2048xf32, #tpu.memory_space<hbm>>) target_semaphore(%dma_start3A_93 : memref<!tpu.dma_semaphore, #tpu.memory_space<semaphore_mem>>)
    %dma_wait3A_100 = arith.constant 0 : i32
    %dma_wait3A_101 = arith.constant 0 : i32
    %dma_wait3A_102 = arith.constant 0 : i32
    %dma_wait3A_103 = arith.constant 0 : i32
    %dma_wait3A_104 = tpu.memref_slice %arg6[%dma_wait3A_100, %dma_wait3A_102, %dma_wait3A_103] : memref<3x16x2048xf32, #tpu.memory_space<vmem>> -> memref<1x16x2048xf32, #tpu.memory_space<vmem>>
    %dma_wait3A_105 = tpu.memref_squeeze %dma_wait3A_104 : memref<1x16x2048xf32, #tpu.memory_space<vmem>> -> memref<16x2048xf32, #tpu.memory_space<vmem>>
    %dma_wait3A_106 = arith.constant 0 : i32
    %dma_wait3A_107 = tpu.memref_slice %arg4[%add3A_40, %dma_wait3A_106] : memref<8192x2048xf32, #tpu.memory_space<hbm>> -> memref<16x2048xf32, #tpu.memory_space<hbm>>
    %dma_wait3A_108 = tpu.memref_slice %arg8[%dma_wait3A_101] : memref<3x!tpu.dma_semaphore, #tpu.memory_space<semaphore_mem>> -> memref<1x!tpu.dma_semaphore, #tpu.memory_space<semaphore_mem>>
    %dma_wait3A_109 = tpu.memref_squeeze %dma_wait3A_108 : memref<1x!tpu.dma_semaphore, #tpu.memory_space<semaphore_mem>> -> memref<!tpu.dma_semaphore, #tpu.memory_space<semaphore_mem>>
    %dma_wait3A_110 = arith.constant 0 : i32
    %dma_wait3A_111 = tpu.memref_slice %arg4[%add3A_40, %dma_wait3A_110] : memref<8192x2048xf32, #tpu.memory_space<hbm>> -> memref<16x2048xf32, #tpu.memory_space<hbm>>
    %dma_wait3A_112 = arith.constant 0 : i32
    %dma_wait3A_113 = arith.constant 0 : i32
    %dma_wait3A_114 = tpu.memref_slice %arg6[%dma_wait3A_100, %dma_wait3A_112, %dma_wait3A_113] : memref<3x16x2048xf32, #tpu.memory_space<vmem>> -> memref<1x16x2048xf32, #tpu.memory_space<vmem>>
    %dma_wait3A_115 = tpu.memref_squeeze %dma_wait3A_114 : memref<1x16x2048xf32, #tpu.memory_space<vmem>> -> memref<16x2048xf32, #tpu.memory_space<vmem>>
    tpu.wait_dma2 semaphore(%dma_wait3A_109 : memref<!tpu.dma_semaphore, #tpu.memory_space<semaphore_mem>>) src(%dma_wait3A_115 : memref<16x2048xf32, #tpu.memory_space<vmem>>) dst(%dma_wait3A_111 : memref<16x2048xf32, #tpu.memory_space<hbm>>)
    %get3A_116 = arith.constant 48 : index
    %get3A_117 = tpu.vector_load %arg5[%get3A_116] {strides = array<i32>} : memref<256xi32, #tpu.memory_space<vmem>>, vector<16xi32>,
    %get3A_118 = vector.shape_cast %get3A_117 : vector<16xi32> to vector<16xi32>
    %dma_start3A_119 = arith.constant 0 : i32
    %dma_start3A_120 = arith.constant 0 : i32
    %dma_start3A_121 = arith.constant 0 : i32
    %dma_start3A_122 = arith.constant 0 : i32
    %dma_start3A_123 = tpu.memref_slice %arg6[%dma_start3A_119, %dma_start3A_121, %dma_start3A_122] : memref<3x16x2048xf32, #tpu.memory_space<vmem>> -> memref<1x16x2048xf32, #tpu.memory_space<vmem>>
    %dma_start3A_124 = tpu.memref_squeeze %dma_start3A_123 : memref<1x16x2048xf32, #tpu.memory_space<vmem>> -> memref<16x2048xf32, #tpu.memory_space<vmem>>
    %dma_start3A_125 = arith.constant 0 : i32
    %dma_start3A_126 = arith.constant 0 : i32
    %dma_start3A_127 = tpu.memref_slice %arg2[%dma_start3A_125, %dma_start3A_126] : memref<8192x2048xf32, #tpu.memory_space<hbm>> -> memref<8192x2048xf32, #tpu.memory_space<hbm>>
    %dma_start3A_128 = tpu.memref_slice %arg7[%dma_start3A_120] : memref<3x!tpu.dma_semaphore, #tpu.memory_space<semaphore_mem>> -> memref<1x!tpu.dma_semaphore, #tpu.memory_space<semaphore_mem>>
    %dma_start3A_129 = tpu.memref_squeeze %dma_start3A_128 : memref<1x!tpu.dma_semaphore, #tpu.memory_space<semaphore_mem>> -> memref<!tpu.dma_semaphore, #tpu.memory_space<semaphore_mem>>
    tpu.enqueue_indirect_dma source(%dma_start3A_127 : memref<8192x2048xf32, #tpu.memory_space<hbm>>) target(%dma_start3A_124 : memref<16x2048xf32, #tpu.memory_space<vmem>>) offsets(%get3A_118 : vector<16xi32>) semaphore(%dma_start3A_129 : memref<!tpu.dma_semaphore, #tpu.memory_space<semaphore_mem>>)
    %dma_wait3A_130 = arith.constant 2 : i32
    %dma_wait3A_131 = arith.constant 2 : i32
    %dma_wait3A_132 = arith.constant 0 : i32
    %dma_wait3A_133 = arith.constant 0 : i32
    %dma_wait3A_134 = tpu.memref_slice %arg6[%dma_wait3A_130, %dma_wait3A_132, %dma_wait3A_133] : memref<3x16x2048xf32, #tpu.memory_space<vmem>> -> memref<1x16x2048xf32, #tpu.memory_space<vmem>>
    %dma_wait3A_135 = tpu.memref_squeeze %dma_wait3A_134 : memref<1x16x2048xf32, #tpu.memory_space<vmem>> -> memref<16x2048xf32, #tpu.memory_space<vmem>>
    %dma_wait3A_136 = arith.constant 0 : i32
    %dma_wait3A_137 = arith.constant 0 : i32
    %dma_wait3A_138 = tpu.memref_slice %arg2[%dma_wait3A_136, %dma_wait3A_137] : memref<8192x2048xf32, #tpu.memory_space<hbm>> -> memref<8192x2048xf32, #tpu.memory_space<hbm>>
    %dma_wait3A_139 = tpu.memref_slice %arg7[%dma_wait3A_131] : memref<3x!tpu.dma_semaphore, #tpu.memory_space<semaphore_mem>> -> memref<1x!tpu.dma_semaphore, #tpu.memory_space<semaphore_mem>>
    %dma_wait3A_140 = tpu.memref_squeeze %dma_wait3A_139 : memref<1x!tpu.dma_semaphore, #tpu.memory_space<semaphore_mem>> -> memref<!tpu.dma_semaphore, #tpu.memory_space<semaphore_mem>>
    tpu.wait_indirect_dma semaphore(%dma_wait3A_140 : memref<!tpu.dma_semaphore, #tpu.memory_space<semaphore_mem>>) src(%dma_wait3A_138 : memref<8192x2048xf32, #tpu.memory_space<hbm>>) dst(%dma_wait3A_135 : memref<16x2048xf32, #tpu.memory_space<vmem>>)
    %add3A_141 = arith.constant 32 : i32
    %add3A_142 = arith.addi %mul3A_2, %add3A_141 : i32
    %dma_start3A_143 = arith.constant 2 : i32
    %dma_start3A_144 = arith.constant 2 : i32
    %dma_start3A_145 = arith.constant 0 : i32
    %dma_start3A_146 = arith.constant 0 : i32
    %dma_start3A_147 = tpu.memref_slice %arg6[%dma_start3A_143, %dma_start3A_145, %dma_start3A_146] : memref<3x16x2048xf32, #tpu.memory_space<vmem>> -> memref<1x16x2048xf32, #tpu.memory_space<vmem>>
    %dma_start3A_148 = tpu.memref_squeeze %dma_start3A_147 : memref<1x16x2048xf32, #tpu.memory_space<vmem>> -> memref<16x2048xf32, #tpu.memory_space<vmem>>
    %dma_start3A_149 = arith.constant 0 : i32
    %dma_start3A_150 = tpu.memref_slice %arg4[%add3A_142, %dma_start3A_149] : memref<8192x2048xf32, #tpu.memory_space<hbm>> -> memref<16x2048xf32, #tpu.memory_space<hbm>>
    %dma_start3A_151 = tpu.memref_slice %arg8[%dma_start3A_144] : memref<3x!tpu.dma_semaphore, #tpu.memory_space<semaphore_mem>> -> memref<1x!tpu.dma_semaphore, #tpu.memory_space<semaphore_mem>>
    %dma_start3A_152 = tpu.memref_squeeze %dma_start3A_151 : memref<1x!tpu.dma_semaphore, #tpu.memory_space<semaphore_mem>> -> memref<!tpu.dma_semaphore, #tpu.memory_space<semaphore_mem>>
    %dma_start3A_153 = arith.constant 0 : i32
    %dma_start3A_154 = tpu.memref_slice %arg4[%add3A_142, %dma_start3A_153] : memref<8192x2048xf32, #tpu.memory_space<hbm>> -> memref<16x2048xf32, #tpu.memory_space<hbm>>
    %dma_start3A_155 = arith.constant 0 : i32
    %dma_start3A_156 = arith.constant 0 : i32
    %dma_start3A_157 = tpu.memref_slice %arg6[%dma_start3A_143, %dma_start3A_155, %dma_start3A_156] : memref<3x16x2048xf32, #tpu.memory_space<vmem>> -> memref<1x16x2048xf32, #tpu.memory_space<vmem>>
    %dma_start3A_158 = tpu.memref_squeeze %dma_start3A_157 : memref<1x16x2048xf32, #tpu.memory_space<vmem>> -> memref<16x2048xf32, #tpu.memory_space<vmem>>
    tpu.enqueue_dma source(%dma_start3A_158 : memref<16x2048xf32, #tpu.memory_space<vmem>>) target(%dma_start3A_154 : memref<16x2048xf32, #tpu.memory_space<hbm>>) target_semaphore(%dma_start3A_152 : memref<!tpu.dma_semaphore, #tpu.memory_space<semaphore_mem>>)
    %dma_wait3A_159 = arith.constant 1 : i32
    %dma_wait3A_160 = arith.constant 1 : i32
    %dma_wait3A_161 = arith.constant 0 : i32
    %dma_wait3A_162 = arith.constant 0 : i32
    %dma_wait3A_163 = tpu.memref_slice %arg6[%dma_wait3A_159, %dma_wait3A_161, %dma_wait3A_162] : memref<3x16x2048xf32, #tpu.memory_space<vmem>> -> memref<1x16x2048xf32, #tpu.memory_space<vmem>>
    %dma_wait3A_164 = tpu.memref_squeeze %dma_wait3A_163 : memref<1x16x2048xf32, #tpu.memory_space<vmem>> -> memref<16x2048xf32, #tpu.memory_space<vmem>>
    %dma_wait3A_165 = arith.constant 0 : i32
    %dma_wait3A_166 = tpu.memref_slice %arg4[%add3A_83, %dma_wait3A_165] : memref<8192x2048xf32, #tpu.memory_space<hbm>> -> memref<16x2048xf32, #tpu.memory_space<hbm>>
    %dma_wait3A_167 = tpu.memref_slice %arg8[%dma_wait3A_160] : memref<3x!tpu.dma_semaphore, #tpu.memory_space<semaphore_mem>> -> memref<1x!tpu.dma_semaphore, #tpu.memory_space<semaphore_mem>>
    %dma_wait3A_168 = tpu.memref_squeeze %dma_wait3A_167 : memref<1x!tpu.dma_semaphore, #tpu.memory_space<semaphore_mem>> -> memref<!tpu.dma_semaphore, #tpu.memory_space<semaphore_mem>>
    %dma_wait3A_169 = arith.constant 0 : i32
    %dma_wait3A_170 = tpu.memref_slice %arg4[%add3A_83, %dma_wait3A_169] : memref<8192x2048xf32, #tpu.memory_space<hbm>> -> memref<16x2048xf32, #tpu.memory_space<hbm>>
    %dma_wait3A_171 = arith.constant 0 : i32
    %dma_wait3A_172 = arith.constant 0 : i32
    %dma_wait3A_173 = tpu.memref_slice %arg6[%dma_wait3A_159, %dma_wait3A_171, %dma_wait3A_172] : memref<3x16x2048xf32, #tpu.memory_space<vmem>> -> memref<1x16x2048xf32, #tpu.memory_space<vmem>>
    %dma_wait3A_174 = tpu.memref_squeeze %dma_wait3A_173 : memref<1x16x2048xf32, #tpu.memory_space<vmem>> -> memref<16x2048xf32, #tpu.memory_space<vmem>>
    tpu.wait_dma2 semaphore(%dma_wait3A_168 : memref<!tpu.dma_semaphore, #tpu.memory_space<semaphore_mem>>) src(%dma_wait3A_174 : memref<16x2048xf32, #tpu.memory_space<vmem>>) dst(%dma_wait3A_170 : memref<16x2048xf32, #tpu.memory_space<hbm>>)
    %get3A_175 = arith.constant 64 : index
    %get3A_176 = tpu.vector_load %arg5[%get3A_175] {strides = array<i32>} : memref<256xi32, #tpu.memory_space<vmem>>, vector<16xi32>,
    %get3A_177 = vector.shape_cast %get3A_176 : vector<16xi32> to vector<16xi32>
    %dma_start3A_178 = arith.constant 1 : i32
    %dma_start3A_179 = arith.constant 1 : i32
    %dma_start3A_180 = arith.constant 0 : i32
    %dma_start3A_181 = arith.constant 0 : i32
    %dma_start3A_182 = tpu.memref_slice %arg6[%dma_start3A_178, %dma_start3A_180, %dma_start3A_181] : memref<3x16x2048xf32, #tpu.memory_space<vmem>> -> memref<1x16x2048xf32, #tpu.memory_space<vmem>>
    %dma_start3A_183 = tpu.memref_squeeze %dma_start3A_182 : memref<1x16x2048xf32, #tpu.memory_space<vmem>> -> memref<16x2048xf32, #tpu.memory_space<vmem>>
    %dma_start3A_184 = arith.constant 0 : i32
    %dma_start3A_185 = arith.constant 0 : i32
    %dma_start3A_186 = tpu.memref_slice %arg2[%dma_start3A_184, %dma_start3A_185] : memref<8192x2048xf32, #tpu.memory_space<hbm>> -> memref<8192x2048xf32, #tpu.memory_space<hbm>>
    %dma_start3A_187 = tpu.memref_slice %arg7[%dma_start3A_179] : memref<3x!tpu.dma_semaphore, #tpu.memory_space<semaphore_mem>> -> memref<1x!tpu.dma_semaphore, #tpu.memory_space<semaphore_mem>>
    %dma_start3A_188 = tpu.memref_squeeze %dma_start3A_187 : memref<1x!tpu.dma_semaphore, #tpu.memory_space<semaphore_mem>> -> memref<!tpu.dma_semaphore, #tpu.memory_space<semaphore_mem>>
    tpu.enqueue_indirect_dma source(%dma_start3A_186 : memref<8192x2048xf32, #tpu.memory_space<hbm>>) target(%dma_start3A_183 : memref<16x2048xf32, #tpu.memory_space<vmem>>) offsets(%get3A_177 : vector<16xi32>) semaphore(%dma_start3A_188 : memref<!tpu.dma_semaphore, #tpu.memory_space<semaphore_mem>>)
    %dma_wait3A_189 = arith.constant 0 : i32
    %dma_wait3A_190 = arith.constant 0 : i32
    %dma_wait3A_191 = arith.constant 0 : i32
    %dma_wait3A_192 = arith.constant 0 : i32
    %dma_wait3A_193 = tpu.memref_slice %arg6[%dma_wait3A_189, %dma_wait3A_191, %dma_wait3A_192] : memref<3x16x2048xf32, #tpu.memory_space<vmem>> -> memref<1x16x2048xf32, #tpu.memory_space<vmem>>
    %dma_wait3A_194 = tpu.memref_squeeze %dma_wait3A_193 : memref<1x16x2048xf32, #tpu.memory_space<vmem>> -> memref<16x2048xf32, #tpu.memory_space<vmem>>
    %dma_wait3A_195 = arith.constant 0 : i32
    %dma_wait3A_196 = arith.constant 0 : i32
    %dma_wait3A_197 = tpu.memref_slice %arg2[%dma_wait3A_195, %dma_wait3A_196] : memref<8192x2048xf32, #tpu.memory_space<hbm>> -> memref<8192x2048xf32, #tpu.memory_space<hbm>>
    %dma_wait3A_198 = tpu.memref_slice %arg7[%dma_wait3A_190] : memref<3x!tpu.dma_semaphore, #tpu.memory_space<semaphore_mem>> -> memref<1x!tpu.dma_semaphore, #tpu.memory_space<semaphore_mem>>
    %dma_wait3A_199 = tpu.memref_squeeze %dma_wait3A_198 : memref<1x!tpu.dma_semaphore, #tpu.memory_space<semaphore_mem>> -> memref<!tpu.dma_semaphore, #tpu.memory_space<semaphore_mem>>
    tpu.wait_indirect_dma semaphore(%dma_wait3A_199 : memref<!tpu.dma_semaphore, #tpu.memory_space<semaphore_mem>>) src(%dma_wait3A_197 : memref<8192x2048xf32, #tpu.memory_space<hbm>>) dst(%dma_wait3A_194 : memref<16x2048xf32, #tpu.memory_space<vmem>>)
    %add3A_200 = arith.constant 48 : i32
    %add3A_201 = arith.addi %mul3A_2, %add3A_200 : i32
    %dma_start3A_202 = arith.constant 0 : i32
    %dma_start3A_203 = arith.constant 0 : i32
    %dma_start3A_204 = arith.constant 0 : i32
    %dma_start3A_205 = arith.constant 0 : i32
    %dma_start3A_206 = tpu.memref_slice %arg6[%dma_start3A_202, %dma_start3A_204, %dma_start3A_205] : memref<3x16x2048xf32, #tpu.memory_space<vmem>> -> memref<1x16x2048xf32, #tpu.memory_space<vmem>>
    %dma_start3A_207 = tpu.memref_squeeze %dma_start3A_206 : memref<1x16x2048xf32, #tpu.memory_space<vmem>> -> memref<16x2048xf32, #tpu.memory_space<vmem>>
    %dma_start3A_208 = arith.constant 0 : i32
    %dma_start3A_209 = tpu.memref_slice %arg4[%add3A_201, %dma_start3A_208] : memref<8192x2048xf32, #tpu.memory_space<hbm>> -> memref<16x2048xf32, #tpu.memory_space<hbm>>
    %dma_start3A_210 = tpu.memref_slice %arg8[%dma_start3A_203] : memref<3x!tpu.dma_semaphore, #tpu.memory_space<semaphore_mem>> -> memref<1x!tpu.dma_semaphore, #tpu.memory_space<semaphore_mem>>
    %dma_start3A_211 = tpu.memref_squeeze %dma_start3A_210 : memref<1x!tpu.dma_semaphore, #tpu.memory_space<semaphore_mem>> -> memref<!tpu.dma_semaphore, #tpu.memory_space<semaphore_mem>>
    %dma_start3A_212 = arith.constant 0 : i32
    %dma_start3A_213 = tpu.memref_slice %arg4[%add3A_201, %dma_start3A_212] : memref<8192x2048xf32, #tpu.memory_space<hbm>> -> memref<16x2048xf32, #tpu.memory_space<hbm>>
    %dma_start3A_214 = arith.constant 0 : i32
    %dma_start3A_215 = arith.constant 0 : i32
    %dma_start3A_216 = tpu.memref_slice %arg6[%dma_start3A_202, %dma_start3A_214, %dma_start3A_215] : memref<3x16x2048xf32, #tpu.memory_space<vmem>> -> memref<1x16x2048xf32, #tpu.memory_space<vmem>>
    %dma_start3A_217 = tpu.memref_squeeze %dma_start3A_216 : memref<1x16x2048xf32, #tpu.memory_space<vmem>> -> memref<16x2048xf32, #tpu.memory_space<vmem>>
    tpu.enqueue_dma source(%dma_start3A_217 : memref<16x2048xf32, #tpu.memory_space<vmem>>) target(%dma_start3A_213 : memref<16x2048xf32, #tpu.memory_space<hbm>>) target_semaphore(%dma_start3A_211 : memref<!tpu.dma_semaphore, #tpu.memory_space<semaphore_mem>>)
    %dma_wait3A_218 = arith.constant 2 : i32
    %dma_wait3A_219 = arith.constant 2 : i32
    %dma_wait3A_220 = arith.constant 0 : i32
    %dma_wait3A_221 = arith.constant 0 : i32
    %dma_wait3A_222 = tpu.memref_slice %arg6[%dma_wait3A_218, %dma_wait3A_220, %dma_wait3A_221] : memref<3x16x2048xf32, #tpu.memory_space<vmem>> -> memref<1x16x2048xf32, #tpu.memory_space<vmem>>
    %dma_wait3A_223 = tpu.memref_squeeze %dma_wait3A_222 : memref<1x16x2048xf32, #tpu.memory_space<vmem>> -> memref<16x2048xf32, #tpu.memory_space<vmem>>
    %dma_wait3A_224 = arith.constant 0 : i32
    %dma_wait3A_225 = tpu.memref_slice %arg4[%add3A_142, %dma_wait3A_224] : memref<8192x2048xf32, #tpu.memory_space<hbm>> -> memref<16x2048xf32, #tpu.memory_space<hbm>>
    %dma_wait3A_226 = tpu.memref_slice %arg8[%dma_wait3A_219] : memref<3x!tpu.dma_semaphore, #tpu.memory_space<semaphore_mem>> -> memref<1x!tpu.dma_semaphore, #tpu.memory_space<semaphore_mem>>
    %dma_wait3A_227 = tpu.memref_squeeze %dma_wait3A_226 : memref<1x!tpu.dma_semaphore, #tpu.memory_space<semaphore_mem>> -> memref<!tpu.dma_semaphore, #tpu.memory_space<semaphore_mem>>
    %dma_wait3A_228 = arith.constant 0 : i32
    %dma_wait3A_229 = tpu.memref_slice %arg4[%add3A_142, %dma_wait3A_228] : memref<8192x2048xf32, #tpu.memory_space<hbm>> -> memref<16x2048xf32, #tpu.memory_space<hbm>>
    %dma_wait3A_230 = arith.constant 0 : i32
    %dma_wait3A_231 = arith.constant 0 : i32
    %dma_wait3A_232 = tpu.memref_slice %arg6[%dma_wait3A_218, %dma_wait3A_230, %dma_wait3A_231] : memref<3x16x2048xf32, #tpu.memory_space<vmem>> -> memref<1x16x2048xf32, #tpu.memory_space<vmem>>
    %dma_wait3A_233 = tpu.memref_squeeze %dma_wait3A_232 : memref<1x16x2048xf32, #tpu.memory_space<vmem>> -> memref<16x2048xf32, #tpu.memory_space<vmem>>
    tpu.wait_dma2 semaphore(%dma_wait3A_227 : memref<!tpu.dma_semaphore, #tpu.memory_space<semaphore_mem>>) src(%dma_wait3A_233 : memref<16x2048xf32, #tpu.memory_space<vmem>>) dst(%dma_wait3A_229 : memref<16x2048xf32, #tpu.memory_space<hbm>>)
    %get3A_234 = arith.constant 80 : index
    %get3A_235 = tpu.vector_load %arg5[%get3A_234] {strides = array<i32>} : memref<256xi32, #tpu.memory_space<vmem>>, vector<16xi32>,
    %get3A_236 = vector.shape_cast %get3A_235 : vector<16xi32> to vector<16xi32>
    %dma_start3A_237 = arith.constant 2 : i32
    %dma_start3A_238 = arith.constant 2 : i32
    %dma_start3A_239 = arith.constant 0 : i32
    %dma_start3A_240 = arith.constant 0 : i32
    %dma_start3A_241 = tpu.memref_slice %arg6[%dma_start3A_237, %dma_start3A_239, %dma_start3A_240] : memref<3x16x2048xf32, #tpu.memory_space<vmem>> -> memref<1x16x2048xf32, #tpu.memory_space<vmem>>
    %dma_start3A_242 = tpu.memref_squeeze %dma_start3A_241 : memref<1x16x2048xf32, #tpu.memory_space<vmem>> -> memref<16x2048xf32, #tpu.memory_space<vmem>>
    %dma_start3A_243 = arith.constant 0 : i32
    %dma_start3A_244 = arith.constant 0 : i32
    %dma_start3A_245 = tpu.memref_slice %arg2[%dma_start3A_243, %dma_start3A_244] : memref<8192x2048xf32, #tpu.memory_space<hbm>> -> memref<8192x2048xf32, #tpu.memory_space<hbm>>
    %dma_start3A_246 = tpu.memref_slice %arg7[%dma_start3A_238] : memref<3x!tpu.dma_semaphore, #tpu.memory_space<semaphore_mem>> -> memref<1x!tpu.dma_semaphore, #tpu.memory_space<semaphore_mem>>
    %dma_start3A_247 = tpu.memref_squeeze %dma_start3A_246 : memref<1x!tpu.dma_semaphore, #tpu.memory_space<semaphore_mem>> -> memref<!tpu.dma_semaphore, #tpu.memory_space<semaphore_mem>>
    tpu.enqueue_indirect_dma source(%dma_start3A_245 : memref<8192x2048xf32, #tpu.memory_space<hbm>>) target(%dma_start3A_242 : memref<16x2048xf32, #tpu.memory_space<vmem>>) offsets(%get3A_236 : vector<16xi32>) semaphore(%dma_start3A_247 : memref<!tpu.dma_semaphore, #tpu.memory_space<semaphore_mem>>)
    %dma_wait3A_248 = arith.constant 1 : i32
    %dma_wait3A_249 = arith.constant 1 : i32
    %dma_wait3A_250 = arith.constant 0 : i32
    %dma_wait3A_251 = arith.constant 0 : i32
    %dma_wait3A_252 = tpu.memref_slice %arg6[%dma_wait3A_248, %dma_wait3A_250, %dma_wait3A_251] : memref<3x16x2048xf32, #tpu.memory_space<vmem>> -> memref<1x16x2048xf32, #tpu.memory_space<vmem>>
    %dma_wait3A_253 = tpu.memref_squeeze %dma_wait3A_252 : memref<1x16x2048xf32, #tpu.memory_space<vmem>> -> memref<16x2048xf32, #tpu.memory_space<vmem>>
    %dma_wait3A_254 = arith.constant 0 : i32
    %dma_wait3A_255 = arith.constant 0 : i32
    %dma_wait3A_256 = tpu.memref_slice %arg2[%dma_wait3A_254, %dma_wait3A_255] : memref<8192x2048xf32, #tpu.memory_space<hbm>> -> memref<8192x2048xf32, #tpu.memory_space<hbm>>
    %dma_wait3A_257 = tpu.memref_slice %arg7[%dma_wait3A_249] : memref<3x!tpu.dma_semaphore, #tpu.memory_space<semaphore_mem>> -> memref<1x!tpu.dma_semaphore, #tpu.memory_space<semaphore_mem>>
    %dma_wait3A_258 = tpu.memref_squeeze %dma_wait3A_257 : memref<1x!tpu.dma_semaphore, #tpu.memory_space<semaphore_mem>> -> memref<!tpu.dma_semaphore, #tpu.memory_space<semaphore_mem>>
    tpu.wait_indirect_dma semaphore(%dma_wait3A_258 : memref<!tpu.dma_semaphore, #tpu.memory_space<semaphore_mem>>) src(%dma_wait3A_256 : memref<8192x2048xf32, #tpu.memory_space<hbm>>) dst(%dma_wait3A_253 : memref<16x2048xf32, #tpu.memory_space<vmem>>)
    %add3A_259 = arith.constant 64 : i32
    %add3A_260 = arith.addi %mul3A_2, %add3A_259 : i32
    %dma_start3A_261 = arith.constant 1 : i32
    %dma_start3A_262 = arith.constant 1 : i32
    %dma_start3A_263 = arith.constant 0 : i32
    %dma_start3A_264 = arith.constant 0 : i32
    %dma_start3A_265 = tpu.memref_slice %arg6[%dma_start3A_261, %dma_start3A_263, %dma_start3A_264] : memref<3x16x2048xf32, #tpu.memory_space<vmem>> -> memref<1x16x2048xf32, #tpu.memory_space<vmem>>
    %dma_start3A_266 = tpu.memref_squeeze %dma_start3A_265 : memref<1x16x2048xf32, #tpu.memory_space<vmem>> -> memref<16x2048xf32, #tpu.memory_space<vmem>>
    %dma_start3A_267 = arith.constant 0 : i32
    %dma_start3A_268 = tpu.memref_slice %arg4[%add3A_260, %dma_start3A_267] : memref<8192x2048xf32, #tpu.memory_space<hbm>> -> memref<16x2048xf32, #tpu.memory_space<hbm>>
    %dma_start3A_269 = tpu.memref_slice %arg8[%dma_start3A_262] : memref<3x!tpu.dma_semaphore, #tpu.memory_space<semaphore_mem>> -> memref<1x!tpu.dma_semaphore, #tpu.memory_space<semaphore_mem>>
    %dma_start3A_270 = tpu.memref_squeeze %dma_start3A_269 : memref<1x!tpu.dma_semaphore, #tpu.memory_space<semaphore_mem>> -> memref<!tpu.dma_semaphore, #tpu.memory_space<semaphore_mem>>
    %dma_start3A_271 = arith.constant 0 : i32
    %dma_start3A_272 = tpu.memref_slice %arg4[%add3A_260, %dma_start3A_271] : memref<8192x2048xf32, #tpu.memory_space<hbm>> -> memref<16x2048xf32, #tpu.memory_space<hbm>>
    %dma_start3A_273 = arith.constant 0 : i32
    %dma_start3A_274 = arith.constant 0 : i32
    %dma_start3A_275 = tpu.memref_slice %arg6[%dma_start3A_261, %dma_start3A_273, %dma_start3A_274] : memref<3x16x2048xf32, #tpu.memory_space<vmem>> -> memref<1x16x2048xf32, #tpu.memory_space<vmem>>
    %dma_start3A_276 = tpu.memref_squeeze %dma_start3A_275 : memref<1x16x2048xf32, #tpu.memory_space<vmem>> -> memref<16x2048xf32, #tpu.memory_space<vmem>>
    tpu.enqueue_dma source(%dma_start3A_276 : memref<16x2048xf32, #tpu.memory_space<vmem>>) target(%dma_start3A_272 : memref<16x2048xf32, #tpu.memory_space<hbm>>) target_semaphore(%dma_start3A_270 : memref<!tpu.dma_semaphore, #tpu.memory_space<semaphore_mem>>)
    %dma_wait3A_277 = arith.constant 0 : i32
    %dma_wait3A_278 = arith.constant 0 : i32
    %dma_wait3A_279 = arith.constant 0 : i32
    %dma_wait3A_280 = arith.constant 0 : i32
    %dma_wait3A_281 = tpu.memref_slice %arg6[%dma_wait3A_277, %dma_wait3A_279, %dma_wait3A_280] : memref<3x16x2048xf32, #tpu.memory_space<vmem>> -> memref<1x16x2048xf32, #tpu.memory_space<vmem>>
    %dma_wait3A_282 = tpu.memref_squeeze %dma_wait3A_281 : memref<1x16x2048xf32, #tpu.memory_space<vmem>> -> memref<16x2048xf32, #tpu.memory_space<vmem>>
    %dma_wait3A_283 = arith.constant 0 : i32
    %dma_wait3A_284 = tpu.memref_slice %arg4[%add3A_201, %dma_wait3A_283] : memref<8192x2048xf32, #tpu.memory_space<hbm>> -> memref<16x2048xf32, #tpu.memory_space<hbm>>
    %dma_wait3A_285 = tpu.memref_slice %arg8[%dma_wait3A_278] : memref<3x!tpu.dma_semaphore, #tpu.memory_space<semaphore_mem>> -> memref<1x!tpu.dma_semaphore, #tpu.memory_space<semaphore_mem>>
    %dma_wait3A_286 = tpu.memref_squeeze %dma_wait3A_285 : memref<1x!tpu.dma_semaphore, #tpu.memory_space<semaphore_mem>> -> memref<!tpu.dma_semaphore, #tpu.memory_space<semaphore_mem>>
    %dma_wait3A_287 = arith.constant 0 : i32
    %dma_wait3A_288 = tpu.memref_slice %arg4[%add3A_201, %dma_wait3A_287] : memref<8192x2048xf32, #tpu.memory_space<hbm>> -> memref<16x2048xf32, #tpu.memory_space<hbm>>
    %dma_wait3A_289 = arith.constant 0 : i32
    %dma_wait3A_290 = arith.constant 0 : i32
    %dma_wait3A_291 = tpu.memref_slice %arg6[%dma_wait3A_277, %dma_wait3A_289, %dma_wait3A_290] : memref<3x16x2048xf32, #tpu.memory_space<vmem>> -> memref<1x16x2048xf32, #tpu.memory_space<vmem>>
    %dma_wait3A_292 = tpu.memref_squeeze %dma_wait3A_291 : memref<1x16x2048xf32, #tpu.memory_space<vmem>> -> memref<16x2048xf32, #tpu.memory_space<vmem>>
    tpu.wait_dma2 semaphore(%dma_wait3A_286 : memref<!tpu.dma_semaphore, #tpu.memory_space<semaphore_mem>>) src(%dma_wait3A_292 : memref<16x2048xf32, #tpu.memory_space<vmem>>) dst(%dma_wait3A_288 : memref<16x2048xf32, #tpu.memory_space<hbm>>)
    %get3A_293 = arith.constant 96 : index
    %get3A_294 = tpu.vector_load %arg5[%get3A_293] {strides = array<i32>} : memref<256xi32, #tpu.memory_space<vmem>>, vector<16xi32>,
    %get3A_295 = vector.shape_cast %get3A_294 : vector<16xi32> to vector<16xi32>
    %dma_start3A_296 = arith.constant 0 : i32
    %dma_start3A_297 = arith.constant 0 : i32
    %dma_start3A_298 = arith.constant 0 : i32
    %dma_start3A_299 = arith.constant 0 : i32
    %dma_start3A_300 = tpu.memref_slice %arg6[%dma_start3A_296, %dma_start3A_298, %dma_start3A_299] : memref<3x16x2048xf32, #tpu.memory_space<vmem>> -> memref<1x16x2048xf32, #tpu.memory_space<vmem>>
    %dma_start3A_301 = tpu.memref_squeeze %dma_start3A_300 : memref<1x16x2048xf32, #tpu.memory_space<vmem>> -> memref<16x2048xf32, #tpu.memory_space<vmem>>
    %dma_start3A_302 = arith.constant 0 : i32
    %dma_start3A_303 = arith.constant 0 : i32
    %dma_start3A_304 = tpu.memref_slice %arg2[%dma_start3A_302, %dma_start3A_303] : memref<8192x2048xf32, #tpu.memory_space<hbm>> -> memref<8192x2048xf32, #tpu.memory_space<hbm>>
    %dma_start3A_305 = tpu.memref_slice %arg7[%dma_start3A_297] : memref<3x!tpu.dma_semaphore, #tpu.memory_space<semaphore_mem>> -> memref<1x!tpu.dma_semaphore, #tpu.memory_space<semaphore_mem>>
    %dma_start3A_306 = tpu.memref_squeeze %dma_start3A_305 : memref<1x!tpu.dma_semaphore, #tpu.memory_space<semaphore_mem>> -> memref<!tpu.dma_semaphore, #tpu.memory_space<semaphore_mem>>
    tpu.enqueue_indirect_dma source(%dma_start3A_304 : memref<8192x2048xf32, #tpu.memory_space<hbm>>) target(%dma_start3A_301 : memref<16x2048xf32, #tpu.memory_space<vmem>>) offsets(%get3A_295 : vector<16xi32>) semaphore(%dma_start3A_306 : memref<!tpu.dma_semaphore, #tpu.memory_space<semaphore_mem>>)
    %dma_wait3A_307 = arith.constant 2 : i32
    %dma_wait3A_308 = arith.constant 2 : i32
    %dma_wait3A_309 = arith.constant 0 : i32
    %dma_wait3A_310 = arith.constant 0 : i32
    %dma_wait3A_311 = tpu.memref_slice %arg6[%dma_wait3A_307, %dma_wait3A_309, %dma_wait3A_310] : memref<3x16x2048xf32, #tpu.memory_space<vmem>> -> memref<1x16x2048xf32, #tpu.memory_space<vmem>>
    %dma_wait3A_312 = tpu.memref_squeeze %dma_wait3A_311 : memref<1x16x2048xf32, #tpu.memory_space<vmem>> -> memref<16x2048xf32, #tpu.memory_space<vmem>>
    %dma_wait3A_313 = arith.constant 0 : i32
    %dma_wait3A_314 = arith.constant 0 : i32
    %dma_wait3A_315 = tpu.memref_slice %arg2[%dma_wait3A_313, %dma_wait3A_314] : memref<8192x2048xf32, #tpu.memory_space<hbm>> -> memref<8192x2048xf32, #tpu.memory_space<hbm>>
    %dma_wait3A_316 = tpu.memref_slice %arg7[%dma_wait3A_308] : memref<3x!tpu.dma_semaphore, #tpu.memory_space<semaphore_mem>> -> memref<1x!tpu.dma_semaphore, #tpu.memory_space<semaphore_mem>>
    %dma_wait3A_317 = tpu.memref_squeeze %dma_wait3A_316 : memref<1x!tpu.dma_semaphore, #tpu.memory_space<semaphore_mem>> -> memref<!tpu.dma_semaphore, #tpu.memory_space<semaphore_mem>>
    tpu.wait_indirect_dma semaphore(%dma_wait3A_317 : memref<!tpu.dma_semaphore, #tpu.memory_space<semaphore_mem>>) src(%dma_wait3A_315 : memref<8192x2048xf32, #tpu.memory_space<hbm>>) dst(%dma_wait3A_312 : memref<16x2048xf32, #tpu.memory_space<vmem>>)
    %add3A_318 = arith.constant 80 : i32
    %add3A_319 = arith.addi %mul3A_2, %add3A_318 : i32
    %dma_start3A_320 = arith.constant 2 : i32
    %dma_start3A_321 = arith.constant 2 : i32
    %dma_start3A_322 = arith.constant 0 : i32
    %dma_start3A_323 = arith.constant 0 : i32
    %dma_start3A_324 = tpu.memref_slice %arg6[%dma_start3A_320, %dma_start3A_322, %dma_start3A_323] : memref<3x16x2048xf32, #tpu.memory_space<vmem>> -> memref<1x16x2048xf32, #tpu.memory_space<vmem>>
    %dma_start3A_325 = tpu.memref_squeeze %dma_start3A_324 : memref<1x16x2048xf32, #tpu.memory_space<vmem>> -> memref<16x2048xf32, #tpu.memory_space<vmem>>
    %dma_start3A_326 = arith.constant 0 : i32
    %dma_start3A_327 = tpu.memref_slice %arg4[%add3A_319, %dma_start3A_326] : memref<8192x2048xf32, #tpu.memory_space<hbm>> -> memref<16x2048xf32, #tpu.memory_space<hbm>>
    %dma_start3A_328 = tpu.memref_slice %arg8[%dma_start3A_321] : memref<3x!tpu.dma_semaphore, #tpu.memory_space<semaphore_mem>> -> memref<1x!tpu.dma_semaphore, #tpu.memory_space<semaphore_mem>>
    %dma_start3A_329 = tpu.memref_squeeze %dma_start3A_328 : memref<1x!tpu.dma_semaphore, #tpu.memory_space<semaphore_mem>> -> memref<!tpu.dma_semaphore, #tpu.memory_space<semaphore_mem>>
    %dma_start3A_330 = arith.constant 0 : i32
    %dma_start3A_331 = tpu.memref_slice %arg4[%add3A_319, %dma_start3A_330] : memref<8192x2048xf32, #tpu.memory_space<hbm>> -> memref<16x2048xf32, #tpu.memory_space<hbm>>
    %dma_start3A_332 = arith.constant 0 : i32
    %dma_start3A_333 = arith.constant 0 : i32
    %dma_start3A_334 = tpu.memref_slice %arg6[%dma_start3A_320, %dma_start3A_332, %dma_start3A_333] : memref<3x16x2048xf32, #tpu.memory_space<vmem>> -> memref<1x16x2048xf32, #tpu.memory_space<vmem>>
    %dma_start3A_335 = tpu.memref_squeeze %dma_start3A_334 : memref<1x16x2048xf32, #tpu.memory_space<vmem>> -> memref<16x2048xf32, #tpu.memory_space<vmem>>
    tpu.enqueue_dma source(%dma_start3A_335 : memref<16x2048xf32, #tpu.memory_space<vmem>>) target(%dma_start3A_331 : memref<16x2048xf32, #tpu.memory_space<hbm>>) target_semaphore(%dma_start3A_329 : memref<!tpu.dma_semaphore, #tpu.memory_space<semaphore_mem>>)
    %dma_wait3A_336 = arith.constant 1 : i32
    %dma_wait3A_337 = arith.constant 1 : i32
    %dma_wait3A_338 = arith.constant 0 : i32
    %dma_wait3A_339 = arith.constant 0 : i32
    %dma_wait3A_340 = tpu.memref_slice %arg6[%dma_wait3A_336, %dma_wait3A_338, %dma_wait3A_339] : memref<3x16x2048xf32, #tpu.memory_space<vmem>> -> memref<1x16x2048xf32, #tpu.memory_space<vmem>>
    %dma_wait3A_341 = tpu.memref_squeeze %dma_wait3A_340 : memref<1x16x2048xf32, #tpu.memory_space<vmem>> -> memref<16x2048xf32, #tpu.memory_space<vmem>>
    %dma_wait3A_342 = arith.constant 0 : i32
    %dma_wait3A_343 = tpu.memref_slice %arg4[%add3A_260, %dma_wait3A_342] : memref<8192x2048xf32, #tpu.memory_space<hbm>> -> memref<16x2048xf32, #tpu.memory_space<hbm>>
    %dma_wait3A_344 = tpu.memref_slice %arg8[%dma_wait3A_337] : memref<3x!tpu.dma_semaphore, #tpu.memory_space<semaphore_mem>> -> memref<1x!tpu.dma_semaphore, #tpu.memory_space<semaphore_mem>>
    %dma_wait3A_345 = tpu.memref_squeeze %dma_wait3A_344 : memref<1x!tpu.dma_semaphore, #tpu.memory_space<semaphore_mem>> -> memref<!tpu.dma_semaphore, #tpu.memory_space<semaphore_mem>>
    %dma_wait3A_346 = arith.constant 0 : i32
    %dma_wait3A_347 = tpu.memref_slice %arg4[%add3A_260, %dma_wait3A_346] : memref<8192x2048xf32, #tpu.memory_space<hbm>> -> memref<16x2048xf32, #tpu.memory_space<hbm>>
    %dma_wait3A_348 = arith.constant 0 : i32
    %dma_wait3A_349 = arith.constant 0 : i32
    %dma_wait3A_350 = tpu.memref_slice %arg6[%dma_wait3A_336, %dma_wait3A_348, %dma_wait3A_349] : memref<3x16x2048xf32, #tpu.memory_space<vmem>> -> memref<1x16x2048xf32, #tpu.memory_space<vmem>>
    %dma_wait3A_351 = tpu.memref_squeeze %dma_wait3A_350 : memref<1x16x2048xf32, #tpu.memory_space<vmem>> -> memref<16x2048xf32, #tpu.memory_space<vmem>>
    tpu.wait_dma2 semaphore(%dma_wait3A_345 : memref<!tpu.dma_semaphore, #tpu.memory_space<semaphore_mem>>) src(%dma_wait3A_351 : memref<16x2048xf32, #tpu.memory_space<vmem>>) dst(%dma_wait3A_347 : memref<16x2048xf32, #tpu.memory_space<hbm>>)
    %get3A_352 = arith.constant 112 : index
    %get3A_353 = tpu.vector_load %arg5[%get3A_352] {strides = array<i32>} : memref<256xi32, #tpu.memory_space<vmem>>, vector<16xi32>,
    %get3A_354 = vector.shape_cast %get3A_353 : vector<16xi32> to vector<16xi32>
    %dma_start3A_355 = arith.constant 1 : i32
    %dma_start3A_356 = arith.constant 1 : i32
    %dma_start3A_357 = arith.constant 0 : i32
    %dma_start3A_358 = arith.constant 0 : i32
    %dma_start3A_359 = tpu.memref_slice %arg6[%dma_start3A_355, %dma_start3A_357, %dma_start3A_358] : memref<3x16x2048xf32, #tpu.memory_space<vmem>> -> memref<1x16x2048xf32, #tpu.memory_space<vmem>>
    %dma_start3A_360 = tpu.memref_squeeze %dma_start3A_359 : memref<1x16x2048xf32, #tpu.memory_space<vmem>> -> memref<16x2048xf32, #tpu.memory_space<vmem>>
    %dma_start3A_361 = arith.constant 0 : i32
    %dma_start3A_362 = arith.constant 0 : i32
    %dma_start3A_363 = tpu.memref_slice %arg2[%dma_start3A_361, %dma_start3A_362] : memref<8192x2048xf32, #tpu.memory_space<hbm>> -> memref<8192x2048xf32, #tpu.memory_space<hbm>>
    %dma_start3A_364 = tpu.memref_slice %arg7[%dma_start3A_356] : memref<3x!tpu.dma_semaphore, #tpu.memory_space<semaphore_mem>> -> memref<1x!tpu.dma_semaphore, #tpu.memory_space<semaphore_mem>>
    %dma_start3A_365 = tpu.memref_squeeze %dma_start3A_364 : memref<1x!tpu.dma_semaphore, #tpu.memory_space<semaphore_mem>> -> memref<!tpu.dma_semaphore, #tpu.memory_space<semaphore_mem>>
    tpu.enqueue_indirect_dma source(%dma_start3A_363 : memref<8192x2048xf32, #tpu.memory_space<hbm>>) target(%dma_start3A_360 : memref<16x2048xf32, #tpu.memory_space<vmem>>) offsets(%get3A_354 : vector<16xi32>) semaphore(%dma_start3A_365 : memref<!tpu.dma_semaphore, #tpu.memory_space<semaphore_mem>>)
    %dma_wait3A_366 = arith.constant 0 : i32
    %dma_wait3A_367 = arith.constant 0 : i32
    %dma_wait3A_368 = arith.constant 0 : i32
    %dma_wait3A_369 = arith.constant 0 : i32
    %dma_wait3A_370 = tpu.memref_slice %arg6[%dma_wait3A_366, %dma_wait3A_368, %dma_wait3A_369] : memref<3x16x2048xf32, #tpu.memory_space<vmem>> -> memref<1x16x2048xf32, #tpu.memory_space<vmem>>
    %dma_wait3A_371 = tpu.memref_squeeze %dma_wait3A_370 : memref<1x16x2048xf32, #tpu.memory_space<vmem>> -> memref<16x2048xf32, #tpu.memory_space<vmem>>
    %dma_wait3A_372 = arith.constant 0 : i32
    %dma_wait3A_373 = arith.constant 0 : i32
    %dma_wait3A_374 = tpu.memref_slice %arg2[%dma_wait3A_372, %dma_wait3A_373] : memref<8192x2048xf32, #tpu.memory_space<hbm>> -> memref<8192x2048xf32, #tpu.memory_space<hbm>>
    %dma_wait3A_375 = tpu.memref_slice %arg7[%dma_wait3A_367] : memref<3x!tpu.dma_semaphore, #tpu.memory_space<semaphore_mem>> -> memref<1x!tpu.dma_semaphore, #tpu.memory_space<semaphore_mem>>
    %dma_wait3A_376 = tpu.memref_squeeze %dma_wait3A_375 : memref<1x!tpu.dma_semaphore, #tpu.memory_space<semaphore_mem>> -> memref<!tpu.dma_semaphore, #tpu.memory_space<semaphore_mem>>
    tpu.wait_indirect_dma semaphore(%dma_wait3A_376 : memref<!tpu.dma_semaphore, #tpu.memory_space<semaphore_mem>>) src(%dma_wait3A_374 : memref<8192x2048xf32, #tpu.memory_space<hbm>>) dst(%dma_wait3A_371 : memref<16x2048xf32, #tpu.memory_space<vmem>>)
    %add3A_377 = arith.constant 96 : i32
    %add3A_378 = arith.addi %mul3A_2, %add3A_377 : i32
    %dma_start3A_379 = arith.constant 0 : i32
    %dma_start3A_380 = arith.constant 0 : i32
    %dma_start3A_381 = arith.constant 0 : i32
    %dma_start3A_382 = arith.constant 0 : i32
    %dma_start3A_383 = tpu.memref_slice %arg6[%dma_start3A_379, %dma_start3A_381, %dma_start3A_382] : memref<3x16x2048xf32, #tpu.memory_space<vmem>> -> memref<1x16x2048xf32, #tpu.memory_space<vmem>>
    %dma_start3A_384 = tpu.memref_squeeze %dma_start3A_383 : memref<1x16x2048xf32, #tpu.memory_space<vmem>> -> memref<16x2048xf32, #tpu.memory_space<vmem>>
    %dma_start3A_385 = arith.constant 0 : i32
    %dma_start3A_386 = tpu.memref_slice %arg4[%add3A_378, %dma_start3A_385] : memref<8192x2048xf32, #tpu.memory_space<hbm>> -> memref<16x2048xf32, #tpu.memory_space<hbm>>
    %dma_start3A_387 = tpu.memref_slice %arg8[%dma_start3A_380] : memref<3x!tpu.dma_semaphore, #tpu.memory_space<semaphore_mem>> -> memref<1x!tpu.dma_semaphore, #tpu.memory_space<semaphore_mem>>
    %dma_start3A_388 = tpu.memref_squeeze %dma_start3A_387 : memref<1x!tpu.dma_semaphore, #tpu.memory_space<semaphore_mem>> -> memref<!tpu.dma_semaphore, #tpu.memory_space<semaphore_mem>>
    %dma_start3A_389 = arith.constant 0 : i32
    %dma_start3A_390 = tpu.memref_slice %arg4[%add3A_378, %dma_start3A_389] : memref<8192x2048xf32, #tpu.memory_space<hbm>> -> memref<16x2048xf32, #tpu.memory_space<hbm>>
    %dma_start3A_391 = arith.constant 0 : i32
    %dma_start3A_392 = arith.constant 0 : i32
    %dma_start3A_393 = tpu.memref_slice %arg6[%dma_start3A_379, %dma_start3A_391, %dma_start3A_392] : memref<3x16x2048xf32, #tpu.memory_space<vmem>> -> memref<1x16x2048xf32, #tpu.memory_space<vmem>>
    %dma_start3A_394 = tpu.memref_squeeze %dma_start3A_393 : memref<1x16x2048xf32, #tpu.memory_space<vmem>> -> memref<16x2048xf32, #tpu.memory_space<vmem>>
    tpu.enqueue_dma source(%dma_start3A_394 : memref<16x2048xf32, #tpu.memory_space<vmem>>) target(%dma_start3A_390 : memref<16x2048xf32, #tpu.memory_space<hbm>>) target_semaphore(%dma_start3A_388 : memref<!tpu.dma_semaphore, #tpu.memory_space<semaphore_mem>>)
    %dma_wait3A_395 = arith.constant 2 : i32
    %dma_wait3A_396 = arith.constant 2 : i32
    %dma_wait3A_397 = arith.constant 0 : i32
    %dma_wait3A_398 = arith.constant 0 : i32
    %dma_wait3A_399 = tpu.memref_slice %arg6[%dma_wait3A_395, %dma_wait3A_397, %dma_wait3A_398] : memref<3x16x2048xf32, #tpu.memory_space<vmem>> -> memref<1x16x2048xf32, #tpu.memory_space<vmem>>
    %dma_wait3A_400 = tpu.memref_squeeze %dma_wait3A_399 : memref<1x16x2048xf32, #tpu.memory_space<vmem>> -> memref<16x2048xf32, #tpu.memory_space<vmem>>
    %dma_wait3A_401 = arith.constant 0 : i32
    %dma_wait3A_402 = tpu.memref_slice %arg4[%add3A_319, %dma_wait3A_401] : memref<8192x2048xf32, #tpu.memory_space<hbm>> -> memref<16x2048xf32, #tpu.memory_space<hbm>>
    %dma_wait3A_403 = tpu.memref_slice %arg8[%dma_wait3A_396] : memref<3x!tpu.dma_semaphore, #tpu.memory_space<semaphore_mem>> -> memref<1x!tpu.dma_semaphore, #tpu.memory_space<semaphore_mem>>
    %dma_wait3A_404 = tpu.memref_squeeze %dma_wait3A_403 : memref<1x!tpu.dma_semaphore, #tpu.memory_space<semaphore_mem>> -> memref<!tpu.dma_semaphore, #tpu.memory_space<semaphore_mem>>
    %dma_wait3A_405 = arith.constant 0 : i32
    %dma_wait3A_406 = tpu.memref_slice %arg4[%add3A_319, %dma_wait3A_405] : memref<8192x2048xf32, #tpu.memory_space<hbm>> -> memref<16x2048xf32, #tpu.memory_space<hbm>>
    %dma_wait3A_407 = arith.constant 0 : i32
    %dma_wait3A_408 = arith.constant 0 : i32
    %dma_wait3A_409 = tpu.memref_slice %arg6[%dma_wait3A_395, %dma_wait3A_407, %dma_wait3A_408] : memref<3x16x2048xf32, #tpu.memory_space<vmem>> -> memref<1x16x2048xf32, #tpu.memory_space<vmem>>
    %dma_wait3A_410 = tpu.memref_squeeze %dma_wait3A_409 : memref<1x16x2048xf32, #tpu.memory_space<vmem>> -> memref<16x2048xf32, #tpu.memory_space<vmem>>
    tpu.wait_dma2 semaphore(%dma_wait3A_404 : memref<!tpu.dma_semaphore, #tpu.memory_space<semaphore_mem>>) src(%dma_wait3A_410 : memref<16x2048xf32, #tpu.memory_space<vmem>>) dst(%dma_wait3A_406 : memref<16x2048xf32, #tpu.memory_space<hbm>>)
    %get3A_411 = arith.constant 128 : index
    %get3A_412 = tpu.vector_load %arg5[%get3A_411] {strides = array<i32>} : memref<256xi32, #tpu.memory_space<vmem>>, vector<16xi32>,
    %get3A_413 = vector.shape_cast %get3A_412 : vector<16xi32> to vector<16xi32>
    %dma_start3A_414 = arith.constant 2 : i32
    %dma_start3A_415 = arith.constant 2 : i32
    %dma_start3A_416 = arith.constant 0 : i32
    %dma_start3A_417 = arith.constant 0 : i32
    %dma_start3A_418 = tpu.memref_slice %arg6[%dma_start3A_414, %dma_start3A_416, %dma_start3A_417] : memref<3x16x2048xf32, #tpu.memory_space<vmem>> -> memref<1x16x2048xf32, #tpu.memory_space<vmem>>
    %dma_start3A_419 = tpu.memref_squeeze %dma_start3A_418 : memref<1x16x2048xf32, #tpu.memory_space<vmem>> -> memref<16x2048xf32, #tpu.memory_space<vmem>>
    %dma_start3A_420 = arith.constant 0 : i32
    %dma_start3A_421 = arith.constant 0 : i32
    %dma_start3A_422 = tpu.memref_slice %arg2[%dma_start3A_420, %dma_start3A_421] : memref<8192x2048xf32, #tpu.memory_space<hbm>> -> memref<8192x2048xf32, #tpu.memory_space<hbm>>
    %dma_start3A_423 = tpu.memref_slice %arg7[%dma_start3A_415] : memref<3x!tpu.dma_semaphore, #tpu.memory_space<semaphore_mem>> -> memref<1x!tpu.dma_semaphore, #tpu.memory_space<semaphore_mem>>
    %dma_start3A_424 = tpu.memref_squeeze %dma_start3A_423 : memref<1x!tpu.dma_semaphore, #tpu.memory_space<semaphore_mem>> -> memref<!tpu.dma_semaphore, #tpu.memory_space<semaphore_mem>>
    tpu.enqueue_indirect_dma source(%dma_start3A_422 : memref<8192x2048xf32, #tpu.memory_space<hbm>>) target(%dma_start3A_419 : memref<16x2048xf32, #tpu.memory_space<vmem>>) offsets(%get3A_413 : vector<16xi32>) semaphore(%dma_start3A_424 : memref<!tpu.dma_semaphore, #tpu.memory_space<semaphore_mem>>)
    %dma_wait3A_425 = arith.constant 1 : i32
    %dma_wait3A_426 = arith.constant 1 : i32
    %dma_wait3A_427 = arith.constant 0 : i32
    %dma_wait3A_428 = arith.constant 0 : i32
    %dma_wait3A_429 = tpu.memref_slice %arg6[%dma_wait3A_425, %dma_wait3A_427, %dma_wait3A_428] : memref<3x16x2048xf32, #tpu.memory_space<vmem>> -> memref<1x16x2048xf32, #tpu.memory_space<vmem>>
    %dma_wait3A_430 = tpu.memref_squeeze %dma_wait3A_429 : memref<1x16x2048xf32, #tpu.memory_space<vmem>> -> memref<16x2048xf32, #tpu.memory_space<vmem>>
    %dma_wait3A_431 = arith.constant 0 : i32
    %dma_wait3A_432 = arith.constant 0 : i32
    %dma_wait3A_433 = tpu.memref_slice %arg2[%dma_wait3A_431, %dma_wait3A_432] : memref<8192x2048xf32, #tpu.memory_space<hbm>> -> memref<8192x2048xf32, #tpu.memory_space<hbm>>
    %dma_wait3A_434 = tpu.memref_slice %arg7[%dma_wait3A_426] : memref<3x!tpu.dma_semaphore, #tpu.memory_space<semaphore_mem>> -> memref<1x!tpu.dma_semaphore, #tpu.memory_space<semaphore_mem>>
    %dma_wait3A_435 = tpu.memref_squeeze %dma_wait3A_434 : memref<1x!tpu.dma_semaphore, #tpu.memory_space<semaphore_mem>> -> memref<!tpu.dma_semaphore, #tpu.memory_space<semaphore_mem>>
    tpu.wait_indirect_dma semaphore(%dma_wait3A_435 : memref<!tpu.dma_semaphore, #tpu.memory_space<semaphore_mem>>) src(%dma_wait3A_433 : memref<8192x2048xf32, #tpu.memory_space<hbm>>) dst(%dma_wait3A_430 : memref<16x2048xf32, #tpu.memory_space<vmem>>)
    %add3A_436 = arith.constant 112 : i32
    %add3A_437 = arith.addi %mul3A_2, %add3A_436 : i32
    %dma_start3A_438 = arith.constant 1 : i32
    %dma_start3A_439 = arith.constant 1 : i32
    %dma_start3A_440 = arith.constant 0 : i32
    %dma_start3A_441 = arith.constant 0 : i32
    %dma_start3A_442 = tpu.memref_slice %arg6[%dma_start3A_438, %dma_start3A_440, %dma_start3A_441] : memref<3x16x2048xf32, #tpu.memory_space<vmem>> -> memref<1x16x2048xf32, #tpu.memory_space<vmem>>
    %dma_start3A_443 = tpu.memref_squeeze %dma_start3A_442 : memref<1x16x2048xf32, #tpu.memory_space<vmem>> -> memref<16x2048xf32, #tpu.memory_space<vmem>>
    %dma_start3A_444 = arith.constant 0 : i32
    %dma_start3A_445 = tpu.memref_slice %arg4[%add3A_437, %dma_start3A_444] : memref<8192x2048xf32, #tpu.memory_space<hbm>> -> memref<16x2048xf32, #tpu.memory_space<hbm>>
    %dma_start3A_446 = tpu.memref_slice %arg8[%dma_start3A_439] : memref<3x!tpu.dma_semaphore, #tpu.memory_space<semaphore_mem>> -> memref<1x!tpu.dma_semaphore, #tpu.memory_space<semaphore_mem>>
    %dma_start3A_447 = tpu.memref_squeeze %dma_start3A_446 : memref<1x!tpu.dma_semaphore, #tpu.memory_space<semaphore_mem>> -> memref<!tpu.dma_semaphore, #tpu.memory_space<semaphore_mem>>
    %dma_start3A_448 = arith.constant 0 : i32
    %dma_start3A_449 = tpu.memref_slice %arg4[%add3A_437, %dma_start3A_448] : memref<8192x2048xf32, #tpu.memory_space<hbm>> -> memref<16x2048xf32, #tpu.memory_space<hbm>>
    %dma_start3A_450 = arith.constant 0 : i32
    %dma_start3A_451 = arith.constant 0 : i32
    %dma_start3A_452 = tpu.memref_slice %arg6[%dma_start3A_438, %dma_start3A_450, %dma_start3A_451] : memref<3x16x2048xf32, #tpu.memory_space<vmem>> -> memref<1x16x2048xf32, #tpu.memory_space<vmem>>
    %dma_start3A_453 = tpu.memref_squeeze %dma_start3A_452 : memref<1x16x2048xf32, #tpu.memory_space<vmem>> -> memref<16x2048xf32, #tpu.memory_space<vmem>>
    tpu.enqueue_dma source(%dma_start3A_453 : memref<16x2048xf32, #tpu.memory_space<vmem>>) target(%dma_start3A_449 : memref<16x2048xf32, #tpu.memory_space<hbm>>) target_semaphore(%dma_start3A_447 : memref<!tpu.dma_semaphore, #tpu.memory_space<semaphore_mem>>)
    %dma_wait3A_454 = arith.constant 0 : i32
    %dma_wait3A_455 = arith.constant 0 : i32
    %dma_wait3A_456 = arith.constant 0 : i32
    %dma_wait3A_457 = arith.constant 0 : i32
    %dma_wait3A_458 = tpu.memref_slice %arg6[%dma_wait3A_454, %dma_wait3A_456, %dma_wait3A_457] : memref<3x16x2048xf32, #tpu.memory_space<vmem>> -> memref<1x16x2048xf32, #tpu.memory_space<vmem>>
    %dma_wait3A_459 = tpu.memref_squeeze %dma_wait3A_458 : memref<1x16x2048xf32, #tpu.memory_space<vmem>> -> memref<16x2048xf32, #tpu.memory_space<vmem>>
    %dma_wait3A_460 = arith.constant 0 : i32
    %dma_wait3A_461 = tpu.memref_slice %arg4[%add3A_378, %dma_wait3A_460] : memref<8192x2048xf32, #tpu.memory_space<hbm>> -> memref<16x2048xf32, #tpu.memory_space<hbm>>
    %dma_wait3A_462 = tpu.memref_slice %arg8[%dma_wait3A_455] : memref<3x!tpu.dma_semaphore, #tpu.memory_space<semaphore_mem>> -> memref<1x!tpu.dma_semaphore, #tpu.memory_space<semaphore_mem>>
    %dma_wait3A_463 = tpu.memref_squeeze %dma_wait3A_462 : memref<1x!tpu.dma_semaphore, #tpu.memory_space<semaphore_mem>> -> memref<!tpu.dma_semaphore, #tpu.memory_space<semaphore_mem>>
    %dma_wait3A_464 = arith.constant 0 : i32
    %dma_wait3A_465 = tpu.memref_slice %arg4[%add3A_378, %dma_wait3A_464] : memref<8192x2048xf32, #tpu.memory_space<hbm>> -> memref<16x2048xf32, #tpu.memory_space<hbm>>
    %dma_wait3A_466 = arith.constant 0 : i32
    %dma_wait3A_467 = arith.constant 0 : i32
    %dma_wait3A_468 = tpu.memref_slice %arg6[%dma_wait3A_454, %dma_wait3A_466, %dma_wait3A_467] : memref<3x16x2048xf32, #tpu.memory_space<vmem>> -> memref<1x16x2048xf32, #tpu.memory_space<vmem>>
    %dma_wait3A_469 = tpu.memref_squeeze %dma_wait3A_468 : memref<1x16x2048xf32, #tpu.memory_space<vmem>> -> memref<16x2048xf32, #tpu.memory_space<vmem>>
    tpu.wait_dma2 semaphore(%dma_wait3A_463 : memref<!tpu.dma_semaphore, #tpu.memory_space<semaphore_mem>>) src(%dma_wait3A_469 : memref<16x2048xf32, #tpu.memory_space<vmem>>) dst(%dma_wait3A_465 : memref<16x2048xf32, #tpu.memory_space<hbm>>)
    %get3A_470 = arith.constant 144 : index
    %get3A_471 = tpu.vector_load %arg5[%get3A_470] {strides = array<i32>} : memref<256xi32, #tpu.memory_space<vmem>>, vector<16xi32>,
    %get3A_472 = vector.shape_cast %get3A_471 : vector<16xi32> to vector<16xi32>
    %dma_start3A_473 = arith.constant 0 : i32
    %dma_start3A_474 = arith.constant 0 : i32
    %dma_start3A_475 = arith.constant 0 : i32
    %dma_start3A_476 = arith.constant 0 : i32
    %dma_start3A_477 = tpu.memref_slice %arg6[%dma_start3A_473, %dma_start3A_475, %dma_start3A_476] : memref<3x16x2048xf32, #tpu.memory_space<vmem>> -> memref<1x16x2048xf32, #tpu.memory_space<vmem>>
    %dma_start3A_478 = tpu.memref_squeeze %dma_start3A_477 : memref<1x16x2048xf32, #tpu.memory_space<vmem>> -> memref<16x2048xf32, #tpu.memory_space<vmem>>
    %dma_start3A_479 = arith.constant 0 : i32
    %dma_start3A_480 = arith.constant 0 : i32
    %dma_start3A_481 = tpu.memref_slice %arg2[%dma_start3A_479, %dma_start3A_480] : memref<8192x2048xf32, #tpu.memory_space<hbm>> -> memref<8192x2048xf32, #tpu.memory_space<hbm>>
    %dma_start3A_482 = tpu.memref_slice %arg7[%dma_start3A_474] : memref<3x!tpu.dma_semaphore, #tpu.memory_space<semaphore_mem>> -> memref<1x!tpu.dma_semaphore, #tpu.memory_space<semaphore_mem>>
    %dma_start3A_483 = tpu.memref_squeeze %dma_start3A_482 : memref<1x!tpu.dma_semaphore, #tpu.memory_space<semaphore_mem>> -> memref<!tpu.dma_semaphore, #tpu.memory_space<semaphore_mem>>
    tpu.enqueue_indirect_dma source(%dma_start3A_481 : memref<8192x2048xf32, #tpu.memory_space<hbm>>) target(%dma_start3A_478 : memref<16x2048xf32, #tpu.memory_space<vmem>>) offsets(%get3A_472 : vector<16xi32>) semaphore(%dma_start3A_483 : memref<!tpu.dma_semaphore, #tpu.memory_space<semaphore_mem>>)
    %dma_wait3A_484 = arith.constant 2 : i32
    %dma_wait3A_485 = arith.constant 2 : i32
    %dma_wait3A_486 = arith.constant 0 : i32
    %dma_wait3A_487 = arith.constant 0 : i32
    %dma_wait3A_488 = tpu.memref_slice %arg6[%dma_wait3A_484, %dma_wait3A_486, %dma_wait3A_487] : memref<3x16x2048xf32, #tpu.memory_space<vmem>> -> memref<1x16x2048xf32, #tpu.memory_space<vmem>>
    %dma_wait3A_489 = tpu.memref_squeeze %dma_wait3A_488 : memref<1x16x2048xf32, #tpu.memory_space<vmem>> -> memref<16x2048xf32, #tpu.memory_space<vmem>>
    %dma_wait3A_490 = arith.constant 0 : i32
    %dma_wait3A_491 = arith.constant 0 : i32
    %dma_wait3A_492 = tpu.memref_slice %arg2[%dma_wait3A_490, %dma_wait3A_491] : memref<8192x2048xf32, #tpu.memory_space<hbm>> -> memref<8192x2048xf32, #tpu.memory_space<hbm>>
    %dma_wait3A_493 = tpu.memref_slice %arg7[%dma_wait3A_485] : memref<3x!tpu.dma_semaphore, #tpu.memory_space<semaphore_mem>> -> memref<1x!tpu.dma_semaphore, #tpu.memory_space<semaphore_mem>>
    %dma_wait3A_494 = tpu.memref_squeeze %dma_wait3A_493 : memref<1x!tpu.dma_semaphore, #tpu.memory_space<semaphore_mem>> -> memref<!tpu.dma_semaphore, #tpu.memory_space<semaphore_mem>>
    tpu.wait_indirect_dma semaphore(%dma_wait3A_494 : memref<!tpu.dma_semaphore, #tpu.memory_space<semaphore_mem>>) src(%dma_wait3A_492 : memref<8192x2048xf32, #tpu.memory_space<hbm>>) dst(%dma_wait3A_489 : memref<16x2048xf32, #tpu.memory_space<vmem>>)
    %add3A_495 = arith.constant 128 : i32
    %add3A_496 = arith.addi %mul3A_2, %add3A_495 : i32
    %dma_start3A_497 = arith.constant 2 : i32
    %dma_start3A_498 = arith.constant 2 : i32
    %dma_start3A_499 = arith.constant 0 : i32
    %dma_start3A_500 = arith.constant 0 : i32
    %dma_start3A_501 = tpu.memref_slice %arg6[%dma_start3A_497, %dma_start3A_499, %dma_start3A_500] : memref<3x16x2048xf32, #tpu.memory_space<vmem>> -> memref<1x16x2048xf32, #tpu.memory_space<vmem>>
    %dma_start3A_502 = tpu.memref_squeeze %dma_start3A_501 : memref<1x16x2048xf32, #tpu.memory_space<vmem>> -> memref<16x2048xf32, #tpu.memory_space<vmem>>
    %dma_start3A_503 = arith.constant 0 : i32
    %dma_start3A_504 = tpu.memref_slice %arg4[%add3A_496, %dma_start3A_503] : memref<8192x2048xf32, #tpu.memory_space<hbm>> -> memref<16x2048xf32, #tpu.memory_space<hbm>>
    %dma_start3A_505 = tpu.memref_slice %arg8[%dma_start3A_498] : memref<3x!tpu.dma_semaphore, #tpu.memory_space<semaphore_mem>> -> memref<1x!tpu.dma_semaphore, #tpu.memory_space<semaphore_mem>>
    %dma_start3A_506 = tpu.memref_squeeze %dma_start3A_505 : memref<1x!tpu.dma_semaphore, #tpu.memory_space<semaphore_mem>> -> memref<!tpu.dma_semaphore, #tpu.memory_space<semaphore_mem>>
    %dma_start3A_507 = arith.constant 0 : i32
    %dma_start3A_508 = tpu.memref_slice %arg4[%add3A_496, %dma_start3A_507] : memref<8192x2048xf32, #tpu.memory_space<hbm>> -> memref<16x2048xf32, #tpu.memory_space<hbm>>
    %dma_start3A_509 = arith.constant 0 : i32
    %dma_start3A_510 = arith.constant 0 : i32
    %dma_start3A_511 = tpu.memref_slice %arg6[%dma_start3A_497, %dma_start3A_509, %dma_start3A_510] : memref<3x16x2048xf32, #tpu.memory_space<vmem>> -> memref<1x16x2048xf32, #tpu.memory_space<vmem>>
    %dma_start3A_512 = tpu.memref_squeeze %dma_start3A_511 : memref<1x16x2048xf32, #tpu.memory_space<vmem>> -> memref<16x2048xf32, #tpu.memory_space<vmem>>
    tpu.enqueue_dma source(%dma_start3A_512 : memref<16x2048xf32, #tpu.memory_space<vmem>>) target(%dma_start3A_508 : memref<16x2048xf32, #tpu.memory_space<hbm>>) target_semaphore(%dma_start3A_506 : memref<!tpu.dma_semaphore, #tpu.memory_space<semaphore_mem>>)
    %dma_wait3A_513 = arith.constant 1 : i32
    %dma_wait3A_514 = arith.constant 1 : i32
    %dma_wait3A_515 = arith.constant 0 : i32
    %dma_wait3A_516 = arith.constant 0 : i32
    %dma_wait3A_517 = tpu.memref_slice %arg6[%dma_wait3A_513, %dma_wait3A_515, %dma_wait3A_516] : memref<3x16x2048xf32, #tpu.memory_space<vmem>> -> memref<1x16x2048xf32, #tpu.memory_space<vmem>>
    %dma_wait3A_518 = tpu.memref_squeeze %dma_wait3A_517 : memref<1x16x2048xf32, #tpu.memory_space<vmem>> -> memref<16x2048xf32, #tpu.memory_space<vmem>>
    %dma_wait3A_519 = arith.constant 0 : i32
    %dma_wait3A_520 = tpu.memref_slice %arg4[%add3A_437, %dma_wait3A_519] : memref<8192x2048xf32, #tpu.memory_space<hbm>> -> memref<16x2048xf32, #tpu.memory_space<hbm>>
    %dma_wait3A_521 = tpu.memref_slice %arg8[%dma_wait3A_514] : memref<3x!tpu.dma_semaphore, #tpu.memory_space<semaphore_mem>> -> memref<1x!tpu.dma_semaphore, #tpu.memory_space<semaphore_mem>>
    %dma_wait3A_522 = tpu.memref_squeeze %dma_wait3A_521 : memref<1x!tpu.dma_semaphore, #tpu.memory_space<semaphore_mem>> -> memref<!tpu.dma_semaphore, #tpu.memory_space<semaphore_mem>>
    %dma_wait3A_523 = arith.constant 0 : i32
    %dma_wait3A_524 = tpu.memref_slice %arg4[%add3A_437, %dma_wait3A_523] : memref<8192x2048xf32, #tpu.memory_space<hbm>> -> memref<16x2048xf32, #tpu.memory_space<hbm>>
    %dma_wait3A_525 = arith.constant 0 : i32
    %dma_wait3A_526 = arith.constant 0 : i32
    %dma_wait3A_527 = tpu.memref_slice %arg6[%dma_wait3A_513, %dma_wait3A_525, %dma_wait3A_526] : memref<3x16x2048xf32, #tpu.memory_space<vmem>> -> memref<1x16x2048xf32, #tpu.memory_space<vmem>>
    %dma_wait3A_528 = tpu.memref_squeeze %dma_wait3A_527 : memref<1x16x2048xf32, #tpu.memory_space<vmem>> -> memref<16x2048xf32, #tpu.memory_space<vmem>>
    tpu.wait_dma2 semaphore(%dma_wait3A_522 : memref<!tpu.dma_semaphore, #tpu.memory_space<semaphore_mem>>) src(%dma_wait3A_528 : memref<16x2048xf32, #tpu.memory_space<vmem>>) dst(%dma_wait3A_524 : memref<16x2048xf32, #tpu.memory_space<hbm>>)
    %get3A_529 = arith.constant 160 : index
    %get3A_530 = tpu.vector_load %arg5[%get3A_529] {strides = array<i32>} : memref<256xi32, #tpu.memory_space<vmem>>, vector<16xi32>,
    %get3A_531 = vector.shape_cast %get3A_530 : vector<16xi32> to vector<16xi32>
    %dma_start3A_532 = arith.constant 1 : i32
    %dma_start3A_533 = arith.constant 1 : i32
    %dma_start3A_534 = arith.constant 0 : i32
    %dma_start3A_535 = arith.constant 0 : i32
    %dma_start3A_536 = tpu.memref_slice %arg6[%dma_start3A_532, %dma_start3A_534, %dma_start3A_535] : memref<3x16x2048xf32, #tpu.memory_space<vmem>> -> memref<1x16x2048xf32, #tpu.memory_space<vmem>>
    %dma_start3A_537 = tpu.memref_squeeze %dma_start3A_536 : memref<1x16x2048xf32, #tpu.memory_space<vmem>> -> memref<16x2048xf32, #tpu.memory_space<vmem>>
    %dma_start3A_538 = arith.constant 0 : i32
    %dma_start3A_539 = arith.constant 0 : i32
    %dma_start3A_540 = tpu.memref_slice %arg2[%dma_start3A_538, %dma_start3A_539] : memref<8192x2048xf32, #tpu.memory_space<hbm>> -> memref<8192x2048xf32, #tpu.memory_space<hbm>>
    %dma_start3A_541 = tpu.memref_slice %arg7[%dma_start3A_533] : memref<3x!tpu.dma_semaphore, #tpu.memory_space<semaphore_mem>> -> memref<1x!tpu.dma_semaphore, #tpu.memory_space<semaphore_mem>>
    %dma_start3A_542 = tpu.memref_squeeze %dma_start3A_541 : memref<1x!tpu.dma_semaphore, #tpu.memory_space<semaphore_mem>> -> memref<!tpu.dma_semaphore, #tpu.memory_space<semaphore_mem>>
    tpu.enqueue_indirect_dma source(%dma_start3A_540 : memref<8192x2048xf32, #tpu.memory_space<hbm>>) target(%dma_start3A_537 : memref<16x2048xf32, #tpu.memory_space<vmem>>) offsets(%get3A_531 : vector<16xi32>) semaphore(%dma_start3A_542 : memref<!tpu.dma_semaphore, #tpu.memory_space<semaphore_mem>>)
    %dma_wait3A_543 = arith.constant 0 : i32
    %dma_wait3A_544 = arith.constant 0 : i32
    %dma_wait3A_545 = arith.constant 0 : i32
    %dma_wait3A_546 = arith.constant 0 : i32
    %dma_wait3A_547 = tpu.memref_slice %arg6[%dma_wait3A_543, %dma_wait3A_545, %dma_wait3A_546] : memref<3x16x2048xf32, #tpu.memory_space<vmem>> -> memref<1x16x2048xf32, #tpu.memory_space<vmem>>
    %dma_wait3A_548 = tpu.memref_squeeze %dma_wait3A_547 : memref<1x16x2048xf32, #tpu.memory_space<vmem>> -> memref<16x2048xf32, #tpu.memory_space<vmem>>
    %dma_wait3A_549 = arith.constant 0 : i32
    %dma_wait3A_550 = arith.constant 0 : i32
    %dma_wait3A_551 = tpu.memref_slice %arg2[%dma_wait3A_549, %dma_wait3A_550] : memref<8192x2048xf32, #tpu.memory_space<hbm>> -> memref<8192x2048xf32, #tpu.memory_space<hbm>>
    %dma_wait3A_552 = tpu.memref_slice %arg7[%dma_wait3A_544] : memref<3x!tpu.dma_semaphore, #tpu.memory_space<semaphore_mem>> -> memref<1x!tpu.dma_semaphore, #tpu.memory_space<semaphore_mem>>
    %dma_wait3A_553 = tpu.memref_squeeze %dma_wait3A_552 : memref<1x!tpu.dma_semaphore, #tpu.memory_space<semaphore_mem>> -> memref<!tpu.dma_semaphore, #tpu.memory_space<semaphore_mem>>
    tpu.wait_indirect_dma semaphore(%dma_wait3A_553 : memref<!tpu.dma_semaphore, #tpu.memory_space<semaphore_mem>>) src(%dma_wait3A_551 : memref<8192x2048xf32, #tpu.memory_space<hbm>>) dst(%dma_wait3A_548 : memref<16x2048xf32, #tpu.memory_space<vmem>>)
    %add3A_554 = arith.constant 144 : i32
    %add3A_555 = arith.addi %mul3A_2, %add3A_554 : i32
    %dma_start3A_556 = arith.constant 0 : i32
    %dma_start3A_557 = arith.constant 0 : i32
    %dma_start3A_558 = arith.constant 0 : i32
    %dma_start3A_559 = arith.constant 0 : i32
    %dma_start3A_560 = tpu.memref_slice %arg6[%dma_start3A_556, %dma_start3A_558, %dma_start3A_559] : memref<3x16x2048xf32, #tpu.memory_space<vmem>> -> memref<1x16x2048xf32, #tpu.memory_space<vmem>>
    %dma_start3A_561 = tpu.memref_squeeze %dma_start3A_560 : memref<1x16x2048xf32, #tpu.memory_space<vmem>> -> memref<16x2048xf32, #tpu.memory_space<vmem>>
    %dma_start3A_562 = arith.constant 0 : i32
    %dma_start3A_563 = tpu.memref_slice %arg4[%add3A_555, %dma_start3A_562] : memref<8192x2048xf32, #tpu.memory_space<hbm>> -> memref<16x2048xf32, #tpu.memory_space<hbm>>
    %dma_start3A_564 = tpu.memref_slice %arg8[%dma_start3A_557] : memref<3x!tpu.dma_semaphore, #tpu.memory_space<semaphore_mem>> -> memref<1x!tpu.dma_semaphore, #tpu.memory_space<semaphore_mem>>
    %dma_start3A_565 = tpu.memref_squeeze %dma_start3A_564 : memref<1x!tpu.dma_semaphore, #tpu.memory_space<semaphore_mem>> -> memref<!tpu.dma_semaphore, #tpu.memory_space<semaphore_mem>>
    %dma_start3A_566 = arith.constant 0 : i32
    %dma_start3A_567 = tpu.memref_slice %arg4[%add3A_555, %dma_start3A_566] : memref<8192x2048xf32, #tpu.memory_space<hbm>> -> memref<16x2048xf32, #tpu.memory_space<hbm>>
    %dma_start3A_568 = arith.constant 0 : i32
    %dma_start3A_569 = arith.constant 0 : i32
    %dma_start3A_570 = tpu.memref_slice %arg6[%dma_start3A_556, %dma_start3A_568, %dma_start3A_569] : memref<3x16x2048xf32, #tpu.memory_space<vmem>> -> memref<1x16x2048xf32, #tpu.memory_space<vmem>>
    %dma_start3A_571 = tpu.memref_squeeze %dma_start3A_570 : memref<1x16x2048xf32, #tpu.memory_space<vmem>> -> memref<16x2048xf32, #tpu.memory_space<vmem>>
    tpu.enqueue_dma source(%dma_start3A_571 : memref<16x2048xf32, #tpu.memory_space<vmem>>) target(%dma_start3A_567 : memref<16x2048xf32, #tpu.memory_space<hbm>>) target_semaphore(%dma_start3A_565 : memref<!tpu.dma_semaphore, #tpu.memory_space<semaphore_mem>>)
    %dma_wait3A_572 = arith.constant 2 : i32
    %dma_wait3A_573 = arith.constant 2 : i32
    %dma_wait3A_574 = arith.constant 0 : i32
    %dma_wait3A_575 = arith.constant 0 : i32
    %dma_wait3A_576 = tpu.memref_slice %arg6[%dma_wait3A_572, %dma_wait3A_574, %dma_wait3A_575] : memref<3x16x2048xf32, #tpu.memory_space<vmem>> -> memref<1x16x2048xf32, #tpu.memory_space<vmem>>
    %dma_wait3A_577 = tpu.memref_squeeze %dma_wait3A_576 : memref<1x16x2048xf32, #tpu.memory_space<vmem>> -> memref<16x2048xf32, #tpu.memory_space<vmem>>
    %dma_wait3A_578 = arith.constant 0 : i32
    %dma_wait3A_579 = tpu.memref_slice %arg4[%add3A_496, %dma_wait3A_578] : memref<8192x2048xf32, #tpu.memory_space<hbm>> -> memref<16x2048xf32, #tpu.memory_space<hbm>>
    %dma_wait3A_580 = tpu.memref_slice %arg8[%dma_wait3A_573] : memref<3x!tpu.dma_semaphore, #tpu.memory_space<semaphore_mem>> -> memref<1x!tpu.dma_semaphore, #tpu.memory_space<semaphore_mem>>
    %dma_wait3A_581 = tpu.memref_squeeze %dma_wait3A_580 : memref<1x!tpu.dma_semaphore, #tpu.memory_space<semaphore_mem>> -> memref<!tpu.dma_semaphore, #tpu.memory_space<semaphore_mem>>
    %dma_wait3A_582 = arith.constant 0 : i32
    %dma_wait3A_583 = tpu.memref_slice %arg4[%add3A_496, %dma_wait3A_582] : memref<8192x2048xf32, #tpu.memory_space<hbm>> -> memref<16x2048xf32, #tpu.memory_space<hbm>>
    %dma_wait3A_584 = arith.constant 0 : i32
    %dma_wait3A_585 = arith.constant 0 : i32
    %dma_wait3A_586 = tpu.memref_slice %arg6[%dma_wait3A_572, %dma_wait3A_584, %dma_wait3A_585] : memref<3x16x2048xf32, #tpu.memory_space<vmem>> -> memref<1x16x2048xf32, #tpu.memory_space<vmem>>
    %dma_wait3A_587 = tpu.memref_squeeze %dma_wait3A_586 : memref<1x16x2048xf32, #tpu.memory_space<vmem>> -> memref<16x2048xf32, #tpu.memory_space<vmem>>
    tpu.wait_dma2 semaphore(%dma_wait3A_581 : memref<!tpu.dma_semaphore, #tpu.memory_space<semaphore_mem>>) src(%dma_wait3A_587 : memref<16x2048xf32, #tpu.memory_space<vmem>>) dst(%dma_wait3A_583 : memref<16x2048xf32, #tpu.memory_space<hbm>>)
    %get3A_588 = arith.constant 176 : index
    %get3A_589 = tpu.vector_load %arg5[%get3A_588] {strides = array<i32>} : memref<256xi32, #tpu.memory_space<vmem>>, vector<16xi32>,
    %get3A_590 = vector.shape_cast %get3A_589 : vector<16xi32> to vector<16xi32>
    %dma_start3A_591 = arith.constant 2 : i32
    %dma_start3A_592 = arith.constant 2 : i32
    %dma_start3A_593 = arith.constant 0 : i32
    %dma_start3A_594 = arith.constant 0 : i32
    %dma_start3A_595 = tpu.memref_slice %arg6[%dma_start3A_591, %dma_start3A_593, %dma_start3A_594] : memref<3x16x2048xf32, #tpu.memory_space<vmem>> -> memref<1x16x2048xf32, #tpu.memory_space<vmem>>
    %dma_start3A_596 = tpu.memref_squeeze %dma_start3A_595 : memref<1x16x2048xf32, #tpu.memory_space<vmem>> -> memref<16x2048xf32, #tpu.memory_space<vmem>>
    %dma_start3A_597 = arith.constant 0 : i32
    %dma_start3A_598 = arith.constant 0 : i32
    %dma_start3A_599 = tpu.memref_slice %arg2[%dma_start3A_597, %dma_start3A_598] : memref<8192x2048xf32, #tpu.memory_space<hbm>> -> memref<8192x2048xf32, #tpu.memory_space<hbm>>
    %dma_start3A_600 = tpu.memref_slice %arg7[%dma_start3A_592] : memref<3x!tpu.dma_semaphore, #tpu.memory_space<semaphore_mem>> -> memref<1x!tpu.dma_semaphore, #tpu.memory_space<semaphore_mem>>
    %dma_start3A_601 = tpu.memref_squeeze %dma_start3A_600 : memref<1x!tpu.dma_semaphore, #tpu.memory_space<semaphore_mem>> -> memref<!tpu.dma_semaphore, #tpu.memory_space<semaphore_mem>>
    tpu.enqueue_indirect_dma source(%dma_start3A_599 : memref<8192x2048xf32, #tpu.memory_space<hbm>>) target(%dma_start3A_596 : memref<16x2048xf32, #tpu.memory_space<vmem>>) offsets(%get3A_590 : vector<16xi32>) semaphore(%dma_start3A_601 : memref<!tpu.dma_semaphore, #tpu.memory_space<semaphore_mem>>)
    %dma_wait3A_602 = arith.constant 1 : i32
    %dma_wait3A_603 = arith.constant 1 : i32
    %dma_wait3A_604 = arith.constant 0 : i32
    %dma_wait3A_605 = arith.constant 0 : i32
    %dma_wait3A_606 = tpu.memref_slice %arg6[%dma_wait3A_602, %dma_wait3A_604, %dma_wait3A_605] : memref<3x16x2048xf32, #tpu.memory_space<vmem>> -> memref<1x16x2048xf32, #tpu.memory_space<vmem>>
    %dma_wait3A_607 = tpu.memref_squeeze %dma_wait3A_606 : memref<1x16x2048xf32, #tpu.memory_space<vmem>> -> memref<16x2048xf32, #tpu.memory_space<vmem>>
    %dma_wait3A_608 = arith.constant 0 : i32
    %dma_wait3A_609 = arith.constant 0 : i32
    %dma_wait3A_610 = tpu.memref_slice %arg2[%dma_wait3A_608, %dma_wait3A_609] : memref<8192x2048xf32, #tpu.memory_space<hbm>> -> memref<8192x2048xf32, #tpu.memory_space<hbm>>
    %dma_wait3A_611 = tpu.memref_slice %arg7[%dma_wait3A_603] : memref<3x!tpu.dma_semaphore, #tpu.memory_space<semaphore_mem>> -> memref<1x!tpu.dma_semaphore, #tpu.memory_space<semaphore_mem>>
    %dma_wait3A_612 = tpu.memref_squeeze %dma_wait3A_611 : memref<1x!tpu.dma_semaphore, #tpu.memory_space<semaphore_mem>> -> memref<!tpu.dma_semaphore, #tpu.memory_space<semaphore_mem>>
    tpu.wait_indirect_dma semaphore(%dma_wait3A_612 : memref<!tpu.dma_semaphore, #tpu.memory_space<semaphore_mem>>) src(%dma_wait3A_610 : memref<8192x2048xf32, #tpu.memory_space<hbm>>) dst(%dma_wait3A_607 : memref<16x2048xf32, #tpu.memory_space<vmem>>)
    %add3A_613 = arith.constant 160 : i32
    %add3A_614 = arith.addi %mul3A_2, %add3A_613 : i32
    %dma_start3A_615 = arith.constant 1 : i32
    %dma_start3A_616 = arith.constant 1 : i32
    %dma_start3A_617 = arith.constant 0 : i32
    %dma_start3A_618 = arith.constant 0 : i32
    %dma_start3A_619 = tpu.memref_slice %arg6[%dma_start3A_615, %dma_start3A_617, %dma_start3A_618] : memref<3x16x2048xf32, #tpu.memory_space<vmem>> -> memref<1x16x2048xf32, #tpu.memory_space<vmem>>
    %dma_start3A_620 = tpu.memref_squeeze %dma_start3A_619 : memref<1x16x2048xf32, #tpu.memory_space<vmem>> -> memref<16x2048xf32, #tpu.memory_space<vmem>>
    %dma_start3A_621 = arith.constant 0 : i32
    %dma_start3A_622 = tpu.memref_slice %arg4[%add3A_614, %dma_start3A_621] : memref<8192x2048xf32, #tpu.memory_space<hbm>> -> memref<16x2048xf32, #tpu.memory_space<hbm>>
    %dma_start3A_623 = tpu.memref_slice %arg8[%dma_start3A_616] : memref<3x!tpu.dma_semaphore, #tpu.memory_space<semaphore_mem>> -> memref<1x!tpu.dma_semaphore, #tpu.memory_space<semaphore_mem>>
    %dma_start3A_624 = tpu.memref_squeeze %dma_start3A_623 : memref<1x!tpu.dma_semaphore, #tpu.memory_space<semaphore_mem>> -> memref<!tpu.dma_semaphore, #tpu.memory_space<semaphore_mem>>
    %dma_start3A_625 = arith.constant 0 : i32
    %dma_start3A_626 = tpu.memref_slice %arg4[%add3A_614, %dma_start3A_625] : memref<8192x2048xf32, #tpu.memory_space<hbm>> -> memref<16x2048xf32, #tpu.memory_space<hbm>>
    %dma_start3A_627 = arith.constant 0 : i32
    %dma_start3A_628 = arith.constant 0 : i32
    %dma_start3A_629 = tpu.memref_slice %arg6[%dma_start3A_615, %dma_start3A_627, %dma_start3A_628] : memref<3x16x2048xf32, #tpu.memory_space<vmem>> -> memref<1x16x2048xf32, #tpu.memory_space<vmem>>
    %dma_start3A_630 = tpu.memref_squeeze %dma_start3A_629 : memref<1x16x2048xf32, #tpu.memory_space<vmem>> -> memref<16x2048xf32, #tpu.memory_space<vmem>>
    tpu.enqueue_dma source(%dma_start3A_630 : memref<16x2048xf32, #tpu.memory_space<vmem>>) target(%dma_start3A_626 : memref<16x2048xf32, #tpu.memory_space<hbm>>) target_semaphore(%dma_start3A_624 : memref<!tpu.dma_semaphore, #tpu.memory_space<semaphore_mem>>)
    %dma_wait3A_631 = arith.constant 0 : i32
    %dma_wait3A_632 = arith.constant 0 : i32
    %dma_wait3A_633 = arith.constant 0 : i32
    %dma_wait3A_634 = arith.constant 0 : i32
    %dma_wait3A_635 = tpu.memref_slice %arg6[%dma_wait3A_631, %dma_wait3A_633, %dma_wait3A_634] : memref<3x16x2048xf32, #tpu.memory_space<vmem>> -> memref<1x16x2048xf32, #tpu.memory_space<vmem>>
    %dma_wait3A_636 = tpu.memref_squeeze %dma_wait3A_635 : memref<1x16x2048xf32, #tpu.memory_space<vmem>> -> memref<16x2048xf32, #tpu.memory_space<vmem>>
    %dma_wait3A_637 = arith.constant 0 : i32
    %dma_wait3A_638 = tpu.memref_slice %arg4[%add3A_555, %dma_wait3A_637] : memref<8192x2048xf32, #tpu.memory_space<hbm>> -> memref<16x2048xf32, #tpu.memory_space<hbm>>
    %dma_wait3A_639 = tpu.memref_slice %arg8[%dma_wait3A_632] : memref<3x!tpu.dma_semaphore, #tpu.memory_space<semaphore_mem>> -> memref<1x!tpu.dma_semaphore, #tpu.memory_space<semaphore_mem>>
    %dma_wait3A_640 = tpu.memref_squeeze %dma_wait3A_639 : memref<1x!tpu.dma_semaphore, #tpu.memory_space<semaphore_mem>> -> memref<!tpu.dma_semaphore, #tpu.memory_space<semaphore_mem>>
    %dma_wait3A_641 = arith.constant 0 : i32
    %dma_wait3A_642 = tpu.memref_slice %arg4[%add3A_555, %dma_wait3A_641] : memref<8192x2048xf32, #tpu.memory_space<hbm>> -> memref<16x2048xf32, #tpu.memory_space<hbm>>
    %dma_wait3A_643 = arith.constant 0 : i32
    %dma_wait3A_644 = arith.constant 0 : i32
    %dma_wait3A_645 = tpu.memref_slice %arg6[%dma_wait3A_631, %dma_wait3A_643, %dma_wait3A_644] : memref<3x16x2048xf32, #tpu.memory_space<vmem>> -> memref<1x16x2048xf32, #tpu.memory_space<vmem>>
    %dma_wait3A_646 = tpu.memref_squeeze %dma_wait3A_645 : memref<1x16x2048xf32, #tpu.memory_space<vmem>> -> memref<16x2048xf32, #tpu.memory_space<vmem>>
    tpu.wait_dma2 semaphore(%dma_wait3A_640 : memref<!tpu.dma_semaphore, #tpu.memory_space<semaphore_mem>>) src(%dma_wait3A_646 : memref<16x2048xf32, #tpu.memory_space<vmem>>) dst(%dma_wait3A_642 : memref<16x2048xf32, #tpu.memory_space<hbm>>)
    %get3A_647 = arith.constant 192 : index
    %get3A_648 = tpu.vector_load %arg5[%get3A_647] {strides = array<i32>} : memref<256xi32, #tpu.memory_space<vmem>>, vector<16xi32>,
    %get3A_649 = vector.shape_cast %get3A_648 : vector<16xi32> to vector<16xi32>
    %dma_start3A_650 = arith.constant 0 : i32
    %dma_start3A_651 = arith.constant 0 : i32
    %dma_start3A_652 = arith.constant 0 : i32
    %dma_start3A_653 = arith.constant 0 : i32
    %dma_start3A_654 = tpu.memref_slice %arg6[%dma_start3A_650, %dma_start3A_652, %dma_start3A_653] : memref<3x16x2048xf32, #tpu.memory_space<vmem>> -> memref<1x16x2048xf32, #tpu.memory_space<vmem>>
    %dma_start3A_655 = tpu.memref_squeeze %dma_start3A_654 : memref<1x16x2048xf32, #tpu.memory_space<vmem>> -> memref<16x2048xf32, #tpu.memory_space<vmem>>
    %dma_start3A_656 = arith.constant 0 : i32
    %dma_start3A_657 = arith.constant 0 : i32
    %dma_start3A_658 = tpu.memref_slice %arg2[%dma_start3A_656, %dma_start3A_657] : memref<8192x2048xf32, #tpu.memory_space<hbm>> -> memref<8192x2048xf32, #tpu.memory_space<hbm>>
    %dma_start3A_659 = tpu.memref_slice %arg7[%dma_start3A_651] : memref<3x!tpu.dma_semaphore, #tpu.memory_space<semaphore_mem>> -> memref<1x!tpu.dma_semaphore, #tpu.memory_space<semaphore_mem>>
    %dma_start3A_660 = tpu.memref_squeeze %dma_start3A_659 : memref<1x!tpu.dma_semaphore, #tpu.memory_space<semaphore_mem>> -> memref<!tpu.dma_semaphore, #tpu.memory_space<semaphore_mem>>
    tpu.enqueue_indirect_dma source(%dma_start3A_658 : memref<8192x2048xf32, #tpu.memory_space<hbm>>) target(%dma_start3A_655 : memref<16x2048xf32, #tpu.memory_space<vmem>>) offsets(%get3A_649 : vector<16xi32>) semaphore(%dma_start3A_660 : memref<!tpu.dma_semaphore, #tpu.memory_space<semaphore_mem>>)
    %dma_wait3A_661 = arith.constant 2 : i32
    %dma_wait3A_662 = arith.constant 2 : i32
    %dma_wait3A_663 = arith.constant 0 : i32
    %dma_wait3A_664 = arith.constant 0 : i32
    %dma_wait3A_665 = tpu.memref_slice %arg6[%dma_wait3A_661, %dma_wait3A_663, %dma_wait3A_664] : memref<3x16x2048xf32, #tpu.memory_space<vmem>> -> memref<1x16x2048xf32, #tpu.memory_space<vmem>>
    %dma_wait3A_666 = tpu.memref_squeeze %dma_wait3A_665 : memref<1x16x2048xf32, #tpu.memory_space<vmem>> -> memref<16x2048xf32, #tpu.memory_space<vmem>>
    %dma_wait3A_667 = arith.constant 0 : i32
    %dma_wait3A_668 = arith.constant 0 : i32
    %dma_wait3A_669 = tpu.memref_slice %arg2[%dma_wait3A_667, %dma_wait3A_668] : memref<8192x2048xf32, #tpu.memory_space<hbm>> -> memref<8192x2048xf32, #tpu.memory_space<hbm>>
    %dma_wait3A_670 = tpu.memref_slice %arg7[%dma_wait3A_662] : memref<3x!tpu.dma_semaphore, #tpu.memory_space<semaphore_mem>> -> memref<1x!tpu.dma_semaphore, #tpu.memory_space<semaphore_mem>>
    %dma_wait3A_671 = tpu.memref_squeeze %dma_wait3A_670 : memref<1x!tpu.dma_semaphore, #tpu.memory_space<semaphore_mem>> -> memref<!tpu.dma_semaphore, #tpu.memory_space<semaphore_mem>>
    tpu.wait_indirect_dma semaphore(%dma_wait3A_671 : memref<!tpu.dma_semaphore, #tpu.memory_space<semaphore_mem>>) src(%dma_wait3A_669 : memref<8192x2048xf32, #tpu.memory_space<hbm>>) dst(%dma_wait3A_666 : memref<16x2048xf32, #tpu.memory_space<vmem>>)
    %add3A_672 = arith.constant 176 : i32
    %add3A_673 = arith.addi %mul3A_2, %add3A_672 : i32
    %dma_start3A_674 = arith.constant 2 : i32
    %dma_start3A_675 = arith.constant 2 : i32
    %dma_start3A_676 = arith.constant 0 : i32
    %dma_start3A_677 = arith.constant 0 : i32
    %dma_start3A_678 = tpu.memref_slice %arg6[%dma_start3A_674, %dma_start3A_676, %dma_start3A_677] : memref<3x16x2048xf32, #tpu.memory_space<vmem>> -> memref<1x16x2048xf32, #tpu.memory_space<vmem>>
    %dma_start3A_679 = tpu.memref_squeeze %dma_start3A_678 : memref<1x16x2048xf32, #tpu.memory_space<vmem>> -> memref<16x2048xf32, #tpu.memory_space<vmem>>
    %dma_start3A_680 = arith.constant 0 : i32
    %dma_start3A_681 = tpu.memref_slice %arg4[%add3A_673, %dma_start3A_680] : memref<8192x2048xf32, #tpu.memory_space<hbm>> -> memref<16x2048xf32, #tpu.memory_space<hbm>>
    %dma_start3A_682 = tpu.memref_slice %arg8[%dma_start3A_675] : memref<3x!tpu.dma_semaphore, #tpu.memory_space<semaphore_mem>> -> memref<1x!tpu.dma_semaphore, #tpu.memory_space<semaphore_mem>>
    %dma_start3A_683 = tpu.memref_squeeze %dma_start3A_682 : memref<1x!tpu.dma_semaphore, #tpu.memory_space<semaphore_mem>> -> memref<!tpu.dma_semaphore, #tpu.memory_space<semaphore_mem>>
    %dma_start3A_684 = arith.constant 0 : i32
    %dma_start3A_685 = tpu.memref_slice %arg4[%add3A_673, %dma_start3A_684] : memref<8192x2048xf32, #tpu.memory_space<hbm>> -> memref<16x2048xf32, #tpu.memory_space<hbm>>
    %dma_start3A_686 = arith.constant 0 : i32
    %dma_start3A_687 = arith.constant 0 : i32
    %dma_start3A_688 = tpu.memref_slice %arg6[%dma_start3A_674, %dma_start3A_686, %dma_start3A_687] : memref<3x16x2048xf32, #tpu.memory_space<vmem>> -> memref<1x16x2048xf32, #tpu.memory_space<vmem>>
    %dma_start3A_689 = tpu.memref_squeeze %dma_start3A_688 : memref<1x16x2048xf32, #tpu.memory_space<vmem>> -> memref<16x2048xf32, #tpu.memory_space<vmem>>
    tpu.enqueue_dma source(%dma_start3A_689 : memref<16x2048xf32, #tpu.memory_space<vmem>>) target(%dma_start3A_685 : memref<16x2048xf32, #tpu.memory_space<hbm>>) target_semaphore(%dma_start3A_683 : memref<!tpu.dma_semaphore, #tpu.memory_space<semaphore_mem>>)
    %dma_wait3A_690 = arith.constant 1 : i32
    %dma_wait3A_691 = arith.constant 1 : i32
    %dma_wait3A_692 = arith.constant 0 : i32
    %dma_wait3A_693 = arith.constant 0 : i32
    %dma_wait3A_694 = tpu.memref_slice %arg6[%dma_wait3A_690, %dma_wait3A_692, %dma_wait3A_693] : memref<3x16x2048xf32, #tpu.memory_space<vmem>> -> memref<1x16x2048xf32, #tpu.memory_space<vmem>>
    %dma_wait3A_695 = tpu.memref_squeeze %dma_wait3A_694 : memref<1x16x2048xf32, #tpu.memory_space<vmem>> -> memref<16x2048xf32, #tpu.memory_space<vmem>>
    %dma_wait3A_696 = arith.constant 0 : i32
    %dma_wait3A_697 = tpu.memref_slice %arg4[%add3A_614, %dma_wait3A_696] : memref<8192x2048xf32, #tpu.memory_space<hbm>> -> memref<16x2048xf32, #tpu.memory_space<hbm>>
    %dma_wait3A_698 = tpu.memref_slice %arg8[%dma_wait3A_691] : memref<3x!tpu.dma_semaphore, #tpu.memory_space<semaphore_mem>> -> memref<1x!tpu.dma_semaphore, #tpu.memory_space<semaphore_mem>>
    %dma_wait3A_699 = tpu.memref_squeeze %dma_wait3A_698 : memref<1x!tpu.dma_semaphore, #tpu.memory_space<semaphore_mem>> -> memref<!tpu.dma_semaphore, #tpu.memory_space<semaphore_mem>>
    %dma_wait3A_700 = arith.constant 0 : i32
    %dma_wait3A_701 = tpu.memref_slice %arg4[%add3A_614, %dma_wait3A_700] : memref<8192x2048xf32, #tpu.memory_space<hbm>> -> memref<16x2048xf32, #tpu.memory_space<hbm>>
    %dma_wait3A_702 = arith.constant 0 : i32
    %dma_wait3A_703 = arith.constant 0 : i32
    %dma_wait3A_704 = tpu.memref_slice %arg6[%dma_wait3A_690, %dma_wait3A_702, %dma_wait3A_703] : memref<3x16x2048xf32, #tpu.memory_space<vmem>> -> memref<1x16x2048xf32, #tpu.memory_space<vmem>>
    %dma_wait3A_705 = tpu.memref_squeeze %dma_wait3A_704 : memref<1x16x2048xf32, #tpu.memory_space<vmem>> -> memref<16x2048xf32, #tpu.memory_space<vmem>>
    tpu.wait_dma2 semaphore(%dma_wait3A_699 : memref<!tpu.dma_semaphore, #tpu.memory_space<semaphore_mem>>) src(%dma_wait3A_705 : memref<16x2048xf32, #tpu.memory_space<vmem>>) dst(%dma_wait3A_701 : memref<16x2048xf32, #tpu.memory_space<hbm>>)
    %get3A_706 = arith.constant 208 : index
    %get3A_707 = tpu.vector_load %arg5[%get3A_706] {strides = array<i32>} : memref<256xi32, #tpu.memory_space<vmem>>, vector<16xi32>,
    %get3A_708 = vector.shape_cast %get3A_707 : vector<16xi32> to vector<16xi32>
    %dma_start3A_709 = arith.constant 1 : i32
    %dma_start3A_710 = arith.constant 1 : i32
    %dma_start3A_711 = arith.constant 0 : i32
    %dma_start3A_712 = arith.constant 0 : i32
    %dma_start3A_713 = tpu.memref_slice %arg6[%dma_start3A_709, %dma_start3A_711, %dma_start3A_712] : memref<3x16x2048xf32, #tpu.memory_space<vmem>> -> memref<1x16x2048xf32, #tpu.memory_space<vmem>>
    %dma_start3A_714 = tpu.memref_squeeze %dma_start3A_713 : memref<1x16x2048xf32, #tpu.memory_space<vmem>> -> memref<16x2048xf32, #tpu.memory_space<vmem>>
    %dma_start3A_715 = arith.constant 0 : i32
    %dma_start3A_716 = arith.constant 0 : i32
    %dma_start3A_717 = tpu.memref_slice %arg2[%dma_start3A_715, %dma_start3A_716] : memref<8192x2048xf32, #tpu.memory_space<hbm>> -> memref<8192x2048xf32, #tpu.memory_space<hbm>>
    %dma_start3A_718 = tpu.memref_slice %arg7[%dma_start3A_710] : memref<3x!tpu.dma_semaphore, #tpu.memory_space<semaphore_mem>> -> memref<1x!tpu.dma_semaphore, #tpu.memory_space<semaphore_mem>>
    %dma_start3A_719 = tpu.memref_squeeze %dma_start3A_718 : memref<1x!tpu.dma_semaphore, #tpu.memory_space<semaphore_mem>> -> memref<!tpu.dma_semaphore, #tpu.memory_space<semaphore_mem>>
    tpu.enqueue_indirect_dma source(%dma_start3A_717 : memref<8192x2048xf32, #tpu.memory_space<hbm>>) target(%dma_start3A_714 : memref<16x2048xf32, #tpu.memory_space<vmem>>) offsets(%get3A_708 : vector<16xi32>) semaphore(%dma_start3A_719 : memref<!tpu.dma_semaphore, #tpu.memory_space<semaphore_mem>>)
    %dma_wait3A_720 = arith.constant 0 : i32
    %dma_wait3A_721 = arith.constant 0 : i32
    %dma_wait3A_722 = arith.constant 0 : i32
    %dma_wait3A_723 = arith.constant 0 : i32
    %dma_wait3A_724 = tpu.memref_slice %arg6[%dma_wait3A_720, %dma_wait3A_722, %dma_wait3A_723] : memref<3x16x2048xf32, #tpu.memory_space<vmem>> -> memref<1x16x2048xf32, #tpu.memory_space<vmem>>
    %dma_wait3A_725 = tpu.memref_squeeze %dma_wait3A_724 : memref<1x16x2048xf32, #tpu.memory_space<vmem>> -> memref<16x2048xf32, #tpu.memory_space<vmem>>
    %dma_wait3A_726 = arith.constant 0 : i32
    %dma_wait3A_727 = arith.constant 0 : i32
    %dma_wait3A_728 = tpu.memref_slice %arg2[%dma_wait3A_726, %dma_wait3A_727] : memref<8192x2048xf32, #tpu.memory_space<hbm>> -> memref<8192x2048xf32, #tpu.memory_space<hbm>>
    %dma_wait3A_729 = tpu.memref_slice %arg7[%dma_wait3A_721] : memref<3x!tpu.dma_semaphore, #tpu.memory_space<semaphore_mem>> -> memref<1x!tpu.dma_semaphore, #tpu.memory_space<semaphore_mem>>
    %dma_wait3A_730 = tpu.memref_squeeze %dma_wait3A_729 : memref<1x!tpu.dma_semaphore, #tpu.memory_space<semaphore_mem>> -> memref<!tpu.dma_semaphore, #tpu.memory_space<semaphore_mem>>
    tpu.wait_indirect_dma semaphore(%dma_wait3A_730 : memref<!tpu.dma_semaphore, #tpu.memory_space<semaphore_mem>>) src(%dma_wait3A_728 : memref<8192x2048xf32, #tpu.memory_space<hbm>>) dst(%dma_wait3A_725 : memref<16x2048xf32, #tpu.memory_space<vmem>>)
    %add3A_731 = arith.constant 192 : i32
    %add3A_732 = arith.addi %mul3A_2, %add3A_731 : i32
    %dma_start3A_733 = arith.constant 0 : i32
    %dma_start3A_734 = arith.constant 0 : i32
    %dma_start3A_735 = arith.constant 0 : i32
    %dma_start3A_736 = arith.constant 0 : i32
    %dma_start3A_737 = tpu.memref_slice %arg6[%dma_start3A_733, %dma_start3A_735, %dma_start3A_736] : memref<3x16x2048xf32, #tpu.memory_space<vmem>> -> memref<1x16x2048xf32, #tpu.memory_space<vmem>>
    %dma_start3A_738 = tpu.memref_squeeze %dma_start3A_737 : memref<1x16x2048xf32, #tpu.memory_space<vmem>> -> memref<16x2048xf32, #tpu.memory_space<vmem>>
    %dma_start3A_739 = arith.constant 0 : i32
    %dma_start3A_740 = tpu.memref_slice %arg4[%add3A_732, %dma_start3A_739] : memref<8192x2048xf32, #tpu.memory_space<hbm>> -> memref<16x2048xf32, #tpu.memory_space<hbm>>
    %dma_start3A_741 = tpu.memref_slice %arg8[%dma_start3A_734] : memref<3x!tpu.dma_semaphore, #tpu.memory_space<semaphore_mem>> -> memref<1x!tpu.dma_semaphore, #tpu.memory_space<semaphore_mem>>
    %dma_start3A_742 = tpu.memref_squeeze %dma_start3A_741 : memref<1x!tpu.dma_semaphore, #tpu.memory_space<semaphore_mem>> -> memref<!tpu.dma_semaphore, #tpu.memory_space<semaphore_mem>>
    %dma_start3A_743 = arith.constant 0 : i32
    %dma_start3A_744 = tpu.memref_slice %arg4[%add3A_732, %dma_start3A_743] : memref<8192x2048xf32, #tpu.memory_space<hbm>> -> memref<16x2048xf32, #tpu.memory_space<hbm>>
    %dma_start3A_745 = arith.constant 0 : i32
    %dma_start3A_746 = arith.constant 0 : i32
    %dma_start3A_747 = tpu.memref_slice %arg6[%dma_start3A_733, %dma_start3A_745, %dma_start3A_746] : memref<3x16x2048xf32, #tpu.memory_space<vmem>> -> memref<1x16x2048xf32, #tpu.memory_space<vmem>>
    %dma_start3A_748 = tpu.memref_squeeze %dma_start3A_747 : memref<1x16x2048xf32, #tpu.memory_space<vmem>> -> memref<16x2048xf32, #tpu.memory_space<vmem>>
    tpu.enqueue_dma source(%dma_start3A_748 : memref<16x2048xf32, #tpu.memory_space<vmem>>) target(%dma_start3A_744 : memref<16x2048xf32, #tpu.memory_space<hbm>>) target_semaphore(%dma_start3A_742 : memref<!tpu.dma_semaphore, #tpu.memory_space<semaphore_mem>>)
    %dma_wait3A_749 = arith.constant 2 : i32
    %dma_wait3A_750 = arith.constant 2 : i32
    %dma_wait3A_751 = arith.constant 0 : i32
    %dma_wait3A_752 = arith.constant 0 : i32
    %dma_wait3A_753 = tpu.memref_slice %arg6[%dma_wait3A_749, %dma_wait3A_751, %dma_wait3A_752] : memref<3x16x2048xf32, #tpu.memory_space<vmem>> -> memref<1x16x2048xf32, #tpu.memory_space<vmem>>
    %dma_wait3A_754 = tpu.memref_squeeze %dma_wait3A_753 : memref<1x16x2048xf32, #tpu.memory_space<vmem>> -> memref<16x2048xf32, #tpu.memory_space<vmem>>
    %dma_wait3A_755 = arith.constant 0 : i32
    %dma_wait3A_756 = tpu.memref_slice %arg4[%add3A_673, %dma_wait3A_755] : memref<8192x2048xf32, #tpu.memory_space<hbm>> -> memref<16x2048xf32, #tpu.memory_space<hbm>>
    %dma_wait3A_757 = tpu.memref_slice %arg8[%dma_wait3A_750] : memref<3x!tpu.dma_semaphore, #tpu.memory_space<semaphore_mem>> -> memref<1x!tpu.dma_semaphore, #tpu.memory_space<semaphore_mem>>
    %dma_wait3A_758 = tpu.memref_squeeze %dma_wait3A_757 : memref<1x!tpu.dma_semaphore, #tpu.memory_space<semaphore_mem>> -> memref<!tpu.dma_semaphore, #tpu.memory_space<semaphore_mem>>
    %dma_wait3A_759 = arith.constant 0 : i32
    %dma_wait3A_760 = tpu.memref_slice %arg4[%add3A_673, %dma_wait3A_759] : memref<8192x2048xf32, #tpu.memory_space<hbm>> -> memref<16x2048xf32, #tpu.memory_space<hbm>>
    %dma_wait3A_761 = arith.constant 0 : i32
    %dma_wait3A_762 = arith.constant 0 : i32
    %dma_wait3A_763 = tpu.memref_slice %arg6[%dma_wait3A_749, %dma_wait3A_761, %dma_wait3A_762] : memref<3x16x2048xf32, #tpu.memory_space<vmem>> -> memref<1x16x2048xf32, #tpu.memory_space<vmem>>
    %dma_wait3A_764 = tpu.memref_squeeze %dma_wait3A_763 : memref<1x16x2048xf32, #tpu.memory_space<vmem>> -> memref<16x2048xf32, #tpu.memory_space<vmem>>
    tpu.wait_dma2 semaphore(%dma_wait3A_758 : memref<!tpu.dma_semaphore, #tpu.memory_space<semaphore_mem>>) src(%dma_wait3A_764 : memref<16x2048xf32, #tpu.memory_space<vmem>>) dst(%dma_wait3A_760 : memref<16x2048xf32, #tpu.memory_space<hbm>>)
    %get3A_765 = arith.constant 224 : index
    %get3A_766 = tpu.vector_load %arg5[%get3A_765] {strides = array<i32>} : memref<256xi32, #tpu.memory_space<vmem>>, vector<16xi32>,
    %get3A_767 = vector.shape_cast %get3A_766 : vector<16xi32> to vector<16xi32>
    %dma_start3A_768 = arith.constant 2 : i32
    %dma_start3A_769 = arith.constant 2 : i32
    %dma_start3A_770 = arith.constant 0 : i32
    %dma_start3A_771 = arith.constant 0 : i32
    %dma_start3A_772 = tpu.memref_slice %arg6[%dma_start3A_768, %dma_start3A_770, %dma_start3A_771] : memref<3x16x2048xf32, #tpu.memory_space<vmem>> -> memref<1x16x2048xf32, #tpu.memory_space<vmem>>
    %dma_start3A_773 = tpu.memref_squeeze %dma_start3A_772 : memref<1x16x2048xf32, #tpu.memory_space<vmem>> -> memref<16x2048xf32, #tpu.memory_space<vmem>>
    %dma_start3A_774 = arith.constant 0 : i32
    %dma_start3A_775 = arith.constant 0 : i32
    %dma_start3A_776 = tpu.memref_slice %arg2[%dma_start3A_774, %dma_start3A_775] : memref<8192x2048xf32, #tpu.memory_space<hbm>> -> memref<8192x2048xf32, #tpu.memory_space<hbm>>
    %dma_start3A_777 = tpu.memref_slice %arg7[%dma_start3A_769] : memref<3x!tpu.dma_semaphore, #tpu.memory_space<semaphore_mem>> -> memref<1x!tpu.dma_semaphore, #tpu.memory_space<semaphore_mem>>
    %dma_start3A_778 = tpu.memref_squeeze %dma_start3A_777 : memref<1x!tpu.dma_semaphore, #tpu.memory_space<semaphore_mem>> -> memref<!tpu.dma_semaphore, #tpu.memory_space<semaphore_mem>>
    tpu.enqueue_indirect_dma source(%dma_start3A_776 : memref<8192x2048xf32, #tpu.memory_space<hbm>>) target(%dma_start3A_773 : memref<16x2048xf32, #tpu.memory_space<vmem>>) offsets(%get3A_767 : vector<16xi32>) semaphore(%dma_start3A_778 : memref<!tpu.dma_semaphore, #tpu.memory_space<semaphore_mem>>)
    %dma_wait3A_779 = arith.constant 1 : i32
    %dma_wait3A_780 = arith.constant 1 : i32
    %dma_wait3A_781 = arith.constant 0 : i32
    %dma_wait3A_782 = arith.constant 0 : i32
    %dma_wait3A_783 = tpu.memref_slice %arg6[%dma_wait3A_779, %dma_wait3A_781, %dma_wait3A_782] : memref<3x16x2048xf32, #tpu.memory_space<vmem>> -> memref<1x16x2048xf32, #tpu.memory_space<vmem>>
    %dma_wait3A_784 = tpu.memref_squeeze %dma_wait3A_783 : memref<1x16x2048xf32, #tpu.memory_space<vmem>> -> memref<16x2048xf32, #tpu.memory_space<vmem>>
    %dma_wait3A_785 = arith.constant 0 : i32
    %dma_wait3A_786 = arith.constant 0 : i32
    %dma_wait3A_787 = tpu.memref_slice %arg2[%dma_wait3A_785, %dma_wait3A_786] : memref<8192x2048xf32, #tpu.memory_space<hbm>> -> memref<8192x2048xf32, #tpu.memory_space<hbm>>
    %dma_wait3A_788 = tpu.memref_slice %arg7[%dma_wait3A_780] : memref<3x!tpu.dma_semaphore, #tpu.memory_space<semaphore_mem>> -> memref<1x!tpu.dma_semaphore, #tpu.memory_space<semaphore_mem>>
    %dma_wait3A_789 = tpu.memref_squeeze %dma_wait3A_788 : memref<1x!tpu.dma_semaphore, #tpu.memory_space<semaphore_mem>> -> memref<!tpu.dma_semaphore, #tpu.memory_space<semaphore_mem>>
    tpu.wait_indirect_dma semaphore(%dma_wait3A_789 : memref<!tpu.dma_semaphore, #tpu.memory_space<semaphore_mem>>) src(%dma_wait3A_787 : memref<8192x2048xf32, #tpu.memory_space<hbm>>) dst(%dma_wait3A_784 : memref<16x2048xf32, #tpu.memory_space<vmem>>)
    %add3A_790 = arith.constant 208 : i32
    %add3A_791 = arith.addi %mul3A_2, %add3A_790 : i32
    %dma_start3A_792 = arith.constant 1 : i32
    %dma_start3A_793 = arith.constant 1 : i32
    %dma_start3A_794 = arith.constant 0 : i32
    %dma_start3A_795 = arith.constant 0 : i32
    %dma_start3A_796 = tpu.memref_slice %arg6[%dma_start3A_792, %dma_start3A_794, %dma_start3A_795] : memref<3x16x2048xf32, #tpu.memory_space<vmem>> -> memref<1x16x2048xf32, #tpu.memory_space<vmem>>
    %dma_start3A_797 = tpu.memref_squeeze %dma_start3A_796 : memref<1x16x2048xf32, #tpu.memory_space<vmem>> -> memref<16x2048xf32, #tpu.memory_space<vmem>>
    %dma_start3A_798 = arith.constant 0 : i32
    %dma_start3A_799 = tpu.memref_slice %arg4[%add3A_791, %dma_start3A_798] : memref<8192x2048xf32, #tpu.memory_space<hbm>> -> memref<16x2048xf32, #tpu.memory_space<hbm>>
    %dma_start3A_800 = tpu.memref_slice %arg8[%dma_start3A_793] : memref<3x!tpu.dma_semaphore, #tpu.memory_space<semaphore_mem>> -> memref<1x!tpu.dma_semaphore, #tpu.memory_space<semaphore_mem>>
    %dma_start3A_801 = tpu.memref_squeeze %dma_start3A_800 : memref<1x!tpu.dma_semaphore, #tpu.memory_space<semaphore_mem>> -> memref<!tpu.dma_semaphore, #tpu.memory_space<semaphore_mem>>
    %dma_start3A_802 = arith.constant 0 : i32
    %dma_start3A_803 = tpu.memref_slice %arg4[%add3A_791, %dma_start3A_802] : memref<8192x2048xf32, #tpu.memory_space<hbm>> -> memref<16x2048xf32, #tpu.memory_space<hbm>>
    %dma_start3A_804 = arith.constant 0 : i32
    %dma_start3A_805 = arith.constant 0 : i32
    %dma_start3A_806 = tpu.memref_slice %arg6[%dma_start3A_792, %dma_start3A_804, %dma_start3A_805] : memref<3x16x2048xf32, #tpu.memory_space<vmem>> -> memref<1x16x2048xf32, #tpu.memory_space<vmem>>
    %dma_start3A_807 = tpu.memref_squeeze %dma_start3A_806 : memref<1x16x2048xf32, #tpu.memory_space<vmem>> -> memref<16x2048xf32, #tpu.memory_space<vmem>>
    tpu.enqueue_dma source(%dma_start3A_807 : memref<16x2048xf32, #tpu.memory_space<vmem>>) target(%dma_start3A_803 : memref<16x2048xf32, #tpu.memory_space<hbm>>) target_semaphore(%dma_start3A_801 : memref<!tpu.dma_semaphore, #tpu.memory_space<semaphore_mem>>)
    %dma_wait3A_808 = arith.constant 0 : i32
    %dma_wait3A_809 = arith.constant 0 : i32
    %dma_wait3A_810 = arith.constant 0 : i32
    %dma_wait3A_811 = arith.constant 0 : i32
    %dma_wait3A_812 = tpu.memref_slice %arg6[%dma_wait3A_808, %dma_wait3A_810, %dma_wait3A_811] : memref<3x16x2048xf32, #tpu.memory_space<vmem>> -> memref<1x16x2048xf32, #tpu.memory_space<vmem>>
    %dma_wait3A_813 = tpu.memref_squeeze %dma_wait3A_812 : memref<1x16x2048xf32, #tpu.memory_space<vmem>> -> memref<16x2048xf32, #tpu.memory_space<vmem>>
    %dma_wait3A_814 = arith.constant 0 : i32
    %dma_wait3A_815 = tpu.memref_slice %arg4[%add3A_732, %dma_wait3A_814] : memref<8192x2048xf32, #tpu.memory_space<hbm>> -> memref<16x2048xf32, #tpu.memory_space<hbm>>
    %dma_wait3A_816 = tpu.memref_slice %arg8[%dma_wait3A_809] : memref<3x!tpu.dma_semaphore, #tpu.memory_space<semaphore_mem>> -> memref<1x!tpu.dma_semaphore, #tpu.memory_space<semaphore_mem>>
    %dma_wait3A_817 = tpu.memref_squeeze %dma_wait3A_816 : memref<1x!tpu.dma_semaphore, #tpu.memory_space<semaphore_mem>> -> memref<!tpu.dma_semaphore, #tpu.memory_space<semaphore_mem>>
    %dma_wait3A_818 = arith.constant 0 : i32
    %dma_wait3A_819 = tpu.memref_slice %arg4[%add3A_732, %dma_wait3A_818] : memref<8192x2048xf32, #tpu.memory_space<hbm>> -> memref<16x2048xf32, #tpu.memory_space<hbm>>
    %dma_wait3A_820 = arith.constant 0 : i32
    %dma_wait3A_821 = arith.constant 0 : i32
    %dma_wait3A_822 = tpu.memref_slice %arg6[%dma_wait3A_808, %dma_wait3A_820, %dma_wait3A_821] : memref<3x16x2048xf32, #tpu.memory_space<vmem>> -> memref<1x16x2048xf32, #tpu.memory_space<vmem>>
    %dma_wait3A_823 = tpu.memref_squeeze %dma_wait3A_822 : memref<1x16x2048xf32, #tpu.memory_space<vmem>> -> memref<16x2048xf32, #tpu.memory_space<vmem>>
    tpu.wait_dma2 semaphore(%dma_wait3A_817 : memref<!tpu.dma_semaphore, #tpu.memory_space<semaphore_mem>>) src(%dma_wait3A_823 : memref<16x2048xf32, #tpu.memory_space<vmem>>) dst(%dma_wait3A_819 : memref<16x2048xf32, #tpu.memory_space<hbm>>)
    %get3A_824 = arith.constant 240 : index
    %get3A_825 = tpu.vector_load %arg5[%get3A_824] {strides = array<i32>} : memref<256xi32, #tpu.memory_space<vmem>>, vector<16xi32>,
    %get3A_826 = vector.shape_cast %get3A_825 : vector<16xi32> to vector<16xi32>
    %dma_start3A_827 = arith.constant 0 : i32
    %dma_start3A_828 = arith.constant 0 : i32
    %dma_start3A_829 = arith.constant 0 : i32
    %dma_start3A_830 = arith.constant 0 : i32
    %dma_start3A_831 = tpu.memref_slice %arg6[%dma_start3A_827, %dma_start3A_829, %dma_start3A_830] : memref<3x16x2048xf32, #tpu.memory_space<vmem>> -> memref<1x16x2048xf32, #tpu.memory_space<vmem>>
    %dma_start3A_832 = tpu.memref_squeeze %dma_start3A_831 : memref<1x16x2048xf32, #tpu.memory_space<vmem>> -> memref<16x2048xf32, #tpu.memory_space<vmem>>
    %dma_start3A_833 = arith.constant 0 : i32
    %dma_start3A_834 = arith.constant 0 : i32
    %dma_start3A_835 = tpu.memref_slice %arg2[%dma_start3A_833, %dma_start3A_834] : memref<8192x2048xf32, #tpu.memory_space<hbm>> -> memref<8192x2048xf32, #tpu.memory_space<hbm>>
    %dma_start3A_836 = tpu.memref_slice %arg7[%dma_start3A_828] : memref<3x!tpu.dma_semaphore, #tpu.memory_space<semaphore_mem>> -> memref<1x!tpu.dma_semaphore, #tpu.memory_space<semaphore_mem>>
    %dma_start3A_837 = tpu.memref_squeeze %dma_start3A_836 : memref<1x!tpu.dma_semaphore, #tpu.memory_space<semaphore_mem>> -> memref<!tpu.dma_semaphore, #tpu.memory_space<semaphore_mem>>
    tpu.enqueue_indirect_dma source(%dma_start3A_835 : memref<8192x2048xf32, #tpu.memory_space<hbm>>) target(%dma_start3A_832 : memref<16x2048xf32, #tpu.memory_space<vmem>>) offsets(%get3A_826 : vector<16xi32>) semaphore(%dma_start3A_837 : memref<!tpu.dma_semaphore, #tpu.memory_space<semaphore_mem>>)
    %dma_wait3A_838 = arith.constant 2 : i32
    %dma_wait3A_839 = arith.constant 2 : i32
    %dma_wait3A_840 = arith.constant 0 : i32
    %dma_wait3A_841 = arith.constant 0 : i32
    %dma_wait3A_842 = tpu.memref_slice %arg6[%dma_wait3A_838, %dma_wait3A_840, %dma_wait3A_841] : memref<3x16x2048xf32, #tpu.memory_space<vmem>> -> memref<1x16x2048xf32, #tpu.memory_space<vmem>>
    %dma_wait3A_843 = tpu.memref_squeeze %dma_wait3A_842 : memref<1x16x2048xf32, #tpu.memory_space<vmem>> -> memref<16x2048xf32, #tpu.memory_space<vmem>>
    %dma_wait3A_844 = arith.constant 0 : i32
    %dma_wait3A_845 = arith.constant 0 : i32
    %dma_wait3A_846 = tpu.memref_slice %arg2[%dma_wait3A_844, %dma_wait3A_845] : memref<8192x2048xf32, #tpu.memory_space<hbm>> -> memref<8192x2048xf32, #tpu.memory_space<hbm>>
    %dma_wait3A_847 = tpu.memref_slice %arg7[%dma_wait3A_839] : memref<3x!tpu.dma_semaphore, #tpu.memory_space<semaphore_mem>> -> memref<1x!tpu.dma_semaphore, #tpu.memory_space<semaphore_mem>>
    %dma_wait3A_848 = tpu.memref_squeeze %dma_wait3A_847 : memref<1x!tpu.dma_semaphore, #tpu.memory_space<semaphore_mem>> -> memref<!tpu.dma_semaphore, #tpu.memory_space<semaphore_mem>>
    tpu.wait_indirect_dma semaphore(%dma_wait3A_848 : memref<!tpu.dma_semaphore, #tpu.memory_space<semaphore_mem>>) src(%dma_wait3A_846 : memref<8192x2048xf32, #tpu.memory_space<hbm>>) dst(%dma_wait3A_843 : memref<16x2048xf32, #tpu.memory_space<vmem>>)
    %add3A_849 = arith.constant 224 : i32
    %add3A_850 = arith.addi %mul3A_2, %add3A_849 : i32
    %dma_start3A_851 = arith.constant 2 : i32
    %dma_start3A_852 = arith.constant 2 : i32
    %dma_start3A_853 = arith.constant 0 : i32
    %dma_start3A_854 = arith.constant 0 : i32
    %dma_start3A_855 = tpu.memref_slice %arg6[%dma_start3A_851, %dma_start3A_853, %dma_start3A_854] : memref<3x16x2048xf32, #tpu.memory_space<vmem>> -> memref<1x16x2048xf32, #tpu.memory_space<vmem>>
    %dma_start3A_856 = tpu.memref_squeeze %dma_start3A_855 : memref<1x16x2048xf32, #tpu.memory_space<vmem>> -> memref<16x2048xf32, #tpu.memory_space<vmem>>
    %dma_start3A_857 = arith.constant 0 : i32
    %dma_start3A_858 = tpu.memref_slice %arg4[%add3A_850, %dma_start3A_857] : memref<8192x2048xf32, #tpu.memory_space<hbm>> -> memref<16x2048xf32, #tpu.memory_space<hbm>>
    %dma_start3A_859 = tpu.memref_slice %arg8[%dma_start3A_852] : memref<3x!tpu.dma_semaphore, #tpu.memory_space<semaphore_mem>> -> memref<1x!tpu.dma_semaphore, #tpu.memory_space<semaphore_mem>>
    %dma_start3A_860 = tpu.memref_squeeze %dma_start3A_859 : memref<1x!tpu.dma_semaphore, #tpu.memory_space<semaphore_mem>> -> memref<!tpu.dma_semaphore, #tpu.memory_space<semaphore_mem>>
    %dma_start3A_861 = arith.constant 0 : i32
    %dma_start3A_862 = tpu.memref_slice %arg4[%add3A_850, %dma_start3A_861] : memref<8192x2048xf32, #tpu.memory_space<hbm>> -> memref<16x2048xf32, #tpu.memory_space<hbm>>
    %dma_start3A_863 = arith.constant 0 : i32
    %dma_start3A_864 = arith.constant 0 : i32
    %dma_start3A_865 = tpu.memref_slice %arg6[%dma_start3A_851, %dma_start3A_863, %dma_start3A_864] : memref<3x16x2048xf32, #tpu.memory_space<vmem>> -> memref<1x16x2048xf32, #tpu.memory_space<vmem>>
    %dma_start3A_866 = tpu.memref_squeeze %dma_start3A_865 : memref<1x16x2048xf32, #tpu.memory_space<vmem>> -> memref<16x2048xf32, #tpu.memory_space<vmem>>
    tpu.enqueue_dma source(%dma_start3A_866 : memref<16x2048xf32, #tpu.memory_space<vmem>>) target(%dma_start3A_862 : memref<16x2048xf32, #tpu.memory_space<hbm>>) target_semaphore(%dma_start3A_860 : memref<!tpu.dma_semaphore, #tpu.memory_space<semaphore_mem>>)
    %dma_wait3A_867 = arith.constant 0 : i32
    %dma_wait3A_868 = arith.constant 0 : i32
    %dma_wait3A_869 = arith.constant 0 : i32
    %dma_wait3A_870 = arith.constant 0 : i32
    %dma_wait3A_871 = tpu.memref_slice %arg6[%dma_wait3A_867, %dma_wait3A_869, %dma_wait3A_870] : memref<3x16x2048xf32, #tpu.memory_space<vmem>> -> memref<1x16x2048xf32, #tpu.memory_space<vmem>>
    %dma_wait3A_872 = tpu.memref_squeeze %dma_wait3A_871 : memref<1x16x2048xf32, #tpu.memory_space<vmem>> -> memref<16x2048xf32, #tpu.memory_space<vmem>>
    %dma_wait3A_873 = arith.constant 0 : i32
    %dma_wait3A_874 = arith.constant 0 : i32
    %dma_wait3A_875 = tpu.memref_slice %arg2[%dma_wait3A_873, %dma_wait3A_874] : memref<8192x2048xf32, #tpu.memory_space<hbm>> -> memref<8192x2048xf32, #tpu.memory_space<hbm>>
    %dma_wait3A_876 = tpu.memref_slice %arg7[%dma_wait3A_868] : memref<3x!tpu.dma_semaphore, #tpu.memory_space<semaphore_mem>> -> memref<1x!tpu.dma_semaphore, #tpu.memory_space<semaphore_mem>>
    %dma_wait3A_877 = tpu.memref_squeeze %dma_wait3A_876 : memref<1x!tpu.dma_semaphore, #tpu.memory_space<semaphore_mem>> -> memref<!tpu.dma_semaphore, #tpu.memory_space<semaphore_mem>>
    tpu.wait_indirect_dma semaphore(%dma_wait3A_877 : memref<!tpu.dma_semaphore, #tpu.memory_space<semaphore_mem>>) src(%dma_wait3A_875 : memref<8192x2048xf32, #tpu.memory_space<hbm>>) dst(%dma_wait3A_872 : memref<16x2048xf32, #tpu.memory_space<vmem>>)
    %add3A_878 = arith.constant 240 : i32
    %add3A_879 = arith.addi %mul3A_2, %add3A_878 : i32
    %dma_start3A_880 = arith.constant 0 : i32
    %dma_start3A_881 = arith.constant 0 : i32
    %dma_start3A_882 = arith.constant 0 : i32
    %dma_start3A_883 = arith.constant 0 : i32
    %dma_start3A_884 = tpu.memref_slice %arg6[%dma_start3A_880, %dma_start3A_882, %dma_start3A_883] : memref<3x16x2048xf32, #tpu.memory_space<vmem>> -> memref<1x16x2048xf32, #tpu.memory_space<vmem>>
    %dma_start3A_885 = tpu.memref_squeeze %dma_start3A_884 : memref<1x16x2048xf32, #tpu.memory_space<vmem>> -> memref<16x2048xf32, #tpu.memory_space<vmem>>
    %dma_start3A_886 = arith.constant 0 : i32
    %dma_start3A_887 = tpu.memref_slice %arg4[%add3A_879, %dma_start3A_886] : memref<8192x2048xf32, #tpu.memory_space<hbm>> -> memref<16x2048xf32, #tpu.memory_space<hbm>>
    %dma_start3A_888 = tpu.memref_slice %arg8[%dma_start3A_881] : memref<3x!tpu.dma_semaphore, #tpu.memory_space<semaphore_mem>> -> memref<1x!tpu.dma_semaphore, #tpu.memory_space<semaphore_mem>>
    %dma_start3A_889 = tpu.memref_squeeze %dma_start3A_888 : memref<1x!tpu.dma_semaphore, #tpu.memory_space<semaphore_mem>> -> memref<!tpu.dma_semaphore, #tpu.memory_space<semaphore_mem>>
    %dma_start3A_890 = arith.constant 0 : i32
    %dma_start3A_891 = tpu.memref_slice %arg4[%add3A_879, %dma_start3A_890] : memref<8192x2048xf32, #tpu.memory_space<hbm>> -> memref<16x2048xf32, #tpu.memory_space<hbm>>
    %dma_start3A_892 = arith.constant 0 : i32
    %dma_start3A_893 = arith.constant 0 : i32
    %dma_start3A_894 = tpu.memref_slice %arg6[%dma_start3A_880, %dma_start3A_892, %dma_start3A_893] : memref<3x16x2048xf32, #tpu.memory_space<vmem>> -> memref<1x16x2048xf32, #tpu.memory_space<vmem>>
    %dma_start3A_895 = tpu.memref_squeeze %dma_start3A_894 : memref<1x16x2048xf32, #tpu.memory_space<vmem>> -> memref<16x2048xf32, #tpu.memory_space<vmem>>
    tpu.enqueue_dma source(%dma_start3A_895 : memref<16x2048xf32, #tpu.memory_space<vmem>>) target(%dma_start3A_891 : memref<16x2048xf32, #tpu.memory_space<hbm>>) target_semaphore(%dma_start3A_889 : memref<!tpu.dma_semaphore, #tpu.memory_space<semaphore_mem>>)
    %dma_wait3A_896 = arith.constant 1 : i32
    %dma_wait3A_897 = arith.constant 1 : i32
    %dma_wait3A_898 = arith.constant 0 : i32
    %dma_wait3A_899 = arith.constant 0 : i32
    %dma_wait3A_900 = tpu.memref_slice %arg6[%dma_wait3A_896, %dma_wait3A_898, %dma_wait3A_899] : memref<3x16x2048xf32, #tpu.memory_space<vmem>> -> memref<1x16x2048xf32, #tpu.memory_space<vmem>>
    %dma_wait3A_901 = tpu.memref_squeeze %dma_wait3A_900 : memref<1x16x2048xf32, #tpu.memory_space<vmem>> -> memref<16x2048xf32, #tpu.memory_space<vmem>>
    %dma_wait3A_902 = arith.constant 0 : i32
    %dma_wait3A_903 = tpu.memref_slice %arg4[%add3A_791, %dma_wait3A_902] : memref<8192x2048xf32, #tpu.memory_space<hbm>> -> memref<16x2048xf32, #tpu.memory_space<hbm>>
    %dma_wait3A_904 = tpu.memref_slice %arg8[%dma_wait3A_897] : memref<3x!tpu.dma_semaphore, #tpu.memory_space<semaphore_mem>> -> memref<1x!tpu.dma_semaphore, #tpu.memory_space<semaphore_mem>>
    %dma_wait3A_905 = tpu.memref_squeeze %dma_wait3A_904 : memref<1x!tpu.dma_semaphore, #tpu.memory_space<semaphore_mem>> -> memref<!tpu.dma_semaphore, #tpu.memory_space<semaphore_mem>>
    %dma_wait3A_906 = arith.constant 0 : i32
    %dma_wait3A_907 = tpu.memref_slice %arg4[%add3A_791, %dma_wait3A_906] : memref<8192x2048xf32, #tpu.memory_space<hbm>> -> memref<16x2048xf32, #tpu.memory_space<hbm>>
    %dma_wait3A_908 = arith.constant 0 : i32
    %dma_wait3A_909 = arith.constant 0 : i32
    %dma_wait3A_910 = tpu.memref_slice %arg6[%dma_wait3A_896, %dma_wait3A_908, %dma_wait3A_909] : memref<3x16x2048xf32, #tpu.memory_space<vmem>> -> memref<1x16x2048xf32, #tpu.memory_space<vmem>>
    %dma_wait3A_911 = tpu.memref_squeeze %dma_wait3A_910 : memref<1x16x2048xf32, #tpu.memory_space<vmem>> -> memref<16x2048xf32, #tpu.memory_space<vmem>>
    tpu.wait_dma2 semaphore(%dma_wait3A_905 : memref<!tpu.dma_semaphore, #tpu.memory_space<semaphore_mem>>) src(%dma_wait3A_911 : memref<16x2048xf32, #tpu.memory_space<vmem>>) dst(%dma_wait3A_907 : memref<16x2048xf32, #tpu.memory_space<hbm>>)
    %dma_wait3A_912 = arith.constant 2 : i32
    %dma_wait3A_913 = arith.constant 2 : i32
    %dma_wait3A_914 = arith.constant 0 : i32
    %dma_wait3A_915 = arith.constant 0 : i32
    %dma_wait3A_916 = tpu.memref_slice %arg6[%dma_wait3A_912, %dma_wait3A_914, %dma_wait3A_915] : memref<3x16x2048xf32, #tpu.memory_space<vmem>> -> memref<1x16x2048xf32, #tpu.memory_space<vmem>>
    %dma_wait3A_917 = tpu.memref_squeeze %dma_wait3A_916 : memref<1x16x2048xf32, #tpu.memory_space<vmem>> -> memref<16x2048xf32, #tpu.memory_space<vmem>>
    %dma_wait3A_918 = arith.constant 0 : i32
    %dma_wait3A_919 = tpu.memref_slice %arg4[%add3A_850, %dma_wait3A_918] : memref<8192x2048xf32, #tpu.memory_space<hbm>> -> memref<16x2048xf32, #tpu.memory_space<hbm>>
    %dma_wait3A_920 = tpu.memref_slice %arg8[%dma_wait3A_913] : memref<3x!tpu.dma_semaphore, #tpu.memory_space<semaphore_mem>> -> memref<1x!tpu.dma_semaphore, #tpu.memory_space<semaphore_mem>>
    %dma_wait3A_921 = tpu.memref_squeeze %dma_wait3A_920 : memref<1x!tpu.dma_semaphore, #tpu.memory_space<semaphore_mem>> -> memref<!tpu.dma_semaphore, #tpu.memory_space<semaphore_mem>>
    %dma_wait3A_922 = arith.constant 0 : i32
    %dma_wait3A_923 = tpu.memref_slice %arg4[%add3A_850, %dma_wait3A_922] : memref<8192x2048xf32, #tpu.memory_space<hbm>> -> memref<16x2048xf32, #tpu.memory_space<hbm>>
    %dma_wait3A_924 = arith.constant 0 : i32
    %dma_wait3A_925 = arith.constant 0 : i32
    %dma_wait3A_926 = tpu.memref_slice %arg6[%dma_wait3A_912, %dma_wait3A_924, %dma_wait3A_925] : memref<3x16x2048xf32, #tpu.memory_space<vmem>> -> memref<1x16x2048xf32, #tpu.memory_space<vmem>>
    %dma_wait3A_927 = tpu.memref_squeeze %dma_wait3A_926 : memref<1x16x2048xf32, #tpu.memory_space<vmem>> -> memref<16x2048xf32, #tpu.memory_space<vmem>>
    tpu.wait_dma2 semaphore(%dma_wait3A_921 : memref<!tpu.dma_semaphore, #tpu.memory_space<semaphore_mem>>) src(%dma_wait3A_927 : memref<16x2048xf32, #tpu.memory_space<vmem>>) dst(%dma_wait3A_923 : memref<16x2048xf32, #tpu.memory_space<hbm>>)
    %dma_wait3A_928 = arith.constant 0 : i32
    %dma_wait3A_929 = arith.constant 0 : i32
    %dma_wait3A_930 = arith.constant 0 : i32
    %dma_wait3A_931 = arith.constant 0 : i32
    %dma_wait3A_932 = tpu.memref_slice %arg6[%dma_wait3A_928, %dma_wait3A_930, %dma_wait3A_931] : memref<3x16x2048xf32, #tpu.memory_space<vmem>> -> memref<1x16x2048xf32, #tpu.memory_space<vmem>>
    %dma_wait3A_933 = tpu.memref_squeeze %dma_wait3A_932 : memref<1x16x2048xf32, #tpu.memory_space<vmem>> -> memref<16x2048xf32, #tpu.memory_space<vmem>>
    %dma_wait3A_934 = arith.constant 0 : i32
    %dma_wait3A_935 = tpu.memref_slice %arg4[%add3A_879, %dma_wait3A_934] : memref<8192x2048xf32, #tpu.memory_space<hbm>> -> memref<16x2048xf32, #tpu.memory_space<hbm>>
    %dma_wait3A_936 = tpu.memref_slice %arg8[%dma_wait3A_929] : memref<3x!tpu.dma_semaphore, #tpu.memory_space<semaphore_mem>> -> memref<1x!tpu.dma_semaphore, #tpu.memory_space<semaphore_mem>>
    %dma_wait3A_937 = tpu.memref_squeeze %dma_wait3A_936 : memref<1x!tpu.dma_semaphore, #tpu.memory_space<semaphore_mem>> -> memref<!tpu.dma_semaphore, #tpu.memory_space<semaphore_mem>>
    %dma_wait3A_938 = arith.constant 0 : i32
    %dma_wait3A_939 = tpu.memref_slice %arg4[%add3A_879, %dma_wait3A_938] : memref<8192x2048xf32, #tpu.memory_space<hbm>> -> memref<16x2048xf32, #tpu.memory_space<hbm>>
    %dma_wait3A_940 = arith.constant 0 : i32
    %dma_wait3A_941 = arith.constant 0 : i32
    %dma_wait3A_942 = tpu.memref_slice %arg6[%dma_wait3A_928, %dma_wait3A_940, %dma_wait3A_941] : memref<3x16x2048xf32, #tpu.memory_space<vmem>> -> memref<1x16x2048xf32, #tpu.memory_space<vmem>>
    %dma_wait3A_943 = tpu.memref_squeeze %dma_wait3A_942 : memref<1x16x2048xf32, #tpu.memory_space<vmem>> -> memref<16x2048xf32, #tpu.memory_space<vmem>>
    tpu.wait_dma2 semaphore(%dma_wait3A_937 : memref<!tpu.dma_semaphore, #tpu.memory_space<semaphore_mem>>) src(%dma_wait3A_943 : memref<16x2048xf32, #tpu.memory_space<vmem>>) dst(%dma_wait3A_939 : memref<16x2048xf32, #tpu.memory_space<hbm>>)
    return
  }
}

#map = affine_map<(d0, d1) -> (0, 0)>
#map1 = affine_map<(d0, d1) -> (0)>
module attributes {stable_mosaic.version = 14 : i64} {
  func.func @scatter_kernel(%arg0: i32, %arg1: i32, %arg2: memref<8192x2048xf32, #tpu.memory_space<hbm>>, %arg3: memref<8192xi32, #tpu.memory_space<hbm>>, %arg4: memref<8192x2048xf32, #tpu.memory_space<hbm>>, %arg5: memref<256xi32, #tpu.memory_space<vmem>>, %arg6: memref<3x16x2048xf32, #tpu.memory_space<vmem>>, %arg7: memref<3x!tpu.dma_semaphore, #tpu.memory_space<semaphore_mem>>, %arg8: memref<3x!tpu.dma_semaphore, #tpu.memory_space<semaphore_mem>>) attributes {dimension_semantics = [#tpu.dimension_semantics<core_parallel>, #tpu.dimension_semantics<subcore_parallel>], iteration_bounds = array<i64: 2, 16>, scalar_prefetch = 0 : i64, scratch_operands = 4 : i64, tpu.core_type = #tpu.core_type<sc_vector_subcore>, window_params = [{transform_indices = #map}, {transform_indices = #map1}, {transform_indices = #map}]} {
    %mul3A = arith.constant 2 : i32
    %mul3A_0 = arith.muli %arg1, %mul3A : i32
    %add3A = arith.addi %mul3A_0, %arg0 : i32
    %mul3A_1 = arith.constant 256 : i32
    %mul3A_2 = arith.muli %add3A, %mul3A_1 : i32
    "tpu.region"() ({
      %run_scoped3A = tpu.sem_alloc : memref<!tpu.dma_semaphore, #tpu.memory_space<semaphore_mem>>
      %dma_start3A_944 = tpu.memref_slice %arg3[%mul3A_2] : memref<8192xi32, #tpu.memory_space<hbm>> -> memref<256xi32, #tpu.memory_space<hbm>>
      %dma_start3A_945 = tpu.memref_slice %arg3[%mul3A_2] : memref<8192xi32, #tpu.memory_space<hbm>> -> memref<256xi32, #tpu.memory_space<hbm>>
      tpu.enqueue_dma source(%dma_start3A_945 : memref<256xi32, #tpu.memory_space<hbm>>) target(%arg5 : memref<256xi32, #tpu.memory_space<vmem>>) target_semaphore(%run_scoped3A : memref<!tpu.dma_semaphore, #tpu.memory_space<semaphore_mem>>)
      %dma_wait3A_946 = tpu.memref_slice %arg3[%mul3A_2] : memref<8192xi32, #tpu.memory_space<hbm>> -> memref<256xi32, #tpu.memory_space<hbm>>
      %dma_wait3A_947 = tpu.memref_slice %arg3[%mul3A_2] : memref<8192xi32, #tpu.memory_space<hbm>> -> memref<256xi32, #tpu.memory_space<hbm>>
      tpu.wait_dma2 semaphore(%run_scoped3A : memref<!tpu.dma_semaphore, #tpu.memory_space<semaphore_mem>>) src(%dma_wait3A_947 : memref<256xi32, #tpu.memory_space<hbm>>) dst(%arg5 : memref<256xi32, #tpu.memory_space<vmem>>)
      tpu.yield
    }) : () -> ()
    %add3A_3 = arith.constant 0 : i32
    %add3A_4 = arith.addi %mul3A_2, %add3A_3 : i32
    %dma_start3A = arith.constant 0 : i32
    %dma_start3A_5 = arith.constant 0 : i32
    %dma_start3A_6 = arith.constant 0 : i32
    %dma_start3A_7 = arith.constant 0 : i32
    %dma_start3A_8 = tpu.memref_slice %arg6[%dma_start3A, %dma_start3A_6, %dma_start3A_7] : memref<3x16x2048xf32, #tpu.memory_space<vmem>> -> memref<1x16x2048xf32, #tpu.memory_space<vmem>>
    %dma_start3A_9 = tpu.memref_squeeze %dma_start3A_8 : memref<1x16x2048xf32, #tpu.memory_space<vmem>> -> memref<16x2048xf32, #tpu.memory_space<vmem>>
    %dma_start3A_10 = arith.constant 0 : i32
    %dma_start3A_11 = tpu.memref_slice %arg2[%add3A_4, %dma_start3A_10] : memref<8192x2048xf32, #tpu.memory_space<hbm>> -> memref<16x2048xf32, #tpu.memory_space<hbm>>
    %dma_start3A_12 = tpu.memref_slice %arg7[%dma_start3A_5] : memref<3x!tpu.dma_semaphore, #tpu.memory_space<semaphore_mem>> -> memref<1x!tpu.dma_semaphore, #tpu.memory_space<semaphore_mem>>
    %dma_start3A_13 = tpu.memref_squeeze %dma_start3A_12 : memref<1x!tpu.dma_semaphore, #tpu.memory_space<semaphore_mem>> -> memref<!tpu.dma_semaphore, #tpu.memory_space<semaphore_mem>>
    %dma_start3A_14 = arith.constant 0 : i32
    %dma_start3A_15 = arith.constant 0 : i32
    %dma_start3A_16 = tpu.memref_slice %arg6[%dma_start3A, %dma_start3A_14, %dma_start3A_15] : memref<3x16x2048xf32, #tpu.memory_space<vmem>> -> memref<1x16x2048xf32, #tpu.memory_space<vmem>>
    %dma_start3A_17 = tpu.memref_squeeze %dma_start3A_16 : memref<1x16x2048xf32, #tpu.memory_space<vmem>> -> memref<16x2048xf32, #tpu.memory_space<vmem>>
    %dma_start3A_18 = arith.constant 0 : i32
    %dma_start3A_19 = tpu.memref_slice %arg2[%add3A_4, %dma_start3A_18] : memref<8192x2048xf32, #tpu.memory_space<hbm>> -> memref<16x2048xf32, #tpu.memory_space<hbm>>
    tpu.enqueue_dma source(%dma_start3A_19 : memref<16x2048xf32, #tpu.memory_space<hbm>>) target(%dma_start3A_17 : memref<16x2048xf32, #tpu.memory_space<vmem>>) target_semaphore(%dma_start3A_13 : memref<!tpu.dma_semaphore, #tpu.memory_space<semaphore_mem>>)
    %add3A_20 = arith.constant 16 : i32
    %add3A_21 = arith.addi %mul3A_2, %add3A_20 : i32
    %dma_start3A_22 = arith.constant 1 : i32
    %dma_start3A_23 = arith.constant 1 : i32
    %dma_start3A_24 = arith.constant 0 : i32
    %dma_start3A_25 = arith.constant 0 : i32
    %dma_start3A_26 = tpu.memref_slice %arg6[%dma_start3A_22, %dma_start3A_24, %dma_start3A_25] : memref<3x16x2048xf32, #tpu.memory_space<vmem>> -> memref<1x16x2048xf32, #tpu.memory_space<vmem>>
    %dma_start3A_27 = tpu.memref_squeeze %dma_start3A_26 : memref<1x16x2048xf32, #tpu.memory_space<vmem>> -> memref<16x2048xf32, #tpu.memory_space<vmem>>
    %dma_start3A_28 = arith.constant 0 : i32
    %dma_start3A_29 = tpu.memref_slice %arg2[%add3A_21, %dma_start3A_28] : memref<8192x2048xf32, #tpu.memory_space<hbm>> -> memref<16x2048xf32, #tpu.memory_space<hbm>>
    %dma_start3A_30 = tpu.memref_slice %arg7[%dma_start3A_23] : memref<3x!tpu.dma_semaphore, #tpu.memory_space<semaphore_mem>> -> memref<1x!tpu.dma_semaphore, #tpu.memory_space<semaphore_mem>>
    %dma_start3A_31 = tpu.memref_squeeze %dma_start3A_30 : memref<1x!tpu.dma_semaphore, #tpu.memory_space<semaphore_mem>> -> memref<!tpu.dma_semaphore, #tpu.memory_space<semaphore_mem>>
    %dma_start3A_32 = arith.constant 0 : i32
    %dma_start3A_33 = arith.constant 0 : i32
    %dma_start3A_34 = tpu.memref_slice %arg6[%dma_start3A_22, %dma_start3A_32, %dma_start3A_33] : memref<3x16x2048xf32, #tpu.memory_space<vmem>> -> memref<1x16x2048xf32, #tpu.memory_space<vmem>>
    %dma_start3A_35 = tpu.memref_squeeze %dma_start3A_34 : memref<1x16x2048xf32, #tpu.memory_space<vmem>> -> memref<16x2048xf32, #tpu.memory_space<vmem>>
    %dma_start3A_36 = arith.constant 0 : i32
    %dma_start3A_37 = tpu.memref_slice %arg2[%add3A_21, %dma_start3A_36] : memref<8192x2048xf32, #tpu.memory_space<hbm>> -> memref<16x2048xf32, #tpu.memory_space<hbm>>
    tpu.enqueue_dma source(%dma_start3A_37 : memref<16x2048xf32, #tpu.memory_space<hbm>>) target(%dma_start3A_35 : memref<16x2048xf32, #tpu.memory_space<vmem>>) target_semaphore(%dma_start3A_31 : memref<!tpu.dma_semaphore, #tpu.memory_space<semaphore_mem>>)
    %dma_wait3A = arith.constant 0 : i32
    %dma_wait3A_38 = arith.constant 0 : i32
    %dma_wait3A_39 = arith.constant 0 : i32
    %dma_wait3A_40 = arith.constant 0 : i32
    %dma_wait3A_41 = tpu.memref_slice %arg6[%dma_wait3A, %dma_wait3A_39, %dma_wait3A_40] : memref<3x16x2048xf32, #tpu.memory_space<vmem>> -> memref<1x16x2048xf32, #tpu.memory_space<vmem>>
    %dma_wait3A_42 = tpu.memref_squeeze %dma_wait3A_41 : memref<1x16x2048xf32, #tpu.memory_space<vmem>> -> memref<16x2048xf32, #tpu.memory_space<vmem>>
    %dma_wait3A_43 = arith.constant 0 : i32
    %dma_wait3A_44 = tpu.memref_slice %arg2[%add3A_4, %dma_wait3A_43] : memref<8192x2048xf32, #tpu.memory_space<hbm>> -> memref<16x2048xf32, #tpu.memory_space<hbm>>
    %dma_wait3A_45 = tpu.memref_slice %arg7[%dma_wait3A_38] : memref<3x!tpu.dma_semaphore, #tpu.memory_space<semaphore_mem>> -> memref<1x!tpu.dma_semaphore, #tpu.memory_space<semaphore_mem>>
    %dma_wait3A_46 = tpu.memref_squeeze %dma_wait3A_45 : memref<1x!tpu.dma_semaphore, #tpu.memory_space<semaphore_mem>> -> memref<!tpu.dma_semaphore, #tpu.memory_space<semaphore_mem>>
    %dma_wait3A_47 = arith.constant 0 : i32
    %dma_wait3A_48 = arith.constant 0 : i32
    %dma_wait3A_49 = tpu.memref_slice %arg6[%dma_wait3A, %dma_wait3A_47, %dma_wait3A_48] : memref<3x16x2048xf32, #tpu.memory_space<vmem>> -> memref<1x16x2048xf32, #tpu.memory_space<vmem>>
    %dma_wait3A_50 = tpu.memref_squeeze %dma_wait3A_49 : memref<1x16x2048xf32, #tpu.memory_space<vmem>> -> memref<16x2048xf32, #tpu.memory_space<vmem>>
    %dma_wait3A_51 = arith.constant 0 : i32
    %dma_wait3A_52 = tpu.memref_slice %arg2[%add3A_4, %dma_wait3A_51] : memref<8192x2048xf32, #tpu.memory_space<hbm>> -> memref<16x2048xf32, #tpu.memory_space<hbm>>
    tpu.wait_dma2 semaphore(%dma_wait3A_46 : memref<!tpu.dma_semaphore, #tpu.memory_space<semaphore_mem>>) src(%dma_wait3A_52 : memref<16x2048xf32, #tpu.memory_space<hbm>>) dst(%dma_wait3A_50 : memref<16x2048xf32, #tpu.memory_space<vmem>>)
    %get3A = arith.constant 0 : index
    %get3A_53 = tpu.vector_load %arg5[%get3A] {strides = array<i32>} : memref<256xi32, #tpu.memory_space<vmem>>, vector<16xi32>,
    %get3A_54 = vector.shape_cast %get3A_53 : vector<16xi32> to vector<16xi32>
    %dma_start3A_55 = arith.constant 0 : i32
    %dma_start3A_56 = arith.constant 0 : i32
    %dma_start3A_57 = arith.constant 0 : i32
    %dma_start3A_58 = arith.constant 0 : i32
    %dma_start3A_59 = tpu.memref_slice %arg6[%dma_start3A_55, %dma_start3A_57, %dma_start3A_58] : memref<3x16x2048xf32, #tpu.memory_space<vmem>> -> memref<1x16x2048xf32, #tpu.memory_space<vmem>>
    %dma_start3A_60 = tpu.memref_squeeze %dma_start3A_59 : memref<1x16x2048xf32, #tpu.memory_space<vmem>> -> memref<16x2048xf32, #tpu.memory_space<vmem>>
    %dma_start3A_61 = arith.constant 0 : i32
    %dma_start3A_62 = arith.constant 0 : i32
    %dma_start3A_63 = tpu.memref_slice %arg4[%dma_start3A_61, %dma_start3A_62] : memref<8192x2048xf32, #tpu.memory_space<hbm>> -> memref<8192x2048xf32, #tpu.memory_space<hbm>>
    %dma_start3A_64 = tpu.memref_slice %arg8[%dma_start3A_56] : memref<3x!tpu.dma_semaphore, #tpu.memory_space<semaphore_mem>> -> memref<1x!tpu.dma_semaphore, #tpu.memory_space<semaphore_mem>>
    %dma_start3A_65 = tpu.memref_squeeze %dma_start3A_64 : memref<1x!tpu.dma_semaphore, #tpu.memory_space<semaphore_mem>> -> memref<!tpu.dma_semaphore, #tpu.memory_space<semaphore_mem>>
    tpu.enqueue_indirect_dma source(%dma_start3A_60 : memref<16x2048xf32, #tpu.memory_space<vmem>>) target(%dma_start3A_63 : memref<8192x2048xf32, #tpu.memory_space<hbm>>) offsets(%get3A_54 : vector<16xi32>) semaphore(%dma_start3A_65 : memref<!tpu.dma_semaphore, #tpu.memory_space<semaphore_mem>>)
    %add3A_66 = arith.constant 32 : i32
    %add3A_67 = arith.addi %mul3A_2, %add3A_66 : i32
    %dma_start3A_68 = arith.constant 2 : i32
    %dma_start3A_69 = arith.constant 2 : i32
    %dma_start3A_70 = arith.constant 0 : i32
    %dma_start3A_71 = arith.constant 0 : i32
    %dma_start3A_72 = tpu.memref_slice %arg6[%dma_start3A_68, %dma_start3A_70, %dma_start3A_71] : memref<3x16x2048xf32, #tpu.memory_space<vmem>> -> memref<1x16x2048xf32, #tpu.memory_space<vmem>>
    %dma_start3A_73 = tpu.memref_squeeze %dma_start3A_72 : memref<1x16x2048xf32, #tpu.memory_space<vmem>> -> memref<16x2048xf32, #tpu.memory_space<vmem>>
    %dma_start3A_74 = arith.constant 0 : i32
    %dma_start3A_75 = tpu.memref_slice %arg2[%add3A_67, %dma_start3A_74] : memref<8192x2048xf32, #tpu.memory_space<hbm>> -> memref<16x2048xf32, #tpu.memory_space<hbm>>
    %dma_start3A_76 = tpu.memref_slice %arg7[%dma_start3A_69] : memref<3x!tpu.dma_semaphore, #tpu.memory_space<semaphore_mem>> -> memref<1x!tpu.dma_semaphore, #tpu.memory_space<semaphore_mem>>
    %dma_start3A_77 = tpu.memref_squeeze %dma_start3A_76 : memref<1x!tpu.dma_semaphore, #tpu.memory_space<semaphore_mem>> -> memref<!tpu.dma_semaphore, #tpu.memory_space<semaphore_mem>>
    %dma_start3A_78 = arith.constant 0 : i32
    %dma_start3A_79 = arith.constant 0 : i32
    %dma_start3A_80 = tpu.memref_slice %arg6[%dma_start3A_68, %dma_start3A_78, %dma_start3A_79] : memref<3x16x2048xf32, #tpu.memory_space<vmem>> -> memref<1x16x2048xf32, #tpu.memory_space<vmem>>
    %dma_start3A_81 = tpu.memref_squeeze %dma_start3A_80 : memref<1x16x2048xf32, #tpu.memory_space<vmem>> -> memref<16x2048xf32, #tpu.memory_space<vmem>>
    %dma_start3A_82 = arith.constant 0 : i32
    %dma_start3A_83 = tpu.memref_slice %arg2[%add3A_67, %dma_start3A_82] : memref<8192x2048xf32, #tpu.memory_space<hbm>> -> memref<16x2048xf32, #tpu.memory_space<hbm>>
    tpu.enqueue_dma source(%dma_start3A_83 : memref<16x2048xf32, #tpu.memory_space<hbm>>) target(%dma_start3A_81 : memref<16x2048xf32, #tpu.memory_space<vmem>>) target_semaphore(%dma_start3A_77 : memref<!tpu.dma_semaphore, #tpu.memory_space<semaphore_mem>>)
    %dma_wait3A_84 = arith.constant 1 : i32
    %dma_wait3A_85 = arith.constant 1 : i32
    %dma_wait3A_86 = arith.constant 0 : i32
    %dma_wait3A_87 = arith.constant 0 : i32
    %dma_wait3A_88 = tpu.memref_slice %arg6[%dma_wait3A_84, %dma_wait3A_86, %dma_wait3A_87] : memref<3x16x2048xf32, #tpu.memory_space<vmem>> -> memref<1x16x2048xf32, #tpu.memory_space<vmem>>
    %dma_wait3A_89 = tpu.memref_squeeze %dma_wait3A_88 : memref<1x16x2048xf32, #tpu.memory_space<vmem>> -> memref<16x2048xf32, #tpu.memory_space<vmem>>
    %dma_wait3A_90 = arith.constant 0 : i32
    %dma_wait3A_91 = tpu.memref_slice %arg2[%add3A_21, %dma_wait3A_90] : memref<8192x2048xf32, #tpu.memory_space<hbm>> -> memref<16x2048xf32, #tpu.memory_space<hbm>>
    %dma_wait3A_92 = tpu.memref_slice %arg7[%dma_wait3A_85] : memref<3x!tpu.dma_semaphore, #tpu.memory_space<semaphore_mem>> -> memref<1x!tpu.dma_semaphore, #tpu.memory_space<semaphore_mem>>
    %dma_wait3A_93 = tpu.memref_squeeze %dma_wait3A_92 : memref<1x!tpu.dma_semaphore, #tpu.memory_space<semaphore_mem>> -> memref<!tpu.dma_semaphore, #tpu.memory_space<semaphore_mem>>
    %dma_wait3A_94 = arith.constant 0 : i32
    %dma_wait3A_95 = arith.constant 0 : i32
    %dma_wait3A_96 = tpu.memref_slice %arg6[%dma_wait3A_84, %dma_wait3A_94, %dma_wait3A_95] : memref<3x16x2048xf32, #tpu.memory_space<vmem>> -> memref<1x16x2048xf32, #tpu.memory_space<vmem>>
    %dma_wait3A_97 = tpu.memref_squeeze %dma_wait3A_96 : memref<1x16x2048xf32, #tpu.memory_space<vmem>> -> memref<16x2048xf32, #tpu.memory_space<vmem>>
    %dma_wait3A_98 = arith.constant 0 : i32
    %dma_wait3A_99 = tpu.memref_slice %arg2[%add3A_21, %dma_wait3A_98] : memref<8192x2048xf32, #tpu.memory_space<hbm>> -> memref<16x2048xf32, #tpu.memory_space<hbm>>
    tpu.wait_dma2 semaphore(%dma_wait3A_93 : memref<!tpu.dma_semaphore, #tpu.memory_space<semaphore_mem>>) src(%dma_wait3A_99 : memref<16x2048xf32, #tpu.memory_space<hbm>>) dst(%dma_wait3A_97 : memref<16x2048xf32, #tpu.memory_space<vmem>>)
    %get3A_100 = arith.constant 16 : index
    %get3A_101 = tpu.vector_load %arg5[%get3A_100] {strides = array<i32>} : memref<256xi32, #tpu.memory_space<vmem>>, vector<16xi32>,
    %get3A_102 = vector.shape_cast %get3A_101 : vector<16xi32> to vector<16xi32>
    %dma_start3A_103 = arith.constant 1 : i32
    %dma_start3A_104 = arith.constant 1 : i32
    %dma_start3A_105 = arith.constant 0 : i32
    %dma_start3A_106 = arith.constant 0 : i32
    %dma_start3A_107 = tpu.memref_slice %arg6[%dma_start3A_103, %dma_start3A_105, %dma_start3A_106] : memref<3x16x2048xf32, #tpu.memory_space<vmem>> -> memref<1x16x2048xf32, #tpu.memory_space<vmem>>
    %dma_start3A_108 = tpu.memref_squeeze %dma_start3A_107 : memref<1x16x2048xf32, #tpu.memory_space<vmem>> -> memref<16x2048xf32, #tpu.memory_space<vmem>>
    %dma_start3A_109 = arith.constant 0 : i32
    %dma_start3A_110 = arith.constant 0 : i32
    %dma_start3A_111 = tpu.memref_slice %arg4[%dma_start3A_109, %dma_start3A_110] : memref<8192x2048xf32, #tpu.memory_space<hbm>> -> memref<8192x2048xf32, #tpu.memory_space<hbm>>
    %dma_start3A_112 = tpu.memref_slice %arg8[%dma_start3A_104] : memref<3x!tpu.dma_semaphore, #tpu.memory_space<semaphore_mem>> -> memref<1x!tpu.dma_semaphore, #tpu.memory_space<semaphore_mem>>
    %dma_start3A_113 = tpu.memref_squeeze %dma_start3A_112 : memref<1x!tpu.dma_semaphore, #tpu.memory_space<semaphore_mem>> -> memref<!tpu.dma_semaphore, #tpu.memory_space<semaphore_mem>>
    tpu.enqueue_indirect_dma source(%dma_start3A_108 : memref<16x2048xf32, #tpu.memory_space<vmem>>) target(%dma_start3A_111 : memref<8192x2048xf32, #tpu.memory_space<hbm>>) offsets(%get3A_102 : vector<16xi32>) semaphore(%dma_start3A_113 : memref<!tpu.dma_semaphore, #tpu.memory_space<semaphore_mem>>)
    %dma_wait3A_114 = arith.constant 0 : i32
    %dma_wait3A_115 = arith.constant 0 : i32
    %dma_wait3A_116 = arith.constant 0 : i32
    %dma_wait3A_117 = arith.constant 0 : i32
    %dma_wait3A_118 = tpu.memref_slice %arg6[%dma_wait3A_114, %dma_wait3A_116, %dma_wait3A_117] : memref<3x16x2048xf32, #tpu.memory_space<vmem>> -> memref<1x16x2048xf32, #tpu.memory_space<vmem>>
    %dma_wait3A_119 = tpu.memref_squeeze %dma_wait3A_118 : memref<1x16x2048xf32, #tpu.memory_space<vmem>> -> memref<16x2048xf32, #tpu.memory_space<vmem>>
    %dma_wait3A_120 = arith.constant 0 : i32
    %dma_wait3A_121 = arith.constant 0 : i32
    %dma_wait3A_122 = tpu.memref_slice %arg4[%dma_wait3A_120, %dma_wait3A_121] : memref<8192x2048xf32, #tpu.memory_space<hbm>> -> memref<8192x2048xf32, #tpu.memory_space<hbm>>
    %dma_wait3A_123 = tpu.memref_slice %arg8[%dma_wait3A_115] : memref<3x!tpu.dma_semaphore, #tpu.memory_space<semaphore_mem>> -> memref<1x!tpu.dma_semaphore, #tpu.memory_space<semaphore_mem>>
    %dma_wait3A_124 = tpu.memref_squeeze %dma_wait3A_123 : memref<1x!tpu.dma_semaphore, #tpu.memory_space<semaphore_mem>> -> memref<!tpu.dma_semaphore, #tpu.memory_space<semaphore_mem>>
    tpu.wait_indirect_dma semaphore(%dma_wait3A_124 : memref<!tpu.dma_semaphore, #tpu.memory_space<semaphore_mem>>) src(%dma_wait3A_119 : memref<16x2048xf32, #tpu.memory_space<vmem>>) dst(%dma_wait3A_122 : memref<8192x2048xf32, #tpu.memory_space<hbm>>)
    %add3A_125 = arith.constant 48 : i32
    %add3A_126 = arith.addi %mul3A_2, %add3A_125 : i32
    %dma_start3A_127 = arith.constant 0 : i32
    %dma_start3A_128 = arith.constant 0 : i32
    %dma_start3A_129 = arith.constant 0 : i32
    %dma_start3A_130 = arith.constant 0 : i32
    %dma_start3A_131 = tpu.memref_slice %arg6[%dma_start3A_127, %dma_start3A_129, %dma_start3A_130] : memref<3x16x2048xf32, #tpu.memory_space<vmem>> -> memref<1x16x2048xf32, #tpu.memory_space<vmem>>
    %dma_start3A_132 = tpu.memref_squeeze %dma_start3A_131 : memref<1x16x2048xf32, #tpu.memory_space<vmem>> -> memref<16x2048xf32, #tpu.memory_space<vmem>>
    %dma_start3A_133 = arith.constant 0 : i32
    %dma_start3A_134 = tpu.memref_slice %arg2[%add3A_126, %dma_start3A_133] : memref<8192x2048xf32, #tpu.memory_space<hbm>> -> memref<16x2048xf32, #tpu.memory_space<hbm>>
    %dma_start3A_135 = tpu.memref_slice %arg7[%dma_start3A_128] : memref<3x!tpu.dma_semaphore, #tpu.memory_space<semaphore_mem>> -> memref<1x!tpu.dma_semaphore, #tpu.memory_space<semaphore_mem>>
    %dma_start3A_136 = tpu.memref_squeeze %dma_start3A_135 : memref<1x!tpu.dma_semaphore, #tpu.memory_space<semaphore_mem>> -> memref<!tpu.dma_semaphore, #tpu.memory_space<semaphore_mem>>
    %dma_start3A_137 = arith.constant 0 : i32
    %dma_start3A_138 = arith.constant 0 : i32
    %dma_start3A_139 = tpu.memref_slice %arg6[%dma_start3A_127, %dma_start3A_137, %dma_start3A_138] : memref<3x16x2048xf32, #tpu.memory_space<vmem>> -> memref<1x16x2048xf32, #tpu.memory_space<vmem>>
    %dma_start3A_140 = tpu.memref_squeeze %dma_start3A_139 : memref<1x16x2048xf32, #tpu.memory_space<vmem>> -> memref<16x2048xf32, #tpu.memory_space<vmem>>
    %dma_start3A_141 = arith.constant 0 : i32
    %dma_start3A_142 = tpu.memref_slice %arg2[%add3A_126, %dma_start3A_141] : memref<8192x2048xf32, #tpu.memory_space<hbm>> -> memref<16x2048xf32, #tpu.memory_space<hbm>>
    tpu.enqueue_dma source(%dma_start3A_142 : memref<16x2048xf32, #tpu.memory_space<hbm>>) target(%dma_start3A_140 : memref<16x2048xf32, #tpu.memory_space<vmem>>) target_semaphore(%dma_start3A_136 : memref<!tpu.dma_semaphore, #tpu.memory_space<semaphore_mem>>)
    %dma_wait3A_143 = arith.constant 2 : i32
    %dma_wait3A_144 = arith.constant 2 : i32
    %dma_wait3A_145 = arith.constant 0 : i32
    %dma_wait3A_146 = arith.constant 0 : i32
    %dma_wait3A_147 = tpu.memref_slice %arg6[%dma_wait3A_143, %dma_wait3A_145, %dma_wait3A_146] : memref<3x16x2048xf32, #tpu.memory_space<vmem>> -> memref<1x16x2048xf32, #tpu.memory_space<vmem>>
    %dma_wait3A_148 = tpu.memref_squeeze %dma_wait3A_147 : memref<1x16x2048xf32, #tpu.memory_space<vmem>> -> memref<16x2048xf32, #tpu.memory_space<vmem>>
    %dma_wait3A_149 = arith.constant 0 : i32
    %dma_wait3A_150 = tpu.memref_slice %arg2[%add3A_67, %dma_wait3A_149] : memref<8192x2048xf32, #tpu.memory_space<hbm>> -> memref<16x2048xf32, #tpu.memory_space<hbm>>
    %dma_wait3A_151 = tpu.memref_slice %arg7[%dma_wait3A_144] : memref<3x!tpu.dma_semaphore, #tpu.memory_space<semaphore_mem>> -> memref<1x!tpu.dma_semaphore, #tpu.memory_space<semaphore_mem>>
    %dma_wait3A_152 = tpu.memref_squeeze %dma_wait3A_151 : memref<1x!tpu.dma_semaphore, #tpu.memory_space<semaphore_mem>> -> memref<!tpu.dma_semaphore, #tpu.memory_space<semaphore_mem>>
    %dma_wait3A_153 = arith.constant 0 : i32
    %dma_wait3A_154 = arith.constant 0 : i32
    %dma_wait3A_155 = tpu.memref_slice %arg6[%dma_wait3A_143, %dma_wait3A_153, %dma_wait3A_154] : memref<3x16x2048xf32, #tpu.memory_space<vmem>> -> memref<1x16x2048xf32, #tpu.memory_space<vmem>>
    %dma_wait3A_156 = tpu.memref_squeeze %dma_wait3A_155 : memref<1x16x2048xf32, #tpu.memory_space<vmem>> -> memref<16x2048xf32, #tpu.memory_space<vmem>>
    %dma_wait3A_157 = arith.constant 0 : i32
    %dma_wait3A_158 = tpu.memref_slice %arg2[%add3A_67, %dma_wait3A_157] : memref<8192x2048xf32, #tpu.memory_space<hbm>> -> memref<16x2048xf32, #tpu.memory_space<hbm>>
    tpu.wait_dma2 semaphore(%dma_wait3A_152 : memref<!tpu.dma_semaphore, #tpu.memory_space<semaphore_mem>>) src(%dma_wait3A_158 : memref<16x2048xf32, #tpu.memory_space<hbm>>) dst(%dma_wait3A_156 : memref<16x2048xf32, #tpu.memory_space<vmem>>)
    %get3A_159 = arith.constant 32 : index
    %get3A_160 = tpu.vector_load %arg5[%get3A_159] {strides = array<i32>} : memref<256xi32, #tpu.memory_space<vmem>>, vector<16xi32>,
    %get3A_161 = vector.shape_cast %get3A_160 : vector<16xi32> to vector<16xi32>
    %dma_start3A_162 = arith.constant 2 : i32
    %dma_start3A_163 = arith.constant 2 : i32
    %dma_start3A_164 = arith.constant 0 : i32
    %dma_start3A_165 = arith.constant 0 : i32
    %dma_start3A_166 = tpu.memref_slice %arg6[%dma_start3A_162, %dma_start3A_164, %dma_start3A_165] : memref<3x16x2048xf32, #tpu.memory_space<vmem>> -> memref<1x16x2048xf32, #tpu.memory_space<vmem>>
    %dma_start3A_167 = tpu.memref_squeeze %dma_start3A_166 : memref<1x16x2048xf32, #tpu.memory_space<vmem>> -> memref<16x2048xf32, #tpu.memory_space<vmem>>
    %dma_start3A_168 = arith.constant 0 : i32
    %dma_start3A_169 = arith.constant 0 : i32
    %dma_start3A_170 = tpu.memref_slice %arg4[%dma_start3A_168, %dma_start3A_169] : memref<8192x2048xf32, #tpu.memory_space<hbm>> -> memref<8192x2048xf32, #tpu.memory_space<hbm>>
    %dma_start3A_171 = tpu.memref_slice %arg8[%dma_start3A_163] : memref<3x!tpu.dma_semaphore, #tpu.memory_space<semaphore_mem>> -> memref<1x!tpu.dma_semaphore, #tpu.memory_space<semaphore_mem>>
    %dma_start3A_172 = tpu.memref_squeeze %dma_start3A_171 : memref<1x!tpu.dma_semaphore, #tpu.memory_space<semaphore_mem>> -> memref<!tpu.dma_semaphore, #tpu.memory_space<semaphore_mem>>
    tpu.enqueue_indirect_dma source(%dma_start3A_167 : memref<16x2048xf32, #tpu.memory_space<vmem>>) target(%dma_start3A_170 : memref<8192x2048xf32, #tpu.memory_space<hbm>>) offsets(%get3A_161 : vector<16xi32>) semaphore(%dma_start3A_172 : memref<!tpu.dma_semaphore, #tpu.memory_space<semaphore_mem>>)
    %dma_wait3A_173 = arith.constant 1 : i32
    %dma_wait3A_174 = arith.constant 1 : i32
    %dma_wait3A_175 = arith.constant 0 : i32
    %dma_wait3A_176 = arith.constant 0 : i32
    %dma_wait3A_177 = tpu.memref_slice %arg6[%dma_wait3A_173, %dma_wait3A_175, %dma_wait3A_176] : memref<3x16x2048xf32, #tpu.memory_space<vmem>> -> memref<1x16x2048xf32, #tpu.memory_space<vmem>>
    %dma_wait3A_178 = tpu.memref_squeeze %dma_wait3A_177 : memref<1x16x2048xf32, #tpu.memory_space<vmem>> -> memref<16x2048xf32, #tpu.memory_space<vmem>>
    %dma_wait3A_179 = arith.constant 0 : i32
    %dma_wait3A_180 = arith.constant 0 : i32
    %dma_wait3A_181 = tpu.memref_slice %arg4[%dma_wait3A_179, %dma_wait3A_180] : memref<8192x2048xf32, #tpu.memory_space<hbm>> -> memref<8192x2048xf32, #tpu.memory_space<hbm>>
    %dma_wait3A_182 = tpu.memref_slice %arg8[%dma_wait3A_174] : memref<3x!tpu.dma_semaphore, #tpu.memory_space<semaphore_mem>> -> memref<1x!tpu.dma_semaphore, #tpu.memory_space<semaphore_mem>>
    %dma_wait3A_183 = tpu.memref_squeeze %dma_wait3A_182 : memref<1x!tpu.dma_semaphore, #tpu.memory_space<semaphore_mem>> -> memref<!tpu.dma_semaphore, #tpu.memory_space<semaphore_mem>>
    tpu.wait_indirect_dma semaphore(%dma_wait3A_183 : memref<!tpu.dma_semaphore, #tpu.memory_space<semaphore_mem>>) src(%dma_wait3A_178 : memref<16x2048xf32, #tpu.memory_space<vmem>>) dst(%dma_wait3A_181 : memref<8192x2048xf32, #tpu.memory_space<hbm>>)
    %add3A_184 = arith.constant 64 : i32
    %add3A_185 = arith.addi %mul3A_2, %add3A_184 : i32
    %dma_start3A_186 = arith.constant 1 : i32
    %dma_start3A_187 = arith.constant 1 : i32
    %dma_start3A_188 = arith.constant 0 : i32
    %dma_start3A_189 = arith.constant 0 : i32
    %dma_start3A_190 = tpu.memref_slice %arg6[%dma_start3A_186, %dma_start3A_188, %dma_start3A_189] : memref<3x16x2048xf32, #tpu.memory_space<vmem>> -> memref<1x16x2048xf32, #tpu.memory_space<vmem>>
    %dma_start3A_191 = tpu.memref_squeeze %dma_start3A_190 : memref<1x16x2048xf32, #tpu.memory_space<vmem>> -> memref<16x2048xf32, #tpu.memory_space<vmem>>
    %dma_start3A_192 = arith.constant 0 : i32
    %dma_start3A_193 = tpu.memref_slice %arg2[%add3A_185, %dma_start3A_192] : memref<8192x2048xf32, #tpu.memory_space<hbm>> -> memref<16x2048xf32, #tpu.memory_space<hbm>>
    %dma_start3A_194 = tpu.memref_slice %arg7[%dma_start3A_187] : memref<3x!tpu.dma_semaphore, #tpu.memory_space<semaphore_mem>> -> memref<1x!tpu.dma_semaphore, #tpu.memory_space<semaphore_mem>>
    %dma_start3A_195 = tpu.memref_squeeze %dma_start3A_194 : memref<1x!tpu.dma_semaphore, #tpu.memory_space<semaphore_mem>> -> memref<!tpu.dma_semaphore, #tpu.memory_space<semaphore_mem>>
    %dma_start3A_196 = arith.constant 0 : i32
    %dma_start3A_197 = arith.constant 0 : i32
    %dma_start3A_198 = tpu.memref_slice %arg6[%dma_start3A_186, %dma_start3A_196, %dma_start3A_197] : memref<3x16x2048xf32, #tpu.memory_space<vmem>> -> memref<1x16x2048xf32, #tpu.memory_space<vmem>>
    %dma_start3A_199 = tpu.memref_squeeze %dma_start3A_198 : memref<1x16x2048xf32, #tpu.memory_space<vmem>> -> memref<16x2048xf32, #tpu.memory_space<vmem>>
    %dma_start3A_200 = arith.constant 0 : i32
    %dma_start3A_201 = tpu.memref_slice %arg2[%add3A_185, %dma_start3A_200] : memref<8192x2048xf32, #tpu.memory_space<hbm>> -> memref<16x2048xf32, #tpu.memory_space<hbm>>
    tpu.enqueue_dma source(%dma_start3A_201 : memref<16x2048xf32, #tpu.memory_space<hbm>>) target(%dma_start3A_199 : memref<16x2048xf32, #tpu.memory_space<vmem>>) target_semaphore(%dma_start3A_195 : memref<!tpu.dma_semaphore, #tpu.memory_space<semaphore_mem>>)
    %dma_wait3A_202 = arith.constant 0 : i32
    %dma_wait3A_203 = arith.constant 0 : i32
    %dma_wait3A_204 = arith.constant 0 : i32
    %dma_wait3A_205 = arith.constant 0 : i32
    %dma_wait3A_206 = tpu.memref_slice %arg6[%dma_wait3A_202, %dma_wait3A_204, %dma_wait3A_205] : memref<3x16x2048xf32, #tpu.memory_space<vmem>> -> memref<1x16x2048xf32, #tpu.memory_space<vmem>>
    %dma_wait3A_207 = tpu.memref_squeeze %dma_wait3A_206 : memref<1x16x2048xf32, #tpu.memory_space<vmem>> -> memref<16x2048xf32, #tpu.memory_space<vmem>>
    %dma_wait3A_208 = arith.constant 0 : i32
    %dma_wait3A_209 = tpu.memref_slice %arg2[%add3A_126, %dma_wait3A_208] : memref<8192x2048xf32, #tpu.memory_space<hbm>> -> memref<16x2048xf32, #tpu.memory_space<hbm>>
    %dma_wait3A_210 = tpu.memref_slice %arg7[%dma_wait3A_203] : memref<3x!tpu.dma_semaphore, #tpu.memory_space<semaphore_mem>> -> memref<1x!tpu.dma_semaphore, #tpu.memory_space<semaphore_mem>>
    %dma_wait3A_211 = tpu.memref_squeeze %dma_wait3A_210 : memref<1x!tpu.dma_semaphore, #tpu.memory_space<semaphore_mem>> -> memref<!tpu.dma_semaphore, #tpu.memory_space<semaphore_mem>>
    %dma_wait3A_212 = arith.constant 0 : i32
    %dma_wait3A_213 = arith.constant 0 : i32
    %dma_wait3A_214 = tpu.memref_slice %arg6[%dma_wait3A_202, %dma_wait3A_212, %dma_wait3A_213] : memref<3x16x2048xf32, #tpu.memory_space<vmem>> -> memref<1x16x2048xf32, #tpu.memory_space<vmem>>
    %dma_wait3A_215 = tpu.memref_squeeze %dma_wait3A_214 : memref<1x16x2048xf32, #tpu.memory_space<vmem>> -> memref<16x2048xf32, #tpu.memory_space<vmem>>
    %dma_wait3A_216 = arith.constant 0 : i32
    %dma_wait3A_217 = tpu.memref_slice %arg2[%add3A_126, %dma_wait3A_216] : memref<8192x2048xf32, #tpu.memory_space<hbm>> -> memref<16x2048xf32, #tpu.memory_space<hbm>>
    tpu.wait_dma2 semaphore(%dma_wait3A_211 : memref<!tpu.dma_semaphore, #tpu.memory_space<semaphore_mem>>) src(%dma_wait3A_217 : memref<16x2048xf32, #tpu.memory_space<hbm>>) dst(%dma_wait3A_215 : memref<16x2048xf32, #tpu.memory_space<vmem>>)
    %get3A_218 = arith.constant 48 : index
    %get3A_219 = tpu.vector_load %arg5[%get3A_218] {strides = array<i32>} : memref<256xi32, #tpu.memory_space<vmem>>, vector<16xi32>,
    %get3A_220 = vector.shape_cast %get3A_219 : vector<16xi32> to vector<16xi32>
    %dma_start3A_221 = arith.constant 0 : i32
    %dma_start3A_222 = arith.constant 0 : i32
    %dma_start3A_223 = arith.constant 0 : i32
    %dma_start3A_224 = arith.constant 0 : i32
    %dma_start3A_225 = tpu.memref_slice %arg6[%dma_start3A_221, %dma_start3A_223, %dma_start3A_224] : memref<3x16x2048xf32, #tpu.memory_space<vmem>> -> memref<1x16x2048xf32, #tpu.memory_space<vmem>>
    %dma_start3A_226 = tpu.memref_squeeze %dma_start3A_225 : memref<1x16x2048xf32, #tpu.memory_space<vmem>> -> memref<16x2048xf32, #tpu.memory_space<vmem>>
    %dma_start3A_227 = arith.constant 0 : i32
    %dma_start3A_228 = arith.constant 0 : i32
    %dma_start3A_229 = tpu.memref_slice %arg4[%dma_start3A_227, %dma_start3A_228] : memref<8192x2048xf32, #tpu.memory_space<hbm>> -> memref<8192x2048xf32, #tpu.memory_space<hbm>>
    %dma_start3A_230 = tpu.memref_slice %arg8[%dma_start3A_222] : memref<3x!tpu.dma_semaphore, #tpu.memory_space<semaphore_mem>> -> memref<1x!tpu.dma_semaphore, #tpu.memory_space<semaphore_mem>>
    %dma_start3A_231 = tpu.memref_squeeze %dma_start3A_230 : memref<1x!tpu.dma_semaphore, #tpu.memory_space<semaphore_mem>> -> memref<!tpu.dma_semaphore, #tpu.memory_space<semaphore_mem>>
    tpu.enqueue_indirect_dma source(%dma_start3A_226 : memref<16x2048xf32, #tpu.memory_space<vmem>>) target(%dma_start3A_229 : memref<8192x2048xf32, #tpu.memory_space<hbm>>) offsets(%get3A_220 : vector<16xi32>) semaphore(%dma_start3A_231 : memref<!tpu.dma_semaphore, #tpu.memory_space<semaphore_mem>>)
    %dma_wait3A_232 = arith.constant 2 : i32
    %dma_wait3A_233 = arith.constant 2 : i32
    %dma_wait3A_234 = arith.constant 0 : i32
    %dma_wait3A_235 = arith.constant 0 : i32
    %dma_wait3A_236 = tpu.memref_slice %arg6[%dma_wait3A_232, %dma_wait3A_234, %dma_wait3A_235] : memref<3x16x2048xf32, #tpu.memory_space<vmem>> -> memref<1x16x2048xf32, #tpu.memory_space<vmem>>
    %dma_wait3A_237 = tpu.memref_squeeze %dma_wait3A_236 : memref<1x16x2048xf32, #tpu.memory_space<vmem>> -> memref<16x2048xf32, #tpu.memory_space<vmem>>
    %dma_wait3A_238 = arith.constant 0 : i32
    %dma_wait3A_239 = arith.constant 0 : i32
    %dma_wait3A_240 = tpu.memref_slice %arg4[%dma_wait3A_238, %dma_wait3A_239] : memref<8192x2048xf32, #tpu.memory_space<hbm>> -> memref<8192x2048xf32, #tpu.memory_space<hbm>>
    %dma_wait3A_241 = tpu.memref_slice %arg8[%dma_wait3A_233] : memref<3x!tpu.dma_semaphore, #tpu.memory_space<semaphore_mem>> -> memref<1x!tpu.dma_semaphore, #tpu.memory_space<semaphore_mem>>
    %dma_wait3A_242 = tpu.memref_squeeze %dma_wait3A_241 : memref<1x!tpu.dma_semaphore, #tpu.memory_space<semaphore_mem>> -> memref<!tpu.dma_semaphore, #tpu.memory_space<semaphore_mem>>
    tpu.wait_indirect_dma semaphore(%dma_wait3A_242 : memref<!tpu.dma_semaphore, #tpu.memory_space<semaphore_mem>>) src(%dma_wait3A_237 : memref<16x2048xf32, #tpu.memory_space<vmem>>) dst(%dma_wait3A_240 : memref<8192x2048xf32, #tpu.memory_space<hbm>>)
    %add3A_243 = arith.constant 80 : i32
    %add3A_244 = arith.addi %mul3A_2, %add3A_243 : i32
    %dma_start3A_245 = arith.constant 2 : i32
    %dma_start3A_246 = arith.constant 2 : i32
    %dma_start3A_247 = arith.constant 0 : i32
    %dma_start3A_248 = arith.constant 0 : i32
    %dma_start3A_249 = tpu.memref_slice %arg6[%dma_start3A_245, %dma_start3A_247, %dma_start3A_248] : memref<3x16x2048xf32, #tpu.memory_space<vmem>> -> memref<1x16x2048xf32, #tpu.memory_space<vmem>>
    %dma_start3A_250 = tpu.memref_squeeze %dma_start3A_249 : memref<1x16x2048xf32, #tpu.memory_space<vmem>> -> memref<16x2048xf32, #tpu.memory_space<vmem>>
    %dma_start3A_251 = arith.constant 0 : i32
    %dma_start3A_252 = tpu.memref_slice %arg2[%add3A_244, %dma_start3A_251] : memref<8192x2048xf32, #tpu.memory_space<hbm>> -> memref<16x2048xf32, #tpu.memory_space<hbm>>
    %dma_start3A_253 = tpu.memref_slice %arg7[%dma_start3A_246] : memref<3x!tpu.dma_semaphore, #tpu.memory_space<semaphore_mem>> -> memref<1x!tpu.dma_semaphore, #tpu.memory_space<semaphore_mem>>
    %dma_start3A_254 = tpu.memref_squeeze %dma_start3A_253 : memref<1x!tpu.dma_semaphore, #tpu.memory_space<semaphore_mem>> -> memref<!tpu.dma_semaphore, #tpu.memory_space<semaphore_mem>>
    %dma_start3A_255 = arith.constant 0 : i32
    %dma_start3A_256 = arith.constant 0 : i32
    %dma_start3A_257 = tpu.memref_slice %arg6[%dma_start3A_245, %dma_start3A_255, %dma_start3A_256] : memref<3x16x2048xf32, #tpu.memory_space<vmem>> -> memref<1x16x2048xf32, #tpu.memory_space<vmem>>
    %dma_start3A_258 = tpu.memref_squeeze %dma_start3A_257 : memref<1x16x2048xf32, #tpu.memory_space<vmem>> -> memref<16x2048xf32, #tpu.memory_space<vmem>>
    %dma_start3A_259 = arith.constant 0 : i32
    %dma_start3A_260 = tpu.memref_slice %arg2[%add3A_244, %dma_start3A_259] : memref<8192x2048xf32, #tpu.memory_space<hbm>> -> memref<16x2048xf32, #tpu.memory_space<hbm>>
    tpu.enqueue_dma source(%dma_start3A_260 : memref<16x2048xf32, #tpu.memory_space<hbm>>) target(%dma_start3A_258 : memref<16x2048xf32, #tpu.memory_space<vmem>>) target_semaphore(%dma_start3A_254 : memref<!tpu.dma_semaphore, #tpu.memory_space<semaphore_mem>>)
    %dma_wait3A_261 = arith.constant 1 : i32
    %dma_wait3A_262 = arith.constant 1 : i32
    %dma_wait3A_263 = arith.constant 0 : i32
    %dma_wait3A_264 = arith.constant 0 : i32
    %dma_wait3A_265 = tpu.memref_slice %arg6[%dma_wait3A_261, %dma_wait3A_263, %dma_wait3A_264] : memref<3x16x2048xf32, #tpu.memory_space<vmem>> -> memref<1x16x2048xf32, #tpu.memory_space<vmem>>
    %dma_wait3A_266 = tpu.memref_squeeze %dma_wait3A_265 : memref<1x16x2048xf32, #tpu.memory_space<vmem>> -> memref<16x2048xf32, #tpu.memory_space<vmem>>
    %dma_wait3A_267 = arith.constant 0 : i32
    %dma_wait3A_268 = tpu.memref_slice %arg2[%add3A_185, %dma_wait3A_267] : memref<8192x2048xf32, #tpu.memory_space<hbm>> -> memref<16x2048xf32, #tpu.memory_space<hbm>>
    %dma_wait3A_269 = tpu.memref_slice %arg7[%dma_wait3A_262] : memref<3x!tpu.dma_semaphore, #tpu.memory_space<semaphore_mem>> -> memref<1x!tpu.dma_semaphore, #tpu.memory_space<semaphore_mem>>
    %dma_wait3A_270 = tpu.memref_squeeze %dma_wait3A_269 : memref<1x!tpu.dma_semaphore, #tpu.memory_space<semaphore_mem>> -> memref<!tpu.dma_semaphore, #tpu.memory_space<semaphore_mem>>
    %dma_wait3A_271 = arith.constant 0 : i32
    %dma_wait3A_272 = arith.constant 0 : i32
    %dma_wait3A_273 = tpu.memref_slice %arg6[%dma_wait3A_261, %dma_wait3A_271, %dma_wait3A_272] : memref<3x16x2048xf32, #tpu.memory_space<vmem>> -> memref<1x16x2048xf32, #tpu.memory_space<vmem>>
    %dma_wait3A_274 = tpu.memref_squeeze %dma_wait3A_273 : memref<1x16x2048xf32, #tpu.memory_space<vmem>> -> memref<16x2048xf32, #tpu.memory_space<vmem>>
    %dma_wait3A_275 = arith.constant 0 : i32
    %dma_wait3A_276 = tpu.memref_slice %arg2[%add3A_185, %dma_wait3A_275] : memref<8192x2048xf32, #tpu.memory_space<hbm>> -> memref<16x2048xf32, #tpu.memory_space<hbm>>
    tpu.wait_dma2 semaphore(%dma_wait3A_270 : memref<!tpu.dma_semaphore, #tpu.memory_space<semaphore_mem>>) src(%dma_wait3A_276 : memref<16x2048xf32, #tpu.memory_space<hbm>>) dst(%dma_wait3A_274 : memref<16x2048xf32, #tpu.memory_space<vmem>>)
    %get3A_277 = arith.constant 64 : index
    %get3A_278 = tpu.vector_load %arg5[%get3A_277] {strides = array<i32>} : memref<256xi32, #tpu.memory_space<vmem>>, vector<16xi32>,
    %get3A_279 = vector.shape_cast %get3A_278 : vector<16xi32> to vector<16xi32>
    %dma_start3A_280 = arith.constant 1 : i32
    %dma_start3A_281 = arith.constant 1 : i32
    %dma_start3A_282 = arith.constant 0 : i32
    %dma_start3A_283 = arith.constant 0 : i32
    %dma_start3A_284 = tpu.memref_slice %arg6[%dma_start3A_280, %dma_start3A_282, %dma_start3A_283] : memref<3x16x2048xf32, #tpu.memory_space<vmem>> -> memref<1x16x2048xf32, #tpu.memory_space<vmem>>
    %dma_start3A_285 = tpu.memref_squeeze %dma_start3A_284 : memref<1x16x2048xf32, #tpu.memory_space<vmem>> -> memref<16x2048xf32, #tpu.memory_space<vmem>>
    %dma_start3A_286 = arith.constant 0 : i32
    %dma_start3A_287 = arith.constant 0 : i32
    %dma_start3A_288 = tpu.memref_slice %arg4[%dma_start3A_286, %dma_start3A_287] : memref<8192x2048xf32, #tpu.memory_space<hbm>> -> memref<8192x2048xf32, #tpu.memory_space<hbm>>
    %dma_start3A_289 = tpu.memref_slice %arg8[%dma_start3A_281] : memref<3x!tpu.dma_semaphore, #tpu.memory_space<semaphore_mem>> -> memref<1x!tpu.dma_semaphore, #tpu.memory_space<semaphore_mem>>
    %dma_start3A_290 = tpu.memref_squeeze %dma_start3A_289 : memref<1x!tpu.dma_semaphore, #tpu.memory_space<semaphore_mem>> -> memref<!tpu.dma_semaphore, #tpu.memory_space<semaphore_mem>>
    tpu.enqueue_indirect_dma source(%dma_start3A_285 : memref<16x2048xf32, #tpu.memory_space<vmem>>) target(%dma_start3A_288 : memref<8192x2048xf32, #tpu.memory_space<hbm>>) offsets(%get3A_279 : vector<16xi32>) semaphore(%dma_start3A_290 : memref<!tpu.dma_semaphore, #tpu.memory_space<semaphore_mem>>)
    %dma_wait3A_291 = arith.constant 0 : i32
    %dma_wait3A_292 = arith.constant 0 : i32
    %dma_wait3A_293 = arith.constant 0 : i32
    %dma_wait3A_294 = arith.constant 0 : i32
    %dma_wait3A_295 = tpu.memref_slice %arg6[%dma_wait3A_291, %dma_wait3A_293, %dma_wait3A_294] : memref<3x16x2048xf32, #tpu.memory_space<vmem>> -> memref<1x16x2048xf32, #tpu.memory_space<vmem>>
    %dma_wait3A_296 = tpu.memref_squeeze %dma_wait3A_295 : memref<1x16x2048xf32, #tpu.memory_space<vmem>> -> memref<16x2048xf32, #tpu.memory_space<vmem>>
    %dma_wait3A_297 = arith.constant 0 : i32
    %dma_wait3A_298 = arith.constant 0 : i32
    %dma_wait3A_299 = tpu.memref_slice %arg4[%dma_wait3A_297, %dma_wait3A_298] : memref<8192x2048xf32, #tpu.memory_space<hbm>> -> memref<8192x2048xf32, #tpu.memory_space<hbm>>
    %dma_wait3A_300 = tpu.memref_slice %arg8[%dma_wait3A_292] : memref<3x!tpu.dma_semaphore, #tpu.memory_space<semaphore_mem>> -> memref<1x!tpu.dma_semaphore, #tpu.memory_space<semaphore_mem>>
    %dma_wait3A_301 = tpu.memref_squeeze %dma_wait3A_300 : memref<1x!tpu.dma_semaphore, #tpu.memory_space<semaphore_mem>> -> memref<!tpu.dma_semaphore, #tpu.memory_space<semaphore_mem>>
    tpu.wait_indirect_dma semaphore(%dma_wait3A_301 : memref<!tpu.dma_semaphore, #tpu.memory_space<semaphore_mem>>) src(%dma_wait3A_296 : memref<16x2048xf32, #tpu.memory_space<vmem>>) dst(%dma_wait3A_299 : memref<8192x2048xf32, #tpu.memory_space<hbm>>)
    %add3A_302 = arith.constant 96 : i32
    %add3A_303 = arith.addi %mul3A_2, %add3A_302 : i32
    %dma_start3A_304 = arith.constant 0 : i32
    %dma_start3A_305 = arith.constant 0 : i32
    %dma_start3A_306 = arith.constant 0 : i32
    %dma_start3A_307 = arith.constant 0 : i32
    %dma_start3A_308 = tpu.memref_slice %arg6[%dma_start3A_304, %dma_start3A_306, %dma_start3A_307] : memref<3x16x2048xf32, #tpu.memory_space<vmem>> -> memref<1x16x2048xf32, #tpu.memory_space<vmem>>
    %dma_start3A_309 = tpu.memref_squeeze %dma_start3A_308 : memref<1x16x2048xf32, #tpu.memory_space<vmem>> -> memref<16x2048xf32, #tpu.memory_space<vmem>>
    %dma_start3A_310 = arith.constant 0 : i32
    %dma_start3A_311 = tpu.memref_slice %arg2[%add3A_303, %dma_start3A_310] : memref<8192x2048xf32, #tpu.memory_space<hbm>> -> memref<16x2048xf32, #tpu.memory_space<hbm>>
    %dma_start3A_312 = tpu.memref_slice %arg7[%dma_start3A_305] : memref<3x!tpu.dma_semaphore, #tpu.memory_space<semaphore_mem>> -> memref<1x!tpu.dma_semaphore, #tpu.memory_space<semaphore_mem>>
    %dma_start3A_313 = tpu.memref_squeeze %dma_start3A_312 : memref<1x!tpu.dma_semaphore, #tpu.memory_space<semaphore_mem>> -> memref<!tpu.dma_semaphore, #tpu.memory_space<semaphore_mem>>
    %dma_start3A_314 = arith.constant 0 : i32
    %dma_start3A_315 = arith.constant 0 : i32
    %dma_start3A_316 = tpu.memref_slice %arg6[%dma_start3A_304, %dma_start3A_314, %dma_start3A_315] : memref<3x16x2048xf32, #tpu.memory_space<vmem>> -> memref<1x16x2048xf32, #tpu.memory_space<vmem>>
    %dma_start3A_317 = tpu.memref_squeeze %dma_start3A_316 : memref<1x16x2048xf32, #tpu.memory_space<vmem>> -> memref<16x2048xf32, #tpu.memory_space<vmem>>
    %dma_start3A_318 = arith.constant 0 : i32
    %dma_start3A_319 = tpu.memref_slice %arg2[%add3A_303, %dma_start3A_318] : memref<8192x2048xf32, #tpu.memory_space<hbm>> -> memref<16x2048xf32, #tpu.memory_space<hbm>>
    tpu.enqueue_dma source(%dma_start3A_319 : memref<16x2048xf32, #tpu.memory_space<hbm>>) target(%dma_start3A_317 : memref<16x2048xf32, #tpu.memory_space<vmem>>) target_semaphore(%dma_start3A_313 : memref<!tpu.dma_semaphore, #tpu.memory_space<semaphore_mem>>)
    %dma_wait3A_320 = arith.constant 2 : i32
    %dma_wait3A_321 = arith.constant 2 : i32
    %dma_wait3A_322 = arith.constant 0 : i32
    %dma_wait3A_323 = arith.constant 0 : i32
    %dma_wait3A_324 = tpu.memref_slice %arg6[%dma_wait3A_320, %dma_wait3A_322, %dma_wait3A_323] : memref<3x16x2048xf32, #tpu.memory_space<vmem>> -> memref<1x16x2048xf32, #tpu.memory_space<vmem>>
    %dma_wait3A_325 = tpu.memref_squeeze %dma_wait3A_324 : memref<1x16x2048xf32, #tpu.memory_space<vmem>> -> memref<16x2048xf32, #tpu.memory_space<vmem>>
    %dma_wait3A_326 = arith.constant 0 : i32
    %dma_wait3A_327 = tpu.memref_slice %arg2[%add3A_244, %dma_wait3A_326] : memref<8192x2048xf32, #tpu.memory_space<hbm>> -> memref<16x2048xf32, #tpu.memory_space<hbm>>
    %dma_wait3A_328 = tpu.memref_slice %arg7[%dma_wait3A_321] : memref<3x!tpu.dma_semaphore, #tpu.memory_space<semaphore_mem>> -> memref<1x!tpu.dma_semaphore, #tpu.memory_space<semaphore_mem>>
    %dma_wait3A_329 = tpu.memref_squeeze %dma_wait3A_328 : memref<1x!tpu.dma_semaphore, #tpu.memory_space<semaphore_mem>> -> memref<!tpu.dma_semaphore, #tpu.memory_space<semaphore_mem>>
    %dma_wait3A_330 = arith.constant 0 : i32
    %dma_wait3A_331 = arith.constant 0 : i32
    %dma_wait3A_332 = tpu.memref_slice %arg6[%dma_wait3A_320, %dma_wait3A_330, %dma_wait3A_331] : memref<3x16x2048xf32, #tpu.memory_space<vmem>> -> memref<1x16x2048xf32, #tpu.memory_space<vmem>>
    %dma_wait3A_333 = tpu.memref_squeeze %dma_wait3A_332 : memref<1x16x2048xf32, #tpu.memory_space<vmem>> -> memref<16x2048xf32, #tpu.memory_space<vmem>>
    %dma_wait3A_334 = arith.constant 0 : i32
    %dma_wait3A_335 = tpu.memref_slice %arg2[%add3A_244, %dma_wait3A_334] : memref<8192x2048xf32, #tpu.memory_space<hbm>> -> memref<16x2048xf32, #tpu.memory_space<hbm>>
    tpu.wait_dma2 semaphore(%dma_wait3A_329 : memref<!tpu.dma_semaphore, #tpu.memory_space<semaphore_mem>>) src(%dma_wait3A_335 : memref<16x2048xf32, #tpu.memory_space<hbm>>) dst(%dma_wait3A_333 : memref<16x2048xf32, #tpu.memory_space<vmem>>)
    %get3A_336 = arith.constant 80 : index
    %get3A_337 = tpu.vector_load %arg5[%get3A_336] {strides = array<i32>} : memref<256xi32, #tpu.memory_space<vmem>>, vector<16xi32>,
    %get3A_338 = vector.shape_cast %get3A_337 : vector<16xi32> to vector<16xi32>
    %dma_start3A_339 = arith.constant 2 : i32
    %dma_start3A_340 = arith.constant 2 : i32
    %dma_start3A_341 = arith.constant 0 : i32
    %dma_start3A_342 = arith.constant 0 : i32
    %dma_start3A_343 = tpu.memref_slice %arg6[%dma_start3A_339, %dma_start3A_341, %dma_start3A_342] : memref<3x16x2048xf32, #tpu.memory_space<vmem>> -> memref<1x16x2048xf32, #tpu.memory_space<vmem>>
    %dma_start3A_344 = tpu.memref_squeeze %dma_start3A_343 : memref<1x16x2048xf32, #tpu.memory_space<vmem>> -> memref<16x2048xf32, #tpu.memory_space<vmem>>
    %dma_start3A_345 = arith.constant 0 : i32
    %dma_start3A_346 = arith.constant 0 : i32
    %dma_start3A_347 = tpu.memref_slice %arg4[%dma_start3A_345, %dma_start3A_346] : memref<8192x2048xf32, #tpu.memory_space<hbm>> -> memref<8192x2048xf32, #tpu.memory_space<hbm>>
    %dma_start3A_348 = tpu.memref_slice %arg8[%dma_start3A_340] : memref<3x!tpu.dma_semaphore, #tpu.memory_space<semaphore_mem>> -> memref<1x!tpu.dma_semaphore, #tpu.memory_space<semaphore_mem>>
    %dma_start3A_349 = tpu.memref_squeeze %dma_start3A_348 : memref<1x!tpu.dma_semaphore, #tpu.memory_space<semaphore_mem>> -> memref<!tpu.dma_semaphore, #tpu.memory_space<semaphore_mem>>
    tpu.enqueue_indirect_dma source(%dma_start3A_344 : memref<16x2048xf32, #tpu.memory_space<vmem>>) target(%dma_start3A_347 : memref<8192x2048xf32, #tpu.memory_space<hbm>>) offsets(%get3A_338 : vector<16xi32>) semaphore(%dma_start3A_349 : memref<!tpu.dma_semaphore, #tpu.memory_space<semaphore_mem>>)
    %dma_wait3A_350 = arith.constant 1 : i32
    %dma_wait3A_351 = arith.constant 1 : i32
    %dma_wait3A_352 = arith.constant 0 : i32
    %dma_wait3A_353 = arith.constant 0 : i32
    %dma_wait3A_354 = tpu.memref_slice %arg6[%dma_wait3A_350, %dma_wait3A_352, %dma_wait3A_353] : memref<3x16x2048xf32, #tpu.memory_space<vmem>> -> memref<1x16x2048xf32, #tpu.memory_space<vmem>>
    %dma_wait3A_355 = tpu.memref_squeeze %dma_wait3A_354 : memref<1x16x2048xf32, #tpu.memory_space<vmem>> -> memref<16x2048xf32, #tpu.memory_space<vmem>>
    %dma_wait3A_356 = arith.constant 0 : i32
    %dma_wait3A_357 = arith.constant 0 : i32
    %dma_wait3A_358 = tpu.memref_slice %arg4[%dma_wait3A_356, %dma_wait3A_357] : memref<8192x2048xf32, #tpu.memory_space<hbm>> -> memref<8192x2048xf32, #tpu.memory_space<hbm>>
    %dma_wait3A_359 = tpu.memref_slice %arg8[%dma_wait3A_351] : memref<3x!tpu.dma_semaphore, #tpu.memory_space<semaphore_mem>> -> memref<1x!tpu.dma_semaphore, #tpu.memory_space<semaphore_mem>>
    %dma_wait3A_360 = tpu.memref_squeeze %dma_wait3A_359 : memref<1x!tpu.dma_semaphore, #tpu.memory_space<semaphore_mem>> -> memref<!tpu.dma_semaphore, #tpu.memory_space<semaphore_mem>>
    tpu.wait_indirect_dma semaphore(%dma_wait3A_360 : memref<!tpu.dma_semaphore, #tpu.memory_space<semaphore_mem>>) src(%dma_wait3A_355 : memref<16x2048xf32, #tpu.memory_space<vmem>>) dst(%dma_wait3A_358 : memref<8192x2048xf32, #tpu.memory_space<hbm>>)
    %add3A_361 = arith.constant 112 : i32
    %add3A_362 = arith.addi %mul3A_2, %add3A_361 : i32
    %dma_start3A_363 = arith.constant 1 : i32
    %dma_start3A_364 = arith.constant 1 : i32
    %dma_start3A_365 = arith.constant 0 : i32
    %dma_start3A_366 = arith.constant 0 : i32
    %dma_start3A_367 = tpu.memref_slice %arg6[%dma_start3A_363, %dma_start3A_365, %dma_start3A_366] : memref<3x16x2048xf32, #tpu.memory_space<vmem>> -> memref<1x16x2048xf32, #tpu.memory_space<vmem>>
    %dma_start3A_368 = tpu.memref_squeeze %dma_start3A_367 : memref<1x16x2048xf32, #tpu.memory_space<vmem>> -> memref<16x2048xf32, #tpu.memory_space<vmem>>
    %dma_start3A_369 = arith.constant 0 : i32
    %dma_start3A_370 = tpu.memref_slice %arg2[%add3A_362, %dma_start3A_369] : memref<8192x2048xf32, #tpu.memory_space<hbm>> -> memref<16x2048xf32, #tpu.memory_space<hbm>>
    %dma_start3A_371 = tpu.memref_slice %arg7[%dma_start3A_364] : memref<3x!tpu.dma_semaphore, #tpu.memory_space<semaphore_mem>> -> memref<1x!tpu.dma_semaphore, #tpu.memory_space<semaphore_mem>>
    %dma_start3A_372 = tpu.memref_squeeze %dma_start3A_371 : memref<1x!tpu.dma_semaphore, #tpu.memory_space<semaphore_mem>> -> memref<!tpu.dma_semaphore, #tpu.memory_space<semaphore_mem>>
    %dma_start3A_373 = arith.constant 0 : i32
    %dma_start3A_374 = arith.constant 0 : i32
    %dma_start3A_375 = tpu.memref_slice %arg6[%dma_start3A_363, %dma_start3A_373, %dma_start3A_374] : memref<3x16x2048xf32, #tpu.memory_space<vmem>> -> memref<1x16x2048xf32, #tpu.memory_space<vmem>>
    %dma_start3A_376 = tpu.memref_squeeze %dma_start3A_375 : memref<1x16x2048xf32, #tpu.memory_space<vmem>> -> memref<16x2048xf32, #tpu.memory_space<vmem>>
    %dma_start3A_377 = arith.constant 0 : i32
    %dma_start3A_378 = tpu.memref_slice %arg2[%add3A_362, %dma_start3A_377] : memref<8192x2048xf32, #tpu.memory_space<hbm>> -> memref<16x2048xf32, #tpu.memory_space<hbm>>
    tpu.enqueue_dma source(%dma_start3A_378 : memref<16x2048xf32, #tpu.memory_space<hbm>>) target(%dma_start3A_376 : memref<16x2048xf32, #tpu.memory_space<vmem>>) target_semaphore(%dma_start3A_372 : memref<!tpu.dma_semaphore, #tpu.memory_space<semaphore_mem>>)
    %dma_wait3A_379 = arith.constant 0 : i32
    %dma_wait3A_380 = arith.constant 0 : i32
    %dma_wait3A_381 = arith.constant 0 : i32
    %dma_wait3A_382 = arith.constant 0 : i32
    %dma_wait3A_383 = tpu.memref_slice %arg6[%dma_wait3A_379, %dma_wait3A_381, %dma_wait3A_382] : memref<3x16x2048xf32, #tpu.memory_space<vmem>> -> memref<1x16x2048xf32, #tpu.memory_space<vmem>>
    %dma_wait3A_384 = tpu.memref_squeeze %dma_wait3A_383 : memref<1x16x2048xf32, #tpu.memory_space<vmem>> -> memref<16x2048xf32, #tpu.memory_space<vmem>>
    %dma_wait3A_385 = arith.constant 0 : i32
    %dma_wait3A_386 = tpu.memref_slice %arg2[%add3A_303, %dma_wait3A_385] : memref<8192x2048xf32, #tpu.memory_space<hbm>> -> memref<16x2048xf32, #tpu.memory_space<hbm>>
    %dma_wait3A_387 = tpu.memref_slice %arg7[%dma_wait3A_380] : memref<3x!tpu.dma_semaphore, #tpu.memory_space<semaphore_mem>> -> memref<1x!tpu.dma_semaphore, #tpu.memory_space<semaphore_mem>>
    %dma_wait3A_388 = tpu.memref_squeeze %dma_wait3A_387 : memref<1x!tpu.dma_semaphore, #tpu.memory_space<semaphore_mem>> -> memref<!tpu.dma_semaphore, #tpu.memory_space<semaphore_mem>>
    %dma_wait3A_389 = arith.constant 0 : i32
    %dma_wait3A_390 = arith.constant 0 : i32
    %dma_wait3A_391 = tpu.memref_slice %arg6[%dma_wait3A_379, %dma_wait3A_389, %dma_wait3A_390] : memref<3x16x2048xf32, #tpu.memory_space<vmem>> -> memref<1x16x2048xf32, #tpu.memory_space<vmem>>
    %dma_wait3A_392 = tpu.memref_squeeze %dma_wait3A_391 : memref<1x16x2048xf32, #tpu.memory_space<vmem>> -> memref<16x2048xf32, #tpu.memory_space<vmem>>
    %dma_wait3A_393 = arith.constant 0 : i32
    %dma_wait3A_394 = tpu.memref_slice %arg2[%add3A_303, %dma_wait3A_393] : memref<8192x2048xf32, #tpu.memory_space<hbm>> -> memref<16x2048xf32, #tpu.memory_space<hbm>>
    tpu.wait_dma2 semaphore(%dma_wait3A_388 : memref<!tpu.dma_semaphore, #tpu.memory_space<semaphore_mem>>) src(%dma_wait3A_394 : memref<16x2048xf32, #tpu.memory_space<hbm>>) dst(%dma_wait3A_392 : memref<16x2048xf32, #tpu.memory_space<vmem>>)
    %get3A_395 = arith.constant 96 : index
    %get3A_396 = tpu.vector_load %arg5[%get3A_395] {strides = array<i32>} : memref<256xi32, #tpu.memory_space<vmem>>, vector<16xi32>,
    %get3A_397 = vector.shape_cast %get3A_396 : vector<16xi32> to vector<16xi32>
    %dma_start3A_398 = arith.constant 0 : i32
    %dma_start3A_399 = arith.constant 0 : i32
    %dma_start3A_400 = arith.constant 0 : i32
    %dma_start3A_401 = arith.constant 0 : i32
    %dma_start3A_402 = tpu.memref_slice %arg6[%dma_start3A_398, %dma_start3A_400, %dma_start3A_401] : memref<3x16x2048xf32, #tpu.memory_space<vmem>> -> memref<1x16x2048xf32, #tpu.memory_space<vmem>>
    %dma_start3A_403 = tpu.memref_squeeze %dma_start3A_402 : memref<1x16x2048xf32, #tpu.memory_space<vmem>> -> memref<16x2048xf32, #tpu.memory_space<vmem>>
    %dma_start3A_404 = arith.constant 0 : i32
    %dma_start3A_405 = arith.constant 0 : i32
    %dma_start3A_406 = tpu.memref_slice %arg4[%dma_start3A_404, %dma_start3A_405] : memref<8192x2048xf32, #tpu.memory_space<hbm>> -> memref<8192x2048xf32, #tpu.memory_space<hbm>>
    %dma_start3A_407 = tpu.memref_slice %arg8[%dma_start3A_399] : memref<3x!tpu.dma_semaphore, #tpu.memory_space<semaphore_mem>> -> memref<1x!tpu.dma_semaphore, #tpu.memory_space<semaphore_mem>>
    %dma_start3A_408 = tpu.memref_squeeze %dma_start3A_407 : memref<1x!tpu.dma_semaphore, #tpu.memory_space<semaphore_mem>> -> memref<!tpu.dma_semaphore, #tpu.memory_space<semaphore_mem>>
    tpu.enqueue_indirect_dma source(%dma_start3A_403 : memref<16x2048xf32, #tpu.memory_space<vmem>>) target(%dma_start3A_406 : memref<8192x2048xf32, #tpu.memory_space<hbm>>) offsets(%get3A_397 : vector<16xi32>) semaphore(%dma_start3A_408 : memref<!tpu.dma_semaphore, #tpu.memory_space<semaphore_mem>>)
    %dma_wait3A_409 = arith.constant 2 : i32
    %dma_wait3A_410 = arith.constant 2 : i32
    %dma_wait3A_411 = arith.constant 0 : i32
    %dma_wait3A_412 = arith.constant 0 : i32
    %dma_wait3A_413 = tpu.memref_slice %arg6[%dma_wait3A_409, %dma_wait3A_411, %dma_wait3A_412] : memref<3x16x2048xf32, #tpu.memory_space<vmem>> -> memref<1x16x2048xf32, #tpu.memory_space<vmem>>
    %dma_wait3A_414 = tpu.memref_squeeze %dma_wait3A_413 : memref<1x16x2048xf32, #tpu.memory_space<vmem>> -> memref<16x2048xf32, #tpu.memory_space<vmem>>
    %dma_wait3A_415 = arith.constant 0 : i32
    %dma_wait3A_416 = arith.constant 0 : i32
    %dma_wait3A_417 = tpu.memref_slice %arg4[%dma_wait3A_415, %dma_wait3A_416] : memref<8192x2048xf32, #tpu.memory_space<hbm>> -> memref<8192x2048xf32, #tpu.memory_space<hbm>>
    %dma_wait3A_418 = tpu.memref_slice %arg8[%dma_wait3A_410] : memref<3x!tpu.dma_semaphore, #tpu.memory_space<semaphore_mem>> -> memref<1x!tpu.dma_semaphore, #tpu.memory_space<semaphore_mem>>
    %dma_wait3A_419 = tpu.memref_squeeze %dma_wait3A_418 : memref<1x!tpu.dma_semaphore, #tpu.memory_space<semaphore_mem>> -> memref<!tpu.dma_semaphore, #tpu.memory_space<semaphore_mem>>
    tpu.wait_indirect_dma semaphore(%dma_wait3A_419 : memref<!tpu.dma_semaphore, #tpu.memory_space<semaphore_mem>>) src(%dma_wait3A_414 : memref<16x2048xf32, #tpu.memory_space<vmem>>) dst(%dma_wait3A_417 : memref<8192x2048xf32, #tpu.memory_space<hbm>>)
    %add3A_420 = arith.constant 128 : i32
    %add3A_421 = arith.addi %mul3A_2, %add3A_420 : i32
    %dma_start3A_422 = arith.constant 2 : i32
    %dma_start3A_423 = arith.constant 2 : i32
    %dma_start3A_424 = arith.constant 0 : i32
    %dma_start3A_425 = arith.constant 0 : i32
    %dma_start3A_426 = tpu.memref_slice %arg6[%dma_start3A_422, %dma_start3A_424, %dma_start3A_425] : memref<3x16x2048xf32, #tpu.memory_space<vmem>> -> memref<1x16x2048xf32, #tpu.memory_space<vmem>>
    %dma_start3A_427 = tpu.memref_squeeze %dma_start3A_426 : memref<1x16x2048xf32, #tpu.memory_space<vmem>> -> memref<16x2048xf32, #tpu.memory_space<vmem>>
    %dma_start3A_428 = arith.constant 0 : i32
    %dma_start3A_429 = tpu.memref_slice %arg2[%add3A_421, %dma_start3A_428] : memref<8192x2048xf32, #tpu.memory_space<hbm>> -> memref<16x2048xf32, #tpu.memory_space<hbm>>
    %dma_start3A_430 = tpu.memref_slice %arg7[%dma_start3A_423] : memref<3x!tpu.dma_semaphore, #tpu.memory_space<semaphore_mem>> -> memref<1x!tpu.dma_semaphore, #tpu.memory_space<semaphore_mem>>
    %dma_start3A_431 = tpu.memref_squeeze %dma_start3A_430 : memref<1x!tpu.dma_semaphore, #tpu.memory_space<semaphore_mem>> -> memref<!tpu.dma_semaphore, #tpu.memory_space<semaphore_mem>>
    %dma_start3A_432 = arith.constant 0 : i32
    %dma_start3A_433 = arith.constant 0 : i32
    %dma_start3A_434 = tpu.memref_slice %arg6[%dma_start3A_422, %dma_start3A_432, %dma_start3A_433] : memref<3x16x2048xf32, #tpu.memory_space<vmem>> -> memref<1x16x2048xf32, #tpu.memory_space<vmem>>
    %dma_start3A_435 = tpu.memref_squeeze %dma_start3A_434 : memref<1x16x2048xf32, #tpu.memory_space<vmem>> -> memref<16x2048xf32, #tpu.memory_space<vmem>>
    %dma_start3A_436 = arith.constant 0 : i32
    %dma_start3A_437 = tpu.memref_slice %arg2[%add3A_421, %dma_start3A_436] : memref<8192x2048xf32, #tpu.memory_space<hbm>> -> memref<16x2048xf32, #tpu.memory_space<hbm>>
    tpu.enqueue_dma source(%dma_start3A_437 : memref<16x2048xf32, #tpu.memory_space<hbm>>) target(%dma_start3A_435 : memref<16x2048xf32, #tpu.memory_space<vmem>>) target_semaphore(%dma_start3A_431 : memref<!tpu.dma_semaphore, #tpu.memory_space<semaphore_mem>>)
    %dma_wait3A_438 = arith.constant 1 : i32
    %dma_wait3A_439 = arith.constant 1 : i32
    %dma_wait3A_440 = arith.constant 0 : i32
    %dma_wait3A_441 = arith.constant 0 : i32
    %dma_wait3A_442 = tpu.memref_slice %arg6[%dma_wait3A_438, %dma_wait3A_440, %dma_wait3A_441] : memref<3x16x2048xf32, #tpu.memory_space<vmem>> -> memref<1x16x2048xf32, #tpu.memory_space<vmem>>
    %dma_wait3A_443 = tpu.memref_squeeze %dma_wait3A_442 : memref<1x16x2048xf32, #tpu.memory_space<vmem>> -> memref<16x2048xf32, #tpu.memory_space<vmem>>
    %dma_wait3A_444 = arith.constant 0 : i32
    %dma_wait3A_445 = tpu.memref_slice %arg2[%add3A_362, %dma_wait3A_444] : memref<8192x2048xf32, #tpu.memory_space<hbm>> -> memref<16x2048xf32, #tpu.memory_space<hbm>>
    %dma_wait3A_446 = tpu.memref_slice %arg7[%dma_wait3A_439] : memref<3x!tpu.dma_semaphore, #tpu.memory_space<semaphore_mem>> -> memref<1x!tpu.dma_semaphore, #tpu.memory_space<semaphore_mem>>
    %dma_wait3A_447 = tpu.memref_squeeze %dma_wait3A_446 : memref<1x!tpu.dma_semaphore, #tpu.memory_space<semaphore_mem>> -> memref<!tpu.dma_semaphore, #tpu.memory_space<semaphore_mem>>
    %dma_wait3A_448 = arith.constant 0 : i32
    %dma_wait3A_449 = arith.constant 0 : i32
    %dma_wait3A_450 = tpu.memref_slice %arg6[%dma_wait3A_438, %dma_wait3A_448, %dma_wait3A_449] : memref<3x16x2048xf32, #tpu.memory_space<vmem>> -> memref<1x16x2048xf32, #tpu.memory_space<vmem>>
    %dma_wait3A_451 = tpu.memref_squeeze %dma_wait3A_450 : memref<1x16x2048xf32, #tpu.memory_space<vmem>> -> memref<16x2048xf32, #tpu.memory_space<vmem>>
    %dma_wait3A_452 = arith.constant 0 : i32
    %dma_wait3A_453 = tpu.memref_slice %arg2[%add3A_362, %dma_wait3A_452] : memref<8192x2048xf32, #tpu.memory_space<hbm>> -> memref<16x2048xf32, #tpu.memory_space<hbm>>
    tpu.wait_dma2 semaphore(%dma_wait3A_447 : memref<!tpu.dma_semaphore, #tpu.memory_space<semaphore_mem>>) src(%dma_wait3A_453 : memref<16x2048xf32, #tpu.memory_space<hbm>>) dst(%dma_wait3A_451 : memref<16x2048xf32, #tpu.memory_space<vmem>>)
    %get3A_454 = arith.constant 112 : index
    %get3A_455 = tpu.vector_load %arg5[%get3A_454] {strides = array<i32>} : memref<256xi32, #tpu.memory_space<vmem>>, vector<16xi32>,
    %get3A_456 = vector.shape_cast %get3A_455 : vector<16xi32> to vector<16xi32>
    %dma_start3A_457 = arith.constant 1 : i32
    %dma_start3A_458 = arith.constant 1 : i32
    %dma_start3A_459 = arith.constant 0 : i32
    %dma_start3A_460 = arith.constant 0 : i32
    %dma_start3A_461 = tpu.memref_slice %arg6[%dma_start3A_457, %dma_start3A_459, %dma_start3A_460] : memref<3x16x2048xf32, #tpu.memory_space<vmem>> -> memref<1x16x2048xf32, #tpu.memory_space<vmem>>
    %dma_start3A_462 = tpu.memref_squeeze %dma_start3A_461 : memref<1x16x2048xf32, #tpu.memory_space<vmem>> -> memref<16x2048xf32, #tpu.memory_space<vmem>>
    %dma_start3A_463 = arith.constant 0 : i32
    %dma_start3A_464 = arith.constant 0 : i32
    %dma_start3A_465 = tpu.memref_slice %arg4[%dma_start3A_463, %dma_start3A_464] : memref<8192x2048xf32, #tpu.memory_space<hbm>> -> memref<8192x2048xf32, #tpu.memory_space<hbm>>
    %dma_start3A_466 = tpu.memref_slice %arg8[%dma_start3A_458] : memref<3x!tpu.dma_semaphore, #tpu.memory_space<semaphore_mem>> -> memref<1x!tpu.dma_semaphore, #tpu.memory_space<semaphore_mem>>
    %dma_start3A_467 = tpu.memref_squeeze %dma_start3A_466 : memref<1x!tpu.dma_semaphore, #tpu.memory_space<semaphore_mem>> -> memref<!tpu.dma_semaphore, #tpu.memory_space<semaphore_mem>>
    tpu.enqueue_indirect_dma source(%dma_start3A_462 : memref<16x2048xf32, #tpu.memory_space<vmem>>) target(%dma_start3A_465 : memref<8192x2048xf32, #tpu.memory_space<hbm>>) offsets(%get3A_456 : vector<16xi32>) semaphore(%dma_start3A_467 : memref<!tpu.dma_semaphore, #tpu.memory_space<semaphore_mem>>)
    %dma_wait3A_468 = arith.constant 0 : i32
    %dma_wait3A_469 = arith.constant 0 : i32
    %dma_wait3A_470 = arith.constant 0 : i32
    %dma_wait3A_471 = arith.constant 0 : i32
    %dma_wait3A_472 = tpu.memref_slice %arg6[%dma_wait3A_468, %dma_wait3A_470, %dma_wait3A_471] : memref<3x16x2048xf32, #tpu.memory_space<vmem>> -> memref<1x16x2048xf32, #tpu.memory_space<vmem>>
    %dma_wait3A_473 = tpu.memref_squeeze %dma_wait3A_472 : memref<1x16x2048xf32, #tpu.memory_space<vmem>> -> memref<16x2048xf32, #tpu.memory_space<vmem>>
    %dma_wait3A_474 = arith.constant 0 : i32
    %dma_wait3A_475 = arith.constant 0 : i32
    %dma_wait3A_476 = tpu.memref_slice %arg4[%dma_wait3A_474, %dma_wait3A_475] : memref<8192x2048xf32, #tpu.memory_space<hbm>> -> memref<8192x2048xf32, #tpu.memory_space<hbm>>
    %dma_wait3A_477 = tpu.memref_slice %arg8[%dma_wait3A_469] : memref<3x!tpu.dma_semaphore, #tpu.memory_space<semaphore_mem>> -> memref<1x!tpu.dma_semaphore, #tpu.memory_space<semaphore_mem>>
    %dma_wait3A_478 = tpu.memref_squeeze %dma_wait3A_477 : memref<1x!tpu.dma_semaphore, #tpu.memory_space<semaphore_mem>> -> memref<!tpu.dma_semaphore, #tpu.memory_space<semaphore_mem>>
    tpu.wait_indirect_dma semaphore(%dma_wait3A_478 : memref<!tpu.dma_semaphore, #tpu.memory_space<semaphore_mem>>) src(%dma_wait3A_473 : memref<16x2048xf32, #tpu.memory_space<vmem>>) dst(%dma_wait3A_476 : memref<8192x2048xf32, #tpu.memory_space<hbm>>)
    %add3A_479 = arith.constant 144 : i32
    %add3A_480 = arith.addi %mul3A_2, %add3A_479 : i32
    %dma_start3A_481 = arith.constant 0 : i32
    %dma_start3A_482 = arith.constant 0 : i32
    %dma_start3A_483 = arith.constant 0 : i32
    %dma_start3A_484 = arith.constant 0 : i32
    %dma_start3A_485 = tpu.memref_slice %arg6[%dma_start3A_481, %dma_start3A_483, %dma_start3A_484] : memref<3x16x2048xf32, #tpu.memory_space<vmem>> -> memref<1x16x2048xf32, #tpu.memory_space<vmem>>
    %dma_start3A_486 = tpu.memref_squeeze %dma_start3A_485 : memref<1x16x2048xf32, #tpu.memory_space<vmem>> -> memref<16x2048xf32, #tpu.memory_space<vmem>>
    %dma_start3A_487 = arith.constant 0 : i32
    %dma_start3A_488 = tpu.memref_slice %arg2[%add3A_480, %dma_start3A_487] : memref<8192x2048xf32, #tpu.memory_space<hbm>> -> memref<16x2048xf32, #tpu.memory_space<hbm>>
    %dma_start3A_489 = tpu.memref_slice %arg7[%dma_start3A_482] : memref<3x!tpu.dma_semaphore, #tpu.memory_space<semaphore_mem>> -> memref<1x!tpu.dma_semaphore, #tpu.memory_space<semaphore_mem>>
    %dma_start3A_490 = tpu.memref_squeeze %dma_start3A_489 : memref<1x!tpu.dma_semaphore, #tpu.memory_space<semaphore_mem>> -> memref<!tpu.dma_semaphore, #tpu.memory_space<semaphore_mem>>
    %dma_start3A_491 = arith.constant 0 : i32
    %dma_start3A_492 = arith.constant 0 : i32
    %dma_start3A_493 = tpu.memref_slice %arg6[%dma_start3A_481, %dma_start3A_491, %dma_start3A_492] : memref<3x16x2048xf32, #tpu.memory_space<vmem>> -> memref<1x16x2048xf32, #tpu.memory_space<vmem>>
    %dma_start3A_494 = tpu.memref_squeeze %dma_start3A_493 : memref<1x16x2048xf32, #tpu.memory_space<vmem>> -> memref<16x2048xf32, #tpu.memory_space<vmem>>
    %dma_start3A_495 = arith.constant 0 : i32
    %dma_start3A_496 = tpu.memref_slice %arg2[%add3A_480, %dma_start3A_495] : memref<8192x2048xf32, #tpu.memory_space<hbm>> -> memref<16x2048xf32, #tpu.memory_space<hbm>>
    tpu.enqueue_dma source(%dma_start3A_496 : memref<16x2048xf32, #tpu.memory_space<hbm>>) target(%dma_start3A_494 : memref<16x2048xf32, #tpu.memory_space<vmem>>) target_semaphore(%dma_start3A_490 : memref<!tpu.dma_semaphore, #tpu.memory_space<semaphore_mem>>)
    %dma_wait3A_497 = arith.constant 2 : i32
    %dma_wait3A_498 = arith.constant 2 : i32
    %dma_wait3A_499 = arith.constant 0 : i32
    %dma_wait3A_500 = arith.constant 0 : i32
    %dma_wait3A_501 = tpu.memref_slice %arg6[%dma_wait3A_497, %dma_wait3A_499, %dma_wait3A_500] : memref<3x16x2048xf32, #tpu.memory_space<vmem>> -> memref<1x16x2048xf32, #tpu.memory_space<vmem>>
    %dma_wait3A_502 = tpu.memref_squeeze %dma_wait3A_501 : memref<1x16x2048xf32, #tpu.memory_space<vmem>> -> memref<16x2048xf32, #tpu.memory_space<vmem>>
    %dma_wait3A_503 = arith.constant 0 : i32
    %dma_wait3A_504 = tpu.memref_slice %arg2[%add3A_421, %dma_wait3A_503] : memref<8192x2048xf32, #tpu.memory_space<hbm>> -> memref<16x2048xf32, #tpu.memory_space<hbm>>
    %dma_wait3A_505 = tpu.memref_slice %arg7[%dma_wait3A_498] : memref<3x!tpu.dma_semaphore, #tpu.memory_space<semaphore_mem>> -> memref<1x!tpu.dma_semaphore, #tpu.memory_space<semaphore_mem>>
    %dma_wait3A_506 = tpu.memref_squeeze %dma_wait3A_505 : memref<1x!tpu.dma_semaphore, #tpu.memory_space<semaphore_mem>> -> memref<!tpu.dma_semaphore, #tpu.memory_space<semaphore_mem>>
    %dma_wait3A_507 = arith.constant 0 : i32
    %dma_wait3A_508 = arith.constant 0 : i32
    %dma_wait3A_509 = tpu.memref_slice %arg6[%dma_wait3A_497, %dma_wait3A_507, %dma_wait3A_508] : memref<3x16x2048xf32, #tpu.memory_space<vmem>> -> memref<1x16x2048xf32, #tpu.memory_space<vmem>>
    %dma_wait3A_510 = tpu.memref_squeeze %dma_wait3A_509 : memref<1x16x2048xf32, #tpu.memory_space<vmem>> -> memref<16x2048xf32, #tpu.memory_space<vmem>>
    %dma_wait3A_511 = arith.constant 0 : i32
    %dma_wait3A_512 = tpu.memref_slice %arg2[%add3A_421, %dma_wait3A_511] : memref<8192x2048xf32, #tpu.memory_space<hbm>> -> memref<16x2048xf32, #tpu.memory_space<hbm>>
    tpu.wait_dma2 semaphore(%dma_wait3A_506 : memref<!tpu.dma_semaphore, #tpu.memory_space<semaphore_mem>>) src(%dma_wait3A_512 : memref<16x2048xf32, #tpu.memory_space<hbm>>) dst(%dma_wait3A_510 : memref<16x2048xf32, #tpu.memory_space<vmem>>)
    %get3A_513 = arith.constant 128 : index
    %get3A_514 = tpu.vector_load %arg5[%get3A_513] {strides = array<i32>} : memref<256xi32, #tpu.memory_space<vmem>>, vector<16xi32>,
    %get3A_515 = vector.shape_cast %get3A_514 : vector<16xi32> to vector<16xi32>
    %dma_start3A_516 = arith.constant 2 : i32
    %dma_start3A_517 = arith.constant 2 : i32
    %dma_start3A_518 = arith.constant 0 : i32
    %dma_start3A_519 = arith.constant 0 : i32
    %dma_start3A_520 = tpu.memref_slice %arg6[%dma_start3A_516, %dma_start3A_518, %dma_start3A_519] : memref<3x16x2048xf32, #tpu.memory_space<vmem>> -> memref<1x16x2048xf32, #tpu.memory_space<vmem>>
    %dma_start3A_521 = tpu.memref_squeeze %dma_start3A_520 : memref<1x16x2048xf32, #tpu.memory_space<vmem>> -> memref<16x2048xf32, #tpu.memory_space<vmem>>
    %dma_start3A_522 = arith.constant 0 : i32
    %dma_start3A_523 = arith.constant 0 : i32
    %dma_start3A_524 = tpu.memref_slice %arg4[%dma_start3A_522, %dma_start3A_523] : memref<8192x2048xf32, #tpu.memory_space<hbm>> -> memref<8192x2048xf32, #tpu.memory_space<hbm>>
    %dma_start3A_525 = tpu.memref_slice %arg8[%dma_start3A_517] : memref<3x!tpu.dma_semaphore, #tpu.memory_space<semaphore_mem>> -> memref<1x!tpu.dma_semaphore, #tpu.memory_space<semaphore_mem>>
    %dma_start3A_526 = tpu.memref_squeeze %dma_start3A_525 : memref<1x!tpu.dma_semaphore, #tpu.memory_space<semaphore_mem>> -> memref<!tpu.dma_semaphore, #tpu.memory_space<semaphore_mem>>
    tpu.enqueue_indirect_dma source(%dma_start3A_521 : memref<16x2048xf32, #tpu.memory_space<vmem>>) target(%dma_start3A_524 : memref<8192x2048xf32, #tpu.memory_space<hbm>>) offsets(%get3A_515 : vector<16xi32>) semaphore(%dma_start3A_526 : memref<!tpu.dma_semaphore, #tpu.memory_space<semaphore_mem>>)
    %dma_wait3A_527 = arith.constant 1 : i32
    %dma_wait3A_528 = arith.constant 1 : i32
    %dma_wait3A_529 = arith.constant 0 : i32
    %dma_wait3A_530 = arith.constant 0 : i32
    %dma_wait3A_531 = tpu.memref_slice %arg6[%dma_wait3A_527, %dma_wait3A_529, %dma_wait3A_530] : memref<3x16x2048xf32, #tpu.memory_space<vmem>> -> memref<1x16x2048xf32, #tpu.memory_space<vmem>>
    %dma_wait3A_532 = tpu.memref_squeeze %dma_wait3A_531 : memref<1x16x2048xf32, #tpu.memory_space<vmem>> -> memref<16x2048xf32, #tpu.memory_space<vmem>>
    %dma_wait3A_533 = arith.constant 0 : i32
    %dma_wait3A_534 = arith.constant 0 : i32
    %dma_wait3A_535 = tpu.memref_slice %arg4[%dma_wait3A_533, %dma_wait3A_534] : memref<8192x2048xf32, #tpu.memory_space<hbm>> -> memref<8192x2048xf32, #tpu.memory_space<hbm>>
    %dma_wait3A_536 = tpu.memref_slice %arg8[%dma_wait3A_528] : memref<3x!tpu.dma_semaphore, #tpu.memory_space<semaphore_mem>> -> memref<1x!tpu.dma_semaphore, #tpu.memory_space<semaphore_mem>>
    %dma_wait3A_537 = tpu.memref_squeeze %dma_wait3A_536 : memref<1x!tpu.dma_semaphore, #tpu.memory_space<semaphore_mem>> -> memref<!tpu.dma_semaphore, #tpu.memory_space<semaphore_mem>>
    tpu.wait_indirect_dma semaphore(%dma_wait3A_537 : memref<!tpu.dma_semaphore, #tpu.memory_space<semaphore_mem>>) src(%dma_wait3A_532 : memref<16x2048xf32, #tpu.memory_space<vmem>>) dst(%dma_wait3A_535 : memref<8192x2048xf32, #tpu.memory_space<hbm>>)
    %add3A_538 = arith.constant 160 : i32
    %add3A_539 = arith.addi %mul3A_2, %add3A_538 : i32
    %dma_start3A_540 = arith.constant 1 : i32
    %dma_start3A_541 = arith.constant 1 : i32
    %dma_start3A_542 = arith.constant 0 : i32
    %dma_start3A_543 = arith.constant 0 : i32
    %dma_start3A_544 = tpu.memref_slice %arg6[%dma_start3A_540, %dma_start3A_542, %dma_start3A_543] : memref<3x16x2048xf32, #tpu.memory_space<vmem>> -> memref<1x16x2048xf32, #tpu.memory_space<vmem>>
    %dma_start3A_545 = tpu.memref_squeeze %dma_start3A_544 : memref<1x16x2048xf32, #tpu.memory_space<vmem>> -> memref<16x2048xf32, #tpu.memory_space<vmem>>
    %dma_start3A_546 = arith.constant 0 : i32
    %dma_start3A_547 = tpu.memref_slice %arg2[%add3A_539, %dma_start3A_546] : memref<8192x2048xf32, #tpu.memory_space<hbm>> -> memref<16x2048xf32, #tpu.memory_space<hbm>>
    %dma_start3A_548 = tpu.memref_slice %arg7[%dma_start3A_541] : memref<3x!tpu.dma_semaphore, #tpu.memory_space<semaphore_mem>> -> memref<1x!tpu.dma_semaphore, #tpu.memory_space<semaphore_mem>>
    %dma_start3A_549 = tpu.memref_squeeze %dma_start3A_548 : memref<1x!tpu.dma_semaphore, #tpu.memory_space<semaphore_mem>> -> memref<!tpu.dma_semaphore, #tpu.memory_space<semaphore_mem>>
    %dma_start3A_550 = arith.constant 0 : i32
    %dma_start3A_551 = arith.constant 0 : i32
    %dma_start3A_552 = tpu.memref_slice %arg6[%dma_start3A_540, %dma_start3A_550, %dma_start3A_551] : memref<3x16x2048xf32, #tpu.memory_space<vmem>> -> memref<1x16x2048xf32, #tpu.memory_space<vmem>>
    %dma_start3A_553 = tpu.memref_squeeze %dma_start3A_552 : memref<1x16x2048xf32, #tpu.memory_space<vmem>> -> memref<16x2048xf32, #tpu.memory_space<vmem>>
    %dma_start3A_554 = arith.constant 0 : i32
    %dma_start3A_555 = tpu.memref_slice %arg2[%add3A_539, %dma_start3A_554] : memref<8192x2048xf32, #tpu.memory_space<hbm>> -> memref<16x2048xf32, #tpu.memory_space<hbm>>
    tpu.enqueue_dma source(%dma_start3A_555 : memref<16x2048xf32, #tpu.memory_space<hbm>>) target(%dma_start3A_553 : memref<16x2048xf32, #tpu.memory_space<vmem>>) target_semaphore(%dma_start3A_549 : memref<!tpu.dma_semaphore, #tpu.memory_space<semaphore_mem>>)
    %dma_wait3A_556 = arith.constant 0 : i32
    %dma_wait3A_557 = arith.constant 0 : i32
    %dma_wait3A_558 = arith.constant 0 : i32
    %dma_wait3A_559 = arith.constant 0 : i32
    %dma_wait3A_560 = tpu.memref_slice %arg6[%dma_wait3A_556, %dma_wait3A_558, %dma_wait3A_559] : memref<3x16x2048xf32, #tpu.memory_space<vmem>> -> memref<1x16x2048xf32, #tpu.memory_space<vmem>>
    %dma_wait3A_561 = tpu.memref_squeeze %dma_wait3A_560 : memref<1x16x2048xf32, #tpu.memory_space<vmem>> -> memref<16x2048xf32, #tpu.memory_space<vmem>>
    %dma_wait3A_562 = arith.constant 0 : i32
    %dma_wait3A_563 = tpu.memref_slice %arg2[%add3A_480, %dma_wait3A_562] : memref<8192x2048xf32, #tpu.memory_space<hbm>> -> memref<16x2048xf32, #tpu.memory_space<hbm>>
    %dma_wait3A_564 = tpu.memref_slice %arg7[%dma_wait3A_557] : memref<3x!tpu.dma_semaphore, #tpu.memory_space<semaphore_mem>> -> memref<1x!tpu.dma_semaphore, #tpu.memory_space<semaphore_mem>>
    %dma_wait3A_565 = tpu.memref_squeeze %dma_wait3A_564 : memref<1x!tpu.dma_semaphore, #tpu.memory_space<semaphore_mem>> -> memref<!tpu.dma_semaphore, #tpu.memory_space<semaphore_mem>>
    %dma_wait3A_566 = arith.constant 0 : i32
    %dma_wait3A_567 = arith.constant 0 : i32
    %dma_wait3A_568 = tpu.memref_slice %arg6[%dma_wait3A_556, %dma_wait3A_566, %dma_wait3A_567] : memref<3x16x2048xf32, #tpu.memory_space<vmem>> -> memref<1x16x2048xf32, #tpu.memory_space<vmem>>
    %dma_wait3A_569 = tpu.memref_squeeze %dma_wait3A_568 : memref<1x16x2048xf32, #tpu.memory_space<vmem>> -> memref<16x2048xf32, #tpu.memory_space<vmem>>
    %dma_wait3A_570 = arith.constant 0 : i32
    %dma_wait3A_571 = tpu.memref_slice %arg2[%add3A_480, %dma_wait3A_570] : memref<8192x2048xf32, #tpu.memory_space<hbm>> -> memref<16x2048xf32, #tpu.memory_space<hbm>>
    tpu.wait_dma2 semaphore(%dma_wait3A_565 : memref<!tpu.dma_semaphore, #tpu.memory_space<semaphore_mem>>) src(%dma_wait3A_571 : memref<16x2048xf32, #tpu.memory_space<hbm>>) dst(%dma_wait3A_569 : memref<16x2048xf32, #tpu.memory_space<vmem>>)
    %get3A_572 = arith.constant 144 : index
    %get3A_573 = tpu.vector_load %arg5[%get3A_572] {strides = array<i32>} : memref<256xi32, #tpu.memory_space<vmem>>, vector<16xi32>,
    %get3A_574 = vector.shape_cast %get3A_573 : vector<16xi32> to vector<16xi32>
    %dma_start3A_575 = arith.constant 0 : i32
    %dma_start3A_576 = arith.constant 0 : i32
    %dma_start3A_577 = arith.constant 0 : i32
    %dma_start3A_578 = arith.constant 0 : i32
    %dma_start3A_579 = tpu.memref_slice %arg6[%dma_start3A_575, %dma_start3A_577, %dma_start3A_578] : memref<3x16x2048xf32, #tpu.memory_space<vmem>> -> memref<1x16x2048xf32, #tpu.memory_space<vmem>>
    %dma_start3A_580 = tpu.memref_squeeze %dma_start3A_579 : memref<1x16x2048xf32, #tpu.memory_space<vmem>> -> memref<16x2048xf32, #tpu.memory_space<vmem>>
    %dma_start3A_581 = arith.constant 0 : i32
    %dma_start3A_582 = arith.constant 0 : i32
    %dma_start3A_583 = tpu.memref_slice %arg4[%dma_start3A_581, %dma_start3A_582] : memref<8192x2048xf32, #tpu.memory_space<hbm>> -> memref<8192x2048xf32, #tpu.memory_space<hbm>>
    %dma_start3A_584 = tpu.memref_slice %arg8[%dma_start3A_576] : memref<3x!tpu.dma_semaphore, #tpu.memory_space<semaphore_mem>> -> memref<1x!tpu.dma_semaphore, #tpu.memory_space<semaphore_mem>>
    %dma_start3A_585 = tpu.memref_squeeze %dma_start3A_584 : memref<1x!tpu.dma_semaphore, #tpu.memory_space<semaphore_mem>> -> memref<!tpu.dma_semaphore, #tpu.memory_space<semaphore_mem>>
    tpu.enqueue_indirect_dma source(%dma_start3A_580 : memref<16x2048xf32, #tpu.memory_space<vmem>>) target(%dma_start3A_583 : memref<8192x2048xf32, #tpu.memory_space<hbm>>) offsets(%get3A_574 : vector<16xi32>) semaphore(%dma_start3A_585 : memref<!tpu.dma_semaphore, #tpu.memory_space<semaphore_mem>>)
    %dma_wait3A_586 = arith.constant 2 : i32
    %dma_wait3A_587 = arith.constant 2 : i32
    %dma_wait3A_588 = arith.constant 0 : i32
    %dma_wait3A_589 = arith.constant 0 : i32
    %dma_wait3A_590 = tpu.memref_slice %arg6[%dma_wait3A_586, %dma_wait3A_588, %dma_wait3A_589] : memref<3x16x2048xf32, #tpu.memory_space<vmem>> -> memref<1x16x2048xf32, #tpu.memory_space<vmem>>
    %dma_wait3A_591 = tpu.memref_squeeze %dma_wait3A_590 : memref<1x16x2048xf32, #tpu.memory_space<vmem>> -> memref<16x2048xf32, #tpu.memory_space<vmem>>
    %dma_wait3A_592 = arith.constant 0 : i32
    %dma_wait3A_593 = arith.constant 0 : i32
    %dma_wait3A_594 = tpu.memref_slice %arg4[%dma_wait3A_592, %dma_wait3A_593] : memref<8192x2048xf32, #tpu.memory_space<hbm>> -> memref<8192x2048xf32, #tpu.memory_space<hbm>>
    %dma_wait3A_595 = tpu.memref_slice %arg8[%dma_wait3A_587] : memref<3x!tpu.dma_semaphore, #tpu.memory_space<semaphore_mem>> -> memref<1x!tpu.dma_semaphore, #tpu.memory_space<semaphore_mem>>
    %dma_wait3A_596 = tpu.memref_squeeze %dma_wait3A_595 : memref<1x!tpu.dma_semaphore, #tpu.memory_space<semaphore_mem>> -> memref<!tpu.dma_semaphore, #tpu.memory_space<semaphore_mem>>
    tpu.wait_indirect_dma semaphore(%dma_wait3A_596 : memref<!tpu.dma_semaphore, #tpu.memory_space<semaphore_mem>>) src(%dma_wait3A_591 : memref<16x2048xf32, #tpu.memory_space<vmem>>) dst(%dma_wait3A_594 : memref<8192x2048xf32, #tpu.memory_space<hbm>>)
    %add3A_597 = arith.constant 176 : i32
    %add3A_598 = arith.addi %mul3A_2, %add3A_597 : i32
    %dma_start3A_599 = arith.constant 2 : i32
    %dma_start3A_600 = arith.constant 2 : i32
    %dma_start3A_601 = arith.constant 0 : i32
    %dma_start3A_602 = arith.constant 0 : i32
    %dma_start3A_603 = tpu.memref_slice %arg6[%dma_start3A_599, %dma_start3A_601, %dma_start3A_602] : memref<3x16x2048xf32, #tpu.memory_space<vmem>> -> memref<1x16x2048xf32, #tpu.memory_space<vmem>>
    %dma_start3A_604 = tpu.memref_squeeze %dma_start3A_603 : memref<1x16x2048xf32, #tpu.memory_space<vmem>> -> memref<16x2048xf32, #tpu.memory_space<vmem>>
    %dma_start3A_605 = arith.constant 0 : i32
    %dma_start3A_606 = tpu.memref_slice %arg2[%add3A_598, %dma_start3A_605] : memref<8192x2048xf32, #tpu.memory_space<hbm>> -> memref<16x2048xf32, #tpu.memory_space<hbm>>
    %dma_start3A_607 = tpu.memref_slice %arg7[%dma_start3A_600] : memref<3x!tpu.dma_semaphore, #tpu.memory_space<semaphore_mem>> -> memref<1x!tpu.dma_semaphore, #tpu.memory_space<semaphore_mem>>
    %dma_start3A_608 = tpu.memref_squeeze %dma_start3A_607 : memref<1x!tpu.dma_semaphore, #tpu.memory_space<semaphore_mem>> -> memref<!tpu.dma_semaphore, #tpu.memory_space<semaphore_mem>>
    %dma_start3A_609 = arith.constant 0 : i32
    %dma_start3A_610 = arith.constant 0 : i32
    %dma_start3A_611 = tpu.memref_slice %arg6[%dma_start3A_599, %dma_start3A_609, %dma_start3A_610] : memref<3x16x2048xf32, #tpu.memory_space<vmem>> -> memref<1x16x2048xf32, #tpu.memory_space<vmem>>
    %dma_start3A_612 = tpu.memref_squeeze %dma_start3A_611 : memref<1x16x2048xf32, #tpu.memory_space<vmem>> -> memref<16x2048xf32, #tpu.memory_space<vmem>>
    %dma_start3A_613 = arith.constant 0 : i32
    %dma_start3A_614 = tpu.memref_slice %arg2[%add3A_598, %dma_start3A_613] : memref<8192x2048xf32, #tpu.memory_space<hbm>> -> memref<16x2048xf32, #tpu.memory_space<hbm>>
    tpu.enqueue_dma source(%dma_start3A_614 : memref<16x2048xf32, #tpu.memory_space<hbm>>) target(%dma_start3A_612 : memref<16x2048xf32, #tpu.memory_space<vmem>>) target_semaphore(%dma_start3A_608 : memref<!tpu.dma_semaphore, #tpu.memory_space<semaphore_mem>>)
    %dma_wait3A_615 = arith.constant 1 : i32
    %dma_wait3A_616 = arith.constant 1 : i32
    %dma_wait3A_617 = arith.constant 0 : i32
    %dma_wait3A_618 = arith.constant 0 : i32
    %dma_wait3A_619 = tpu.memref_slice %arg6[%dma_wait3A_615, %dma_wait3A_617, %dma_wait3A_618] : memref<3x16x2048xf32, #tpu.memory_space<vmem>> -> memref<1x16x2048xf32, #tpu.memory_space<vmem>>
    %dma_wait3A_620 = tpu.memref_squeeze %dma_wait3A_619 : memref<1x16x2048xf32, #tpu.memory_space<vmem>> -> memref<16x2048xf32, #tpu.memory_space<vmem>>
    %dma_wait3A_621 = arith.constant 0 : i32
    %dma_wait3A_622 = tpu.memref_slice %arg2[%add3A_539, %dma_wait3A_621] : memref<8192x2048xf32, #tpu.memory_space<hbm>> -> memref<16x2048xf32, #tpu.memory_space<hbm>>
    %dma_wait3A_623 = tpu.memref_slice %arg7[%dma_wait3A_616] : memref<3x!tpu.dma_semaphore, #tpu.memory_space<semaphore_mem>> -> memref<1x!tpu.dma_semaphore, #tpu.memory_space<semaphore_mem>>
    %dma_wait3A_624 = tpu.memref_squeeze %dma_wait3A_623 : memref<1x!tpu.dma_semaphore, #tpu.memory_space<semaphore_mem>> -> memref<!tpu.dma_semaphore, #tpu.memory_space<semaphore_mem>>
    %dma_wait3A_625 = arith.constant 0 : i32
    %dma_wait3A_626 = arith.constant 0 : i32
    %dma_wait3A_627 = tpu.memref_slice %arg6[%dma_wait3A_615, %dma_wait3A_625, %dma_wait3A_626] : memref<3x16x2048xf32, #tpu.memory_space<vmem>> -> memref<1x16x2048xf32, #tpu.memory_space<vmem>>
    %dma_wait3A_628 = tpu.memref_squeeze %dma_wait3A_627 : memref<1x16x2048xf32, #tpu.memory_space<vmem>> -> memref<16x2048xf32, #tpu.memory_space<vmem>>
    %dma_wait3A_629 = arith.constant 0 : i32
    %dma_wait3A_630 = tpu.memref_slice %arg2[%add3A_539, %dma_wait3A_629] : memref<8192x2048xf32, #tpu.memory_space<hbm>> -> memref<16x2048xf32, #tpu.memory_space<hbm>>
    tpu.wait_dma2 semaphore(%dma_wait3A_624 : memref<!tpu.dma_semaphore, #tpu.memory_space<semaphore_mem>>) src(%dma_wait3A_630 : memref<16x2048xf32, #tpu.memory_space<hbm>>) dst(%dma_wait3A_628 : memref<16x2048xf32, #tpu.memory_space<vmem>>)
    %get3A_631 = arith.constant 160 : index
    %get3A_632 = tpu.vector_load %arg5[%get3A_631] {strides = array<i32>} : memref<256xi32, #tpu.memory_space<vmem>>, vector<16xi32>,
    %get3A_633 = vector.shape_cast %get3A_632 : vector<16xi32> to vector<16xi32>
    %dma_start3A_634 = arith.constant 1 : i32
    %dma_start3A_635 = arith.constant 1 : i32
    %dma_start3A_636 = arith.constant 0 : i32
    %dma_start3A_637 = arith.constant 0 : i32
    %dma_start3A_638 = tpu.memref_slice %arg6[%dma_start3A_634, %dma_start3A_636, %dma_start3A_637] : memref<3x16x2048xf32, #tpu.memory_space<vmem>> -> memref<1x16x2048xf32, #tpu.memory_space<vmem>>
    %dma_start3A_639 = tpu.memref_squeeze %dma_start3A_638 : memref<1x16x2048xf32, #tpu.memory_space<vmem>> -> memref<16x2048xf32, #tpu.memory_space<vmem>>
    %dma_start3A_640 = arith.constant 0 : i32
    %dma_start3A_641 = arith.constant 0 : i32
    %dma_start3A_642 = tpu.memref_slice %arg4[%dma_start3A_640, %dma_start3A_641] : memref<8192x2048xf32, #tpu.memory_space<hbm>> -> memref<8192x2048xf32, #tpu.memory_space<hbm>>
    %dma_start3A_643 = tpu.memref_slice %arg8[%dma_start3A_635] : memref<3x!tpu.dma_semaphore, #tpu.memory_space<semaphore_mem>> -> memref<1x!tpu.dma_semaphore, #tpu.memory_space<semaphore_mem>>
    %dma_start3A_644 = tpu.memref_squeeze %dma_start3A_643 : memref<1x!tpu.dma_semaphore, #tpu.memory_space<semaphore_mem>> -> memref<!tpu.dma_semaphore, #tpu.memory_space<semaphore_mem>>
    tpu.enqueue_indirect_dma source(%dma_start3A_639 : memref<16x2048xf32, #tpu.memory_space<vmem>>) target(%dma_start3A_642 : memref<8192x2048xf32, #tpu.memory_space<hbm>>) offsets(%get3A_633 : vector<16xi32>) semaphore(%dma_start3A_644 : memref<!tpu.dma_semaphore, #tpu.memory_space<semaphore_mem>>)
    %dma_wait3A_645 = arith.constant 0 : i32
    %dma_wait3A_646 = arith.constant 0 : i32
    %dma_wait3A_647 = arith.constant 0 : i32
    %dma_wait3A_648 = arith.constant 0 : i32
    %dma_wait3A_649 = tpu.memref_slice %arg6[%dma_wait3A_645, %dma_wait3A_647, %dma_wait3A_648] : memref<3x16x2048xf32, #tpu.memory_space<vmem>> -> memref<1x16x2048xf32, #tpu.memory_space<vmem>>
    %dma_wait3A_650 = tpu.memref_squeeze %dma_wait3A_649 : memref<1x16x2048xf32, #tpu.memory_space<vmem>> -> memref<16x2048xf32, #tpu.memory_space<vmem>>
    %dma_wait3A_651 = arith.constant 0 : i32
    %dma_wait3A_652 = arith.constant 0 : i32
    %dma_wait3A_653 = tpu.memref_slice %arg4[%dma_wait3A_651, %dma_wait3A_652] : memref<8192x2048xf32, #tpu.memory_space<hbm>> -> memref<8192x2048xf32, #tpu.memory_space<hbm>>
    %dma_wait3A_654 = tpu.memref_slice %arg8[%dma_wait3A_646] : memref<3x!tpu.dma_semaphore, #tpu.memory_space<semaphore_mem>> -> memref<1x!tpu.dma_semaphore, #tpu.memory_space<semaphore_mem>>
    %dma_wait3A_655 = tpu.memref_squeeze %dma_wait3A_654 : memref<1x!tpu.dma_semaphore, #tpu.memory_space<semaphore_mem>> -> memref<!tpu.dma_semaphore, #tpu.memory_space<semaphore_mem>>
    tpu.wait_indirect_dma semaphore(%dma_wait3A_655 : memref<!tpu.dma_semaphore, #tpu.memory_space<semaphore_mem>>) src(%dma_wait3A_650 : memref<16x2048xf32, #tpu.memory_space<vmem>>) dst(%dma_wait3A_653 : memref<8192x2048xf32, #tpu.memory_space<hbm>>)
    %add3A_656 = arith.constant 192 : i32
    %add3A_657 = arith.addi %mul3A_2, %add3A_656 : i32
    %dma_start3A_658 = arith.constant 0 : i32
    %dma_start3A_659 = arith.constant 0 : i32
    %dma_start3A_660 = arith.constant 0 : i32
    %dma_start3A_661 = arith.constant 0 : i32
    %dma_start3A_662 = tpu.memref_slice %arg6[%dma_start3A_658, %dma_start3A_660, %dma_start3A_661] : memref<3x16x2048xf32, #tpu.memory_space<vmem>> -> memref<1x16x2048xf32, #tpu.memory_space<vmem>>
    %dma_start3A_663 = tpu.memref_squeeze %dma_start3A_662 : memref<1x16x2048xf32, #tpu.memory_space<vmem>> -> memref<16x2048xf32, #tpu.memory_space<vmem>>
    %dma_start3A_664 = arith.constant 0 : i32
    %dma_start3A_665 = tpu.memref_slice %arg2[%add3A_657, %dma_start3A_664] : memref<8192x2048xf32, #tpu.memory_space<hbm>> -> memref<16x2048xf32, #tpu.memory_space<hbm>>
    %dma_start3A_666 = tpu.memref_slice %arg7[%dma_start3A_659] : memref<3x!tpu.dma_semaphore, #tpu.memory_space<semaphore_mem>> -> memref<1x!tpu.dma_semaphore, #tpu.memory_space<semaphore_mem>>
    %dma_start3A_667 = tpu.memref_squeeze %dma_start3A_666 : memref<1x!tpu.dma_semaphore, #tpu.memory_space<semaphore_mem>> -> memref<!tpu.dma_semaphore, #tpu.memory_space<semaphore_mem>>
    %dma_start3A_668 = arith.constant 0 : i32
    %dma_start3A_669 = arith.constant 0 : i32
    %dma_start3A_670 = tpu.memref_slice %arg6[%dma_start3A_658, %dma_start3A_668, %dma_start3A_669] : memref<3x16x2048xf32, #tpu.memory_space<vmem>> -> memref<1x16x2048xf32, #tpu.memory_space<vmem>>
    %dma_start3A_671 = tpu.memref_squeeze %dma_start3A_670 : memref<1x16x2048xf32, #tpu.memory_space<vmem>> -> memref<16x2048xf32, #tpu.memory_space<vmem>>
    %dma_start3A_672 = arith.constant 0 : i32
    %dma_start3A_673 = tpu.memref_slice %arg2[%add3A_657, %dma_start3A_672] : memref<8192x2048xf32, #tpu.memory_space<hbm>> -> memref<16x2048xf32, #tpu.memory_space<hbm>>
    tpu.enqueue_dma source(%dma_start3A_673 : memref<16x2048xf32, #tpu.memory_space<hbm>>) target(%dma_start3A_671 : memref<16x2048xf32, #tpu.memory_space<vmem>>) target_semaphore(%dma_start3A_667 : memref<!tpu.dma_semaphore, #tpu.memory_space<semaphore_mem>>)
    %dma_wait3A_674 = arith.constant 2 : i32
    %dma_wait3A_675 = arith.constant 2 : i32
    %dma_wait3A_676 = arith.constant 0 : i32
    %dma_wait3A_677 = arith.constant 0 : i32
    %dma_wait3A_678 = tpu.memref_slice %arg6[%dma_wait3A_674, %dma_wait3A_676, %dma_wait3A_677] : memref<3x16x2048xf32, #tpu.memory_space<vmem>> -> memref<1x16x2048xf32, #tpu.memory_space<vmem>>
    %dma_wait3A_679 = tpu.memref_squeeze %dma_wait3A_678 : memref<1x16x2048xf32, #tpu.memory_space<vmem>> -> memref<16x2048xf32, #tpu.memory_space<vmem>>
    %dma_wait3A_680 = arith.constant 0 : i32
    %dma_wait3A_681 = tpu.memref_slice %arg2[%add3A_598, %dma_wait3A_680] : memref<8192x2048xf32, #tpu.memory_space<hbm>> -> memref<16x2048xf32, #tpu.memory_space<hbm>>
    %dma_wait3A_682 = tpu.memref_slice %arg7[%dma_wait3A_675] : memref<3x!tpu.dma_semaphore, #tpu.memory_space<semaphore_mem>> -> memref<1x!tpu.dma_semaphore, #tpu.memory_space<semaphore_mem>>
    %dma_wait3A_683 = tpu.memref_squeeze %dma_wait3A_682 : memref<1x!tpu.dma_semaphore, #tpu.memory_space<semaphore_mem>> -> memref<!tpu.dma_semaphore, #tpu.memory_space<semaphore_mem>>
    %dma_wait3A_684 = arith.constant 0 : i32
    %dma_wait3A_685 = arith.constant 0 : i32
    %dma_wait3A_686 = tpu.memref_slice %arg6[%dma_wait3A_674, %dma_wait3A_684, %dma_wait3A_685] : memref<3x16x2048xf32, #tpu.memory_space<vmem>> -> memref<1x16x2048xf32, #tpu.memory_space<vmem>>
    %dma_wait3A_687 = tpu.memref_squeeze %dma_wait3A_686 : memref<1x16x2048xf32, #tpu.memory_space<vmem>> -> memref<16x2048xf32, #tpu.memory_space<vmem>>
    %dma_wait3A_688 = arith.constant 0 : i32
    %dma_wait3A_689 = tpu.memref_slice %arg2[%add3A_598, %dma_wait3A_688] : memref<8192x2048xf32, #tpu.memory_space<hbm>> -> memref<16x2048xf32, #tpu.memory_space<hbm>>
    tpu.wait_dma2 semaphore(%dma_wait3A_683 : memref<!tpu.dma_semaphore, #tpu.memory_space<semaphore_mem>>) src(%dma_wait3A_689 : memref<16x2048xf32, #tpu.memory_space<hbm>>) dst(%dma_wait3A_687 : memref<16x2048xf32, #tpu.memory_space<vmem>>)
    %get3A_690 = arith.constant 176 : index
    %get3A_691 = tpu.vector_load %arg5[%get3A_690] {strides = array<i32>} : memref<256xi32, #tpu.memory_space<vmem>>, vector<16xi32>,
    %get3A_692 = vector.shape_cast %get3A_691 : vector<16xi32> to vector<16xi32>
    %dma_start3A_693 = arith.constant 2 : i32
    %dma_start3A_694 = arith.constant 2 : i32
    %dma_start3A_695 = arith.constant 0 : i32
    %dma_start3A_696 = arith.constant 0 : i32
    %dma_start3A_697 = tpu.memref_slice %arg6[%dma_start3A_693, %dma_start3A_695, %dma_start3A_696] : memref<3x16x2048xf32, #tpu.memory_space<vmem>> -> memref<1x16x2048xf32, #tpu.memory_space<vmem>>
    %dma_start3A_698 = tpu.memref_squeeze %dma_start3A_697 : memref<1x16x2048xf32, #tpu.memory_space<vmem>> -> memref<16x2048xf32, #tpu.memory_space<vmem>>
    %dma_start3A_699 = arith.constant 0 : i32
    %dma_start3A_700 = arith.constant 0 : i32
    %dma_start3A_701 = tpu.memref_slice %arg4[%dma_start3A_699, %dma_start3A_700] : memref<8192x2048xf32, #tpu.memory_space<hbm>> -> memref<8192x2048xf32, #tpu.memory_space<hbm>>
    %dma_start3A_702 = tpu.memref_slice %arg8[%dma_start3A_694] : memref<3x!tpu.dma_semaphore, #tpu.memory_space<semaphore_mem>> -> memref<1x!tpu.dma_semaphore, #tpu.memory_space<semaphore_mem>>
    %dma_start3A_703 = tpu.memref_squeeze %dma_start3A_702 : memref<1x!tpu.dma_semaphore, #tpu.memory_space<semaphore_mem>> -> memref<!tpu.dma_semaphore, #tpu.memory_space<semaphore_mem>>
    tpu.enqueue_indirect_dma source(%dma_start3A_698 : memref<16x2048xf32, #tpu.memory_space<vmem>>) target(%dma_start3A_701 : memref<8192x2048xf32, #tpu.memory_space<hbm>>) offsets(%get3A_692 : vector<16xi32>) semaphore(%dma_start3A_703 : memref<!tpu.dma_semaphore, #tpu.memory_space<semaphore_mem>>)
    %dma_wait3A_704 = arith.constant 1 : i32
    %dma_wait3A_705 = arith.constant 1 : i32
    %dma_wait3A_706 = arith.constant 0 : i32
    %dma_wait3A_707 = arith.constant 0 : i32
    %dma_wait3A_708 = tpu.memref_slice %arg6[%dma_wait3A_704, %dma_wait3A_706, %dma_wait3A_707] : memref<3x16x2048xf32, #tpu.memory_space<vmem>> -> memref<1x16x2048xf32, #tpu.memory_space<vmem>>
    %dma_wait3A_709 = tpu.memref_squeeze %dma_wait3A_708 : memref<1x16x2048xf32, #tpu.memory_space<vmem>> -> memref<16x2048xf32, #tpu.memory_space<vmem>>
    %dma_wait3A_710 = arith.constant 0 : i32
    %dma_wait3A_711 = arith.constant 0 : i32
    %dma_wait3A_712 = tpu.memref_slice %arg4[%dma_wait3A_710, %dma_wait3A_711] : memref<8192x2048xf32, #tpu.memory_space<hbm>> -> memref<8192x2048xf32, #tpu.memory_space<hbm>>
    %dma_wait3A_713 = tpu.memref_slice %arg8[%dma_wait3A_705] : memref<3x!tpu.dma_semaphore, #tpu.memory_space<semaphore_mem>> -> memref<1x!tpu.dma_semaphore, #tpu.memory_space<semaphore_mem>>
    %dma_wait3A_714 = tpu.memref_squeeze %dma_wait3A_713 : memref<1x!tpu.dma_semaphore, #tpu.memory_space<semaphore_mem>> -> memref<!tpu.dma_semaphore, #tpu.memory_space<semaphore_mem>>
    tpu.wait_indirect_dma semaphore(%dma_wait3A_714 : memref<!tpu.dma_semaphore, #tpu.memory_space<semaphore_mem>>) src(%dma_wait3A_709 : memref<16x2048xf32, #tpu.memory_space<vmem>>) dst(%dma_wait3A_712 : memref<8192x2048xf32, #tpu.memory_space<hbm>>)
    %add3A_715 = arith.constant 208 : i32
    %add3A_716 = arith.addi %mul3A_2, %add3A_715 : i32
    %dma_start3A_717 = arith.constant 1 : i32
    %dma_start3A_718 = arith.constant 1 : i32
    %dma_start3A_719 = arith.constant 0 : i32
    %dma_start3A_720 = arith.constant 0 : i32
    %dma_start3A_721 = tpu.memref_slice %arg6[%dma_start3A_717, %dma_start3A_719, %dma_start3A_720] : memref<3x16x2048xf32, #tpu.memory_space<vmem>> -> memref<1x16x2048xf32, #tpu.memory_space<vmem>>
    %dma_start3A_722 = tpu.memref_squeeze %dma_start3A_721 : memref<1x16x2048xf32, #tpu.memory_space<vmem>> -> memref<16x2048xf32, #tpu.memory_space<vmem>>
    %dma_start3A_723 = arith.constant 0 : i32
    %dma_start3A_724 = tpu.memref_slice %arg2[%add3A_716, %dma_start3A_723] : memref<8192x2048xf32, #tpu.memory_space<hbm>> -> memref<16x2048xf32, #tpu.memory_space<hbm>>
    %dma_start3A_725 = tpu.memref_slice %arg7[%dma_start3A_718] : memref<3x!tpu.dma_semaphore, #tpu.memory_space<semaphore_mem>> -> memref<1x!tpu.dma_semaphore, #tpu.memory_space<semaphore_mem>>
    %dma_start3A_726 = tpu.memref_squeeze %dma_start3A_725 : memref<1x!tpu.dma_semaphore, #tpu.memory_space<semaphore_mem>> -> memref<!tpu.dma_semaphore, #tpu.memory_space<semaphore_mem>>
    %dma_start3A_727 = arith.constant 0 : i32
    %dma_start3A_728 = arith.constant 0 : i32
    %dma_start3A_729 = tpu.memref_slice %arg6[%dma_start3A_717, %dma_start3A_727, %dma_start3A_728] : memref<3x16x2048xf32, #tpu.memory_space<vmem>> -> memref<1x16x2048xf32, #tpu.memory_space<vmem>>
    %dma_start3A_730 = tpu.memref_squeeze %dma_start3A_729 : memref<1x16x2048xf32, #tpu.memory_space<vmem>> -> memref<16x2048xf32, #tpu.memory_space<vmem>>
    %dma_start3A_731 = arith.constant 0 : i32
    %dma_start3A_732 = tpu.memref_slice %arg2[%add3A_716, %dma_start3A_731] : memref<8192x2048xf32, #tpu.memory_space<hbm>> -> memref<16x2048xf32, #tpu.memory_space<hbm>>
    tpu.enqueue_dma source(%dma_start3A_732 : memref<16x2048xf32, #tpu.memory_space<hbm>>) target(%dma_start3A_730 : memref<16x2048xf32, #tpu.memory_space<vmem>>) target_semaphore(%dma_start3A_726 : memref<!tpu.dma_semaphore, #tpu.memory_space<semaphore_mem>>)
    %dma_wait3A_733 = arith.constant 0 : i32
    %dma_wait3A_734 = arith.constant 0 : i32
    %dma_wait3A_735 = arith.constant 0 : i32
    %dma_wait3A_736 = arith.constant 0 : i32
    %dma_wait3A_737 = tpu.memref_slice %arg6[%dma_wait3A_733, %dma_wait3A_735, %dma_wait3A_736] : memref<3x16x2048xf32, #tpu.memory_space<vmem>> -> memref<1x16x2048xf32, #tpu.memory_space<vmem>>
    %dma_wait3A_738 = tpu.memref_squeeze %dma_wait3A_737 : memref<1x16x2048xf32, #tpu.memory_space<vmem>> -> memref<16x2048xf32, #tpu.memory_space<vmem>>
    %dma_wait3A_739 = arith.constant 0 : i32
    %dma_wait3A_740 = tpu.memref_slice %arg2[%add3A_657, %dma_wait3A_739] : memref<8192x2048xf32, #tpu.memory_space<hbm>> -> memref<16x2048xf32, #tpu.memory_space<hbm>>
    %dma_wait3A_741 = tpu.memref_slice %arg7[%dma_wait3A_734] : memref<3x!tpu.dma_semaphore, #tpu.memory_space<semaphore_mem>> -> memref<1x!tpu.dma_semaphore, #tpu.memory_space<semaphore_mem>>
    %dma_wait3A_742 = tpu.memref_squeeze %dma_wait3A_741 : memref<1x!tpu.dma_semaphore, #tpu.memory_space<semaphore_mem>> -> memref<!tpu.dma_semaphore, #tpu.memory_space<semaphore_mem>>
    %dma_wait3A_743 = arith.constant 0 : i32
    %dma_wait3A_744 = arith.constant 0 : i32
    %dma_wait3A_745 = tpu.memref_slice %arg6[%dma_wait3A_733, %dma_wait3A_743, %dma_wait3A_744] : memref<3x16x2048xf32, #tpu.memory_space<vmem>> -> memref<1x16x2048xf32, #tpu.memory_space<vmem>>
    %dma_wait3A_746 = tpu.memref_squeeze %dma_wait3A_745 : memref<1x16x2048xf32, #tpu.memory_space<vmem>> -> memref<16x2048xf32, #tpu.memory_space<vmem>>
    %dma_wait3A_747 = arith.constant 0 : i32
    %dma_wait3A_748 = tpu.memref_slice %arg2[%add3A_657, %dma_wait3A_747] : memref<8192x2048xf32, #tpu.memory_space<hbm>> -> memref<16x2048xf32, #tpu.memory_space<hbm>>
    tpu.wait_dma2 semaphore(%dma_wait3A_742 : memref<!tpu.dma_semaphore, #tpu.memory_space<semaphore_mem>>) src(%dma_wait3A_748 : memref<16x2048xf32, #tpu.memory_space<hbm>>) dst(%dma_wait3A_746 : memref<16x2048xf32, #tpu.memory_space<vmem>>)
    %get3A_749 = arith.constant 192 : index
    %get3A_750 = tpu.vector_load %arg5[%get3A_749] {strides = array<i32>} : memref<256xi32, #tpu.memory_space<vmem>>, vector<16xi32>,
    %get3A_751 = vector.shape_cast %get3A_750 : vector<16xi32> to vector<16xi32>
    %dma_start3A_752 = arith.constant 0 : i32
    %dma_start3A_753 = arith.constant 0 : i32
    %dma_start3A_754 = arith.constant 0 : i32
    %dma_start3A_755 = arith.constant 0 : i32
    %dma_start3A_756 = tpu.memref_slice %arg6[%dma_start3A_752, %dma_start3A_754, %dma_start3A_755] : memref<3x16x2048xf32, #tpu.memory_space<vmem>> -> memref<1x16x2048xf32, #tpu.memory_space<vmem>>
    %dma_start3A_757 = tpu.memref_squeeze %dma_start3A_756 : memref<1x16x2048xf32, #tpu.memory_space<vmem>> -> memref<16x2048xf32, #tpu.memory_space<vmem>>
    %dma_start3A_758 = arith.constant 0 : i32
    %dma_start3A_759 = arith.constant 0 : i32
    %dma_start3A_760 = tpu.memref_slice %arg4[%dma_start3A_758, %dma_start3A_759] : memref<8192x2048xf32, #tpu.memory_space<hbm>> -> memref<8192x2048xf32, #tpu.memory_space<hbm>>
    %dma_start3A_761 = tpu.memref_slice %arg8[%dma_start3A_753] : memref<3x!tpu.dma_semaphore, #tpu.memory_space<semaphore_mem>> -> memref<1x!tpu.dma_semaphore, #tpu.memory_space<semaphore_mem>>
    %dma_start3A_762 = tpu.memref_squeeze %dma_start3A_761 : memref<1x!tpu.dma_semaphore, #tpu.memory_space<semaphore_mem>> -> memref<!tpu.dma_semaphore, #tpu.memory_space<semaphore_mem>>
    tpu.enqueue_indirect_dma source(%dma_start3A_757 : memref<16x2048xf32, #tpu.memory_space<vmem>>) target(%dma_start3A_760 : memref<8192x2048xf32, #tpu.memory_space<hbm>>) offsets(%get3A_751 : vector<16xi32>) semaphore(%dma_start3A_762 : memref<!tpu.dma_semaphore, #tpu.memory_space<semaphore_mem>>)
    %dma_wait3A_763 = arith.constant 2 : i32
    %dma_wait3A_764 = arith.constant 2 : i32
    %dma_wait3A_765 = arith.constant 0 : i32
    %dma_wait3A_766 = arith.constant 0 : i32
    %dma_wait3A_767 = tpu.memref_slice %arg6[%dma_wait3A_763, %dma_wait3A_765, %dma_wait3A_766] : memref<3x16x2048xf32, #tpu.memory_space<vmem>> -> memref<1x16x2048xf32, #tpu.memory_space<vmem>>
    %dma_wait3A_768 = tpu.memref_squeeze %dma_wait3A_767 : memref<1x16x2048xf32, #tpu.memory_space<vmem>> -> memref<16x2048xf32, #tpu.memory_space<vmem>>
    %dma_wait3A_769 = arith.constant 0 : i32
    %dma_wait3A_770 = arith.constant 0 : i32
    %dma_wait3A_771 = tpu.memref_slice %arg4[%dma_wait3A_769, %dma_wait3A_770] : memref<8192x2048xf32, #tpu.memory_space<hbm>> -> memref<8192x2048xf32, #tpu.memory_space<hbm>>
    %dma_wait3A_772 = tpu.memref_slice %arg8[%dma_wait3A_764] : memref<3x!tpu.dma_semaphore, #tpu.memory_space<semaphore_mem>> -> memref<1x!tpu.dma_semaphore, #tpu.memory_space<semaphore_mem>>
    %dma_wait3A_773 = tpu.memref_squeeze %dma_wait3A_772 : memref<1x!tpu.dma_semaphore, #tpu.memory_space<semaphore_mem>> -> memref<!tpu.dma_semaphore, #tpu.memory_space<semaphore_mem>>
    tpu.wait_indirect_dma semaphore(%dma_wait3A_773 : memref<!tpu.dma_semaphore, #tpu.memory_space<semaphore_mem>>) src(%dma_wait3A_768 : memref<16x2048xf32, #tpu.memory_space<vmem>>) dst(%dma_wait3A_771 : memref<8192x2048xf32, #tpu.memory_space<hbm>>)
    %add3A_774 = arith.constant 224 : i32
    %add3A_775 = arith.addi %mul3A_2, %add3A_774 : i32
    %dma_start3A_776 = arith.constant 2 : i32
    %dma_start3A_777 = arith.constant 2 : i32
    %dma_start3A_778 = arith.constant 0 : i32
    %dma_start3A_779 = arith.constant 0 : i32
    %dma_start3A_780 = tpu.memref_slice %arg6[%dma_start3A_776, %dma_start3A_778, %dma_start3A_779] : memref<3x16x2048xf32, #tpu.memory_space<vmem>> -> memref<1x16x2048xf32, #tpu.memory_space<vmem>>
    %dma_start3A_781 = tpu.memref_squeeze %dma_start3A_780 : memref<1x16x2048xf32, #tpu.memory_space<vmem>> -> memref<16x2048xf32, #tpu.memory_space<vmem>>
    %dma_start3A_782 = arith.constant 0 : i32
    %dma_start3A_783 = tpu.memref_slice %arg2[%add3A_775, %dma_start3A_782] : memref<8192x2048xf32, #tpu.memory_space<hbm>> -> memref<16x2048xf32, #tpu.memory_space<hbm>>
    %dma_start3A_784 = tpu.memref_slice %arg7[%dma_start3A_777] : memref<3x!tpu.dma_semaphore, #tpu.memory_space<semaphore_mem>> -> memref<1x!tpu.dma_semaphore, #tpu.memory_space<semaphore_mem>>
    %dma_start3A_785 = tpu.memref_squeeze %dma_start3A_784 : memref<1x!tpu.dma_semaphore, #tpu.memory_space<semaphore_mem>> -> memref<!tpu.dma_semaphore, #tpu.memory_space<semaphore_mem>>
    %dma_start3A_786 = arith.constant 0 : i32
    %dma_start3A_787 = arith.constant 0 : i32
    %dma_start3A_788 = tpu.memref_slice %arg6[%dma_start3A_776, %dma_start3A_786, %dma_start3A_787] : memref<3x16x2048xf32, #tpu.memory_space<vmem>> -> memref<1x16x2048xf32, #tpu.memory_space<vmem>>
    %dma_start3A_789 = tpu.memref_squeeze %dma_start3A_788 : memref<1x16x2048xf32, #tpu.memory_space<vmem>> -> memref<16x2048xf32, #tpu.memory_space<vmem>>
    %dma_start3A_790 = arith.constant 0 : i32
    %dma_start3A_791 = tpu.memref_slice %arg2[%add3A_775, %dma_start3A_790] : memref<8192x2048xf32, #tpu.memory_space<hbm>> -> memref<16x2048xf32, #tpu.memory_space<hbm>>
    tpu.enqueue_dma source(%dma_start3A_791 : memref<16x2048xf32, #tpu.memory_space<hbm>>) target(%dma_start3A_789 : memref<16x2048xf32, #tpu.memory_space<vmem>>) target_semaphore(%dma_start3A_785 : memref<!tpu.dma_semaphore, #tpu.memory_space<semaphore_mem>>)
    %dma_wait3A_792 = arith.constant 1 : i32
    %dma_wait3A_793 = arith.constant 1 : i32
    %dma_wait3A_794 = arith.constant 0 : i32
    %dma_wait3A_795 = arith.constant 0 : i32
    %dma_wait3A_796 = tpu.memref_slice %arg6[%dma_wait3A_792, %dma_wait3A_794, %dma_wait3A_795] : memref<3x16x2048xf32, #tpu.memory_space<vmem>> -> memref<1x16x2048xf32, #tpu.memory_space<vmem>>
    %dma_wait3A_797 = tpu.memref_squeeze %dma_wait3A_796 : memref<1x16x2048xf32, #tpu.memory_space<vmem>> -> memref<16x2048xf32, #tpu.memory_space<vmem>>
    %dma_wait3A_798 = arith.constant 0 : i32
    %dma_wait3A_799 = tpu.memref_slice %arg2[%add3A_716, %dma_wait3A_798] : memref<8192x2048xf32, #tpu.memory_space<hbm>> -> memref<16x2048xf32, #tpu.memory_space<hbm>>
    %dma_wait3A_800 = tpu.memref_slice %arg7[%dma_wait3A_793] : memref<3x!tpu.dma_semaphore, #tpu.memory_space<semaphore_mem>> -> memref<1x!tpu.dma_semaphore, #tpu.memory_space<semaphore_mem>>
    %dma_wait3A_801 = tpu.memref_squeeze %dma_wait3A_800 : memref<1x!tpu.dma_semaphore, #tpu.memory_space<semaphore_mem>> -> memref<!tpu.dma_semaphore, #tpu.memory_space<semaphore_mem>>
    %dma_wait3A_802 = arith.constant 0 : i32
    %dma_wait3A_803 = arith.constant 0 : i32
    %dma_wait3A_804 = tpu.memref_slice %arg6[%dma_wait3A_792, %dma_wait3A_802, %dma_wait3A_803] : memref<3x16x2048xf32, #tpu.memory_space<vmem>> -> memref<1x16x2048xf32, #tpu.memory_space<vmem>>
    %dma_wait3A_805 = tpu.memref_squeeze %dma_wait3A_804 : memref<1x16x2048xf32, #tpu.memory_space<vmem>> -> memref<16x2048xf32, #tpu.memory_space<vmem>>
    %dma_wait3A_806 = arith.constant 0 : i32
    %dma_wait3A_807 = tpu.memref_slice %arg2[%add3A_716, %dma_wait3A_806] : memref<8192x2048xf32, #tpu.memory_space<hbm>> -> memref<16x2048xf32, #tpu.memory_space<hbm>>
    tpu.wait_dma2 semaphore(%dma_wait3A_801 : memref<!tpu.dma_semaphore, #tpu.memory_space<semaphore_mem>>) src(%dma_wait3A_807 : memref<16x2048xf32, #tpu.memory_space<hbm>>) dst(%dma_wait3A_805 : memref<16x2048xf32, #tpu.memory_space<vmem>>)
    %get3A_808 = arith.constant 208 : index
    %get3A_809 = tpu.vector_load %arg5[%get3A_808] {strides = array<i32>} : memref<256xi32, #tpu.memory_space<vmem>>, vector<16xi32>,
    %get3A_810 = vector.shape_cast %get3A_809 : vector<16xi32> to vector<16xi32>
    %dma_start3A_811 = arith.constant 1 : i32
    %dma_start3A_812 = arith.constant 1 : i32
    %dma_start3A_813 = arith.constant 0 : i32
    %dma_start3A_814 = arith.constant 0 : i32
    %dma_start3A_815 = tpu.memref_slice %arg6[%dma_start3A_811, %dma_start3A_813, %dma_start3A_814] : memref<3x16x2048xf32, #tpu.memory_space<vmem>> -> memref<1x16x2048xf32, #tpu.memory_space<vmem>>
    %dma_start3A_816 = tpu.memref_squeeze %dma_start3A_815 : memref<1x16x2048xf32, #tpu.memory_space<vmem>> -> memref<16x2048xf32, #tpu.memory_space<vmem>>
    %dma_start3A_817 = arith.constant 0 : i32
    %dma_start3A_818 = arith.constant 0 : i32
    %dma_start3A_819 = tpu.memref_slice %arg4[%dma_start3A_817, %dma_start3A_818] : memref<8192x2048xf32, #tpu.memory_space<hbm>> -> memref<8192x2048xf32, #tpu.memory_space<hbm>>
    %dma_start3A_820 = tpu.memref_slice %arg8[%dma_start3A_812] : memref<3x!tpu.dma_semaphore, #tpu.memory_space<semaphore_mem>> -> memref<1x!tpu.dma_semaphore, #tpu.memory_space<semaphore_mem>>
    %dma_start3A_821 = tpu.memref_squeeze %dma_start3A_820 : memref<1x!tpu.dma_semaphore, #tpu.memory_space<semaphore_mem>> -> memref<!tpu.dma_semaphore, #tpu.memory_space<semaphore_mem>>
    tpu.enqueue_indirect_dma source(%dma_start3A_816 : memref<16x2048xf32, #tpu.memory_space<vmem>>) target(%dma_start3A_819 : memref<8192x2048xf32, #tpu.memory_space<hbm>>) offsets(%get3A_810 : vector<16xi32>) semaphore(%dma_start3A_821 : memref<!tpu.dma_semaphore, #tpu.memory_space<semaphore_mem>>)
    %dma_wait3A_822 = arith.constant 0 : i32
    %dma_wait3A_823 = arith.constant 0 : i32
    %dma_wait3A_824 = arith.constant 0 : i32
    %dma_wait3A_825 = arith.constant 0 : i32
    %dma_wait3A_826 = tpu.memref_slice %arg6[%dma_wait3A_822, %dma_wait3A_824, %dma_wait3A_825] : memref<3x16x2048xf32, #tpu.memory_space<vmem>> -> memref<1x16x2048xf32, #tpu.memory_space<vmem>>
    %dma_wait3A_827 = tpu.memref_squeeze %dma_wait3A_826 : memref<1x16x2048xf32, #tpu.memory_space<vmem>> -> memref<16x2048xf32, #tpu.memory_space<vmem>>
    %dma_wait3A_828 = arith.constant 0 : i32
    %dma_wait3A_829 = arith.constant 0 : i32
    %dma_wait3A_830 = tpu.memref_slice %arg4[%dma_wait3A_828, %dma_wait3A_829] : memref<8192x2048xf32, #tpu.memory_space<hbm>> -> memref<8192x2048xf32, #tpu.memory_space<hbm>>
    %dma_wait3A_831 = tpu.memref_slice %arg8[%dma_wait3A_823] : memref<3x!tpu.dma_semaphore, #tpu.memory_space<semaphore_mem>> -> memref<1x!tpu.dma_semaphore, #tpu.memory_space<semaphore_mem>>
    %dma_wait3A_832 = tpu.memref_squeeze %dma_wait3A_831 : memref<1x!tpu.dma_semaphore, #tpu.memory_space<semaphore_mem>> -> memref<!tpu.dma_semaphore, #tpu.memory_space<semaphore_mem>>
    tpu.wait_indirect_dma semaphore(%dma_wait3A_832 : memref<!tpu.dma_semaphore, #tpu.memory_space<semaphore_mem>>) src(%dma_wait3A_827 : memref<16x2048xf32, #tpu.memory_space<vmem>>) dst(%dma_wait3A_830 : memref<8192x2048xf32, #tpu.memory_space<hbm>>)
    %add3A_833 = arith.constant 240 : i32
    %add3A_834 = arith.addi %mul3A_2, %add3A_833 : i32
    %dma_start3A_835 = arith.constant 0 : i32
    %dma_start3A_836 = arith.constant 0 : i32
    %dma_start3A_837 = arith.constant 0 : i32
    %dma_start3A_838 = arith.constant 0 : i32
    %dma_start3A_839 = tpu.memref_slice %arg6[%dma_start3A_835, %dma_start3A_837, %dma_start3A_838] : memref<3x16x2048xf32, #tpu.memory_space<vmem>> -> memref<1x16x2048xf32, #tpu.memory_space<vmem>>
    %dma_start3A_840 = tpu.memref_squeeze %dma_start3A_839 : memref<1x16x2048xf32, #tpu.memory_space<vmem>> -> memref<16x2048xf32, #tpu.memory_space<vmem>>
    %dma_start3A_841 = arith.constant 0 : i32
    %dma_start3A_842 = tpu.memref_slice %arg2[%add3A_834, %dma_start3A_841] : memref<8192x2048xf32, #tpu.memory_space<hbm>> -> memref<16x2048xf32, #tpu.memory_space<hbm>>
    %dma_start3A_843 = tpu.memref_slice %arg7[%dma_start3A_836] : memref<3x!tpu.dma_semaphore, #tpu.memory_space<semaphore_mem>> -> memref<1x!tpu.dma_semaphore, #tpu.memory_space<semaphore_mem>>
    %dma_start3A_844 = tpu.memref_squeeze %dma_start3A_843 : memref<1x!tpu.dma_semaphore, #tpu.memory_space<semaphore_mem>> -> memref<!tpu.dma_semaphore, #tpu.memory_space<semaphore_mem>>
    %dma_start3A_845 = arith.constant 0 : i32
    %dma_start3A_846 = arith.constant 0 : i32
    %dma_start3A_847 = tpu.memref_slice %arg6[%dma_start3A_835, %dma_start3A_845, %dma_start3A_846] : memref<3x16x2048xf32, #tpu.memory_space<vmem>> -> memref<1x16x2048xf32, #tpu.memory_space<vmem>>
    %dma_start3A_848 = tpu.memref_squeeze %dma_start3A_847 : memref<1x16x2048xf32, #tpu.memory_space<vmem>> -> memref<16x2048xf32, #tpu.memory_space<vmem>>
    %dma_start3A_849 = arith.constant 0 : i32
    %dma_start3A_850 = tpu.memref_slice %arg2[%add3A_834, %dma_start3A_849] : memref<8192x2048xf32, #tpu.memory_space<hbm>> -> memref<16x2048xf32, #tpu.memory_space<hbm>>
    tpu.enqueue_dma source(%dma_start3A_850 : memref<16x2048xf32, #tpu.memory_space<hbm>>) target(%dma_start3A_848 : memref<16x2048xf32, #tpu.memory_space<vmem>>) target_semaphore(%dma_start3A_844 : memref<!tpu.dma_semaphore, #tpu.memory_space<semaphore_mem>>)
    %dma_wait3A_851 = arith.constant 2 : i32
    %dma_wait3A_852 = arith.constant 2 : i32
    %dma_wait3A_853 = arith.constant 0 : i32
    %dma_wait3A_854 = arith.constant 0 : i32
    %dma_wait3A_855 = tpu.memref_slice %arg6[%dma_wait3A_851, %dma_wait3A_853, %dma_wait3A_854] : memref<3x16x2048xf32, #tpu.memory_space<vmem>> -> memref<1x16x2048xf32, #tpu.memory_space<vmem>>
    %dma_wait3A_856 = tpu.memref_squeeze %dma_wait3A_855 : memref<1x16x2048xf32, #tpu.memory_space<vmem>> -> memref<16x2048xf32, #tpu.memory_space<vmem>>
    %dma_wait3A_857 = arith.constant 0 : i32
    %dma_wait3A_858 = tpu.memref_slice %arg2[%add3A_775, %dma_wait3A_857] : memref<8192x2048xf32, #tpu.memory_space<hbm>> -> memref<16x2048xf32, #tpu.memory_space<hbm>>
    %dma_wait3A_859 = tpu.memref_slice %arg7[%dma_wait3A_852] : memref<3x!tpu.dma_semaphore, #tpu.memory_space<semaphore_mem>> -> memref<1x!tpu.dma_semaphore, #tpu.memory_space<semaphore_mem>>
    %dma_wait3A_860 = tpu.memref_squeeze %dma_wait3A_859 : memref<1x!tpu.dma_semaphore, #tpu.memory_space<semaphore_mem>> -> memref<!tpu.dma_semaphore, #tpu.memory_space<semaphore_mem>>
    %dma_wait3A_861 = arith.constant 0 : i32
    %dma_wait3A_862 = arith.constant 0 : i32
    %dma_wait3A_863 = tpu.memref_slice %arg6[%dma_wait3A_851, %dma_wait3A_861, %dma_wait3A_862] : memref<3x16x2048xf32, #tpu.memory_space<vmem>> -> memref<1x16x2048xf32, #tpu.memory_space<vmem>>
    %dma_wait3A_864 = tpu.memref_squeeze %dma_wait3A_863 : memref<1x16x2048xf32, #tpu.memory_space<vmem>> -> memref<16x2048xf32, #tpu.memory_space<vmem>>
    %dma_wait3A_865 = arith.constant 0 : i32
    %dma_wait3A_866 = tpu.memref_slice %arg2[%add3A_775, %dma_wait3A_865] : memref<8192x2048xf32, #tpu.memory_space<hbm>> -> memref<16x2048xf32, #tpu.memory_space<hbm>>
    tpu.wait_dma2 semaphore(%dma_wait3A_860 : memref<!tpu.dma_semaphore, #tpu.memory_space<semaphore_mem>>) src(%dma_wait3A_866 : memref<16x2048xf32, #tpu.memory_space<hbm>>) dst(%dma_wait3A_864 : memref<16x2048xf32, #tpu.memory_space<vmem>>)
    %get3A_867 = arith.constant 224 : index
    %get3A_868 = tpu.vector_load %arg5[%get3A_867] {strides = array<i32>} : memref<256xi32, #tpu.memory_space<vmem>>, vector<16xi32>,
    %get3A_869 = vector.shape_cast %get3A_868 : vector<16xi32> to vector<16xi32>
    %dma_start3A_870 = arith.constant 2 : i32
    %dma_start3A_871 = arith.constant 2 : i32
    %dma_start3A_872 = arith.constant 0 : i32
    %dma_start3A_873 = arith.constant 0 : i32
    %dma_start3A_874 = tpu.memref_slice %arg6[%dma_start3A_870, %dma_start3A_872, %dma_start3A_873] : memref<3x16x2048xf32, #tpu.memory_space<vmem>> -> memref<1x16x2048xf32, #tpu.memory_space<vmem>>
    %dma_start3A_875 = tpu.memref_squeeze %dma_start3A_874 : memref<1x16x2048xf32, #tpu.memory_space<vmem>> -> memref<16x2048xf32, #tpu.memory_space<vmem>>
    %dma_start3A_876 = arith.constant 0 : i32
    %dma_start3A_877 = arith.constant 0 : i32
    %dma_start3A_878 = tpu.memref_slice %arg4[%dma_start3A_876, %dma_start3A_877] : memref<8192x2048xf32, #tpu.memory_space<hbm>> -> memref<8192x2048xf32, #tpu.memory_space<hbm>>
    %dma_start3A_879 = tpu.memref_slice %arg8[%dma_start3A_871] : memref<3x!tpu.dma_semaphore, #tpu.memory_space<semaphore_mem>> -> memref<1x!tpu.dma_semaphore, #tpu.memory_space<semaphore_mem>>
    %dma_start3A_880 = tpu.memref_squeeze %dma_start3A_879 : memref<1x!tpu.dma_semaphore, #tpu.memory_space<semaphore_mem>> -> memref<!tpu.dma_semaphore, #tpu.memory_space<semaphore_mem>>
    tpu.enqueue_indirect_dma source(%dma_start3A_875 : memref<16x2048xf32, #tpu.memory_space<vmem>>) target(%dma_start3A_878 : memref<8192x2048xf32, #tpu.memory_space<hbm>>) offsets(%get3A_869 : vector<16xi32>) semaphore(%dma_start3A_880 : memref<!tpu.dma_semaphore, #tpu.memory_space<semaphore_mem>>)
    %dma_wait3A_881 = arith.constant 0 : i32
    %dma_wait3A_882 = arith.constant 0 : i32
    %dma_wait3A_883 = arith.constant 0 : i32
    %dma_wait3A_884 = arith.constant 0 : i32
    %dma_wait3A_885 = tpu.memref_slice %arg6[%dma_wait3A_881, %dma_wait3A_883, %dma_wait3A_884] : memref<3x16x2048xf32, #tpu.memory_space<vmem>> -> memref<1x16x2048xf32, #tpu.memory_space<vmem>>
    %dma_wait3A_886 = tpu.memref_squeeze %dma_wait3A_885 : memref<1x16x2048xf32, #tpu.memory_space<vmem>> -> memref<16x2048xf32, #tpu.memory_space<vmem>>
    %dma_wait3A_887 = arith.constant 0 : i32
    %dma_wait3A_888 = tpu.memref_slice %arg2[%add3A_834, %dma_wait3A_887] : memref<8192x2048xf32, #tpu.memory_space<hbm>> -> memref<16x2048xf32, #tpu.memory_space<hbm>>
    %dma_wait3A_889 = tpu.memref_slice %arg7[%dma_wait3A_882] : memref<3x!tpu.dma_semaphore, #tpu.memory_space<semaphore_mem>> -> memref<1x!tpu.dma_semaphore, #tpu.memory_space<semaphore_mem>>
    %dma_wait3A_890 = tpu.memref_squeeze %dma_wait3A_889 : memref<1x!tpu.dma_semaphore, #tpu.memory_space<semaphore_mem>> -> memref<!tpu.dma_semaphore, #tpu.memory_space<semaphore_mem>>
    %dma_wait3A_891 = arith.constant 0 : i32
    %dma_wait3A_892 = arith.constant 0 : i32
    %dma_wait3A_893 = tpu.memref_slice %arg6[%dma_wait3A_881, %dma_wait3A_891, %dma_wait3A_892] : memref<3x16x2048xf32, #tpu.memory_space<vmem>> -> memref<1x16x2048xf32, #tpu.memory_space<vmem>>
    %dma_wait3A_894 = tpu.memref_squeeze %dma_wait3A_893 : memref<1x16x2048xf32, #tpu.memory_space<vmem>> -> memref<16x2048xf32, #tpu.memory_space<vmem>>
    %dma_wait3A_895 = arith.constant 0 : i32
    %dma_wait3A_896 = tpu.memref_slice %arg2[%add3A_834, %dma_wait3A_895] : memref<8192x2048xf32, #tpu.memory_space<hbm>> -> memref<16x2048xf32, #tpu.memory_space<hbm>>
    tpu.wait_dma2 semaphore(%dma_wait3A_890 : memref<!tpu.dma_semaphore, #tpu.memory_space<semaphore_mem>>) src(%dma_wait3A_896 : memref<16x2048xf32, #tpu.memory_space<hbm>>) dst(%dma_wait3A_894 : memref<16x2048xf32, #tpu.memory_space<vmem>>)
    %get3A_897 = arith.constant 240 : index
    %get3A_898 = tpu.vector_load %arg5[%get3A_897] {strides = array<i32>} : memref<256xi32, #tpu.memory_space<vmem>>, vector<16xi32>,
    %get3A_899 = vector.shape_cast %get3A_898 : vector<16xi32> to vector<16xi32>
    %dma_start3A_900 = arith.constant 0 : i32
    %dma_start3A_901 = arith.constant 0 : i32
    %dma_start3A_902 = arith.constant 0 : i32
    %dma_start3A_903 = arith.constant 0 : i32
    %dma_start3A_904 = tpu.memref_slice %arg6[%dma_start3A_900, %dma_start3A_902, %dma_start3A_903] : memref<3x16x2048xf32, #tpu.memory_space<vmem>> -> memref<1x16x2048xf32, #tpu.memory_space<vmem>>
    %dma_start3A_905 = tpu.memref_squeeze %dma_start3A_904 : memref<1x16x2048xf32, #tpu.memory_space<vmem>> -> memref<16x2048xf32, #tpu.memory_space<vmem>>
    %dma_start3A_906 = arith.constant 0 : i32
    %dma_start3A_907 = arith.constant 0 : i32
    %dma_start3A_908 = tpu.memref_slice %arg4[%dma_start3A_906, %dma_start3A_907] : memref<8192x2048xf32, #tpu.memory_space<hbm>> -> memref<8192x2048xf32, #tpu.memory_space<hbm>>
    %dma_start3A_909 = tpu.memref_slice %arg8[%dma_start3A_901] : memref<3x!tpu.dma_semaphore, #tpu.memory_space<semaphore_mem>> -> memref<1x!tpu.dma_semaphore, #tpu.memory_space<semaphore_mem>>
    %dma_start3A_910 = tpu.memref_squeeze %dma_start3A_909 : memref<1x!tpu.dma_semaphore, #tpu.memory_space<semaphore_mem>> -> memref<!tpu.dma_semaphore, #tpu.memory_space<semaphore_mem>>
    tpu.enqueue_indirect_dma source(%dma_start3A_905 : memref<16x2048xf32, #tpu.memory_space<vmem>>) target(%dma_start3A_908 : memref<8192x2048xf32, #tpu.memory_space<hbm>>) offsets(%get3A_899 : vector<16xi32>) semaphore(%dma_start3A_910 : memref<!tpu.dma_semaphore, #tpu.memory_space<semaphore_mem>>)
    %dma_wait3A_911 = arith.constant 1 : i32
    %dma_wait3A_912 = arith.constant 1 : i32
    %dma_wait3A_913 = arith.constant 0 : i32
    %dma_wait3A_914 = arith.constant 0 : i32
    %dma_wait3A_915 = tpu.memref_slice %arg6[%dma_wait3A_911, %dma_wait3A_913, %dma_wait3A_914] : memref<3x16x2048xf32, #tpu.memory_space<vmem>> -> memref<1x16x2048xf32, #tpu.memory_space<vmem>>
    %dma_wait3A_916 = tpu.memref_squeeze %dma_wait3A_915 : memref<1x16x2048xf32, #tpu.memory_space<vmem>> -> memref<16x2048xf32, #tpu.memory_space<vmem>>
    %dma_wait3A_917 = arith.constant 0 : i32
    %dma_wait3A_918 = arith.constant 0 : i32
    %dma_wait3A_919 = tpu.memref_slice %arg4[%dma_wait3A_917, %dma_wait3A_918] : memref<8192x2048xf32, #tpu.memory_space<hbm>> -> memref<8192x2048xf32, #tpu.memory_space<hbm>>
    %dma_wait3A_920 = tpu.memref_slice %arg8[%dma_wait3A_912] : memref<3x!tpu.dma_semaphore, #tpu.memory_space<semaphore_mem>> -> memref<1x!tpu.dma_semaphore, #tpu.memory_space<semaphore_mem>>
    %dma_wait3A_921 = tpu.memref_squeeze %dma_wait3A_920 : memref<1x!tpu.dma_semaphore, #tpu.memory_space<semaphore_mem>> -> memref<!tpu.dma_semaphore, #tpu.memory_space<semaphore_mem>>
    tpu.wait_indirect_dma semaphore(%dma_wait3A_921 : memref<!tpu.dma_semaphore, #tpu.memory_space<semaphore_mem>>) src(%dma_wait3A_916 : memref<16x2048xf32, #tpu.memory_space<vmem>>) dst(%dma_wait3A_919 : memref<8192x2048xf32, #tpu.memory_space<hbm>>)
    %dma_wait3A_922 = arith.constant 2 : i32
    %dma_wait3A_923 = arith.constant 2 : i32
    %dma_wait3A_924 = arith.constant 0 : i32
    %dma_wait3A_925 = arith.constant 0 : i32
    %dma_wait3A_926 = tpu.memref_slice %arg6[%dma_wait3A_922, %dma_wait3A_924, %dma_wait3A_925] : memref<3x16x2048xf32, #tpu.memory_space<vmem>> -> memref<1x16x2048xf32, #tpu.memory_space<vmem>>
    %dma_wait3A_927 = tpu.memref_squeeze %dma_wait3A_926 : memref<1x16x2048xf32, #tpu.memory_space<vmem>> -> memref<16x2048xf32, #tpu.memory_space<vmem>>
    %dma_wait3A_928 = arith.constant 0 : i32
    %dma_wait3A_929 = arith.constant 0 : i32
    %dma_wait3A_930 = tpu.memref_slice %arg4[%dma_wait3A_928, %dma_wait3A_929] : memref<8192x2048xf32, #tpu.memory_space<hbm>> -> memref<8192x2048xf32, #tpu.memory_space<hbm>>
    %dma_wait3A_931 = tpu.memref_slice %arg8[%dma_wait3A_923] : memref<3x!tpu.dma_semaphore, #tpu.memory_space<semaphore_mem>> -> memref<1x!tpu.dma_semaphore, #tpu.memory_space<semaphore_mem>>
    %dma_wait3A_932 = tpu.memref_squeeze %dma_wait3A_931 : memref<1x!tpu.dma_semaphore, #tpu.memory_space<semaphore_mem>> -> memref<!tpu.dma_semaphore, #tpu.memory_space<semaphore_mem>>
    tpu.wait_indirect_dma semaphore(%dma_wait3A_932 : memref<!tpu.dma_semaphore, #tpu.memory_space<semaphore_mem>>) src(%dma_wait3A_927 : memref<16x2048xf32, #tpu.memory_space<vmem>>) dst(%dma_wait3A_930 : memref<8192x2048xf32, #tpu.memory_space<hbm>>)
    %dma_wait3A_933 = arith.constant 0 : i32
    %dma_wait3A_934 = arith.constant 0 : i32
    %dma_wait3A_935 = arith.constant 0 : i32
    %dma_wait3A_936 = arith.constant 0 : i32
    %dma_wait3A_937 = tpu.memref_slice %arg6[%dma_wait3A_933, %dma_wait3A_935, %dma_wait3A_936] : memref<3x16x2048xf32, #tpu.memory_space<vmem>> -> memref<1x16x2048xf32, #tpu.memory_space<vmem>>
    %dma_wait3A_938 = tpu.memref_squeeze %dma_wait3A_937 : memref<1x16x2048xf32, #tpu.memory_space<vmem>> -> memref<16x2048xf32, #tpu.memory_space<vmem>>
    %dma_wait3A_939 = arith.constant 0 : i32
    %dma_wait3A_940 = arith.constant 0 : i32
    %dma_wait3A_941 = tpu.memref_slice %arg4[%dma_wait3A_939, %dma_wait3A_940] : memref<8192x2048xf32, #tpu.memory_space<hbm>> -> memref<8192x2048xf32, #tpu.memory_space<hbm>>
    %dma_wait3A_942 = tpu.memref_slice %arg8[%dma_wait3A_934] : memref<3x!tpu.dma_semaphore, #tpu.memory_space<semaphore_mem>> -> memref<1x!tpu.dma_semaphore, #tpu.memory_space<semaphore_mem>>
    %dma_wait3A_943 = tpu.memref_squeeze %dma_wait3A_942 : memref<1x!tpu.dma_semaphore, #tpu.memory_space<semaphore_mem>> -> memref<!tpu.dma_semaphore, #tpu.memory_space<semaphore_mem>>
    tpu.wait_indirect_dma semaphore(%dma_wait3A_943 : memref<!tpu.dma_semaphore, #tpu.memory_space<semaphore_mem>>) src(%dma_wait3A_938 : memref<16x2048xf32, #tpu.memory_space<vmem>>) dst(%dma_wait3A_941 : memref<8192x2048xf32, #tpu.memory_space<hbm>>)
    return
  }
}

module attributes {stable_mosaic.version = 14 : i64} {
  func.func @_mm_body(%arg0: i32, %arg1: memref<128xi32, #tpu.memory_space<smem>>, %arg2: memref<128xi32, #tpu.memory_space<smem>>, %arg3: memref<128xi32, #tpu.memory_space<smem>>, %arg4: memref<128xi32, #tpu.memory_space<smem>>, %arg5: memref<256x2048xf32, #tpu.memory_space<vmem>>, %arg6: memref<1x2048x2048xf32, #tpu.memory_space<vmem>>, %arg7: memref<1x1x2048xf32, #tpu.memory_space<vmem>>, %arg8: memref<256x2048xf32, #tpu.memory_space<vmem>>) attributes {dimension_semantics = [#tpu.dimension_semantics<arbitrary>], iteration_bounds = array<i64: 39>, scalar_prefetch = 4 : i64, scratch_operands = 0 : i64, tpu.core_type = #tpu.core_type<tc>, window_params = [{transform_indices = @transform_0, window_bounds = array<i64: 256, 2048>}, {transform_indices = @transform_1, window_bounds = array<i64: 1, 2048, 2048>}, {transform_indices = @transform_2, window_bounds = array<i64: 1, 1, 2048>}, {transform_indices = @transform_3, window_bounds = array<i64: 256, 2048>}]} {
    %get3A = arith.index_cast %arg0 : i32 to index
    %get3A_0 = memref.load %arg3[%get3A] : memref<128xi32, #tpu.memory_space<smem>>
    %get3A_1 = arith.index_cast %arg0 : i32 to index
    %get3A_2 = memref.load %arg4[%get3A_1] : memref<128xi32, #tpu.memory_space<smem>>
    %gt3A = arith.cmpi sgt, %get3A_2, %get3A_0 : i32
    %convert_element_type3A = arith.extui %gt3A : i1 to i32
    %cond3A = arith.constant 0 : i32
    %cond3A_3 = arith.cmpi ne, %convert_element_type3A, %cond3A : i32
    scf.if %cond3A_3 {
      %get3A_4 = arith.constant 0 : index
      %get3A_5 = arith.constant 0 : index
      %get3A_6 = vector.load %arg5[%get3A_4, %get3A_5] : memref<256x2048xf32, #tpu.memory_space<vmem>>, vector<256x2048xf32>
      %get3A_7 = arith.constant 0 : index
      %get3A_8 = arith.constant 0 : index
      %get3A_9 = arith.constant 0 : index
      %get3A_10 = vector.load %arg6[%get3A_7, %get3A_8, %get3A_9] : memref<1x2048x2048xf32, #tpu.memory_space<vmem>>, vector<1x2048x2048xf32>
      %get3A_11 = vector.shape_cast %get3A_10 : vector<1x2048x2048xf32> to vector<2048x2048xf32>
      %dot_general3A = arith.constant dense<0.000000e+00> : vector<256x2048xf32>
      %dot_general3A_12 = tpu.matmul %get3A_6, %get3A_11, %dot_general3A {dimension_numbers = #tpu.dot_dimension_numbers<[1], [0], [0], [1], [0, 0, 1, 1], [], []>, transpose_lhs_hint = false} : vector<256x2048xf32>, vector<2048x2048xf32>, vector<256x2048xf32> -> vector<256x2048xf32>
      %get3A_13 = arith.constant 0 : index
      %get3A_14 = arith.constant 0 : index
      %get3A_15 = arith.constant 0 : index
      %get3A_16 = vector.load %arg7[%get3A_13, %get3A_14, %get3A_15] : memref<1x1x2048xf32, #tpu.memory_space<vmem>>, vector<1x1x2048xf32>
      %get3A_17 = vector.shape_cast %get3A_16 : vector<1x1x2048xf32> to vector<2048xf32>
      %broadcast_in_dim3A = vector.shape_cast %get3A_17 : vector<2048xf32> to vector<1x2048xf32>
      %add3A = vector.broadcast %broadcast_in_dim3A : vector<1x2048xf32> to vector<256x2048xf32>
      %add3A_18 = arith.addf %dot_general3A_12, %add3A : vector<256x2048xf32>
      %max3A = arith.constant 0.000000e+00 : f32
      %max3A_19 = vector.broadcast %max3A : f32 to vector<256x2048xf32>
      %max3A_20 = arith.maximumf %add3A_18, %max3A_19 : vector<256x2048xf32>
      %eq3A = arith.constant 0 : i32
      %eq3A_21 = arith.cmpi eq, %get3A_0, %eq3A : i32
      %eq3A_22 = arith.constant 256 : i32
      %eq3A_23 = arith.cmpi eq, %get3A_2, %eq3A_22 : i32
      %and3A = arith.andi %eq3A_21, %eq3A_23 : i1
      %convert_element_type3A_24 = arith.extui %and3A : i1 to i32
      %cond3A_25 = arith.constant 0 : i32
      %cond3A_26 = arith.cmpi ne, %convert_element_type3A_24, %cond3A_25 : i32
      scf.if %cond3A_26 {
        %swap3A = arith.constant 0 : index
        %swap3A_33 = arith.constant 0 : index
        %swap3A_34 = vector.load %arg8[%swap3A, %swap3A_33] : memref<256x2048xf32, #tpu.memory_space<vmem>>, vector<256x2048xf32>
        tpu.vector_store %arg8[%swap3A, %swap3A_33], %max3A_20 {strides = array<i32>} : memref<256x2048xf32, #tpu.memory_space<vmem>>, vector<256x2048xf32>,
      } else {
      }
      %gt3A_27 = arith.constant 0 : i32
      %gt3A_28 = arith.cmpi sgt, %get3A_0, %gt3A_27 : i32
      %lt3A = arith.constant 256 : i32
      %lt3A_29 = arith.cmpi slt, %get3A_2, %lt3A : i32
      %or3A = arith.ori %gt3A_28, %lt3A_29 : i1
      %convert_element_type3A_30 = arith.extui %or3A : i1 to i32
      %cond3A_31 = arith.constant 0 : i32
      %cond3A_32 = arith.cmpi ne, %convert_element_type3A_30, %cond3A_31 : i32
      scf.if %cond3A_32 {
        %iota3A = tpu.iota {dimensions = array<i32: 0>} : vector<256x1xi32>
        %ge3A = vector.broadcast %get3A_0 : i32 to vector<256x1xi32>
        %ge3A_33 = arith.cmpi sge, %iota3A, %ge3A : vector<256x1xi32>
        %lt3A_34 = vector.broadcast %get3A_2 : i32 to vector<256x1xi32>
        %lt3A_35 = arith.cmpi slt, %iota3A, %lt3A_34 : vector<256x1xi32>
        %and3A_36 = arith.andi %ge3A_33, %lt3A_35 : vector<256x1xi1>
        %get3A_37 = arith.constant 0 : index
        %get3A_38 = arith.constant 0 : index
        %get3A_39 = vector.load %arg8[%get3A_37, %get3A_38] : memref<256x2048xf32, #tpu.memory_space<vmem>>, vector<256x2048xf32>
        %broadcast_in_dim3A_40 = vector.shape_cast %and3A_36 : vector<256x1xi1> to vector<256x1xi1>
        %broadcast_in_dim3A_41 = vector.broadcast %broadcast_in_dim3A_40 : vector<256x1xi1> to vector<256x2048xi1>
        %select_n3A = arith.select %broadcast_in_dim3A_41, %max3A_20, %get3A_39 : vector<256x2048xi1>, vector<256x2048xf32>
        %swap3A = arith.constant 0 : index
        %swap3A_42 = arith.constant 0 : index
        %swap3A_43 = vector.load %arg8[%swap3A, %swap3A_42] : memref<256x2048xf32, #tpu.memory_space<vmem>>, vector<256x2048xf32>
        tpu.vector_store %arg8[%swap3A, %swap3A_42], %select_n3A {strides = array<i32>} : memref<256x2048xf32, #tpu.memory_space<vmem>>, vector<256x2048xf32>,
      } else {
      }
    } else {
    }
    return
  }
  func.func @transform_0(%arg0: i32, %arg1: memref<128xi32, #tpu.memory_space<smem>>, %arg2: memref<128xi32, #tpu.memory_space<smem>>, %arg3: memref<128xi32, #tpu.memory_space<smem>>, %arg4: memref<128xi32, #tpu.memory_space<smem>>) -> (i32, i32) {
    %get3A = arith.index_cast %arg0 : i32 to index
    %get3A_0 = memref.load %arg1[%get3A] : memref<128xi32, #tpu.memory_space<smem>>
    %c0_i32 = arith.constant 0 : i32
    %c0_i32_1 = arith.constant 0 : i32
    return %get3A_0, %c0_i32 : i32, i32
  }
  func.func @transform_1(%arg0: i32, %arg1: memref<128xi32, #tpu.memory_space<smem>>, %arg2: memref<128xi32, #tpu.memory_space<smem>>, %arg3: memref<128xi32, #tpu.memory_space<smem>>, %arg4: memref<128xi32, #tpu.memory_space<smem>>) -> (i32, i32, i32) {
    %get3A = arith.index_cast %arg0 : i32 to index
    %get3A_0 = memref.load %arg2[%get3A] : memref<128xi32, #tpu.memory_space<smem>>
    %c0_i32 = arith.constant 0 : i32
    %c0_i32_1 = arith.constant 0 : i32
    %c0_i32_2 = arith.constant 0 : i32
    return %get3A_0, %c0_i32, %c0_i32_1 : i32, i32, i32
  }
  func.func @transform_2(%arg0: i32, %arg1: memref<128xi32, #tpu.memory_space<smem>>, %arg2: memref<128xi32, #tpu.memory_space<smem>>, %arg3: memref<128xi32, #tpu.memory_space<smem>>, %arg4: memref<128xi32, #tpu.memory_space<smem>>) -> (i32, i32, i32) {
    %get3A = arith.index_cast %arg0 : i32 to index
    %get3A_0 = memref.load %arg2[%get3A] : memref<128xi32, #tpu.memory_space<smem>>
    %c0_i32 = arith.constant 0 : i32
    %c0_i32_1 = arith.constant 0 : i32
    %c0_i32_2 = arith.constant 0 : i32
    return %get3A_0, %c0_i32, %c0_i32_1 : i32, i32, i32
  }
  func.func @transform_3(%arg0: i32, %arg1: memref<128xi32, #tpu.memory_space<smem>>, %arg2: memref<128xi32, #tpu.memory_space<smem>>, %arg3: memref<128xi32, #tpu.memory_space<smem>>, %arg4: memref<128xi32, #tpu.memory_space<smem>>) -> (i32, i32) {
    %get3A = arith.index_cast %arg0 : i32 to index
    %get3A_0 = memref.load %arg1[%get3A] : memref<128xi32, #tpu.memory_space<smem>>
    %c0_i32 = arith.constant 0 : i32
    %c0_i32_1 = arith.constant 0 : i32
    return %get3A_0, %c0_i32 : i32, i32
  }
}

module attributes {stable_mosaic.version = 14 : i64} {
  func.func @_prologue_body(%arg0: memref<64x128xi32, #tpu.memory_space<vmem>>, %arg1: memref<64x128xi32, #tpu.memory_space<vmem>>, %arg2: memref<1x128xi32, #tpu.memory_space<vmem>>, %arg3: memref<1x128xi32, #tpu.memory_space<vmem>>, %arg4: memref<1x128xi32, #tpu.memory_space<vmem>>, %arg5: memref<1x128xi32, #tpu.memory_space<vmem>>) attributes {dimension_semantics = [], scalar_prefetch = 0 : i64, scratch_operands = 0 : i64, tpu.core_type = #tpu.core_type<tc>} {
    %get3A = arith.constant 0 : index
    %get3A_0 = arith.constant 0 : index
    %get3A_1 = vector.load %arg0[%get3A, %get3A_0] : memref<64x128xi32, #tpu.memory_space<vmem>>, vector<64x128xi32>
    %iota3A = tpu.iota {dimensions = array<i32: 0>} : vector<128x128xi32>
    %iota3A_2 = tpu.iota {dimensions = array<i32: 1>} : vector<128x128xi32>
    %le3A = arith.cmpi sle, %iota3A, %iota3A_2 : vector<128x128xi32>
    %convert_element_type3A = arith.extui %le3A : vector<128x128xi1> to vector<128x128xi32>
    %convert_element_type3A_3 = arith.sitofp %convert_element_type3A : vector<128x128xi32> to vector<128x128xf32>
    %iota3A_4 = tpu.iota {dimensions = array<i32: 0>} : vector<64x64xi32>
    %iota3A_5 = tpu.iota {dimensions = array<i32: 1>} : vector<64x64xi32>
    %lt3A = arith.cmpi slt, %iota3A_5, %iota3A_4 : vector<64x64xi32>
    %convert_element_type3A_6 = arith.extui %lt3A : vector<64x64xi1> to vector<64x64xi32>
    %convert_element_type3A_7 = arith.sitofp %convert_element_type3A_6 : vector<64x64xi32> to vector<64x64xf32>
    %broadcast_in_dim3A = arith.constant 0.000000e+00 : f32
    %broadcast_in_dim3A_8 = vector.broadcast %broadcast_in_dim3A : f32 to vector<64x128xf32>
    %eq3A = arith.constant 0 : i32
    %eq3A_9 = vector.broadcast %eq3A : i32 to vector<64x128xi32>
    %eq3A_10 = arith.cmpi eq, %get3A_1, %eq3A_9 : vector<64x128xi32>
    %convert_element_type3A_11 = arith.extui %eq3A_10 : vector<64x128xi1> to vector<64x128xi32>
    %convert_element_type3A_12 = arith.sitofp %convert_element_type3A_11 : vector<64x128xi32> to vector<64x128xf32>
    %dot_general3A = arith.constant dense<0.000000e+00> : vector<64x128xf32>
    %dot_general3A_13 = tpu.matmul %convert_element_type3A_12, %convert_element_type3A_3, %dot_general3A {dimension_numbers = #tpu.dot_dimension_numbers<[1], [0], [0], [1], [0, 0, 1, 1], [], []>, transpose_lhs_hint = false} : vector<64x128xf32>, vector<128x128xf32>, vector<64x128xf32> -> vector<64x128xf32>
    %slice3A = vector.extract_strided_slice %dot_general3A_13 {offsets = [0, 127], sizes = [64, 1], strides = [1, 1]} : vector<64x128xf32> to vector<64x1xf32>
    %dot_general3A_14 = arith.constant dense<0.000000e+00> : vector<64x1xf32>
    %dot_general3A_15 = tpu.matmul %convert_element_type3A_7, %slice3A, %dot_general3A_14 {dimension_numbers = #tpu.dot_dimension_numbers<[1], [0], [0], [1], [0, 0, 1, 1], [], []>, transpose_lhs_hint = false} : vector<64x64xf32>, vector<64x1xf32>, vector<64x1xf32> -> vector<64x1xf32>
    %add3A = vector.broadcast %dot_general3A_15 : vector<64x1xf32> to vector<64x128xf32>
    %add3A_16 = arith.addf %add3A, %dot_general3A_13 : vector<64x128xf32>
    %sub3A = arith.constant 1.000000e+00 : f32
    %sub3A_17 = vector.broadcast %sub3A : f32 to vector<64x128xf32>
    %sub3A_18 = arith.subf %add3A_16, %sub3A_17 : vector<64x128xf32>
    %add3A_19 = arith.constant 0.000000e+00 : f32
    %add3A_20 = vector.broadcast %add3A_19 : f32 to vector<64x128xf32>
    %add3A_21 = arith.addf %add3A_20, %sub3A_18 : vector<64x128xf32>
    %mul3A = arith.mulf %convert_element_type3A_12, %add3A_21 : vector<64x128xf32>
    %add3A_22 = arith.addf %broadcast_in_dim3A_8, %mul3A : vector<64x128xf32>
    %reduce_sum3A = vector.shape_cast %convert_element_type3A_12 : vector<64x128xf32> to vector<1x64x128xf32>
    %reduce_sum3A_23 = arith.constant dense<0.000000e+00> : vector<1xf32>
    %reduce_sum3A_24 = vector.multi_reduction <add>, %reduce_sum3A, %reduce_sum3A_23 [1, 2] : vector<1x64x128xf32> to vector<1xf32>
    %reduce_sum3A_25 = vector.shape_cast %reduce_sum3A_24 : vector<1xf32> to vector<1x1x1xf32>
    %reduce_sum3A_26 = vector.extract %reduce_sum3A_25[0, 0, 0] : f32 from vector<1x1x1xf32>
    %add3A_27 = arith.constant 0.000000e+00 : f32
    %add3A_28 = arith.addf %add3A_27, %reduce_sum3A_26 : f32
    %eq3A_29 = arith.constant 1 : i32
    %eq3A_30 = vector.broadcast %eq3A_29 : i32 to vector<64x128xi32>
    %eq3A_31 = arith.cmpi eq, %get3A_1, %eq3A_30 : vector<64x128xi32>
    %convert_element_type3A_32 = arith.extui %eq3A_31 : vector<64x128xi1> to vector<64x128xi32>
    %convert_element_type3A_33 = arith.sitofp %convert_element_type3A_32 : vector<64x128xi32> to vector<64x128xf32>
    %dot_general3A_34 = arith.constant dense<0.000000e+00> : vector<64x128xf32>
    %dot_general3A_35 = tpu.matmul %convert_element_type3A_33, %convert_element_type3A_3, %dot_general3A_34 {dimension_numbers = #tpu.dot_dimension_numbers<[1], [0], [0], [1], [0, 0, 1, 1], [], []>, transpose_lhs_hint = false} : vector<64x128xf32>, vector<128x128xf32>, vector<64x128xf32> -> vector<64x128xf32>
    %slice3A_36 = vector.extract_strided_slice %dot_general3A_35 {offsets = [0, 127], sizes = [64, 1], strides = [1, 1]} : vector<64x128xf32> to vector<64x1xf32>
    %dot_general3A_37 = arith.constant dense<0.000000e+00> : vector<64x1xf32>
    %dot_general3A_38 = tpu.matmul %convert_element_type3A_7, %slice3A_36, %dot_general3A_37 {dimension_numbers = #tpu.dot_dimension_numbers<[1], [0], [0], [1], [0, 0, 1, 1], [], []>, transpose_lhs_hint = false} : vector<64x64xf32>, vector<64x1xf32>, vector<64x1xf32> -> vector<64x1xf32>
    %add3A_39 = vector.broadcast %dot_general3A_38 : vector<64x1xf32> to vector<64x128xf32>
    %add3A_40 = arith.addf %add3A_39, %dot_general3A_35 : vector<64x128xf32>
    %sub3A_41 = arith.constant 1.000000e+00 : f32
    %sub3A_42 = vector.broadcast %sub3A_41 : f32 to vector<64x128xf32>
    %sub3A_43 = arith.subf %add3A_40, %sub3A_42 : vector<64x128xf32>
    %add3A_44 = vector.broadcast %add3A_28 : f32 to vector<64x128xf32>
    %add3A_45 = arith.addf %add3A_44, %sub3A_43 : vector<64x128xf32>
    %mul3A_46 = arith.mulf %convert_element_type3A_33, %add3A_45 : vector<64x128xf32>
    %add3A_47 = arith.addf %add3A_22, %mul3A_46 : vector<64x128xf32>
    %reduce_sum3A_48 = vector.shape_cast %convert_element_type3A_33 : vector<64x128xf32> to vector<1x64x128xf32>
    %reduce_sum3A_49 = arith.constant dense<0.000000e+00> : vector<1xf32>
    %reduce_sum3A_50 = vector.multi_reduction <add>, %reduce_sum3A_48, %reduce_sum3A_49 [1, 2] : vector<1x64x128xf32> to vector<1xf32>
    %reduce_sum3A_51 = vector.shape_cast %reduce_sum3A_50 : vector<1xf32> to vector<1x1x1xf32>
    %reduce_sum3A_52 = vector.extract %reduce_sum3A_51[0, 0, 0] : f32 from vector<1x1x1xf32>
    %add3A_53 = arith.addf %add3A_28, %reduce_sum3A_52 : f32
    %eq3A_54 = arith.constant 2 : i32
    %eq3A_55 = vector.broadcast %eq3A_54 : i32 to vector<64x128xi32>
    %eq3A_56 = arith.cmpi eq, %get3A_1, %eq3A_55 : vector<64x128xi32>
    %convert_element_type3A_57 = arith.extui %eq3A_56 : vector<64x128xi1> to vector<64x128xi32>
    %convert_element_type3A_58 = arith.sitofp %convert_element_type3A_57 : vector<64x128xi32> to vector<64x128xf32>
    %dot_general3A_59 = arith.constant dense<0.000000e+00> : vector<64x128xf32>
    %dot_general3A_60 = tpu.matmul %convert_element_type3A_58, %convert_element_type3A_3, %dot_general3A_59 {dimension_numbers = #tpu.dot_dimension_numbers<[1], [0], [0], [1], [0, 0, 1, 1], [], []>, transpose_lhs_hint = false} : vector<64x128xf32>, vector<128x128xf32>, vector<64x128xf32> -> vector<64x128xf32>
    %slice3A_61 = vector.extract_strided_slice %dot_general3A_60 {offsets = [0, 127], sizes = [64, 1], strides = [1, 1]} : vector<64x128xf32> to vector<64x1xf32>
    %dot_general3A_62 = arith.constant dense<0.000000e+00> : vector<64x1xf32>
    %dot_general3A_63 = tpu.matmul %convert_element_type3A_7, %slice3A_61, %dot_general3A_62 {dimension_numbers = #tpu.dot_dimension_numbers<[1], [0], [0], [1], [0, 0, 1, 1], [], []>, transpose_lhs_hint = false} : vector<64x64xf32>, vector<64x1xf32>, vector<64x1xf32> -> vector<64x1xf32>
    %add3A_64 = vector.broadcast %dot_general3A_63 : vector<64x1xf32> to vector<64x128xf32>
    %add3A_65 = arith.addf %add3A_64, %dot_general3A_60 : vector<64x128xf32>
    %sub3A_66 = arith.constant 1.000000e+00 : f32
    %sub3A_67 = vector.broadcast %sub3A_66 : f32 to vector<64x128xf32>
    %sub3A_68 = arith.subf %add3A_65, %sub3A_67 : vector<64x128xf32>
    %add3A_69 = vector.broadcast %add3A_53 : f32 to vector<64x128xf32>
    %add3A_70 = arith.addf %add3A_69, %sub3A_68 : vector<64x128xf32>
    %mul3A_71 = arith.mulf %convert_element_type3A_58, %add3A_70 : vector<64x128xf32>
    %add3A_72 = arith.addf %add3A_47, %mul3A_71 : vector<64x128xf32>
    %reduce_sum3A_73 = vector.shape_cast %convert_element_type3A_58 : vector<64x128xf32> to vector<1x64x128xf32>
    %reduce_sum3A_74 = arith.constant dense<0.000000e+00> : vector<1xf32>
    %reduce_sum3A_75 = vector.multi_reduction <add>, %reduce_sum3A_73, %reduce_sum3A_74 [1, 2] : vector<1x64x128xf32> to vector<1xf32>
    %reduce_sum3A_76 = vector.shape_cast %reduce_sum3A_75 : vector<1xf32> to vector<1x1x1xf32>
    %reduce_sum3A_77 = vector.extract %reduce_sum3A_76[0, 0, 0] : f32 from vector<1x1x1xf32>
    %add3A_78 = arith.addf %add3A_53, %reduce_sum3A_77 : f32
    %eq3A_79 = arith.constant 3 : i32
    %eq3A_80 = vector.broadcast %eq3A_79 : i32 to vector<64x128xi32>
    %eq3A_81 = arith.cmpi eq, %get3A_1, %eq3A_80 : vector<64x128xi32>
    %convert_element_type3A_82 = arith.extui %eq3A_81 : vector<64x128xi1> to vector<64x128xi32>
    %convert_element_type3A_83 = arith.sitofp %convert_element_type3A_82 : vector<64x128xi32> to vector<64x128xf32>
    %dot_general3A_84 = arith.constant dense<0.000000e+00> : vector<64x128xf32>
    %dot_general3A_85 = tpu.matmul %convert_element_type3A_83, %convert_element_type3A_3, %dot_general3A_84 {dimension_numbers = #tpu.dot_dimension_numbers<[1], [0], [0], [1], [0, 0, 1, 1], [], []>, transpose_lhs_hint = false} : vector<64x128xf32>, vector<128x128xf32>, vector<64x128xf32> -> vector<64x128xf32>
    %slice3A_86 = vector.extract_strided_slice %dot_general3A_85 {offsets = [0, 127], sizes = [64, 1], strides = [1, 1]} : vector<64x128xf32> to vector<64x1xf32>
    %dot_general3A_87 = arith.constant dense<0.000000e+00> : vector<64x1xf32>
    %dot_general3A_88 = tpu.matmul %convert_element_type3A_7, %slice3A_86, %dot_general3A_87 {dimension_numbers = #tpu.dot_dimension_numbers<[1], [0], [0], [1], [0, 0, 1, 1], [], []>, transpose_lhs_hint = false} : vector<64x64xf32>, vector<64x1xf32>, vector<64x1xf32> -> vector<64x1xf32>
    %add3A_89 = vector.broadcast %dot_general3A_88 : vector<64x1xf32> to vector<64x128xf32>
    %add3A_90 = arith.addf %add3A_89, %dot_general3A_85 : vector<64x128xf32>
    %sub3A_91 = arith.constant 1.000000e+00 : f32
    %sub3A_92 = vector.broadcast %sub3A_91 : f32 to vector<64x128xf32>
    %sub3A_93 = arith.subf %add3A_90, %sub3A_92 : vector<64x128xf32>
    %add3A_94 = vector.broadcast %add3A_78 : f32 to vector<64x128xf32>
    %add3A_95 = arith.addf %add3A_94, %sub3A_93 : vector<64x128xf32>
    %mul3A_96 = arith.mulf %convert_element_type3A_83, %add3A_95 : vector<64x128xf32>
    %add3A_97 = arith.addf %add3A_72, %mul3A_96 : vector<64x128xf32>
    %reduce_sum3A_98 = vector.shape_cast %convert_element_type3A_83 : vector<64x128xf32> to vector<1x64x128xf32>
    %reduce_sum3A_99 = arith.constant dense<0.000000e+00> : vector<1xf32>
    %reduce_sum3A_100 = vector.multi_reduction <add>, %reduce_sum3A_98, %reduce_sum3A_99 [1, 2] : vector<1x64x128xf32> to vector<1xf32>
    %reduce_sum3A_101 = vector.shape_cast %reduce_sum3A_100 : vector<1xf32> to vector<1x1x1xf32>
    %reduce_sum3A_102 = vector.extract %reduce_sum3A_101[0, 0, 0] : f32 from vector<1x1x1xf32>
    %add3A_103 = arith.addf %add3A_78, %reduce_sum3A_102 : f32
    %eq3A_104 = arith.constant 4 : i32
    %eq3A_105 = vector.broadcast %eq3A_104 : i32 to vector<64x128xi32>
    %eq3A_106 = arith.cmpi eq, %get3A_1, %eq3A_105 : vector<64x128xi32>
    %convert_element_type3A_107 = arith.extui %eq3A_106 : vector<64x128xi1> to vector<64x128xi32>
    %convert_element_type3A_108 = arith.sitofp %convert_element_type3A_107 : vector<64x128xi32> to vector<64x128xf32>
    %dot_general3A_109 = arith.constant dense<0.000000e+00> : vector<64x128xf32>
    %dot_general3A_110 = tpu.matmul %convert_element_type3A_108, %convert_element_type3A_3, %dot_general3A_109 {dimension_numbers = #tpu.dot_dimension_numbers<[1], [0], [0], [1], [0, 0, 1, 1], [], []>, transpose_lhs_hint = false} : vector<64x128xf32>, vector<128x128xf32>, vector<64x128xf32> -> vector<64x128xf32>
    %slice3A_111 = vector.extract_strided_slice %dot_general3A_110 {offsets = [0, 127], sizes = [64, 1], strides = [1, 1]} : vector<64x128xf32> to vector<64x1xf32>
    %dot_general3A_112 = arith.constant dense<0.000000e+00> : vector<64x1xf32>
    %dot_general3A_113 = tpu.matmul %convert_element_type3A_7, %slice3A_111, %dot_general3A_112 {dimension_numbers = #tpu.dot_dimension_numbers<[1], [0], [0], [1], [0, 0, 1, 1], [], []>, transpose_lhs_hint = false} : vector<64x64xf32>, vector<64x1xf32>, vector<64x1xf32> -> vector<64x1xf32>
    %add3A_114 = vector.broadcast %dot_general3A_113 : vector<64x1xf32> to vector<64x128xf32>
    %add3A_115 = arith.addf %add3A_114, %dot_general3A_110 : vector<64x128xf32>
    %sub3A_116 = arith.constant 1.000000e+00 : f32
    %sub3A_117 = vector.broadcast %sub3A_116 : f32 to vector<64x128xf32>
    %sub3A_118 = arith.subf %add3A_115, %sub3A_117 : vector<64x128xf32>
    %add3A_119 = vector.broadcast %add3A_103 : f32 to vector<64x128xf32>
    %add3A_120 = arith.addf %add3A_119, %sub3A_118 : vector<64x128xf32>
    %mul3A_121 = arith.mulf %convert_element_type3A_108, %add3A_120 : vector<64x128xf32>
    %add3A_122 = arith.addf %add3A_97, %mul3A_121 : vector<64x128xf32>
    %reduce_sum3A_123 = vector.shape_cast %convert_element_type3A_108 : vector<64x128xf32> to vector<1x64x128xf32>
    %reduce_sum3A_124 = arith.constant dense<0.000000e+00> : vector<1xf32>
    %reduce_sum3A_125 = vector.multi_reduction <add>, %reduce_sum3A_123, %reduce_sum3A_124 [1, 2] : vector<1x64x128xf32> to vector<1xf32>
    %reduce_sum3A_126 = vector.shape_cast %reduce_sum3A_125 : vector<1xf32> to vector<1x1x1xf32>
    %reduce_sum3A_127 = vector.extract %reduce_sum3A_126[0, 0, 0] : f32 from vector<1x1x1xf32>
    %add3A_128 = arith.addf %add3A_103, %reduce_sum3A_127 : f32
    %eq3A_129 = arith.constant 5 : i32
    %eq3A_130 = vector.broadcast %eq3A_129 : i32 to vector<64x128xi32>
    %eq3A_131 = arith.cmpi eq, %get3A_1, %eq3A_130 : vector<64x128xi32>
    %convert_element_type3A_132 = arith.extui %eq3A_131 : vector<64x128xi1> to vector<64x128xi32>
    %convert_element_type3A_133 = arith.sitofp %convert_element_type3A_132 : vector<64x128xi32> to vector<64x128xf32>
    %dot_general3A_134 = arith.constant dense<0.000000e+00> : vector<64x128xf32>
    %dot_general3A_135 = tpu.matmul %convert_element_type3A_133, %convert_element_type3A_3, %dot_general3A_134 {dimension_numbers = #tpu.dot_dimension_numbers<[1], [0], [0], [1], [0, 0, 1, 1], [], []>, transpose_lhs_hint = false} : vector<64x128xf32>, vector<128x128xf32>, vector<64x128xf32> -> vector<64x128xf32>
    %slice3A_136 = vector.extract_strided_slice %dot_general3A_135 {offsets = [0, 127], sizes = [64, 1], strides = [1, 1]} : vector<64x128xf32> to vector<64x1xf32>
    %dot_general3A_137 = arith.constant dense<0.000000e+00> : vector<64x1xf32>
    %dot_general3A_138 = tpu.matmul %convert_element_type3A_7, %slice3A_136, %dot_general3A_137 {dimension_numbers = #tpu.dot_dimension_numbers<[1], [0], [0], [1], [0, 0, 1, 1], [], []>, transpose_lhs_hint = false} : vector<64x64xf32>, vector<64x1xf32>, vector<64x1xf32> -> vector<64x1xf32>
    %add3A_139 = vector.broadcast %dot_general3A_138 : vector<64x1xf32> to vector<64x128xf32>
    %add3A_140 = arith.addf %add3A_139, %dot_general3A_135 : vector<64x128xf32>
    %sub3A_141 = arith.constant 1.000000e+00 : f32
    %sub3A_142 = vector.broadcast %sub3A_141 : f32 to vector<64x128xf32>
    %sub3A_143 = arith.subf %add3A_140, %sub3A_142 : vector<64x128xf32>
    %add3A_144 = vector.broadcast %add3A_128 : f32 to vector<64x128xf32>
    %add3A_145 = arith.addf %add3A_144, %sub3A_143 : vector<64x128xf32>
    %mul3A_146 = arith.mulf %convert_element_type3A_133, %add3A_145 : vector<64x128xf32>
    %add3A_147 = arith.addf %add3A_122, %mul3A_146 : vector<64x128xf32>
    %reduce_sum3A_148 = vector.shape_cast %convert_element_type3A_133 : vector<64x128xf32> to vector<1x64x128xf32>
    %reduce_sum3A_149 = arith.constant dense<0.000000e+00> : vector<1xf32>
    %reduce_sum3A_150 = vector.multi_reduction <add>, %reduce_sum3A_148, %reduce_sum3A_149 [1, 2] : vector<1x64x128xf32> to vector<1xf32>
    %reduce_sum3A_151 = vector.shape_cast %reduce_sum3A_150 : vector<1xf32> to vector<1x1x1xf32>
    %reduce_sum3A_152 = vector.extract %reduce_sum3A_151[0, 0, 0] : f32 from vector<1x1x1xf32>
    %add3A_153 = arith.addf %add3A_128, %reduce_sum3A_152 : f32
    %eq3A_154 = arith.constant 6 : i32
    %eq3A_155 = vector.broadcast %eq3A_154 : i32 to vector<64x128xi32>
    %eq3A_156 = arith.cmpi eq, %get3A_1, %eq3A_155 : vector<64x128xi32>
    %convert_element_type3A_157 = arith.extui %eq3A_156 : vector<64x128xi1> to vector<64x128xi32>
    %convert_element_type3A_158 = arith.sitofp %convert_element_type3A_157 : vector<64x128xi32> to vector<64x128xf32>
    %dot_general3A_159 = arith.constant dense<0.000000e+00> : vector<64x128xf32>
    %dot_general3A_160 = tpu.matmul %convert_element_type3A_158, %convert_element_type3A_3, %dot_general3A_159 {dimension_numbers = #tpu.dot_dimension_numbers<[1], [0], [0], [1], [0, 0, 1, 1], [], []>, transpose_lhs_hint = false} : vector<64x128xf32>, vector<128x128xf32>, vector<64x128xf32> -> vector<64x128xf32>
    %slice3A_161 = vector.extract_strided_slice %dot_general3A_160 {offsets = [0, 127], sizes = [64, 1], strides = [1, 1]} : vector<64x128xf32> to vector<64x1xf32>
    %dot_general3A_162 = arith.constant dense<0.000000e+00> : vector<64x1xf32>
    %dot_general3A_163 = tpu.matmul %convert_element_type3A_7, %slice3A_161, %dot_general3A_162 {dimension_numbers = #tpu.dot_dimension_numbers<[1], [0], [0], [1], [0, 0, 1, 1], [], []>, transpose_lhs_hint = false} : vector<64x64xf32>, vector<64x1xf32>, vector<64x1xf32> -> vector<64x1xf32>
    %add3A_164 = vector.broadcast %dot_general3A_163 : vector<64x1xf32> to vector<64x128xf32>
    %add3A_165 = arith.addf %add3A_164, %dot_general3A_160 : vector<64x128xf32>
    %sub3A_166 = arith.constant 1.000000e+00 : f32
    %sub3A_167 = vector.broadcast %sub3A_166 : f32 to vector<64x128xf32>
    %sub3A_168 = arith.subf %add3A_165, %sub3A_167 : vector<64x128xf32>
    %add3A_169 = vector.broadcast %add3A_153 : f32 to vector<64x128xf32>
    %add3A_170 = arith.addf %add3A_169, %sub3A_168 : vector<64x128xf32>
    %mul3A_171 = arith.mulf %convert_element_type3A_158, %add3A_170 : vector<64x128xf32>
    %add3A_172 = arith.addf %add3A_147, %mul3A_171 : vector<64x128xf32>
    %reduce_sum3A_173 = vector.shape_cast %convert_element_type3A_158 : vector<64x128xf32> to vector<1x64x128xf32>
    %reduce_sum3A_174 = arith.constant dense<0.000000e+00> : vector<1xf32>
    %reduce_sum3A_175 = vector.multi_reduction <add>, %reduce_sum3A_173, %reduce_sum3A_174 [1, 2] : vector<1x64x128xf32> to vector<1xf32>
    %reduce_sum3A_176 = vector.shape_cast %reduce_sum3A_175 : vector<1xf32> to vector<1x1x1xf32>
    %reduce_sum3A_177 = vector.extract %reduce_sum3A_176[0, 0, 0] : f32 from vector<1x1x1xf32>
    %add3A_178 = arith.addf %add3A_153, %reduce_sum3A_177 : f32
    %eq3A_179 = arith.constant 7 : i32
    %eq3A_180 = vector.broadcast %eq3A_179 : i32 to vector<64x128xi32>
    %eq3A_181 = arith.cmpi eq, %get3A_1, %eq3A_180 : vector<64x128xi32>
    %convert_element_type3A_182 = arith.extui %eq3A_181 : vector<64x128xi1> to vector<64x128xi32>
    %convert_element_type3A_183 = arith.sitofp %convert_element_type3A_182 : vector<64x128xi32> to vector<64x128xf32>
    %dot_general3A_184 = arith.constant dense<0.000000e+00> : vector<64x128xf32>
    %dot_general3A_185 = tpu.matmul %convert_element_type3A_183, %convert_element_type3A_3, %dot_general3A_184 {dimension_numbers = #tpu.dot_dimension_numbers<[1], [0], [0], [1], [0, 0, 1, 1], [], []>, transpose_lhs_hint = false} : vector<64x128xf32>, vector<128x128xf32>, vector<64x128xf32> -> vector<64x128xf32>
    %slice3A_186 = vector.extract_strided_slice %dot_general3A_185 {offsets = [0, 127], sizes = [64, 1], strides = [1, 1]} : vector<64x128xf32> to vector<64x1xf32>
    %dot_general3A_187 = arith.constant dense<0.000000e+00> : vector<64x1xf32>
    %dot_general3A_188 = tpu.matmul %convert_element_type3A_7, %slice3A_186, %dot_general3A_187 {dimension_numbers = #tpu.dot_dimension_numbers<[1], [0], [0], [1], [0, 0, 1, 1], [], []>, transpose_lhs_hint = false} : vector<64x64xf32>, vector<64x1xf32>, vector<64x1xf32> -> vector<64x1xf32>
    %add3A_189 = vector.broadcast %dot_general3A_188 : vector<64x1xf32> to vector<64x128xf32>
    %add3A_190 = arith.addf %add3A_189, %dot_general3A_185 : vector<64x128xf32>
    %sub3A_191 = arith.constant 1.000000e+00 : f32
    %sub3A_192 = vector.broadcast %sub3A_191 : f32 to vector<64x128xf32>
    %sub3A_193 = arith.subf %add3A_190, %sub3A_192 : vector<64x128xf32>
    %add3A_194 = vector.broadcast %add3A_178 : f32 to vector<64x128xf32>
    %add3A_195 = arith.addf %add3A_194, %sub3A_193 : vector<64x128xf32>
    %mul3A_196 = arith.mulf %convert_element_type3A_183, %add3A_195 : vector<64x128xf32>
    %add3A_197 = arith.addf %add3A_172, %mul3A_196 : vector<64x128xf32>
    %reduce_sum3A_198 = vector.shape_cast %convert_element_type3A_183 : vector<64x128xf32> to vector<1x64x128xf32>
    %reduce_sum3A_199 = arith.constant dense<0.000000e+00> : vector<1xf32>
    %reduce_sum3A_200 = vector.multi_reduction <add>, %reduce_sum3A_198, %reduce_sum3A_199 [1, 2] : vector<1x64x128xf32> to vector<1xf32>
    %reduce_sum3A_201 = vector.shape_cast %reduce_sum3A_200 : vector<1xf32> to vector<1x1x1xf32>
    %reduce_sum3A_202 = vector.extract %reduce_sum3A_201[0, 0, 0] : f32 from vector<1x1x1xf32>
    %add3A_203 = arith.addf %add3A_178, %reduce_sum3A_202 : f32
    %convert_element_type3A_204 = arith.fptosi %add3A_197 : vector<64x128xf32> to vector<64x128xi32>
    %swap3A = arith.constant 0 : index
    %swap3A_205 = arith.constant 0 : index
    %swap3A_206 = vector.load %arg1[%swap3A, %swap3A_205] : memref<64x128xi32, #tpu.memory_space<vmem>>, vector<64x128xi32>
    tpu.vector_store %arg1[%swap3A, %swap3A_205], %convert_element_type3A_204 {strides = array<i32>} : memref<64x128xi32, #tpu.memory_space<vmem>>, vector<64x128xi32>,
    %iota3A_207 = tpu.iota {dimensions = array<i32: 1>} : vector<1x128xi32>
    %convert_element_type3A_208 = arith.sitofp %iota3A_207 : vector<1x128xi32> to vector<1x128xf32>
    %gt3A = arith.constant 0.000000e+00 : f32
    %gt3A_209 = arith.cmpf ogt, %add3A_28, %gt3A : f32
    %div3A = arith.constant 0.000000e+00 : f32
    %div3A_210 = arith.constant 2.560000e+02 : f32
    %div3A_211 = arith.divf %div3A, %div3A_210 : f32
    %floor3A = math.floor %div3A_211 : f32
    %sub3A_212 = arith.constant 1.000000e+00 : f32
    %sub3A_213 = arith.subf %add3A_28, %sub3A_212 : f32
    %div3A_214 = arith.constant 2.560000e+02 : f32
    %div3A_215 = arith.divf %sub3A_213, %div3A_214 : f32
    %floor3A_216 = math.floor %div3A_215 : f32
    %sub3A_217 = arith.subf %floor3A_216, %floor3A : f32
    %add3A_218 = arith.constant 1.000000e+00 : f32
    %add3A_219 = arith.addf %sub3A_217, %add3A_218 : f32
    %jit3A = arith.constant 0.000000e+00 : f32
    %select_n3A = arith.select %gt3A_209, %add3A_219, %jit3A : f32
    %jit3A_220 = arith.constant 0.000000e+00 : f32
    %select_n3A_221 = arith.select %gt3A_209, %floor3A, %jit3A_220 : f32
    %add3A_222 = arith.constant 0.000000e+00 : f32
    %add3A_223 = arith.addf %add3A_222, %select_n3A : f32
    %gt3A_224 = arith.cmpf ogt, %add3A_53, %add3A_28 : f32
    %div3A_225 = arith.constant 2.560000e+02 : f32
    %div3A_226 = arith.divf %add3A_28, %div3A_225 : f32
    %floor3A_227 = math.floor %div3A_226 : f32
    %sub3A_228 = arith.constant 1.000000e+00 : f32
    %sub3A_229 = arith.subf %add3A_53, %sub3A_228 : f32
    %div3A_230 = arith.constant 2.560000e+02 : f32
    %div3A_231 = arith.divf %sub3A_229, %div3A_230 : f32
    %floor3A_232 = math.floor %div3A_231 : f32
    %sub3A_233 = arith.subf %floor3A_232, %floor3A_227 : f32
    %add3A_234 = arith.constant 1.000000e+00 : f32
    %add3A_235 = arith.addf %sub3A_233, %add3A_234 : f32
    %jit3A_236 = arith.constant 0.000000e+00 : f32
    %select_n3A_237 = arith.select %gt3A_224, %add3A_235, %jit3A_236 : f32
    %jit3A_238 = arith.constant 0.000000e+00 : f32
    %select_n3A_239 = arith.select %gt3A_224, %floor3A_227, %jit3A_238 : f32
    %add3A_240 = arith.addf %add3A_223, %select_n3A_237 : f32
    %gt3A_241 = arith.cmpf ogt, %add3A_78, %add3A_53 : f32
    %div3A_242 = arith.constant 2.560000e+02 : f32
    %div3A_243 = arith.divf %add3A_53, %div3A_242 : f32
    %floor3A_244 = math.floor %div3A_243 : f32
    %sub3A_245 = arith.constant 1.000000e+00 : f32
    %sub3A_246 = arith.subf %add3A_78, %sub3A_245 : f32
    %div3A_247 = arith.constant 2.560000e+02 : f32
    %div3A_248 = arith.divf %sub3A_246, %div3A_247 : f32
    %floor3A_249 = math.floor %div3A_248 : f32
    %sub3A_250 = arith.subf %floor3A_249, %floor3A_244 : f32
    %add3A_251 = arith.constant 1.000000e+00 : f32
    %add3A_252 = arith.addf %sub3A_250, %add3A_251 : f32
    %jit3A_253 = arith.constant 0.000000e+00 : f32
    %select_n3A_254 = arith.select %gt3A_241, %add3A_252, %jit3A_253 : f32
    %jit3A_255 = arith.constant 0.000000e+00 : f32
    %select_n3A_256 = arith.select %gt3A_241, %floor3A_244, %jit3A_255 : f32
    %add3A_257 = arith.addf %add3A_240, %select_n3A_254 : f32
    %gt3A_258 = arith.cmpf ogt, %add3A_103, %add3A_78 : f32
    %div3A_259 = arith.constant 2.560000e+02 : f32
    %div3A_260 = arith.divf %add3A_78, %div3A_259 : f32
    %floor3A_261 = math.floor %div3A_260 : f32
    %sub3A_262 = arith.constant 1.000000e+00 : f32
    %sub3A_263 = arith.subf %add3A_103, %sub3A_262 : f32
    %div3A_264 = arith.constant 2.560000e+02 : f32
    %div3A_265 = arith.divf %sub3A_263, %div3A_264 : f32
    %floor3A_266 = math.floor %div3A_265 : f32
    %sub3A_267 = arith.subf %floor3A_266, %floor3A_261 : f32
    %add3A_268 = arith.constant 1.000000e+00 : f32
    %add3A_269 = arith.addf %sub3A_267, %add3A_268 : f32
    %jit3A_270 = arith.constant 0.000000e+00 : f32
    %select_n3A_271 = arith.select %gt3A_258, %add3A_269, %jit3A_270 : f32
    %jit3A_272 = arith.constant 0.000000e+00 : f32
    %select_n3A_273 = arith.select %gt3A_258, %floor3A_261, %jit3A_272 : f32
    %add3A_274 = arith.addf %add3A_257, %select_n3A_271 : f32
    %gt3A_275 = arith.cmpf ogt, %add3A_128, %add3A_103 : f32
    %div3A_276 = arith.constant 2.560000e+02 : f32
    %div3A_277 = arith.divf %add3A_103, %div3A_276 : f32
    %floor3A_278 = math.floor %div3A_277 : f32
    %sub3A_279 = arith.constant 1.000000e+00 : f32
    %sub3A_280 = arith.subf %add3A_128, %sub3A_279 : f32
    %div3A_281 = arith.constant 2.560000e+02 : f32
    %div3A_282 = arith.divf %sub3A_280, %div3A_281 : f32
    %floor3A_283 = math.floor %div3A_282 : f32
    %sub3A_284 = arith.subf %floor3A_283, %floor3A_278 : f32
    %add3A_285 = arith.constant 1.000000e+00 : f32
    %add3A_286 = arith.addf %sub3A_284, %add3A_285 : f32
    %jit3A_287 = arith.constant 0.000000e+00 : f32
    %select_n3A_288 = arith.select %gt3A_275, %add3A_286, %jit3A_287 : f32
    %jit3A_289 = arith.constant 0.000000e+00 : f32
    %select_n3A_290 = arith.select %gt3A_275, %floor3A_278, %jit3A_289 : f32
    %add3A_291 = arith.addf %add3A_274, %select_n3A_288 : f32
    %gt3A_292 = arith.cmpf ogt, %add3A_153, %add3A_128 : f32
    %div3A_293 = arith.constant 2.560000e+02 : f32
    %div3A_294 = arith.divf %add3A_128, %div3A_293 : f32
    %floor3A_295 = math.floor %div3A_294 : f32
    %sub3A_296 = arith.constant 1.000000e+00 : f32
    %sub3A_297 = arith.subf %add3A_153, %sub3A_296 : f32
    %div3A_298 = arith.constant 2.560000e+02 : f32
    %div3A_299 = arith.divf %sub3A_297, %div3A_298 : f32
    %floor3A_300 = math.floor %div3A_299 : f32
    %sub3A_301 = arith.subf %floor3A_300, %floor3A_295 : f32
    %add3A_302 = arith.constant 1.000000e+00 : f32
    %add3A_303 = arith.addf %sub3A_301, %add3A_302 : f32
    %jit3A_304 = arith.constant 0.000000e+00 : f32
    %select_n3A_305 = arith.select %gt3A_292, %add3A_303, %jit3A_304 : f32
    %jit3A_306 = arith.constant 0.000000e+00 : f32
    %select_n3A_307 = arith.select %gt3A_292, %floor3A_295, %jit3A_306 : f32
    %add3A_308 = arith.addf %add3A_291, %select_n3A_305 : f32
    %gt3A_309 = arith.cmpf ogt, %add3A_178, %add3A_153 : f32
    %div3A_310 = arith.constant 2.560000e+02 : f32
    %div3A_311 = arith.divf %add3A_153, %div3A_310 : f32
    %floor3A_312 = math.floor %div3A_311 : f32
    %sub3A_313 = arith.constant 1.000000e+00 : f32
    %sub3A_314 = arith.subf %add3A_178, %sub3A_313 : f32
    %div3A_315 = arith.constant 2.560000e+02 : f32
    %div3A_316 = arith.divf %sub3A_314, %div3A_315 : f32
    %floor3A_317 = math.floor %div3A_316 : f32
    %sub3A_318 = arith.subf %floor3A_317, %floor3A_312 : f32
    %add3A_319 = arith.constant 1.000000e+00 : f32
    %add3A_320 = arith.addf %sub3A_318, %add3A_319 : f32
    %jit3A_321 = arith.constant 0.000000e+00 : f32
    %select_n3A_322 = arith.select %gt3A_309, %add3A_320, %jit3A_321 : f32
    %jit3A_323 = arith.constant 0.000000e+00 : f32
    %select_n3A_324 = arith.select %gt3A_309, %floor3A_312, %jit3A_323 : f32
    %add3A_325 = arith.addf %add3A_308, %select_n3A_322 : f32
    %gt3A_326 = arith.cmpf ogt, %add3A_203, %add3A_178 : f32
    %div3A_327 = arith.constant 2.560000e+02 : f32
    %div3A_328 = arith.divf %add3A_178, %div3A_327 : f32
    %floor3A_329 = math.floor %div3A_328 : f32
    %sub3A_330 = arith.constant 1.000000e+00 : f32
    %sub3A_331 = arith.subf %add3A_203, %sub3A_330 : f32
    %div3A_332 = arith.constant 2.560000e+02 : f32
    %div3A_333 = arith.divf %sub3A_331, %div3A_332 : f32
    %floor3A_334 = math.floor %div3A_333 : f32
    %sub3A_335 = arith.subf %floor3A_334, %floor3A_329 : f32
    %add3A_336 = arith.constant 1.000000e+00 : f32
    %add3A_337 = arith.addf %sub3A_335, %add3A_336 : f32
    %jit3A_338 = arith.constant 0.000000e+00 : f32
    %select_n3A_339 = arith.select %gt3A_326, %add3A_337, %jit3A_338 : f32
    %jit3A_340 = arith.constant 0.000000e+00 : f32
    %select_n3A_341 = arith.select %gt3A_326, %floor3A_329, %jit3A_340 : f32
    %add3A_342 = arith.addf %add3A_325, %select_n3A_339 : f32
    %lt3A_343 = vector.broadcast %add3A_342 : f32 to vector<1x128xf32>
    %lt3A_344 = arith.cmpf olt, %convert_element_type3A_208, %lt3A_343 : vector<1x128xf32>
    %broadcast_in_dim3A_345 = arith.constant 0.000000e+00 : f32
    %broadcast_in_dim3A_346 = vector.broadcast %broadcast_in_dim3A_345 : f32 to vector<1x128xf32>
    %ge3A = vector.broadcast %add3A_223 : f32 to vector<1x128xf32>
    %ge3A_347 = arith.cmpf oge, %convert_element_type3A_208, %ge3A : vector<1x128xf32>
    %convert_element_type3A_348 = arith.extui %ge3A_347 : vector<1x128xi1> to vector<1x128xi32>
    %convert_element_type3A_349 = arith.sitofp %convert_element_type3A_348 : vector<1x128xi32> to vector<1x128xf32>
    %add3A_350 = arith.addf %broadcast_in_dim3A_346, %convert_element_type3A_349 : vector<1x128xf32>
    %ge3A_351 = vector.broadcast %add3A_240 : f32 to vector<1x128xf32>
    %ge3A_352 = arith.cmpf oge, %convert_element_type3A_208, %ge3A_351 : vector<1x128xf32>
    %convert_element_type3A_353 = arith.extui %ge3A_352 : vector<1x128xi1> to vector<1x128xi32>
    %convert_element_type3A_354 = arith.sitofp %convert_element_type3A_353 : vector<1x128xi32> to vector<1x128xf32>
    %add3A_355 = arith.addf %add3A_350, %convert_element_type3A_354 : vector<1x128xf32>
    %ge3A_356 = vector.broadcast %add3A_257 : f32 to vector<1x128xf32>
    %ge3A_357 = arith.cmpf oge, %convert_element_type3A_208, %ge3A_356 : vector<1x128xf32>
    %convert_element_type3A_358 = arith.extui %ge3A_357 : vector<1x128xi1> to vector<1x128xi32>
    %convert_element_type3A_359 = arith.sitofp %convert_element_type3A_358 : vector<1x128xi32> to vector<1x128xf32>
    %add3A_360 = arith.addf %add3A_355, %convert_element_type3A_359 : vector<1x128xf32>
    %ge3A_361 = vector.broadcast %add3A_274 : f32 to vector<1x128xf32>
    %ge3A_362 = arith.cmpf oge, %convert_element_type3A_208, %ge3A_361 : vector<1x128xf32>
    %convert_element_type3A_363 = arith.extui %ge3A_362 : vector<1x128xi1> to vector<1x128xi32>
    %convert_element_type3A_364 = arith.sitofp %convert_element_type3A_363 : vector<1x128xi32> to vector<1x128xf32>
    %add3A_365 = arith.addf %add3A_360, %convert_element_type3A_364 : vector<1x128xf32>
    %ge3A_366 = vector.broadcast %add3A_291 : f32 to vector<1x128xf32>
    %ge3A_367 = arith.cmpf oge, %convert_element_type3A_208, %ge3A_366 : vector<1x128xf32>
    %convert_element_type3A_368 = arith.extui %ge3A_367 : vector<1x128xi1> to vector<1x128xi32>
    %convert_element_type3A_369 = arith.sitofp %convert_element_type3A_368 : vector<1x128xi32> to vector<1x128xf32>
    %add3A_370 = arith.addf %add3A_365, %convert_element_type3A_369 : vector<1x128xf32>
    %ge3A_371 = vector.broadcast %add3A_308 : f32 to vector<1x128xf32>
    %ge3A_372 = arith.cmpf oge, %convert_element_type3A_208, %ge3A_371 : vector<1x128xf32>
    %convert_element_type3A_373 = arith.extui %ge3A_372 : vector<1x128xi1> to vector<1x128xi32>
    %convert_element_type3A_374 = arith.sitofp %convert_element_type3A_373 : vector<1x128xi32> to vector<1x128xf32>
    %add3A_375 = arith.addf %add3A_370, %convert_element_type3A_374 : vector<1x128xf32>
    %ge3A_376 = vector.broadcast %add3A_325 : f32 to vector<1x128xf32>
    %ge3A_377 = arith.cmpf oge, %convert_element_type3A_208, %ge3A_376 : vector<1x128xf32>
    %convert_element_type3A_378 = arith.extui %ge3A_377 : vector<1x128xi1> to vector<1x128xi32>
    %convert_element_type3A_379 = arith.sitofp %convert_element_type3A_378 : vector<1x128xi32> to vector<1x128xf32>
    %add3A_380 = arith.addf %add3A_375, %convert_element_type3A_379 : vector<1x128xf32>
    %gt3A_381 = arith.constant 0.000000e+00 : f32
    %gt3A_382 = arith.cmpf ogt, %add3A_28, %gt3A_381 : f32
    %jit3A_383 = arith.constant 0.000000e+00 : f32
    %jit3A_384 = arith.constant 0.000000e+00 : f32
    %select_n3A_385 = arith.select %gt3A_382, %jit3A_383, %jit3A_384 : f32
    %gt3A_386 = arith.cmpf ogt, %add3A_53, %add3A_28 : f32
    %jit3A_387 = arith.constant 1.000000e+00 : f32
    %select_n3A_388 = arith.select %gt3A_386, %jit3A_387, %select_n3A_385 : f32
    %gt3A_389 = arith.cmpf ogt, %add3A_78, %add3A_53 : f32
    %jit3A_390 = arith.constant 2.000000e+00 : f32
    %select_n3A_391 = arith.select %gt3A_389, %jit3A_390, %select_n3A_388 : f32
    %gt3A_392 = arith.cmpf ogt, %add3A_103, %add3A_78 : f32
    %jit3A_393 = arith.constant 3.000000e+00 : f32
    %select_n3A_394 = arith.select %gt3A_392, %jit3A_393, %select_n3A_391 : f32
    %gt3A_395 = arith.cmpf ogt, %add3A_128, %add3A_103 : f32
    %jit3A_396 = arith.constant 4.000000e+00 : f32
    %select_n3A_397 = arith.select %gt3A_395, %jit3A_396, %select_n3A_394 : f32
    %gt3A_398 = arith.cmpf ogt, %add3A_153, %add3A_128 : f32
    %jit3A_399 = arith.constant 5.000000e+00 : f32
    %select_n3A_400 = arith.select %gt3A_398, %jit3A_399, %select_n3A_397 : f32
    %gt3A_401 = arith.cmpf ogt, %add3A_178, %add3A_153 : f32
    %jit3A_402 = arith.constant 6.000000e+00 : f32
    %select_n3A_403 = arith.select %gt3A_401, %jit3A_402, %select_n3A_400 : f32
    %gt3A_404 = arith.cmpf ogt, %add3A_203, %add3A_178 : f32
    %jit3A_405 = arith.constant 7.000000e+00 : f32
    %select_n3A_406 = arith.select %gt3A_404, %jit3A_405, %select_n3A_403 : f32
    %broadcast_in_dim3A_407 = vector.broadcast %select_n3A_406 : f32 to vector<1x128xf32>
    %select_n3A_408 = arith.select %lt3A_344, %add3A_380, %broadcast_in_dim3A_407 : vector<1x128xi1>, vector<1x128xf32>
    %broadcast_in_dim3A_409 = arith.constant 0.000000e+00 : f32
    %broadcast_in_dim3A_410 = vector.broadcast %broadcast_in_dim3A_409 : f32 to vector<1x128xf32>
    %broadcast_in_dim3A_411 = arith.constant 0.000000e+00 : f32
    %broadcast_in_dim3A_412 = vector.broadcast %broadcast_in_dim3A_411 : f32 to vector<1x128xf32>
    %broadcast_in_dim3A_413 = arith.constant 0.000000e+00 : f32
    %broadcast_in_dim3A_414 = vector.broadcast %broadcast_in_dim3A_413 : f32 to vector<1x128xf32>
    %broadcast_in_dim3A_415 = arith.constant 0.000000e+00 : f32
    %broadcast_in_dim3A_416 = vector.broadcast %broadcast_in_dim3A_415 : f32 to vector<1x128xf32>
    %eq3A_417 = arith.constant 0.000000e+00 : f32
    %eq3A_418 = vector.broadcast %eq3A_417 : f32 to vector<1x128xf32>
    %eq3A_419 = arith.cmpf oeq, %select_n3A_408, %eq3A_418 : vector<1x128xf32>
    %convert_element_type3A_420 = arith.extui %eq3A_419 : vector<1x128xi1> to vector<1x128xi32>
    %convert_element_type3A_421 = arith.sitofp %convert_element_type3A_420 : vector<1x128xi32> to vector<1x128xf32>
    %mul3A_422 = vector.broadcast %select_n3A_221 : f32 to vector<1x128xf32>
    %mul3A_423 = arith.mulf %convert_element_type3A_421, %mul3A_422 : vector<1x128xf32>
    %add3A_424 = arith.addf %broadcast_in_dim3A_410, %mul3A_423 : vector<1x128xf32>
    %mul3A_425 = arith.constant 0.000000e+00 : f32
    %mul3A_426 = vector.broadcast %mul3A_425 : f32 to vector<1x128xf32>
    %mul3A_427 = arith.mulf %convert_element_type3A_421, %mul3A_426 : vector<1x128xf32>
    %add3A_428 = arith.addf %broadcast_in_dim3A_412, %mul3A_427 : vector<1x128xf32>
    %mul3A_429 = arith.constant 0.000000e+00 : f32
    %mul3A_430 = vector.broadcast %mul3A_429 : f32 to vector<1x128xf32>
    %mul3A_431 = arith.mulf %convert_element_type3A_421, %mul3A_430 : vector<1x128xf32>
    %add3A_432 = arith.addf %broadcast_in_dim3A_414, %mul3A_431 : vector<1x128xf32>
    %mul3A_433 = vector.broadcast %add3A_28 : f32 to vector<1x128xf32>
    %mul3A_434 = arith.mulf %convert_element_type3A_421, %mul3A_433 : vector<1x128xf32>
    %add3A_435 = arith.addf %broadcast_in_dim3A_416, %mul3A_434 : vector<1x128xf32>
    %eq3A_436 = arith.constant 1.000000e+00 : f32
    %eq3A_437 = vector.broadcast %eq3A_436 : f32 to vector<1x128xf32>
    %eq3A_438 = arith.cmpf oeq, %select_n3A_408, %eq3A_437 : vector<1x128xf32>
    %convert_element_type3A_439 = arith.extui %eq3A_438 : vector<1x128xi1> to vector<1x128xi32>
    %convert_element_type3A_440 = arith.sitofp %convert_element_type3A_439 : vector<1x128xi32> to vector<1x128xf32>
    %mul3A_441 = vector.broadcast %select_n3A_239 : f32 to vector<1x128xf32>
    %mul3A_442 = arith.mulf %convert_element_type3A_440, %mul3A_441 : vector<1x128xf32>
    %add3A_443 = arith.addf %add3A_424, %mul3A_442 : vector<1x128xf32>
    %mul3A_444 = vector.broadcast %add3A_223 : f32 to vector<1x128xf32>
    %mul3A_445 = arith.mulf %convert_element_type3A_440, %mul3A_444 : vector<1x128xf32>
    %add3A_446 = arith.addf %add3A_428, %mul3A_445 : vector<1x128xf32>
    %mul3A_447 = vector.broadcast %add3A_28 : f32 to vector<1x128xf32>
    %mul3A_448 = arith.mulf %convert_element_type3A_440, %mul3A_447 : vector<1x128xf32>
    %add3A_449 = arith.addf %add3A_432, %mul3A_448 : vector<1x128xf32>
    %mul3A_450 = vector.broadcast %add3A_53 : f32 to vector<1x128xf32>
    %mul3A_451 = arith.mulf %convert_element_type3A_440, %mul3A_450 : vector<1x128xf32>
    %add3A_452 = arith.addf %add3A_435, %mul3A_451 : vector<1x128xf32>
    %eq3A_453 = arith.constant 2.000000e+00 : f32
    %eq3A_454 = vector.broadcast %eq3A_453 : f32 to vector<1x128xf32>
    %eq3A_455 = arith.cmpf oeq, %select_n3A_408, %eq3A_454 : vector<1x128xf32>
    %convert_element_type3A_456 = arith.extui %eq3A_455 : vector<1x128xi1> to vector<1x128xi32>
    %convert_element_type3A_457 = arith.sitofp %convert_element_type3A_456 : vector<1x128xi32> to vector<1x128xf32>
    %mul3A_458 = vector.broadcast %select_n3A_256 : f32 to vector<1x128xf32>
    %mul3A_459 = arith.mulf %convert_element_type3A_457, %mul3A_458 : vector<1x128xf32>
    %add3A_460 = arith.addf %add3A_443, %mul3A_459 : vector<1x128xf32>
    %mul3A_461 = vector.broadcast %add3A_240 : f32 to vector<1x128xf32>
    %mul3A_462 = arith.mulf %convert_element_type3A_457, %mul3A_461 : vector<1x128xf32>
    %add3A_463 = arith.addf %add3A_446, %mul3A_462 : vector<1x128xf32>
    %mul3A_464 = vector.broadcast %add3A_53 : f32 to vector<1x128xf32>
    %mul3A_465 = arith.mulf %convert_element_type3A_457, %mul3A_464 : vector<1x128xf32>
    %add3A_466 = arith.addf %add3A_449, %mul3A_465 : vector<1x128xf32>
    %mul3A_467 = vector.broadcast %add3A_78 : f32 to vector<1x128xf32>
    %mul3A_468 = arith.mulf %convert_element_type3A_457, %mul3A_467 : vector<1x128xf32>
    %add3A_469 = arith.addf %add3A_452, %mul3A_468 : vector<1x128xf32>
    %eq3A_470 = arith.constant 3.000000e+00 : f32
    %eq3A_471 = vector.broadcast %eq3A_470 : f32 to vector<1x128xf32>
    %eq3A_472 = arith.cmpf oeq, %select_n3A_408, %eq3A_471 : vector<1x128xf32>
    %convert_element_type3A_473 = arith.extui %eq3A_472 : vector<1x128xi1> to vector<1x128xi32>
    %convert_element_type3A_474 = arith.sitofp %convert_element_type3A_473 : vector<1x128xi32> to vector<1x128xf32>
    %mul3A_475 = vector.broadcast %select_n3A_273 : f32 to vector<1x128xf32>
    %mul3A_476 = arith.mulf %convert_element_type3A_474, %mul3A_475 : vector<1x128xf32>
    %add3A_477 = arith.addf %add3A_460, %mul3A_476 : vector<1x128xf32>
    %mul3A_478 = vector.broadcast %add3A_257 : f32 to vector<1x128xf32>
    %mul3A_479 = arith.mulf %convert_element_type3A_474, %mul3A_478 : vector<1x128xf32>
    %add3A_480 = arith.addf %add3A_463, %mul3A_479 : vector<1x128xf32>
    %mul3A_481 = vector.broadcast %add3A_78 : f32 to vector<1x128xf32>
    %mul3A_482 = arith.mulf %convert_element_type3A_474, %mul3A_481 : vector<1x128xf32>
    %add3A_483 = arith.addf %add3A_466, %mul3A_482 : vector<1x128xf32>
    %mul3A_484 = vector.broadcast %add3A_103 : f32 to vector<1x128xf32>
    %mul3A_485 = arith.mulf %convert_element_type3A_474, %mul3A_484 : vector<1x128xf32>
    %add3A_486 = arith.addf %add3A_469, %mul3A_485 : vector<1x128xf32>
    %eq3A_487 = arith.constant 4.000000e+00 : f32
    %eq3A_488 = vector.broadcast %eq3A_487 : f32 to vector<1x128xf32>
    %eq3A_489 = arith.cmpf oeq, %select_n3A_408, %eq3A_488 : vector<1x128xf32>
    %convert_element_type3A_490 = arith.extui %eq3A_489 : vector<1x128xi1> to vector<1x128xi32>
    %convert_element_type3A_491 = arith.sitofp %convert_element_type3A_490 : vector<1x128xi32> to vector<1x128xf32>
    %mul3A_492 = vector.broadcast %select_n3A_290 : f32 to vector<1x128xf32>
    %mul3A_493 = arith.mulf %convert_element_type3A_491, %mul3A_492 : vector<1x128xf32>
    %add3A_494 = arith.addf %add3A_477, %mul3A_493 : vector<1x128xf32>
    %mul3A_495 = vector.broadcast %add3A_274 : f32 to vector<1x128xf32>
    %mul3A_496 = arith.mulf %convert_element_type3A_491, %mul3A_495 : vector<1x128xf32>
    %add3A_497 = arith.addf %add3A_480, %mul3A_496 : vector<1x128xf32>
    %mul3A_498 = vector.broadcast %add3A_103 : f32 to vector<1x128xf32>
    %mul3A_499 = arith.mulf %convert_element_type3A_491, %mul3A_498 : vector<1x128xf32>
    %add3A_500 = arith.addf %add3A_483, %mul3A_499 : vector<1x128xf32>
    %mul3A_501 = vector.broadcast %add3A_128 : f32 to vector<1x128xf32>
    %mul3A_502 = arith.mulf %convert_element_type3A_491, %mul3A_501 : vector<1x128xf32>
    %add3A_503 = arith.addf %add3A_486, %mul3A_502 : vector<1x128xf32>
    %eq3A_504 = arith.constant 5.000000e+00 : f32
    %eq3A_505 = vector.broadcast %eq3A_504 : f32 to vector<1x128xf32>
    %eq3A_506 = arith.cmpf oeq, %select_n3A_408, %eq3A_505 : vector<1x128xf32>
    %convert_element_type3A_507 = arith.extui %eq3A_506 : vector<1x128xi1> to vector<1x128xi32>
    %convert_element_type3A_508 = arith.sitofp %convert_element_type3A_507 : vector<1x128xi32> to vector<1x128xf32>
    %mul3A_509 = vector.broadcast %select_n3A_307 : f32 to vector<1x128xf32>
    %mul3A_510 = arith.mulf %convert_element_type3A_508, %mul3A_509 : vector<1x128xf32>
    %add3A_511 = arith.addf %add3A_494, %mul3A_510 : vector<1x128xf32>
    %mul3A_512 = vector.broadcast %add3A_291 : f32 to vector<1x128xf32>
    %mul3A_513 = arith.mulf %convert_element_type3A_508, %mul3A_512 : vector<1x128xf32>
    %add3A_514 = arith.addf %add3A_497, %mul3A_513 : vector<1x128xf32>
    %mul3A_515 = vector.broadcast %add3A_128 : f32 to vector<1x128xf32>
    %mul3A_516 = arith.mulf %convert_element_type3A_508, %mul3A_515 : vector<1x128xf32>
    %add3A_517 = arith.addf %add3A_500, %mul3A_516 : vector<1x128xf32>
    %mul3A_518 = vector.broadcast %add3A_153 : f32 to vector<1x128xf32>
    %mul3A_519 = arith.mulf %convert_element_type3A_508, %mul3A_518 : vector<1x128xf32>
    %add3A_520 = arith.addf %add3A_503, %mul3A_519 : vector<1x128xf32>
    %eq3A_521 = arith.constant 6.000000e+00 : f32
    %eq3A_522 = vector.broadcast %eq3A_521 : f32 to vector<1x128xf32>
    %eq3A_523 = arith.cmpf oeq, %select_n3A_408, %eq3A_522 : vector<1x128xf32>
    %convert_element_type3A_524 = arith.extui %eq3A_523 : vector<1x128xi1> to vector<1x128xi32>
    %convert_element_type3A_525 = arith.sitofp %convert_element_type3A_524 : vector<1x128xi32> to vector<1x128xf32>
    %mul3A_526 = vector.broadcast %select_n3A_324 : f32 to vector<1x128xf32>
    %mul3A_527 = arith.mulf %convert_element_type3A_525, %mul3A_526 : vector<1x128xf32>
    %add3A_528 = arith.addf %add3A_511, %mul3A_527 : vector<1x128xf32>
    %mul3A_529 = vector.broadcast %add3A_308 : f32 to vector<1x128xf32>
    %mul3A_530 = arith.mulf %convert_element_type3A_525, %mul3A_529 : vector<1x128xf32>
    %add3A_531 = arith.addf %add3A_514, %mul3A_530 : vector<1x128xf32>
    %mul3A_532 = vector.broadcast %add3A_153 : f32 to vector<1x128xf32>
    %mul3A_533 = arith.mulf %convert_element_type3A_525, %mul3A_532 : vector<1x128xf32>
    %add3A_534 = arith.addf %add3A_517, %mul3A_533 : vector<1x128xf32>
    %mul3A_535 = vector.broadcast %add3A_178 : f32 to vector<1x128xf32>
    %mul3A_536 = arith.mulf %convert_element_type3A_525, %mul3A_535 : vector<1x128xf32>
    %add3A_537 = arith.addf %add3A_520, %mul3A_536 : vector<1x128xf32>
    %eq3A_538 = arith.constant 7.000000e+00 : f32
    %eq3A_539 = vector.broadcast %eq3A_538 : f32 to vector<1x128xf32>
    %eq3A_540 = arith.cmpf oeq, %select_n3A_408, %eq3A_539 : vector<1x128xf32>
    %convert_element_type3A_541 = arith.extui %eq3A_540 : vector<1x128xi1> to vector<1x128xi32>
    %convert_element_type3A_542 = arith.sitofp %convert_element_type3A_541 : vector<1x128xi32> to vector<1x128xf32>
    %mul3A_543 = vector.broadcast %select_n3A_341 : f32 to vector<1x128xf32>
    %mul3A_544 = arith.mulf %convert_element_type3A_542, %mul3A_543 : vector<1x128xf32>
    %add3A_545 = arith.addf %add3A_528, %mul3A_544 : vector<1x128xf32>
    %mul3A_546 = vector.broadcast %add3A_325 : f32 to vector<1x128xf32>
    %mul3A_547 = arith.mulf %convert_element_type3A_542, %mul3A_546 : vector<1x128xf32>
    %add3A_548 = arith.addf %add3A_531, %mul3A_547 : vector<1x128xf32>
    %mul3A_549 = vector.broadcast %add3A_178 : f32 to vector<1x128xf32>
    %mul3A_550 = arith.mulf %convert_element_type3A_542, %mul3A_549 : vector<1x128xf32>
    %add3A_551 = arith.addf %add3A_534, %mul3A_550 : vector<1x128xf32>
    %mul3A_552 = vector.broadcast %add3A_203 : f32 to vector<1x128xf32>
    %mul3A_553 = arith.mulf %convert_element_type3A_542, %mul3A_552 : vector<1x128xf32>
    %add3A_554 = arith.addf %add3A_537, %mul3A_553 : vector<1x128xf32>
    %sub3A_555 = arith.subf %convert_element_type3A_208, %add3A_548 : vector<1x128xf32>
    %add3A_556 = arith.addf %add3A_545, %sub3A_555 : vector<1x128xf32>
    %jit3A_557 = arith.constant 3.100000e+01 : f32
    %broadcast_in_dim3A_558 = vector.broadcast %jit3A_557 : f32 to vector<1x128xf32>
    %select_n3A_559 = arith.select %lt3A_344, %add3A_556, %broadcast_in_dim3A_558 : vector<1x128xi1>, vector<1x128xf32>
    %mul3A_560 = arith.constant 2.560000e+02 : f32
    %mul3A_561 = vector.broadcast %mul3A_560 : f32 to vector<1x128xf32>
    %mul3A_562 = arith.mulf %select_n3A_559, %mul3A_561 : vector<1x128xf32>
    %sub3A_563 = arith.subf %add3A_551, %mul3A_562 : vector<1x128xf32>
    %jit3A_564 = arith.constant 0.000000e+00 : f32
    %jit3A_565 = arith.constant 2.560000e+02 : f32
    %max3A = vector.broadcast %jit3A_564 : f32 to vector<1x128xf32>
    %max3A_566 = arith.maximumf %max3A, %sub3A_563 : vector<1x128xf32>
    %min3A = vector.broadcast %jit3A_565 : f32 to vector<1x128xf32>
    %min3A_567 = arith.minimumf %min3A, %max3A_566 : vector<1x128xf32>
    %jit3A_568 = arith.constant 0.000000e+00 : f32
    %broadcast_in_dim3A_569 = vector.broadcast %jit3A_568 : f32 to vector<1x128xf32>
    %select_n3A_570 = arith.select %lt3A_344, %min3A_567, %broadcast_in_dim3A_569 : vector<1x128xi1>, vector<1x128xf32>
    %mul3A_571 = arith.constant 2.560000e+02 : f32
    %mul3A_572 = vector.broadcast %mul3A_571 : f32 to vector<1x128xf32>
    %mul3A_573 = arith.mulf %select_n3A_559, %mul3A_572 : vector<1x128xf32>
    %sub3A_574 = arith.subf %add3A_554, %mul3A_573 : vector<1x128xf32>
    %jit3A_575 = arith.constant 0.000000e+00 : f32
    %jit3A_576 = arith.constant 2.560000e+02 : f32
    %max3A_577 = vector.broadcast %jit3A_575 : f32 to vector<1x128xf32>
    %max3A_578 = arith.maximumf %max3A_577, %sub3A_574 : vector<1x128xf32>
    %min3A_579 = vector.broadcast %jit3A_576 : f32 to vector<1x128xf32>
    %min3A_580 = arith.minimumf %min3A_579, %max3A_578 : vector<1x128xf32>
    %jit3A_581 = arith.constant 0.000000e+00 : f32
    %broadcast_in_dim3A_582 = vector.broadcast %jit3A_581 : f32 to vector<1x128xf32>
    %select_n3A_583 = arith.select %lt3A_344, %min3A_580, %broadcast_in_dim3A_582 : vector<1x128xi1>, vector<1x128xf32>
    %convert_element_type3A_584 = arith.fptosi %select_n3A_559 : vector<1x128xf32> to vector<1x128xi32>
    %swap3A_585 = arith.constant 0 : index
    %swap3A_586 = arith.constant 0 : index
    %swap3A_587 = vector.load %arg2[%swap3A_585, %swap3A_586] : memref<1x128xi32, #tpu.memory_space<vmem>>, vector<1x128xi32>
    tpu.vector_store %arg2[%swap3A_585, %swap3A_586], %convert_element_type3A_584 {strides = array<i32>} : memref<1x128xi32, #tpu.memory_space<vmem>>, vector<1x128xi32>,
    %convert_element_type3A_588 = arith.fptosi %select_n3A_408 : vector<1x128xf32> to vector<1x128xi32>
    %swap3A_589 = arith.constant 0 : index
    %swap3A_590 = arith.constant 0 : index
    %swap3A_591 = vector.load %arg3[%swap3A_589, %swap3A_590] : memref<1x128xi32, #tpu.memory_space<vmem>>, vector<1x128xi32>
    tpu.vector_store %arg3[%swap3A_589, %swap3A_590], %convert_element_type3A_588 {strides = array<i32>} : memref<1x128xi32, #tpu.memory_space<vmem>>, vector<1x128xi32>,
    %convert_element_type3A_592 = arith.fptosi %select_n3A_570 : vector<1x128xf32> to vector<1x128xi32>
    %swap3A_593 = arith.constant 0 : index
    %swap3A_594 = arith.constant 0 : index
    %swap3A_595 = vector.load %arg4[%swap3A_593, %swap3A_594] : memref<1x128xi32, #tpu.memory_space<vmem>>, vector<1x128xi32>
    tpu.vector_store %arg4[%swap3A_593, %swap3A_594], %convert_element_type3A_592 {strides = array<i32>} : memref<1x128xi32, #tpu.memory_space<vmem>>, vector<1x128xi32>,
    %convert_element_type3A_596 = arith.fptosi %select_n3A_583 : vector<1x128xf32> to vector<1x128xi32>
    %swap3A_597 = arith.constant 0 : index
    %swap3A_598 = arith.constant 0 : index
    %swap3A_599 = vector.load %arg5[%swap3A_597, %swap3A_598] : memref<1x128xi32, #tpu.memory_space<vmem>>, vector<1x128xi32>
    tpu.vector_store %arg5[%swap3A_597, %swap3A_598], %convert_element_type3A_596 {strides = array<i32>} : memref<1x128xi32, #tpu.memory_space<vmem>>, vector<1x128xi32>,
    return
  }
}

</mosaic_0001>

<sc_bundles>
// kernel: kernel.6.cloned.1.call-start
scs
__scs_entry_jumppad:
0x0: {  	(pc) =	sbr.rel $0x88, $3  }
0x1: {  	(tag) =	ssettag $0x0;
	lr =	simm.s32 $0x1  }
0x2: {  	[smem:$0x3F9D] =	sst lr;
	_ =	strace $0xD0000000  }
0x3: {  	_ = 	snop  }
0x4: {  	_ = 	snop  }
0x5: {  	_ = 	snop  }
0x6: {  	_ = 	snop  }
0x7: {  	_ = 	snop  }
__scs_overlays_trampoline_lowered:
0x8: {  	[smem:$0x3FAC] =	sst s0  }
0x9: {  	[smem:$0x3FAD] =	sst s1  }
0xa: {  	[smem:$0x3FAE] =	sst s2  }
0xb: {  	[smem:$0x3FAF] =	sst s3  }
0xc: {  	[smem:$0x3FB0] =	sst s4  }
0xd: {  	[smem:$0x3FB1] =	sst s5  }
0xe: {  	[smem:$0x3FB2] =	sst s6  }
0xf: {  	[smem:$0x3FB3] =	sst s7  }
0x10: {  	[smem:$0x3FB4] =	sst s8  }
0x11: {  	[smem:$0x3FB5] =	sst s9;
	s0 =	simm.s32 @!p0 $0x0  }
0x12: {  	s1 =	sld [smem:$0x3F9B];
	s0 =	simm.s32 @p0 $0x1  }
0x13: {  	[smem:$0x3FB6] =	sst s0;
	s0 =	simm.s32 @!p1 $0x0  }
0x14: {  	s2 =	sld [smem:$0x3F9A];
	s0 =	simm.s32 @p1 $0x1  }
0x15: {  	[smem:$0x3FB7] =	sst s0;
	s0 =	simm.s32 @!p2 $0x0  }
0x16: {  	s3 =	sld [smem:$0x3FDB];
	s0 =	simm.s32 @p2 $0x1  }
0x17: {  	s4 =	simm.s32 $0x1BF5;
	[smem:$0x3FB9] =	sst s0  }
0x18: {  	s0 =	sld [smem:$0x3F9C];
	_ =	swait.ge [sflag:s4], $0x0  }
0x19: {  	s7 =	sld [smem:$0x3F9D]  }
0x1a: {  	s8 =	sadd.s32 $0xFFFFE003, lr  }
0x1b: {  	s9 =	sadd.s32 $0xFFFFFEF7, lr;
	s5 =	simm.s32 $0xFFFFFFFF;
	p2 =	slt.u32 s8, $0xFFFFF086  }
0x1c: {  	p1 =	slt.u32 s9, $0xF7A;
	s5 =	simm.s32 @!p2 $0x0  }
0x1d: {  	s5 =	simm.s32 @p1 $0x1;
	p0 =	seq.s32 s7, s2  }
0x1e: {  	s7 =	smul.u32 @!p0 $0xF7A, s2;
	p2 =	seq.s32 @!p0 s5, $0x0  }
0x1f: {  	s9 =	smul.u32 $0xF7A, s1;
	s8 =	simm.s32 @!p0 $0x1BF5;
	p2 =	por !p2, p0  }
0x20: {  	[sflag:s8] =	ssyncset.s32 @!p0 $0xFFFFF086;
	s6 =	sadd.s32 @!p0 s3, s7;
	s7 =	simm.s32 @!p0 $0x108  }
0x21: {  	s3 =	sadd.s32 s3, s9;
	s6 =	sadd.s32 @!p0 $0x88, s6;
	s7 =	simm.s32 @p2 $0x1082  }
0x22: {  	[simem:s7], [sflag:s8] =	dma.local @!p0 [hbm:s6], $0xF7A  }
0x23: {  	s9 =	sor.u32 $0xD0000000, s2;
	s6 =	simm.s32 $0x108;
	_ =	swait.ge @!p0 [sflag:s8], $0x0  }
0x24: {  	s3 =	sadd.s32 $0x88, s3;
	s6 =	simm.s32 @!p1 $0x1082;
	[sflag:s4] =	ssyncset.s32 $0xFFFFF086  }
0x25: {  	[simem:s6], [sflag:s4] =	dma.local [hbm:s3], $0xF7A  }
0x26: {  	[smem:$0x3F9D] =	sst s1;
	(tag) =	ssettag s2;
	_ =	strace s9  }
0x27: {  	s1 =	sld [smem:$0x3FAD]  }
0x28: {  	s2 =	sld [smem:$0x3FAE]  }
0x29: {  	s4 =	sld [smem:$0x3FB0]  }
0x2a: {  	p0 =	seq.s32 s5, $0x0;
	s5 =	sld [smem:$0x3FB1]  }
0x2b: {  	s6 =	sld [smem:$0x3FB2]  }
0x2c: {  	s7 =	sld [smem:$0x3FB3]  }
0x2d: {  	s3 =	simm.s32 $0x108;
	s8 =	sld [smem:$0x3FB4]  }
0x2e: {  	s3 =	simm.s32 @!p0 $0x1082;
	s9 =	sld [smem:$0x3FB5]  }
0x2f: {  	lr =	sadd.s32 s0, s3;
	s0 =	sld [smem:$0x3FAC]  }
0x30: {  	s3 =	sld [smem:$0x3FAF]  }
0x31: {  	[smem:$0x3FB8] =	sst s10  }
0x32: {  	s10 =	sld [smem:$0x3FB6];
	_ =	sdelay $0x3  }
0x33: {  	p0 =	seq.s32 s10, $0x1;
	s10 =	sld [smem:$0x3FB8];
	_ =	sdelay $0x3  }
0x34: {  	[smem:$0x3FB8] =	sst s10  }
0x35: {  	s10 =	sld [smem:$0x3FB7];
	_ =	sdelay $0x3  }
0x36: {  	p1 =	seq.s32 s10, $0x1;
	s10 =	sld [smem:$0x3FB8];
	_ =	sdelay $0x3  }
0x37: {  	[smem:$0x3FB8] =	sst s10  }
0x38: {  	s10 =	sld [smem:$0x3FB9]  }
0x39: {  	_ = 	snop;
	(pc) =	sbr.ind lr, $3  }
0x3a: {  	_ = 	snop  }
0x3b: {  	_ = 	snop  }
0x3c: {  	p2 =	seq.s32 s10, $0x1;
	s10 =	sld [smem:$0x3FB8]  }
0x3d: {  	_ =	shalt  }
0x3e: {  	_ =	shalt  }
0x3f: {  	_ =	shalt  }
0x40: {  	_ =	shalt  }
0x41: {  	_ =	shalt  }
0x42: {  	_ =	shalt  }
0x43: {  	_ =	shalt  }
0x44: {  	_ =	shalt  }
0x45: {  	_ =	shalt  }
0x46: {  	_ =	shalt  }
0x47: {  	_ =	shalt  }
0x48: {  	_ =	shalt  }
0x49: {  	_ =	shalt  }
0x4a: {  	_ =	shalt  }
0x4b: {  	_ =	shalt  }
0x4c: {  	_ =	shalt  }
0x4d: {  	_ =	shalt  }
0x4e: {  	_ =	shalt  }
0x4f: {  	_ =	shalt  }
0x50: {  	_ =	shalt  }
0x51: {  	_ =	shalt  }
0x52: {  	_ =	shalt  }
0x53: {  	_ =	shalt  }
0x54: {  	_ =	shalt  }
0x55: {  	_ =	shalt  }
0x56: {  	_ =	shalt  }
0x57: {  	_ =	shalt  }
0x58: {  	_ =	shalt  }
0x59: {  	_ =	shalt  }
0x5a: {  	_ =	shalt  }
0x5b: {  	_ =	shalt  }
0x5c: {  	_ =	shalt  }
0x5d: {  	_ =	shalt  }
0x5e: {  	_ =	shalt  }
0x5f: {  	_ =	shalt  }
0x60: {  	_ =	shalt  }
0x61: {  	_ =	shalt  }
0x62: {  	_ =	shalt  }
0x63: {  	_ =	shalt  }
0x64: {  	_ =	shalt  }
0x65: {  	_ =	shalt  }
0x66: {  	_ =	shalt  }
0x67: {  	_ =	shalt  }
0x68: {  	_ =	shalt  }
0x69: {  	_ =	shalt  }
0x6a: {  	_ =	shalt  }
0x6b: {  	_ =	shalt  }
0x6c: {  	_ =	shalt  }
0x6d: {  	_ =	shalt  }
0x6e: {  	_ =	shalt  }
0x6f: {  	_ =	shalt  }
0x70: {  	_ =	shalt  }
0x71: {  	_ =	shalt  }
0x72: {  	_ =	shalt  }
0x73: {  	_ =	shalt  }
0x74: {  	_ =	shalt  }
0x75: {  	_ =	shalt  }
0x76: {  	_ =	shalt  }
0x77: {  	_ =	shalt  }
0x78: {  	_ =	shalt  }
0x79: {  	_ =	shalt  }
0x7a: {  	_ =	shalt  }
0x7b: {  	_ =	shalt  }
0x7c: {  	_ =	shalt  }
0x7d: {  	_ =	shalt  }
0x7e: {  	_ =	shalt  }
0x7f: {  	_ =	shalt  }
0x80: {  	_ =	shalt  }
0x81: {  	_ =	shalt  }
0x82: {  	_ =	shalt  }
0x83: {  	_ =	shalt  }
0x84: {  	_ =	shalt  }
0x85: {  	_ =	shalt  }
0x86: {  	_ =	shalt  }
0x87: {  	_ =	shalt  }
.Lfunc_end0:
.L_simem_size_0:
called_computation_lowered:
.L_overlay_start_0:
0x88: {  	s2 =	sld [smem:$0x3FD9]  }
0x89: {  	s3 =	sld [smem:$0x3FFE];
	_ =	sdelay $0x1  }
0x8a: {  	s1 =	srdreg.scid  }
0x8b: {  	s0 =	sand.u32 $0x1, s1  }
0x8c: {  	s17 =	sshll.u32 s0, $0xA;
	s2 =	sadd.s32 s3, s2  }
0x8d: {  	s2 =	sadd.s32 s2, s17  }
0x8e: {  	[smem:$0x3FC4] =	sst s2  }
0x8f: {  	_ = 	snop  }
0x90: {  	s2 =	sld [smem:$0x3FC9]  }
0x91: {  	s18 =	sld [smem:$0x3FD0];
	(tm) =	ssettm $0x1  }
0x92: {  	s4 =	sld [smem:$0x3FFB];
	_ =	sdelay $0x3  }
0x93: {  	_ =	strace s4  }
0x94: {  	s4 =	sld [smem:$0x3FFC];
	_ =	sdelay $0x3  }
0x95: {  	_ =	strace s4  }
0x96: {  	s4 =	sld [smem:$0x3FFD];
	_ =	sdelay $0x3  }
0x97: {  	_ =	strace s4  }
0x98: {  	_ =	strace $0x8FFFFFFF  }
0x99: {  	s19 =	sld [smem:$0x3FDB];
	_ =	sdelay $0x1  }
0x9a: {  	s5 =	simm.s32 $_scs_section_size  }
0x9b: {  	s6 =	simm.s32 $_size__tile_overlayer_lowered;
	s7 =	simm.s32 $_tile_overlayer_lowered  }
0x9c: {  	s22 =	simm.s32 $0x1BFF;
	s21 =	sshll.u32 s7, $0x1;
	s4 =	sadd.s32 s5, s19  }
0x9d: {  	s8 =	simm.s32 $0x0;
	s20 =	sshll.u32 s6, $0x1;
	s6 =	sadd.s32 s21, s4  }
0x9e: {  	[timem:s8], [sflag:s22] =	dma.local [hbm:s6], s20  }
0x9f: {  	_ =	swait.ge [sflag:s22], s20  }
0xa0: {  	s5 =	ssub.s32 $0x0, s20;
	[sflag:s22] =	ssyncset.done $0x0  }
0xa1: {  	[sflag:s22] =	ssyncadd.s32 s5;
	_ =	sdelay $0x1  }
0xa2: {  	s23 =	simm.s32 $0x1B8B  }
0xa3: {  	_ =	swait.ge [sflag:s23], $0x1  }
0xa4: {  	[sflag:s23] =	ssyncset.done $0x0  }
0xa5: {  	s25 =	simm.s32 $0x1B8E;
	s24 =	sld [smem:$0x3FFE];
	[sflag:s23] =	ssyncadd.s32 $0xFFFFFFFF  }
0xa6: {  	s26 =	simm.s32 $execute0_lowered;
	[smem:$0x3FD2] =	sst s25  }
0xa7: {  	s6 =	sshll.u32 s26, $0x1;
	_ =	strace $0x80000046;
	[dreg:$0x1] =	wrdreg $0xFFFFFFFF  }
0xa8: {  	s28 =	simm.s32 $_size_execute0_lowered;
	s4 =	sadd.s32 s4, s6;
	[dreg:$0x0] =	wrdreg $0x0  }
0xa9: {  	s6 =	sshll.u32 s28, $0x1;
	[dreg:$0x2] =	wrdreg s4  }
0xaa: {  	[dreg:$0x3] =	wrdreg s6  }
0xab: {  	[dreg:$0x4] =	wrdreg $0xC0  }
0xac: {  	_ =	task [dreg:s8], $0x5FFFF  }
0xad: {  	[dreg:$0x1] =	wrdreg $0xFFFFFFFF  }
0xae: {  	[dreg:$0x0] =	wrdreg $0x60  }
0xaf: {  	[dreg:$0x2] =	wrdreg s2  }
0xb0: {  	[dreg:$0x3] =	wrdreg s24  }
0xb1: {  	[dreg:$0x4] =	wrdreg s18  }
0xb2: {  	[dreg:$0x5] =	wrdreg $0x9  }
0xb3: {  	_ =	task.clear_ibuf [dreg:s8], $0x6FFFF;
	_ =	strace $0x90000046  }
0xb4: {  	s29 =	simm.s32 $0x9;
	_ =	strace $0x80000048  }
0xb5: {  	_ =	swait.ge [sflag:s29], $0x1  }
0xb6: {  	[sflag:s29] =	ssyncadd.s32 $0xFFFFFFFF  }
0xb7: {  	_ =	strace $0x90000048  }
0xb8: {  	_ =	sfence  }
0xb9: {  	s30 =	sld [smem:$0x0];
	_ =	sdelay $0x2  }
0xba: {  	s31 =	sshll.u32 s1, $0xD;
	s1 =	sshrl.u32 s1, $0x2  }
0xbb: {  	s3 =	sand.u32 $0x4000, s31;
	s1 =	sadd.s32 s1, s30  }
0xbc: {  	s0 =	sor.u32 s3, s0;
	s1 =	sshll.u32 s1, $0x11  }
0xbd: {  	s0 =	sor.u32 s1, s0  }
0xbe: {  	s0 =	sadd.s32 $0x8F2B, s0  }
0xbf: {  	[sflag:s0] =	ssyncadd.remote.s32 $0x1  }
0xc0: {  	_ =	sfence.sel $0xFFFF  }
0xc1: {  	[dreg:$0x0] =	wrdreg $0xFFFFFFFF;
	(pc) =	sbr.abs _section_cstart, $3  }
0xc2: {  	[dreg:$0x1] =	wrdreg $0xFFFFFFFF  }
0xc3: {  	_ =	task.clear_ibuf [dreg:s8], $0x2FFFF;
	_ =	strace $0x9FFFFFFF  }
0xc4: {  	(tm) =	ssettm $0x7FFFFFFF  }
0xc5: {  	_ =	shalt  }
tec
execute0_lowered:
.L_overlay_start_1:
0x0: {  	(tag) =	ssettag $0x1  }
0x1: {  	s0 =	srdreg.scid  }
0x2: {  	s1 =	rddreg [dreg:$0x0];
	s2 =	stileid.u32;
	s0 =	sand.u32 $0x1, s0  }
0x3: {  	s4 =	rddreg [dreg:$0x1];
	s3 =	sshll.u32 s2, $0x9;
	s5 =	sshll.u32 s0, $0x8  }
0x4: {  	s2 =	rddreg [dreg:$0x2];
	s5 =	sor.u32 s5, s3  }
0x5: {  	s3 =	simm.s32 $0x0;
	s6 =	sshrl.u32 s5, $0x3;
	s5 =	sshll.u32 s5, $0x8  }
0x6: {  	[smem:$0x7FF] =	sst s3;
	s4 =	sadd.s32 s6, s4;
	s12 =	sadd.s32 s1, s5  }
0x7: {  	_ =	strace $0x80000047;
	s4 =	sadd.s32 $0x1800, s4;
	[dreg:$0x14] =	wrdreg s12  }
0x8: {  	s1 =	sadd.s32 $0x1000, s12;
	[dreg:$0x4] =	wrdreg s4  }
0x9: {  	s14 =	sadd.s32 $0x2000, s12;
	[dreg:$0x5] =	wrdreg s1  }
0xa: {  	s29 =	simm.s32 $0x2;
	s15 =	sadd.s32 $0x3000, s12;
	[dreg:$0x6] =	wrdreg s14  }
0xb: {  	s13 =	simm.s32 $0x4;
	s16 =	sadd.s32 $0x4000, s12;
	[dreg:$0x7] =	wrdreg s15  }
0xc: {  	s28 =	simm.s32 $0x100;
	s17 =	sadd.s32 $0x5000, s12;
	[dreg:$0x8] =	wrdreg s16  }
0xd: {  	s0 =	ssub.s32 $0x2, s0;
	s18 =	sadd.s32 $0x6000, s12;
	[dreg:$0x9] =	wrdreg s17  }
0xe: {  	s7 =	sadd.s32 $0x300, s2;
	s20 =	sadd.s32 $0x7000, s12;
	[dreg:$0xa] =	wrdreg s18  }
0xf: {  	s8 =	sadd.s32 $0x400, s2;
	s21 =	sadd.s32 $0x8000, s12;
	[dreg:$0xb] =	wrdreg s20  }
0x10: {  	s9 =	sadd.s32 $0x500, s2;
	s22 =	sadd.s32 $0x9000, s12;
	[dreg:$0xc] =	wrdreg s21  }
0x11: {  	s10 =	sadd.s32 $0x600, s2;
	s23 =	sadd.s32 $0xA000, s12;
	[dreg:$0xd] =	wrdreg s22  }
0x12: {  	s11 =	sadd.s32 $0x700, s2;
	s24 =	sadd.s32 $0xB000, s12;
	[dreg:$0xe] =	wrdreg s23  }
0x13: {  	s19 =	sshrl.u32 s0, $0x1;
	s25 =	sadd.s32 $0xC000, s12;
	[dreg:$0xf] =	wrdreg s24  }
0x14: {  	s0 =	ssub.s32 s0, s19;
	s26 =	sadd.s32 $0xD000, s12;
	[dreg:$0x10] =	wrdreg s25  }
0x15: {  	s19 =	simm.s32 $0x6;
	s30 =	sadd.s32 $0xE000, s12;
	[dreg:$0x11] =	wrdreg s26  }
0x16: {  	v2 =	vlaneseq.u32;
	s5 =	sadd.s32 $0x100, s2;
	s31 =	sadd.s32 $0xF000, s12;
	[dreg:$0x12] =	wrdreg s30  }
0x17: {  	vm0 =	vmmov $0xffff;
	v1 =	vshrl.u32 v2, $0x3;
	s6 =	sadd.s32 $0x200, s2;
	s0 =	smax.u32 s0, $0x1;
	[dreg:$0x13] =	wrdreg s31  }
0x18: {  	v0 =	vand.u32 $0x7, v2;
	v2 =	vor.u32 $0x8, v2;
	v1 =	vmul.u32 $0x8, v1;
	s16 =	simm.s32 $0x1;
	s17 =	simm.s32 $0x3;
	s18 =	simm.s32 $0x5  }
.LBB2_1:
0x19: {  	[dreg:$0x15] =	wrdreg s0  }
0x1a: {  	s20 =	rddreg [dreg:$0x4];
	s23 =	simm.s32 $0x7  }
0x1b: {  	[tilespmem:s3], [sflag:$0x7] =	stream.linear.gather [hbm4b:s20+s3], $0x100, $0x38;
	[tilespmem:$0x18100] =	vst v63  }
0x1c: {  	_ =	swait.ge [sflag:s23], $0x100  }
0x1d: {  	[sflag:s23] =	ssyncset.done $0x0  }
0x1e: {  	s21 =	rddreg [dreg:$0x14];
	[sflag:s23] =	ssyncadd.s32 $0xFFFFFF00  }
0x1f: {  	[tilespmem:s28], [sflag:$0x1] =	stream.linear.gather [hbm4b:s21+s3], $0x8000, $0x38;
	[tilespmem:$0x18100] =	vst v63  }
0x20: {  	s25 =	simm.s32 $0x8100;
	s24 =	rddreg [dreg:$0x5]  }
0x21: {  	[tilespmem:s25], [sflag:$0x2] =	stream.linear.gather [hbm4b:s24+s3], $0x8000, $0x38;
	[tilespmem:$0x18100] =	vst v63  }
0x22: {  	_ =	swait.ge [sflag:s16], $0x8000  }
0x23: {  	[sflag:s16] =	ssyncset.done $0x0  }
0x24: {  	[sflag:s16] =	ssyncadd.s32 $0xFFFF8000  }
0x25: {  	v3 =	vld [tilespmem:$0x0];
	_ =	sdelay $0x4  }
0x26: {  	v4 =	vshll.u32 v3, $0x4  }
0x27: {  	v3 =	vand.u32 $0x7, v3;
	v4 =	vand.u32 $0xFFFFFF80, v4  }
0x28: {  	v3 =	vor.u32 v3, v4  }
0x29: {  	v4 =	vperm.xlane v3, v0;
	_ =	sdelay $0x1  }
0x2a: {  	v4 =	vadd.s32 v1, v4;
	_ =	sdelay $0x4  }
0x2b: {  	[hbm4b:s2+s3] =	stream.indirect_vreg.scatter [tilespmem:s28], [sflag:$0x4], $0x80, v4, vm0, $0xb8;
	[tilespmem:$0x18100] =	vst v63  }
0x2c: {  	s1 =	simm.s32 $0x900  }
0x2d: {  	[hbm4b:s5+s3] =	stream.indirect_vreg.scatter [tilespmem:s1], [sflag:$0x4], $0x80, v4, vm0, $0xb8;
	[tilespmem:$0x18100] =	vst v63  }
0x2e: {  	s26 =	simm.s32 $0x1100  }
0x2f: {  	[hbm4b:s6+s3] =	stream.indirect_vreg.scatter [tilespmem:s26], [sflag:$0x4], $0x80, v4, vm0, $0xb8;
	[tilespmem:$0x18100] =	vst v63  }
0x30: {  	s30 =	simm.s32 $0x1900  }
0x31: {  	[hbm4b:s7+s3] =	stream.indirect_vreg.scatter [tilespmem:s30], [sflag:$0x4], $0x80, v4, vm0, $0xb8;
	[tilespmem:$0x18100] =	vst v63  }
0x32: {  	s31 =	simm.s32 $0x2100  }
0x33: {  	[hbm4b:s8+s3] =	stream.indirect_vreg.scatter [tilespmem:s31], [sflag:$0x4], $0x80, v4, vm0, $0xb8;
	[tilespmem:$0x18100] =	vst v63  }
0x34: {  	s0 =	simm.s32 $0x2900;
	v3 =	vperm.xlane v3, v2  }
0x35: {  	[hbm4b:s9+s3] =	stream.indirect_vreg.scatter [tilespmem:s0], [sflag:$0x4], $0x80, v4, vm0, $0xb8;
	[tilespmem:$0x18100] =	vst v63  }
0x36: {  	s4 =	simm.s32 $0x3100;
	v3 =	vadd.s32 v1, v3  }
0x37: {  	[hbm4b:s10+s3] =	stream.indirect_vreg.scatter [tilespmem:s4], [sflag:$0x4], $0x80, v4, vm0, $0xb8;
	[tilespmem:$0x18100] =	vst v63  }
0x38: {  	s20 =	simm.s32 $0x3900  }
0x39: {  	[hbm4b:s11+s3] =	stream.indirect_vreg.scatter [tilespmem:s20], [sflag:$0x4], $0x80, v4, vm0, $0xb8;
	[tilespmem:$0x18100] =	vst v63  }
0x3a: {  	s21 =	simm.s32 $0x4100  }
0x3b: {  	[hbm4b:s2+s3] =	stream.indirect_vreg.scatter [tilespmem:s21], [sflag:$0x4], $0x80, v3, vm0, $0xb8;
	[tilespmem:$0x18100] =	vst v63  }
0x3c: {  	s22 =	simm.s32 $0x4900  }
0x3d: {  	[hbm4b:s5+s3] =	stream.indirect_vreg.scatter [tilespmem:s22], [sflag:$0x4], $0x80, v3, vm0, $0xb8;
	[tilespmem:$0x18100] =	vst v63  }
0x3e: {  	s23 =	simm.s32 $0x5100  }
0x3f: {  	[hbm4b:s6+s3] =	stream.indirect_vreg.scatter [tilespmem:s23], [sflag:$0x4], $0x80, v3, vm0, $0xb8;
	[tilespmem:$0x18100] =	vst v63  }
0x40: {  	s24 =	simm.s32 $0x5900  }
0x41: {  	[hbm4b:s7+s3] =	stream.indirect_vreg.scatter [tilespmem:s24], [sflag:$0x4], $0x80, v3, vm0, $0xb8;
	[tilespmem:$0x18100] =	vst v63  }
0x42: {  	s25 =	simm.s32 $0x6100  }
0x43: {  	[hbm4b:s8+s3] =	stream.indirect_vreg.scatter [tilespmem:s25], [sflag:$0x4], $0x80, v3, vm0, $0xb8;
	[tilespmem:$0x18100] =	vst v63  }
0x44: {  	s26 =	simm.s32 $0x6900  }
0x45: {  	[hbm4b:s9+s3] =	stream.indirect_vreg.scatter [tilespmem:s26], [sflag:$0x4], $0x80, v3, vm0, $0xb8;
	[tilespmem:$0x18100] =	vst v63  }
0x46: {  	s30 =	simm.s32 $0x7100  }
0x47: {  	[hbm4b:s10+s3] =	stream.indirect_vreg.scatter [tilespmem:s30], [sflag:$0x4], $0x80, v3, vm0, $0xb8;
	[tilespmem:$0x18100] =	vst v63  }
0x48: {  	s0 =	simm.s32 $0x7900  }
0x49: {  	[hbm4b:s11+s3] =	stream.indirect_vreg.scatter [tilespmem:s0], [sflag:$0x4], $0x80, v3, vm0, $0xb8;
	[tilespmem:$0x18100] =	vst v63  }
0x4a: {  	s31 =	rddreg [dreg:$0x6];
	s4 =	simm.s32 $0x10100  }
0x4b: {  	[tilespmem:s4], [sflag:$0x3] =	stream.linear.gather [hbm4b:s31+s3], $0x8000, $0x38;
	[tilespmem:$0x18100] =	vst v63  }
0x4c: {  	_ =	swait.ge [sflag:s29], $0x8000  }
0x4d: {  	[sflag:s29] =	ssyncset.done $0x0  }
0x4e: {  	[sflag:s29] =	ssyncadd.s32 $0xFFFF8000  }
0x4f: {  	v3 =	vld [tilespmem:$0x10];
	_ =	sdelay $0x4  }
0x50: {  	v49 =	vshll.u32 v3, $0x4  }
0x51: {  	v3 =	vand.u32 $0x7, v3;
	v4 =	vand.u32 $0xFFFFFF80, v49  }
0x52: {  	v3 =	vor.u32 v3, v4  }
0x53: {  	v4 =	vperm.xlane v3, v0;
	_ =	sdelay $0x1  }
0x54: {  	v4 =	vadd.s32 v1, v4;
	_ =	sdelay $0x3  }
0x55: {  	s15 =	simm.s32 $0x8100  }
0x56: {  	[hbm4b:s2+s3] =	stream.indirect_vreg.scatter [tilespmem:s15], [sflag:$0x5], $0x80, v4, vm0, $0xb8;
	[tilespmem:$0x18100] =	vst v63  }
0x57: {  	s20 =	simm.s32 $0x8900  }
0x58: {  	[hbm4b:s5+s3] =	stream.indirect_vreg.scatter [tilespmem:s20], [sflag:$0x5], $0x80, v4, vm0, $0xb8;
	[tilespmem:$0x18100] =	vst v63  }
0x59: {  	s21 =	simm.s32 $0x9100  }
0x5a: {  	[hbm4b:s6+s3] =	stream.indirect_vreg.scatter [tilespmem:s21], [sflag:$0x5], $0x80, v4, vm0, $0xb8;
	[tilespmem:$0x18100] =	vst v63  }
0x5b: {  	s22 =	simm.s32 $0x9900  }
0x5c: {  	[hbm4b:s7+s3] =	stream.indirect_vreg.scatter [tilespmem:s22], [sflag:$0x5], $0x80, v4, vm0, $0xb8;
	[tilespmem:$0x18100] =	vst v63  }
0x5d: {  	s23 =	simm.s32 $0xA100  }
0x5e: {  	[hbm4b:s8+s3] =	stream.indirect_vreg.scatter [tilespmem:s23], [sflag:$0x5], $0x80, v4, vm0, $0xb8;
	[tilespmem:$0x18100] =	vst v63  }
0x5f: {  	s24 =	simm.s32 $0xA900;
	v3 =	vperm.xlane v3, v2  }
0x60: {  	[hbm4b:s9+s3] =	stream.indirect_vreg.scatter [tilespmem:s24], [sflag:$0x5], $0x80, v4, vm0, $0xb8;
	[tilespmem:$0x18100] =	vst v63  }
0x61: {  	s25 =	simm.s32 $0xB100;
	v3 =	vadd.s32 v1, v3  }
0x62: {  	[hbm4b:s10+s3] =	stream.indirect_vreg.scatter [tilespmem:s25], [sflag:$0x5], $0x80, v4, vm0, $0xb8;
	[tilespmem:$0x18100] =	vst v63  }
0x63: {  	s26 =	simm.s32 $0xB900  }
0x64: {  	[hbm4b:s11+s3] =	stream.indirect_vreg.scatter [tilespmem:s26], [sflag:$0x5], $0x80, v4, vm0, $0xb8;
	[tilespmem:$0x18100] =	vst v63  }
0x65: {  	s30 =	simm.s32 $0xC100  }
0x66: {  	[hbm4b:s2+s3] =	stream.indirect_vreg.scatter [tilespmem:s30], [sflag:$0x5], $0x80, v3, vm0, $0xb8;
	[tilespmem:$0x18100] =	vst v63  }
0x67: {  	s31 =	simm.s32 $0xC900  }
0x68: {  	[hbm4b:s5+s3] =	stream.indirect_vreg.scatter [tilespmem:s31], [sflag:$0x5], $0x80, v3, vm0, $0xb8;
	[tilespmem:$0x18100] =	vst v63  }
0x69: {  	s4 =	simm.s32 $0xD100  }
0x6a: {  	[hbm4b:s6+s3] =	stream.indirect_vreg.scatter [tilespmem:s4], [sflag:$0x5], $0x80, v3, vm0, $0xb8;
	[tilespmem:$0x18100] =	vst v63  }
0x6b: {  	s20 =	simm.s32 $0xD900  }
0x6c: {  	[hbm4b:s7+s3] =	stream.indirect_vreg.scatter [tilespmem:s20], [sflag:$0x5], $0x80, v3, vm0, $0xb8;
	[tilespmem:$0x18100] =	vst v63  }
0x6d: {  	s21 =	simm.s32 $0xE100  }
0x6e: {  	[hbm4b:s8+s3] =	stream.indirect_vreg.scatter [tilespmem:s21], [sflag:$0x5], $0x80, v3, vm0, $0xb8;
	[tilespmem:$0x18100] =	vst v63  }
0x6f: {  	s22 =	simm.s32 $0xE900  }
0x70: {  	[hbm4b:s9+s3] =	stream.indirect_vreg.scatter [tilespmem:s22], [sflag:$0x5], $0x80, v3, vm0, $0xb8;
	[tilespmem:$0x18100] =	vst v63  }
0x71: {  	s23 =	simm.s32 $0xF100  }
0x72: {  	[hbm4b:s10+s3] =	stream.indirect_vreg.scatter [tilespmem:s23], [sflag:$0x5], $0x80, v3, vm0, $0xb8;
	[tilespmem:$0x18100] =	vst v63  }
0x73: {  	s24 =	simm.s32 $0xF900  }
0x74: {  	[hbm4b:s11+s3] =	stream.indirect_vreg.scatter [tilespmem:s24], [sflag:$0x5], $0x80, v3, vm0, $0xb8;
	[tilespmem:$0x18100] =	vst v63  }
0x75: {  	_ =	swait.ge [sflag:s13], $0x8000  }
0x76: {  	[sflag:s13] =	ssyncset.done $0x0  }
0x77: {  	s25 =	rddreg [dreg:$0x7];
	[sflag:s13] =	ssyncadd.s32 $0xFFFF8000  }
0x78: {  	[tilespmem:s28], [sflag:$0x1] =	stream.linear.gather [hbm4b:s25+s3], $0x8000, $0x38;
	[tilespmem:$0x18100] =	vst v63  }
0x79: {  	_ =	swait.ge [sflag:s17], $0x8000  }
0x7a: {  	[sflag:s17] =	ssyncset.done $0x0  }
0x7b: {  	[sflag:s17] =	ssyncadd.s32 $0xFFFF8000  }
0x7c: {  	v3 =	vld [tilespmem:$0x20];
	_ =	sdelay $0x4  }
0x7d: {  	v50 =	vshll.u32 v3, $0x4  }
0x7e: {  	v3 =	vand.u32 $0x7, v3;
	v4 =	vand.u32 $0xFFFFFF80, v50  }
0x7f: {  	v3 =	vor.u32 v3, v4  }
0x80: {  	v4 =	vperm.xlane v3, v0;
	_ =	sdelay $0x1  }
0x81: {  	v4 =	vadd.s32 v1, v4;
	_ =	sdelay $0x3  }
0x82: {  	s1 =	simm.s32 $0x10100  }
0x83: {  	[hbm4b:s2+s3] =	stream.indirect_vreg.scatter [tilespmem:s1], [sflag:$0x6], $0x80, v4, vm0, $0xb8;
	[tilespmem:$0x18100] =	vst v63  }
0x84: {  	s26 =	simm.s32 $0x10900  }
0x85: {  	[hbm4b:s5+s3] =	stream.indirect_vreg.scatter [tilespmem:s26], [sflag:$0x6], $0x80, v4, vm0, $0xb8;
	[tilespmem:$0x18100] =	vst v63  }
0x86: {  	s30 =	simm.s32 $0x11100  }
0x87: {  	[hbm4b:s6+s3] =	stream.indirect_vreg.scatter [tilespmem:s30], [sflag:$0x6], $0x80, v4, vm0, $0xb8;
	[tilespmem:$0x18100] =	vst v63  }
0x88: {  	s31 =	simm.s32 $0x11900  }
0x89: {  	[hbm4b:s7+s3] =	stream.indirect_vreg.scatter [tilespmem:s31], [sflag:$0x6], $0x80, v4, vm0, $0xb8;
	[tilespmem:$0x18100] =	vst v63  }
0x8a: {  	s1 =	simm.s32 $0x12100  }
0x8b: {  	[hbm4b:s8+s3] =	stream.indirect_vreg.scatter [tilespmem:s1], [sflag:$0x6], $0x80, v4, vm0, $0xb8;
	[tilespmem:$0x18100] =	vst v63  }
0x8c: {  	s4 =	simm.s32 $0x12900;
	v3 =	vperm.xlane v3, v2  }
0x8d: {  	[hbm4b:s9+s3] =	stream.indirect_vreg.scatter [tilespmem:s4], [sflag:$0x6], $0x80, v4, vm0, $0xb8;
	[tilespmem:$0x18100] =	vst v63  }
0x8e: {  	s20 =	simm.s32 $0x13100;
	v3 =	vadd.s32 v1, v3  }
0x8f: {  	[hbm4b:s10+s3] =	stream.indirect_vreg.scatter [tilespmem:s20], [sflag:$0x6], $0x80, v4, vm0, $0xb8;
	[tilespmem:$0x18100] =	vst v63  }
0x90: {  	s21 =	simm.s32 $0x13900  }
0x91: {  	[hbm4b:s11+s3] =	stream.indirect_vreg.scatter [tilespmem:s21], [sflag:$0x6], $0x80, v4, vm0, $0xb8;
	[tilespmem:$0x18100] =	vst v63  }
0x92: {  	s22 =	simm.s32 $0x14100  }
0x93: {  	[hbm4b:s2+s3] =	stream.indirect_vreg.scatter [tilespmem:s22], [sflag:$0x6], $0x80, v3, vm0, $0xb8;
	[tilespmem:$0x18100] =	vst v63  }
0x94: {  	s23 =	simm.s32 $0x14900  }
0x95: {  	[hbm4b:s5+s3] =	stream.indirect_vreg.scatter [tilespmem:s23], [sflag:$0x6], $0x80, v3, vm0, $0xb8;
	[tilespmem:$0x18100] =	vst v63  }
0x96: {  	s24 =	simm.s32 $0x15100  }
0x97: {  	[hbm4b:s6+s3] =	stream.indirect_vreg.scatter [tilespmem:s24], [sflag:$0x6], $0x80, v3, vm0, $0xb8;
	[tilespmem:$0x18100] =	vst v63  }
0x98: {  	s25 =	simm.s32 $0x15900  }
0x99: {  	[hbm4b:s7+s3] =	stream.indirect_vreg.scatter [tilespmem:s25], [sflag:$0x6], $0x80, v3, vm0, $0xb8;
	[tilespmem:$0x18100] =	vst v63  }
0x9a: {  	s26 =	simm.s32 $0x16100  }
0x9b: {  	[hbm4b:s8+s3] =	stream.indirect_vreg.scatter [tilespmem:s26], [sflag:$0x6], $0x80, v3, vm0, $0xb8;
	[tilespmem:$0x18100] =	vst v63  }
0x9c: {  	s30 =	simm.s32 $0x16900  }
0x9d: {  	[hbm4b:s9+s3] =	stream.indirect_vreg.scatter [tilespmem:s30], [sflag:$0x6], $0x80, v3, vm0, $0xb8;
	[tilespmem:$0x18100] =	vst v63  }
0x9e: {  	s31 =	simm.s32 $0x17100  }
0x9f: {  	[hbm4b:s10+s3] =	stream.indirect_vreg.scatter [tilespmem:s31], [sflag:$0x6], $0x80, v3, vm0, $0xb8;
	[tilespmem:$0x18100] =	vst v63  }
0xa0: {  	s1 =	simm.s32 $0x17900  }
0xa1: {  	[hbm4b:s11+s3] =	stream.indirect_vreg.scatter [tilespmem:s1], [sflag:$0x6], $0x80, v3, vm0, $0xb8;
	[tilespmem:$0x18100] =	vst v63  }
0xa2: {  	_ =	swait.ge [sflag:s18], $0x8000  }
0xa3: {  	[sflag:s18] =	ssyncset.done $0x0  }
0xa4: {  	s15 =	simm.s32 $0x8100;
	s4 =	rddreg [dreg:$0x8];
	[sflag:s18] =	ssyncadd.s32 $0xFFFF8000  }
0xa5: {  	[tilespmem:s15], [sflag:$0x2] =	stream.linear.gather [hbm4b:s4+s3], $0x8000, $0x38;
	[tilespmem:$0x18100] =	vst v63  }
0xa6: {  	_ =	swait.ge [sflag:s16], $0x8000  }
0xa7: {  	[sflag:s16] =	ssyncset.done $0x0  }
0xa8: {  	[sflag:s16] =	ssyncadd.s32 $0xFFFF8000  }
0xa9: {  	v3 =	vld [tilespmem:$0x30];
	_ =	sdelay $0x4  }
0xaa: {  	v51 =	vshll.u32 v3, $0x4  }
0xab: {  	v3 =	vand.u32 $0x7, v3;
	v4 =	vand.u32 $0xFFFFFF80, v51  }
0xac: {  	v3 =	vor.u32 v3, v4  }
0xad: {  	v4 =	vperm.xlane v3, v0;
	_ =	sdelay $0x1  }
0xae: {  	v4 =	vadd.s32 v1, v4;
	_ =	sdelay $0x4  }
0xaf: {  	[hbm4b:s2+s3] =	stream.indirect_vreg.scatter [tilespmem:s28], [sflag:$0x4], $0x80, v4, vm0, $0xb8;
	[tilespmem:$0x18100] =	vst v63  }
0xb0: {  	s15 =	simm.s32 $0x900  }
0xb1: {  	[hbm4b:s5+s3] =	stream.indirect_vreg.scatter [tilespmem:s15], [sflag:$0x4], $0x80, v4, vm0, $0xb8;
	[tilespmem:$0x18100] =	vst v63  }
0xb2: {  	s4 =	simm.s32 $0x1100  }
0xb3: {  	[hbm4b:s6+s3] =	stream.indirect_vreg.scatter [tilespmem:s4], [sflag:$0x4], $0x80, v4, vm0, $0xb8;
	[tilespmem:$0x18100] =	vst v63  }
0xb4: {  	s22 =	simm.s32 $0x1900  }
0xb5: {  	[hbm4b:s7+s3] =	stream.indirect_vreg.scatter [tilespmem:s22], [sflag:$0x4], $0x80, v4, vm0, $0xb8;
	[tilespmem:$0x18100] =	vst v63  }
0xb6: {  	s14 =	simm.s32 $0x2100  }
0xb7: {  	[hbm4b:s8+s3] =	stream.indirect_vreg.scatter [tilespmem:s14], [sflag:$0x4], $0x80, v4, vm0, $0xb8;
	[tilespmem:$0x18100] =	vst v63  }
0xb8: {  	s12 =	simm.s32 $0x2900;
	v3 =	vperm.xlane v3, v2  }
0xb9: {  	[hbm4b:s9+s3] =	stream.indirect_vreg.scatter [tilespmem:s12], [sflag:$0x4], $0x80, v4, vm0, $0xb8;
	[tilespmem:$0x18100] =	vst v63  }
0xba: {  	v3 =	vadd.s32 v1, v3;
	s12 =	simm.s32 $0x3100  }
0xbb: {  	[hbm4b:s10+s3] =	stream.indirect_vreg.scatter [tilespmem:s12], [sflag:$0x4], $0x80, v4, vm0, $0xb8;
	[tilespmem:$0x18100] =	vst v63  }
0xbc: {  	s23 =	simm.s32 $0x3900  }
0xbd: {  	[hbm4b:s11+s3] =	stream.indirect_vreg.scatter [tilespmem:s23], [sflag:$0x4], $0x80, v4, vm0, $0xb8;
	[tilespmem:$0x18100] =	vst v63  }
0xbe: {  	s25 =	simm.s32 $0x4100  }
0xbf: {  	[hbm4b:s2+s3] =	stream.indirect_vreg.scatter [tilespmem:s25], [sflag:$0x4], $0x80, v3, vm0, $0xb8;
	[tilespmem:$0x18100] =	vst v63  }
0xc0: {  	s24 =	simm.s32 $0x4900  }
0xc1: {  	[hbm4b:s5+s3] =	stream.indirect_vreg.scatter [tilespmem:s24], [sflag:$0x4], $0x80, v3, vm0, $0xb8;
	[tilespmem:$0x18100] =	vst v63  }
0xc2: {  	s26 =	simm.s32 $0x5100  }
0xc3: {  	[hbm4b:s6+s3] =	stream.indirect_vreg.scatter [tilespmem:s26], [sflag:$0x4], $0x80, v3, vm0, $0xb8;
	[tilespmem:$0x18100] =	vst v63  }
0xc4: {  	s30 =	simm.s32 $0x5900  }
0xc5: {  	[hbm4b:s7+s3] =	stream.indirect_vreg.scatter [tilespmem:s30], [sflag:$0x4], $0x80, v3, vm0, $0xb8;
	[tilespmem:$0x18100] =	vst v63  }
0xc6: {  	s31 =	simm.s32 $0x6100  }
0xc7: {  	[hbm4b:s8+s3] =	stream.indirect_vreg.scatter [tilespmem:s31], [sflag:$0x4], $0x80, v3, vm0, $0xb8;
	[tilespmem:$0x18100] =	vst v63  }
0xc8: {  	s14 =	simm.s32 $0x6900  }
0xc9: {  	[hbm4b:s9+s3] =	stream.indirect_vreg.scatter [tilespmem:s14], [sflag:$0x4], $0x80, v3, vm0, $0xb8;
	[tilespmem:$0x18100] =	vst v63  }
0xca: {  	s21 =	simm.s32 $0x7100  }
0xcb: {  	[hbm4b:s10+s3] =	stream.indirect_vreg.scatter [tilespmem:s21], [sflag:$0x4], $0x80, v3, vm0, $0xb8;
	[tilespmem:$0x18100] =	vst v63  }
0xcc: {  	s20 =	simm.s32 $0x7900  }
0xcd: {  	[hbm4b:s11+s3] =	stream.indirect_vreg.scatter [tilespmem:s20], [sflag:$0x4], $0x80, v3, vm0, $0xb8;
	[tilespmem:$0x18100] =	vst v63  }
0xce: {  	_ =	swait.ge [sflag:s19], $0x8000  }
0xcf: {  	[sflag:s19] =	ssyncset.done $0x0  }
0xd0: {  	s0 =	simm.s32 $0x10100;
	s15 =	rddreg [dreg:$0x9];
	[sflag:s19] =	ssyncadd.s32 $0xFFFF8000  }
0xd1: {  	[tilespmem:s0], [sflag:$0x3] =	stream.linear.gather [hbm4b:s15+s3], $0x8000, $0x38;
	[tilespmem:$0x18100] =	vst v63  }
0xd2: {  	_ =	swait.ge [sflag:s29], $0x8000  }
0xd3: {  	[sflag:s29] =	ssyncset.done $0x0  }
0xd4: {  	[sflag:s29] =	ssyncadd.s32 $0xFFFF8000  }
0xd5: {  	v3 =	vld [tilespmem:$0x40];
	_ =	sdelay $0x4  }
0xd6: {  	v52 =	vshll.u32 v3, $0x4  }
0xd7: {  	v3 =	vand.u32 $0x7, v3;
	v4 =	vand.u32 $0xFFFFFF80, v52  }
0xd8: {  	v3 =	vor.u32 v3, v4  }
0xd9: {  	v4 =	vperm.xlane v3, v0;
	_ =	sdelay $0x1  }
0xda: {  	v4 =	vadd.s32 v1, v4;
	_ =	sdelay $0x3  }
0xdb: {  	s1 =	simm.s32 $0x8100  }
0xdc: {  	[hbm4b:s2+s3] =	stream.indirect_vreg.scatter [tilespmem:s1], [sflag:$0x5], $0x80, v4, vm0, $0xb8;
	[tilespmem:$0x18100] =	vst v63  }
0xdd: {  	s20 =	simm.s32 $0x8900  }
0xde: {  	[hbm4b:s5+s3] =	stream.indirect_vreg.scatter [tilespmem:s20], [sflag:$0x5], $0x80, v4, vm0, $0xb8;
	[tilespmem:$0x18100] =	vst v63  }
0xdf: {  	s20 =	simm.s32 $0x9100  }
0xe0: {  	[hbm4b:s6+s3] =	stream.indirect_vreg.scatter [tilespmem:s20], [sflag:$0x5], $0x80, v4, vm0, $0xb8;
	[tilespmem:$0x18100] =	vst v63  }
0xe1: {  	s20 =	simm.s32 $0x9900  }
0xe2: {  	[hbm4b:s7+s3] =	stream.indirect_vreg.scatter [tilespmem:s20], [sflag:$0x5], $0x80, v4, vm0, $0xb8;
	[tilespmem:$0x18100] =	vst v63  }
0xe3: {  	s20 =	simm.s32 $0xA100  }
0xe4: {  	[hbm4b:s8+s3] =	stream.indirect_vreg.scatter [tilespmem:s20], [sflag:$0x5], $0x80, v4, vm0, $0xb8;
	[tilespmem:$0x18100] =	vst v63  }
0xe5: {  	v3 =	vperm.xlane v3, v2;
	s20 =	simm.s32 $0xA900  }
0xe6: {  	[hbm4b:s9+s3] =	stream.indirect_vreg.scatter [tilespmem:s20], [sflag:$0x5], $0x80, v4, vm0, $0xb8;
	[tilespmem:$0x18100] =	vst v63  }
0xe7: {  	v3 =	vadd.s32 v1, v3;
	s20 =	simm.s32 $0xB100  }
0xe8: {  	[hbm4b:s10+s3] =	stream.indirect_vreg.scatter [tilespmem:s20], [sflag:$0x5], $0x80, v4, vm0, $0xb8;
	[tilespmem:$0x18100] =	vst v63  }
0xe9: {  	s20 =	simm.s32 $0xB900  }
0xea: {  	[hbm4b:s11+s3] =	stream.indirect_vreg.scatter [tilespmem:s20], [sflag:$0x5], $0x80, v4, vm0, $0xb8;
	[tilespmem:$0x18100] =	vst v63  }
0xeb: {  	s20 =	simm.s32 $0xC100  }
0xec: {  	[hbm4b:s2+s3] =	stream.indirect_vreg.scatter [tilespmem:s20], [sflag:$0x5], $0x80, v3, vm0, $0xb8;
	[tilespmem:$0x18100] =	vst v63  }
0xed: {  	s20 =	simm.s32 $0xC900  }
0xee: {  	[hbm4b:s5+s3] =	stream.indirect_vreg.scatter [tilespmem:s20], [sflag:$0x5], $0x80, v3, vm0, $0xb8;
	[tilespmem:$0x18100] =	vst v63  }
0xef: {  	s20 =	simm.s32 $0xD100  }
0xf0: {  	[hbm4b:s6+s3] =	stream.indirect_vreg.scatter [tilespmem:s20], [sflag:$0x5], $0x80, v3, vm0, $0xb8;
	[tilespmem:$0x18100] =	vst v63  }
0xf1: {  	s20 =	simm.s32 $0xD900  }
0xf2: {  	[hbm4b:s7+s3] =	stream.indirect_vreg.scatter [tilespmem:s20], [sflag:$0x5], $0x80, v3, vm0, $0xb8;
	[tilespmem:$0x18100] =	vst v63  }
0xf3: {  	s20 =	simm.s32 $0xE100  }
0xf4: {  	[hbm4b:s8+s3] =	stream.indirect_vreg.scatter [tilespmem:s20], [sflag:$0x5], $0x80, v3, vm0, $0xb8;
	[tilespmem:$0x18100] =	vst v63  }
0xf5: {  	s20 =	simm.s32 $0xE900  }
0xf6: {  	[hbm4b:s9+s3] =	stream.indirect_vreg.scatter [tilespmem:s20], [sflag:$0x5], $0x80, v3, vm0, $0xb8;
	[tilespmem:$0x18100] =	vst v63  }
0xf7: {  	s20 =	simm.s32 $0xF100  }
0xf8: {  	[hbm4b:s10+s3] =	stream.indirect_vreg.scatter [tilespmem:s20], [sflag:$0x5], $0x80, v3, vm0, $0xb8;
	[tilespmem:$0x18100] =	vst v63  }
0xf9: {  	s20 =	simm.s32 $0xF900  }
0xfa: {  	[hbm4b:s11+s3] =	stream.indirect_vreg.scatter [tilespmem:s20], [sflag:$0x5], $0x80, v3, vm0, $0xb8;
	[tilespmem:$0x18100] =	vst v63  }
0xfb: {  	_ =	swait.ge [sflag:s13], $0x8000  }
0xfc: {  	[sflag:s13] =	ssyncset.done $0x0  }
0xfd: {  	s15 =	rddreg [dreg:$0xa];
	[sflag:s13] =	ssyncadd.s32 $0xFFFF8000  }
0xfe: {  	[tilespmem:s28], [sflag:$0x1] =	stream.linear.gather [hbm4b:s15+s3], $0x8000, $0x38;
	[tilespmem:$0x18100] =	vst v63  }
0xff: {  	_ =	swait.ge [sflag:s17], $0x8000  }
0x100: {  	[sflag:s17] =	ssyncset.done $0x0  }
0x101: {  	[sflag:s17] =	ssyncadd.s32 $0xFFFF8000  }
0x102: {  	v3 =	vld [tilespmem:$0x50];
	_ =	sdelay $0x4  }
0x103: {  	v53 =	vshll.u32 v3, $0x4  }
0x104: {  	v3 =	vand.u32 $0x7, v3;
	v4 =	vand.u32 $0xFFFFFF80, v53  }
0x105: {  	v3 =	vor.u32 v3, v4  }
0x106: {  	v4 =	vperm.xlane v3, v0;
	_ =	sdelay $0x1  }
0x107: {  	v4 =	vadd.s32 v1, v4;
	_ =	sdelay $0x4  }
0x108: {  	[hbm4b:s2+s3] =	stream.indirect_vreg.scatter [tilespmem:s0], [sflag:$0x6], $0x80, v4, vm0, $0xb8;
	[tilespmem:$0x18100] =	vst v63  }
0x109: {  	s15 =	simm.s32 $0x10900  }
0x10a: {  	[hbm4b:s5+s3] =	stream.indirect_vreg.scatter [tilespmem:s15], [sflag:$0x6], $0x80, v4, vm0, $0xb8;
	[tilespmem:$0x18100] =	vst v63  }
0x10b: {  	s20 =	simm.s32 $0x11100  }
0x10c: {  	[hbm4b:s6+s3] =	stream.indirect_vreg.scatter [tilespmem:s20], [sflag:$0x6], $0x80, v4, vm0, $0xb8;
	[tilespmem:$0x18100] =	vst v63  }
0x10d: {  	s20 =	simm.s32 $0x11900  }
0x10e: {  	[hbm4b:s7+s3] =	stream.indirect_vreg.scatter [tilespmem:s20], [sflag:$0x6], $0x80, v4, vm0, $0xb8;
	[tilespmem:$0x18100] =	vst v63  }
0x10f: {  	s20 =	simm.s32 $0x12100  }
0x110: {  	[hbm4b:s8+s3] =	stream.indirect_vreg.scatter [tilespmem:s20], [sflag:$0x6], $0x80, v4, vm0, $0xb8;
	[tilespmem:$0x18100] =	vst v63  }
0x111: {  	v3 =	vperm.xlane v3, v2;
	s20 =	simm.s32 $0x12900  }
0x112: {  	[hbm4b:s9+s3] =	stream.indirect_vreg.scatter [tilespmem:s20], [sflag:$0x6], $0x80, v4, vm0, $0xb8;
	[tilespmem:$0x18100] =	vst v63  }
0x113: {  	v3 =	vadd.s32 v1, v3;
	s20 =	simm.s32 $0x13100  }
0x114: {  	[hbm4b:s10+s3] =	stream.indirect_vreg.scatter [tilespmem:s20], [sflag:$0x6], $0x80, v4, vm0, $0xb8;
	[tilespmem:$0x18100] =	vst v63  }
0x115: {  	s20 =	simm.s32 $0x13900  }
0x116: {  	[hbm4b:s11+s3] =	stream.indirect_vreg.scatter [tilespmem:s20], [sflag:$0x6], $0x80, v4, vm0, $0xb8;
	[tilespmem:$0x18100] =	vst v63  }
0x117: {  	s20 =	simm.s32 $0x14100  }
0x118: {  	[hbm4b:s2+s3] =	stream.indirect_vreg.scatter [tilespmem:s20], [sflag:$0x6], $0x80, v3, vm0, $0xb8;
	[tilespmem:$0x18100] =	vst v63  }
0x119: {  	s20 =	simm.s32 $0x14900  }
0x11a: {  	[hbm4b:s5+s3] =	stream.indirect_vreg.scatter [tilespmem:s20], [sflag:$0x6], $0x80, v3, vm0, $0xb8;
	[tilespmem:$0x18100] =	vst v63  }
0x11b: {  	s20 =	simm.s32 $0x15100  }
0x11c: {  	[hbm4b:s6+s3] =	stream.indirect_vreg.scatter [tilespmem:s20], [sflag:$0x6], $0x80, v3, vm0, $0xb8;
	[tilespmem:$0x18100] =	vst v63  }
0x11d: {  	s20 =	simm.s32 $0x15900  }
0x11e: {  	[hbm4b:s7+s3] =	stream.indirect_vreg.scatter [tilespmem:s20], [sflag:$0x6], $0x80, v3, vm0, $0xb8;
	[tilespmem:$0x18100] =	vst v63  }
0x11f: {  	s20 =	simm.s32 $0x16100  }
0x120: {  	[hbm4b:s8+s3] =	stream.indirect_vreg.scatter [tilespmem:s20], [sflag:$0x6], $0x80, v3, vm0, $0xb8;
	[tilespmem:$0x18100] =	vst v63  }
0x121: {  	s20 =	simm.s32 $0x16900  }
0x122: {  	[hbm4b:s9+s3] =	stream.indirect_vreg.scatter [tilespmem:s20], [sflag:$0x6], $0x80, v3, vm0, $0xb8;
	[tilespmem:$0x18100] =	vst v63  }
0x123: {  	s20 =	simm.s32 $0x17100  }
0x124: {  	[hbm4b:s10+s3] =	stream.indirect_vreg.scatter [tilespmem:s20], [sflag:$0x6], $0x80, v3, vm0, $0xb8;
	[tilespmem:$0x18100] =	vst v63  }
0x125: {  	s20 =	simm.s32 $0x17900  }
0x126: {  	[hbm4b:s11+s3] =	stream.indirect_vreg.scatter [tilespmem:s20], [sflag:$0x6], $0x80, v3, vm0, $0xb8;
	[tilespmem:$0x18100] =	vst v63  }
0x127: {  	_ =	swait.ge [sflag:s18], $0x8000  }
0x128: {  	[sflag:s18] =	ssyncset.done $0x0  }
0x129: {  	s1 =	simm.s32 $0x8100;
	s20 =	rddreg [dreg:$0xb];
	[sflag:s18] =	ssyncadd.s32 $0xFFFF8000  }
0x12a: {  	[tilespmem:s1], [sflag:$0x2] =	stream.linear.gather [hbm4b:s20+s3], $0x8000, $0x38;
	[tilespmem:$0x18100] =	vst v63  }
0x12b: {  	_ =	swait.ge [sflag:s16], $0x8000  }
0x12c: {  	[sflag:s16] =	ssyncset.done $0x0  }
0x12d: {  	[sflag:s16] =	ssyncadd.s32 $0xFFFF8000  }
0x12e: {  	v3 =	vld [tilespmem:$0x60];
	_ =	sdelay $0x4  }
0x12f: {  	v54 =	vshll.u32 v3, $0x4  }
0x130: {  	v3 =	vand.u32 $0x7, v3;
	v4 =	vand.u32 $0xFFFFFF80, v54  }
0x131: {  	v3 =	vor.u32 v3, v4  }
0x132: {  	v4 =	vperm.xlane v3, v0;
	_ =	sdelay $0x1  }
0x133: {  	v4 =	vadd.s32 v1, v4;
	_ =	sdelay $0x4  }
0x134: {  	[hbm4b:s2+s3] =	stream.indirect_vreg.scatter [tilespmem:s28], [sflag:$0x4], $0x80, v4, vm0, $0xb8;
	[tilespmem:$0x18100] =	vst v63  }
0x135: {  	s20 =	simm.s32 $0x900  }
0x136: {  	[hbm4b:s5+s3] =	stream.indirect_vreg.scatter [tilespmem:s20], [sflag:$0x4], $0x80, v4, vm0, $0xb8;
	[tilespmem:$0x18100] =	vst v63  }
0x137: {  	_ = 	snop  }
0x138: {  	[hbm4b:s6+s3] =	stream.indirect_vreg.scatter [tilespmem:s4], [sflag:$0x4], $0x80, v4, vm0, $0xb8;
	[tilespmem:$0x18100] =	vst v63  }
0x139: {  	_ = 	snop  }
0x13a: {  	[hbm4b:s7+s3] =	stream.indirect_vreg.scatter [tilespmem:s22], [sflag:$0x4], $0x80, v4, vm0, $0xb8;
	[tilespmem:$0x18100] =	vst v63  }
0x13b: {  	s4 =	simm.s32 $0x2100  }
0x13c: {  	[hbm4b:s8+s3] =	stream.indirect_vreg.scatter [tilespmem:s4], [sflag:$0x4], $0x80, v4, vm0, $0xb8;
	[tilespmem:$0x18100] =	vst v63  }
0x13d: {  	v3 =	vperm.xlane v3, v2;
	s22 =	simm.s32 $0x2900  }
0x13e: {  	[hbm4b:s9+s3] =	stream.indirect_vreg.scatter [tilespmem:s22], [sflag:$0x4], $0x80, v4, vm0, $0xb8;
	[tilespmem:$0x18100] =	vst v63  }
0x13f: {  	v3 =	vadd.s32 v1, v3  }
0x140: {  	[hbm4b:s10+s3] =	stream.indirect_vreg.scatter [tilespmem:s12], [sflag:$0x4], $0x80, v4, vm0, $0xb8;
	[tilespmem:$0x18100] =	vst v63  }
0x141: {  	_ = 	snop  }
0x142: {  	[hbm4b:s11+s3] =	stream.indirect_vreg.scatter [tilespmem:s23], [sflag:$0x4], $0x80, v4, vm0, $0xb8;
	[tilespmem:$0x18100] =	vst v63  }
0x143: {  	_ = 	snop  }
0x144: {  	[hbm4b:s2+s3] =	stream.indirect_vreg.scatter [tilespmem:s25], [sflag:$0x4], $0x80, v3, vm0, $0xb8;
	[tilespmem:$0x18100] =	vst v63  }
0x145: {  	_ = 	snop  }
0x146: {  	[hbm4b:s5+s3] =	stream.indirect_vreg.scatter [tilespmem:s24], [sflag:$0x4], $0x80, v3, vm0, $0xb8;
	[tilespmem:$0x18100] =	vst v63  }
0x147: {  	_ = 	snop  }
0x148: {  	[hbm4b:s6+s3] =	stream.indirect_vreg.scatter [tilespmem:s26], [sflag:$0x4], $0x80, v3, vm0, $0xb8;
	[tilespmem:$0x18100] =	vst v63  }
0x149: {  	_ = 	snop  }
0x14a: {  	[hbm4b:s7+s3] =	stream.indirect_vreg.scatter [tilespmem:s30], [sflag:$0x4], $0x80, v3, vm0, $0xb8;
	[tilespmem:$0x18100] =	vst v63  }
0x14b: {  	_ = 	snop  }
0x14c: {  	[hbm4b:s8+s3] =	stream.indirect_vreg.scatter [tilespmem:s31], [sflag:$0x4], $0x80, v3, vm0, $0xb8;
	[tilespmem:$0x18100] =	vst v63  }
0x14d: {  	_ = 	snop  }
0x14e: {  	[hbm4b:s9+s3] =	stream.indirect_vreg.scatter [tilespmem:s14], [sflag:$0x4], $0x80, v3, vm0, $0xb8;
	[tilespmem:$0x18100] =	vst v63  }
0x14f: {  	_ = 	snop  }
0x150: {  	[hbm4b:s10+s3] =	stream.indirect_vreg.scatter [tilespmem:s21], [sflag:$0x4], $0x80, v3, vm0, $0xb8;
	[tilespmem:$0x18100] =	vst v63  }
0x151: {  	s14 =	simm.s32 $0x7900  }
0x152: {  	[hbm4b:s11+s3] =	stream.indirect_vreg.scatter [tilespmem:s14], [sflag:$0x4], $0x80, v3, vm0, $0xb8;
	[tilespmem:$0x18100] =	vst v63  }
0x153: {  	_ =	swait.ge [sflag:s19], $0x8000  }
0x154: {  	[sflag:s19] =	ssyncset.done $0x0  }
0x155: {  	s0 =	simm.s32 $0x10100;
	s24 =	rddreg [dreg:$0xc];
	[sflag:s19] =	ssyncadd.s32 $0xFFFF8000  }
0x156: {  	[tilespmem:s0], [sflag:$0x3] =	stream.linear.gather [hbm4b:s24+s3], $0x8000, $0x38;
	[tilespmem:$0x18100] =	vst v63  }
0x157: {  	_ =	swait.ge [sflag:s29], $0x8000  }
0x158: {  	[sflag:s29] =	ssyncset.done $0x0  }
0x159: {  	[sflag:s29] =	ssyncadd.s32 $0xFFFF8000  }
0x15a: {  	v3 =	vld [tilespmem:$0x70];
	_ =	sdelay $0x4  }
0x15b: {  	v55 =	vshll.u32 v3, $0x4  }
0x15c: {  	v3 =	vand.u32 $0x7, v3;
	v4 =	vand.u32 $0xFFFFFF80, v55  }
0x15d: {  	v3 =	vor.u32 v3, v4  }
0x15e: {  	v4 =	vperm.xlane v3, v0;
	_ =	sdelay $0x1  }
0x15f: {  	v4 =	vadd.s32 v1, v4;
	_ =	sdelay $0x3  }
0x160: {  	s1 =	simm.s32 $0x8100  }
0x161: {  	[hbm4b:s2+s3] =	stream.indirect_vreg.scatter [tilespmem:s1], [sflag:$0x5], $0x80, v4, vm0, $0xb8;
	[tilespmem:$0x18100] =	vst v63  }
0x162: {  	s25 =	simm.s32 $0x8900  }
0x163: {  	[hbm4b:s5+s3] =	stream.indirect_vreg.scatter [tilespmem:s25], [sflag:$0x5], $0x80, v4, vm0, $0xb8;
	[tilespmem:$0x18100] =	vst v63  }
0x164: {  	s21 =	simm.s32 $0x9100  }
0x165: {  	[hbm4b:s6+s3] =	stream.indirect_vreg.scatter [tilespmem:s21], [sflag:$0x5], $0x80, v4, vm0, $0xb8;
	[tilespmem:$0x18100] =	vst v63  }
0x166: {  	s26 =	simm.s32 $0x9900  }
0x167: {  	[hbm4b:s7+s3] =	stream.indirect_vreg.scatter [tilespmem:s26], [sflag:$0x5], $0x80, v4, vm0, $0xb8;
	[tilespmem:$0x18100] =	vst v63  }
0x168: {  	s30 =	simm.s32 $0xA100  }
0x169: {  	[hbm4b:s8+s3] =	stream.indirect_vreg.scatter [tilespmem:s30], [sflag:$0x5], $0x80, v4, vm0, $0xb8;
	[tilespmem:$0x18100] =	vst v63  }
0x16a: {  	s31 =	simm.s32 $0xA900;
	v3 =	vperm.xlane v3, v2  }
0x16b: {  	[hbm4b:s9+s3] =	stream.indirect_vreg.scatter [tilespmem:s31], [sflag:$0x5], $0x80, v4, vm0, $0xb8;
	[tilespmem:$0x18100] =	vst v63  }
0x16c: {  	s22 =	simm.s32 $0xB100;
	v3 =	vadd.s32 v1, v3  }
0x16d: {  	[hbm4b:s10+s3] =	stream.indirect_vreg.scatter [tilespmem:s22], [sflag:$0x5], $0x80, v4, vm0, $0xb8;
	[tilespmem:$0x18100] =	vst v63  }
0x16e: {  	s12 =	simm.s32 $0xB900  }
0x16f: {  	[hbm4b:s11+s3] =	stream.indirect_vreg.scatter [tilespmem:s12], [sflag:$0x5], $0x80, v4, vm0, $0xb8;
	[tilespmem:$0x18100] =	vst v63  }
0x170: {  	s23 =	simm.s32 $0xC100  }
0x171: {  	[hbm4b:s2+s3] =	stream.indirect_vreg.scatter [tilespmem:s23], [sflag:$0x5], $0x80, v3, vm0, $0xb8;
	[tilespmem:$0x18100] =	vst v63  }
0x172: {  	s25 =	simm.s32 $0xC900  }
0x173: {  	[hbm4b:s5+s3] =	stream.indirect_vreg.scatter [tilespmem:s25], [sflag:$0x5], $0x80, v3, vm0, $0xb8;
	[tilespmem:$0x18100] =	vst v63  }
0x174: {  	s24 =	simm.s32 $0xD100  }
0x175: {  	[hbm4b:s6+s3] =	stream.indirect_vreg.scatter [tilespmem:s24], [sflag:$0x5], $0x80, v3, vm0, $0xb8;
	[tilespmem:$0x18100] =	vst v63  }
0x176: {  	s26 =	simm.s32 $0xD900  }
0x177: {  	[hbm4b:s7+s3] =	stream.indirect_vreg.scatter [tilespmem:s26], [sflag:$0x5], $0x80, v3, vm0, $0xb8;
	[tilespmem:$0x18100] =	vst v63  }
0x178: {  	s30 =	simm.s32 $0xE100  }
0x179: {  	[hbm4b:s8+s3] =	stream.indirect_vreg.scatter [tilespmem:s30], [sflag:$0x5], $0x80, v3, vm0, $0xb8;
	[tilespmem:$0x18100] =	vst v63  }
0x17a: {  	s31 =	simm.s32 $0xE900  }
0x17b: {  	[hbm4b:s9+s3] =	stream.indirect_vreg.scatter [tilespmem:s31], [sflag:$0x5], $0x80, v3, vm0, $0xb8;
	[tilespmem:$0x18100] =	vst v63  }
0x17c: {  	s20 =	simm.s32 $0xF100  }
0x17d: {  	[hbm4b:s10+s3] =	stream.indirect_vreg.scatter [tilespmem:s20], [sflag:$0x5], $0x80, v3, vm0, $0xb8;
	[tilespmem:$0x18100] =	vst v63  }
0x17e: {  	s20 =	simm.s32 $0xF900  }
0x17f: {  	[hbm4b:s11+s3] =	stream.indirect_vreg.scatter [tilespmem:s20], [sflag:$0x5], $0x80, v3, vm0, $0xb8;
	[tilespmem:$0x18100] =	vst v63  }
0x180: {  	_ =	swait.ge [sflag:s13], $0x8000  }
0x181: {  	[sflag:s13] =	ssyncset.done $0x0  }
0x182: {  	s20 =	rddreg [dreg:$0xd];
	[sflag:s13] =	ssyncadd.s32 $0xFFFF8000  }
0x183: {  	[tilespmem:s28], [sflag:$0x1] =	stream.linear.gather [hbm4b:s20+s3], $0x8000, $0x38;
	[tilespmem:$0x18100] =	vst v63  }
0x184: {  	_ =	swait.ge [sflag:s17], $0x8000  }
0x185: {  	[sflag:s17] =	ssyncset.done $0x0  }
0x186: {  	[sflag:s17] =	ssyncadd.s32 $0xFFFF8000  }
0x187: {  	v3 =	vld [tilespmem:$0x80];
	_ =	sdelay $0x4  }
0x188: {  	v56 =	vshll.u32 v3, $0x4  }
0x189: {  	v3 =	vand.u32 $0x7, v3;
	v4 =	vand.u32 $0xFFFFFF80, v56  }
0x18a: {  	v3 =	vor.u32 v3, v4  }
0x18b: {  	v4 =	vperm.xlane v3, v0;
	_ =	sdelay $0x1  }
0x18c: {  	v4 =	vadd.s32 v1, v4;
	_ =	sdelay $0x3  }
0x18d: {  	s0 =	simm.s32 $0x10100  }
0x18e: {  	[hbm4b:s2+s3] =	stream.indirect_vreg.scatter [tilespmem:s0], [sflag:$0x6], $0x80, v4, vm0, $0xb8;
	[tilespmem:$0x18100] =	vst v63  }
0x18f: {  	_ = 	snop  }
0x190: {  	[hbm4b:s5+s3] =	stream.indirect_vreg.scatter [tilespmem:s15], [sflag:$0x6], $0x80, v4, vm0, $0xb8;
	[tilespmem:$0x18100] =	vst v63  }
0x191: {  	s20 =	simm.s32 $0x11100  }
0x192: {  	[hbm4b:s6+s3] =	stream.indirect_vreg.scatter [tilespmem:s20], [sflag:$0x6], $0x80, v4, vm0, $0xb8;
	[tilespmem:$0x18100] =	vst v63  }
0x193: {  	s20 =	simm.s32 $0x11900  }
0x194: {  	[hbm4b:s7+s3] =	stream.indirect_vreg.scatter [tilespmem:s20], [sflag:$0x6], $0x80, v4, vm0, $0xb8;
	[tilespmem:$0x18100] =	vst v63  }
0x195: {  	s20 =	simm.s32 $0x12100  }
0x196: {  	[hbm4b:s8+s3] =	stream.indirect_vreg.scatter [tilespmem:s20], [sflag:$0x6], $0x80, v4, vm0, $0xb8;
	[tilespmem:$0x18100] =	vst v63  }
0x197: {  	v3 =	vperm.xlane v3, v2;
	s20 =	simm.s32 $0x12900  }
0x198: {  	[hbm4b:s9+s3] =	stream.indirect_vreg.scatter [tilespmem:s20], [sflag:$0x6], $0x80, v4, vm0, $0xb8;
	[tilespmem:$0x18100] =	vst v63  }
0x199: {  	v3 =	vadd.s32 v1, v3;
	s20 =	simm.s32 $0x13100  }
0x19a: {  	[hbm4b:s10+s3] =	stream.indirect_vreg.scatter [tilespmem:s20], [sflag:$0x6], $0x80, v4, vm0, $0xb8;
	[tilespmem:$0x18100] =	vst v63  }
0x19b: {  	s20 =	simm.s32 $0x13900  }
0x19c: {  	[hbm4b:s11+s3] =	stream.indirect_vreg.scatter [tilespmem:s20], [sflag:$0x6], $0x80, v4, vm0, $0xb8;
	[tilespmem:$0x18100] =	vst v63  }
0x19d: {  	s20 =	simm.s32 $0x14100  }
0x19e: {  	[hbm4b:s2+s3] =	stream.indirect_vreg.scatter [tilespmem:s20], [sflag:$0x6], $0x80, v3, vm0, $0xb8;
	[tilespmem:$0x18100] =	vst v63  }
0x19f: {  	s20 =	simm.s32 $0x14900  }
0x1a0: {  	[hbm4b:s5+s3] =	stream.indirect_vreg.scatter [tilespmem:s20], [sflag:$0x6], $0x80, v3, vm0, $0xb8;
	[tilespmem:$0x18100] =	vst v63  }
0x1a1: {  	s20 =	simm.s32 $0x15100  }
0x1a2: {  	[hbm4b:s6+s3] =	stream.indirect_vreg.scatter [tilespmem:s20], [sflag:$0x6], $0x80, v3, vm0, $0xb8;
	[tilespmem:$0x18100] =	vst v63  }
0x1a3: {  	s20 =	simm.s32 $0x15900  }
0x1a4: {  	[hbm4b:s7+s3] =	stream.indirect_vreg.scatter [tilespmem:s20], [sflag:$0x6], $0x80, v3, vm0, $0xb8;
	[tilespmem:$0x18100] =	vst v63  }
0x1a5: {  	s20 =	simm.s32 $0x16100  }
0x1a6: {  	[hbm4b:s8+s3] =	stream.indirect_vreg.scatter [tilespmem:s20], [sflag:$0x6], $0x80, v3, vm0, $0xb8;
	[tilespmem:$0x18100] =	vst v63  }
0x1a7: {  	s20 =	simm.s32 $0x16900  }
0x1a8: {  	[hbm4b:s9+s3] =	stream.indirect_vreg.scatter [tilespmem:s20], [sflag:$0x6], $0x80, v3, vm0, $0xb8;
	[tilespmem:$0x18100] =	vst v63  }
0x1a9: {  	s20 =	simm.s32 $0x17100  }
0x1aa: {  	[hbm4b:s10+s3] =	stream.indirect_vreg.scatter [tilespmem:s20], [sflag:$0x6], $0x80, v3, vm0, $0xb8;
	[tilespmem:$0x18100] =	vst v63  }
0x1ab: {  	s20 =	simm.s32 $0x17900  }
0x1ac: {  	[hbm4b:s11+s3] =	stream.indirect_vreg.scatter [tilespmem:s20], [sflag:$0x6], $0x80, v3, vm0, $0xb8;
	[tilespmem:$0x18100] =	vst v63  }
0x1ad: {  	_ =	swait.ge [sflag:s18], $0x8000  }
0x1ae: {  	[sflag:s18] =	ssyncset.done $0x0  }
0x1af: {  	s1 =	simm.s32 $0x8100;
	s15 =	rddreg [dreg:$0xe];
	[sflag:s18] =	ssyncadd.s32 $0xFFFF8000  }
0x1b0: {  	[tilespmem:s1], [sflag:$0x2] =	stream.linear.gather [hbm4b:s15+s3], $0x8000, $0x38;
	[tilespmem:$0x18100] =	vst v63  }
0x1b1: {  	_ =	swait.ge [sflag:s16], $0x8000  }
0x1b2: {  	[sflag:s16] =	ssyncset.done $0x0  }
0x1b3: {  	[sflag:s16] =	ssyncadd.s32 $0xFFFF8000  }
0x1b4: {  	v3 =	vld [tilespmem:$0x90];
	_ =	sdelay $0x4  }
0x1b5: {  	v57 =	vshll.u32 v3, $0x4  }
0x1b6: {  	v3 =	vand.u32 $0x7, v3;
	v4 =	vand.u32 $0xFFFFFF80, v57  }
0x1b7: {  	v3 =	vor.u32 v3, v4  }
0x1b8: {  	v4 =	vperm.xlane v3, v0;
	_ =	sdelay $0x1  }
0x1b9: {  	v4 =	vadd.s32 v1, v4;
	_ =	sdelay $0x4  }
0x1ba: {  	[hbm4b:s2+s3] =	stream.indirect_vreg.scatter [tilespmem:s28], [sflag:$0x4], $0x80, v4, vm0, $0xb8;
	[tilespmem:$0x18100] =	vst v63  }
0x1bb: {  	s20 =	simm.s32 $0x900  }
0x1bc: {  	[hbm4b:s5+s3] =	stream.indirect_vreg.scatter [tilespmem:s20], [sflag:$0x4], $0x80, v4, vm0, $0xb8;
	[tilespmem:$0x18100] =	vst v63  }
0x1bd: {  	s20 =	simm.s32 $0x1100  }
0x1be: {  	[hbm4b:s6+s3] =	stream.indirect_vreg.scatter [tilespmem:s20], [sflag:$0x4], $0x80, v4, vm0, $0xb8;
	[tilespmem:$0x18100] =	vst v63  }
0x1bf: {  	s20 =	simm.s32 $0x1900  }
0x1c0: {  	[hbm4b:s7+s3] =	stream.indirect_vreg.scatter [tilespmem:s20], [sflag:$0x4], $0x80, v4, vm0, $0xb8;
	[tilespmem:$0x18100] =	vst v63  }
0x1c1: {  	_ = 	snop  }
0x1c2: {  	[hbm4b:s8+s3] =	stream.indirect_vreg.scatter [tilespmem:s4], [sflag:$0x4], $0x80, v4, vm0, $0xb8;
	[tilespmem:$0x18100] =	vst v63  }
0x1c3: {  	v3 =	vperm.xlane v3, v2;
	s20 =	simm.s32 $0x2900  }
0x1c4: {  	[hbm4b:s9+s3] =	stream.indirect_vreg.scatter [tilespmem:s20], [sflag:$0x4], $0x80, v4, vm0, $0xb8;
	[tilespmem:$0x18100] =	vst v63  }
0x1c5: {  	s15 =	simm.s32 $0x3100;
	v3 =	vadd.s32 v1, v3  }
0x1c6: {  	[hbm4b:s10+s3] =	stream.indirect_vreg.scatter [tilespmem:s15], [sflag:$0x4], $0x80, v4, vm0, $0xb8;
	[tilespmem:$0x18100] =	vst v63  }
0x1c7: {  	s20 =	simm.s32 $0x3900  }
0x1c8: {  	[hbm4b:s11+s3] =	stream.indirect_vreg.scatter [tilespmem:s20], [sflag:$0x4], $0x80, v4, vm0, $0xb8;
	[tilespmem:$0x18100] =	vst v63  }
0x1c9: {  	s20 =	simm.s32 $0x4100  }
0x1ca: {  	[hbm4b:s2+s3] =	stream.indirect_vreg.scatter [tilespmem:s20], [sflag:$0x4], $0x80, v3, vm0, $0xb8;
	[tilespmem:$0x18100] =	vst v63  }
0x1cb: {  	s20 =	simm.s32 $0x4900  }
0x1cc: {  	[hbm4b:s5+s3] =	stream.indirect_vreg.scatter [tilespmem:s20], [sflag:$0x4], $0x80, v3, vm0, $0xb8;
	[tilespmem:$0x18100] =	vst v63  }
0x1cd: {  	s20 =	simm.s32 $0x5100  }
0x1ce: {  	[hbm4b:s6+s3] =	stream.indirect_vreg.scatter [tilespmem:s20], [sflag:$0x4], $0x80, v3, vm0, $0xb8;
	[tilespmem:$0x18100] =	vst v63  }
0x1cf: {  	s20 =	simm.s32 $0x5900  }
0x1d0: {  	[hbm4b:s7+s3] =	stream.indirect_vreg.scatter [tilespmem:s20], [sflag:$0x4], $0x80, v3, vm0, $0xb8;
	[tilespmem:$0x18100] =	vst v63  }
0x1d1: {  	s20 =	simm.s32 $0x6100  }
0x1d2: {  	[hbm4b:s8+s3] =	stream.indirect_vreg.scatter [tilespmem:s20], [sflag:$0x4], $0x80, v3, vm0, $0xb8;
	[tilespmem:$0x18100] =	vst v63  }
0x1d3: {  	s20 =	simm.s32 $0x6900  }
0x1d4: {  	[hbm4b:s9+s3] =	stream.indirect_vreg.scatter [tilespmem:s20], [sflag:$0x4], $0x80, v3, vm0, $0xb8;
	[tilespmem:$0x18100] =	vst v63  }
0x1d5: {  	s20 =	simm.s32 $0x7100  }
0x1d6: {  	[hbm4b:s10+s3] =	stream.indirect_vreg.scatter [tilespmem:s20], [sflag:$0x4], $0x80, v3, vm0, $0xb8;
	[tilespmem:$0x18100] =	vst v63  }
0x1d7: {  	_ = 	snop  }
0x1d8: {  	[hbm4b:s11+s3] =	stream.indirect_vreg.scatter [tilespmem:s14], [sflag:$0x4], $0x80, v3, vm0, $0xb8;
	[tilespmem:$0x18100] =	vst v63  }
0x1d9: {  	_ =	swait.ge [sflag:s19], $0x8000  }
0x1da: {  	[sflag:s19] =	ssyncset.done $0x0  }
0x1db: {  	s0 =	simm.s32 $0x10100;
	s15 =	rddreg [dreg:$0xf];
	[sflag:s19] =	ssyncadd.s32 $0xFFFF8000  }
0x1dc: {  	[tilespmem:s0], [sflag:$0x3] =	stream.linear.gather [hbm4b:s15+s3], $0x8000, $0x38;
	[tilespmem:$0x18100] =	vst v63  }
0x1dd: {  	_ =	swait.ge [sflag:s29], $0x8000  }
0x1de: {  	[sflag:s29] =	ssyncset.done $0x0  }
0x1df: {  	[sflag:s29] =	ssyncadd.s32 $0xFFFF8000  }
0x1e0: {  	v3 =	vld [tilespmem:$0xA0];
	_ =	sdelay $0x4  }
0x1e1: {  	v58 =	vshll.u32 v3, $0x4  }
0x1e2: {  	v3 =	vand.u32 $0x7, v3;
	v4 =	vand.u32 $0xFFFFFF80, v58  }
0x1e3: {  	v3 =	vor.u32 v3, v4  }
0x1e4: {  	v4 =	vperm.xlane v3, v0;
	_ =	sdelay $0x1  }
0x1e5: {  	v4 =	vadd.s32 v1, v4;
	_ =	sdelay $0x4  }
0x1e6: {  	[hbm4b:s2+s3] =	stream.indirect_vreg.scatter [tilespmem:s1], [sflag:$0x5], $0x80, v4, vm0, $0xb8;
	[tilespmem:$0x18100] =	vst v63  }
0x1e7: {  	s1 =	simm.s32 $0x8900  }
0x1e8: {  	[hbm4b:s5+s3] =	stream.indirect_vreg.scatter [tilespmem:s1], [sflag:$0x5], $0x80, v4, vm0, $0xb8;
	[tilespmem:$0x18100] =	vst v63  }
0x1e9: {  	_ = 	snop  }
0x1ea: {  	[hbm4b:s6+s3] =	stream.indirect_vreg.scatter [tilespmem:s21], [sflag:$0x5], $0x80, v4, vm0, $0xb8;
	[tilespmem:$0x18100] =	vst v63  }
0x1eb: {  	s15 =	simm.s32 $0x9900  }
0x1ec: {  	[hbm4b:s7+s3] =	stream.indirect_vreg.scatter [tilespmem:s15], [sflag:$0x5], $0x80, v4, vm0, $0xb8;
	[tilespmem:$0x18100] =	vst v63  }
0x1ed: {  	s20 =	simm.s32 $0xA100  }
0x1ee: {  	[hbm4b:s8+s3] =	stream.indirect_vreg.scatter [tilespmem:s20], [sflag:$0x5], $0x80, v4, vm0, $0xb8;
	[tilespmem:$0x18100] =	vst v63  }
0x1ef: {  	v3 =	vperm.xlane v3, v2;
	s21 =	simm.s32 $0xA900  }
0x1f0: {  	[hbm4b:s9+s3] =	stream.indirect_vreg.scatter [tilespmem:s21], [sflag:$0x5], $0x80, v4, vm0, $0xb8;
	[tilespmem:$0x18100] =	vst v63  }
0x1f1: {  	v3 =	vadd.s32 v1, v3  }
0x1f2: {  	[hbm4b:s10+s3] =	stream.indirect_vreg.scatter [tilespmem:s22], [sflag:$0x5], $0x80, v4, vm0, $0xb8;
	[tilespmem:$0x18100] =	vst v63  }
0x1f3: {  	_ = 	snop  }
0x1f4: {  	[hbm4b:s11+s3] =	stream.indirect_vreg.scatter [tilespmem:s12], [sflag:$0x5], $0x80, v4, vm0, $0xb8;
	[tilespmem:$0x18100] =	vst v63  }
0x1f5: {  	_ = 	snop  }
0x1f6: {  	[hbm4b:s2+s3] =	stream.indirect_vreg.scatter [tilespmem:s23], [sflag:$0x5], $0x80, v3, vm0, $0xb8;
	[tilespmem:$0x18100] =	vst v63  }
0x1f7: {  	_ = 	snop  }
0x1f8: {  	[hbm4b:s5+s3] =	stream.indirect_vreg.scatter [tilespmem:s25], [sflag:$0x5], $0x80, v3, vm0, $0xb8;
	[tilespmem:$0x18100] =	vst v63  }
0x1f9: {  	_ = 	snop  }
0x1fa: {  	[hbm4b:s6+s3] =	stream.indirect_vreg.scatter [tilespmem:s24], [sflag:$0x5], $0x80, v3, vm0, $0xb8;
	[tilespmem:$0x18100] =	vst v63  }
0x1fb: {  	_ = 	snop  }
0x1fc: {  	[hbm4b:s7+s3] =	stream.indirect_vreg.scatter [tilespmem:s26], [sflag:$0x5], $0x80, v3, vm0, $0xb8;
	[tilespmem:$0x18100] =	vst v63  }
0x1fd: {  	_ = 	snop  }
0x1fe: {  	[hbm4b:s8+s3] =	stream.indirect_vreg.scatter [tilespmem:s30], [sflag:$0x5], $0x80, v3, vm0, $0xb8;
	[tilespmem:$0x18100] =	vst v63  }
0x1ff: {  	_ = 	snop  }
0x200: {  	[hbm4b:s9+s3] =	stream.indirect_vreg.scatter [tilespmem:s31], [sflag:$0x5], $0x80, v3, vm0, $0xb8;
	[tilespmem:$0x18100] =	vst v63  }
0x201: {  	s1 =	simm.s32 $0xF100  }
0x202: {  	[hbm4b:s10+s3] =	stream.indirect_vreg.scatter [tilespmem:s1], [sflag:$0x5], $0x80, v3, vm0, $0xb8;
	[tilespmem:$0x18100] =	vst v63  }
0x203: {  	s12 =	simm.s32 $0xF900  }
0x204: {  	[hbm4b:s11+s3] =	stream.indirect_vreg.scatter [tilespmem:s12], [sflag:$0x5], $0x80, v3, vm0, $0xb8;
	[tilespmem:$0x18100] =	vst v63  }
0x205: {  	_ =	swait.ge [sflag:s13], $0x8000  }
0x206: {  	[sflag:s13] =	ssyncset.done $0x0  }
0x207: {  	s15 =	rddreg [dreg:$0x10];
	[sflag:s13] =	ssyncadd.s32 $0xFFFF8000  }
0x208: {  	[tilespmem:s28], [sflag:$0x1] =	stream.linear.gather [hbm4b:s15+s3], $0x8000, $0x38;
	[tilespmem:$0x18100] =	vst v63  }
0x209: {  	_ =	swait.ge [sflag:s17], $0x8000  }
0x20a: {  	[sflag:s17] =	ssyncset.done $0x0  }
0x20b: {  	[sflag:s17] =	ssyncadd.s32 $0xFFFF8000  }
0x20c: {  	v3 =	vld [tilespmem:$0xB0];
	_ =	sdelay $0x4  }
0x20d: {  	v59 =	vshll.u32 v3, $0x4  }
0x20e: {  	v3 =	vand.u32 $0x7, v3;
	v4 =	vand.u32 $0xFFFFFF80, v59  }
0x20f: {  	v3 =	vor.u32 v3, v4  }
0x210: {  	v4 =	vperm.xlane v3, v0;
	_ =	sdelay $0x1  }
0x211: {  	v4 =	vadd.s32 v1, v4;
	_ =	sdelay $0x3  }
0x212: {  	s14 =	simm.s32 $0x10100  }
0x213: {  	[hbm4b:s2+s3] =	stream.indirect_vreg.scatter [tilespmem:s14], [sflag:$0x6], $0x80, v4, vm0, $0xb8;
	[tilespmem:$0x18100] =	vst v63  }
0x214: {  	s20 =	simm.s32 $0x10900  }
0x215: {  	[hbm4b:s5+s3] =	stream.indirect_vreg.scatter [tilespmem:s20], [sflag:$0x6], $0x80, v4, vm0, $0xb8;
	[tilespmem:$0x18100] =	vst v63  }
0x216: {  	s21 =	simm.s32 $0x11100  }
0x217: {  	[hbm4b:s6+s3] =	stream.indirect_vreg.scatter [tilespmem:s21], [sflag:$0x6], $0x80, v4, vm0, $0xb8;
	[tilespmem:$0x18100] =	vst v63  }
0x218: {  	s22 =	simm.s32 $0x11900  }
0x219: {  	[hbm4b:s7+s3] =	stream.indirect_vreg.scatter [tilespmem:s22], [sflag:$0x6], $0x80, v4, vm0, $0xb8;
	[tilespmem:$0x18100] =	vst v63  }
0x21a: {  	s23 =	simm.s32 $0x12100  }
0x21b: {  	[hbm4b:s8+s3] =	stream.indirect_vreg.scatter [tilespmem:s23], [sflag:$0x6], $0x80, v4, vm0, $0xb8;
	[tilespmem:$0x18100] =	vst v63  }
0x21c: {  	s24 =	simm.s32 $0x12900;
	v3 =	vperm.xlane v3, v2  }
0x21d: {  	[hbm4b:s9+s3] =	stream.indirect_vreg.scatter [tilespmem:s24], [sflag:$0x6], $0x80, v4, vm0, $0xb8;
	[tilespmem:$0x18100] =	vst v63  }
0x21e: {  	s25 =	simm.s32 $0x13100;
	v3 =	vadd.s32 v1, v3  }
0x21f: {  	[hbm4b:s10+s3] =	stream.indirect_vreg.scatter [tilespmem:s25], [sflag:$0x6], $0x80, v4, vm0, $0xb8;
	[tilespmem:$0x18100] =	vst v63  }
0x220: {  	s26 =	simm.s32 $0x13900  }
0x221: {  	[hbm4b:s11+s3] =	stream.indirect_vreg.scatter [tilespmem:s26], [sflag:$0x6], $0x80, v4, vm0, $0xb8;
	[tilespmem:$0x18100] =	vst v63  }
0x222: {  	s31 =	simm.s32 $0x14100  }
0x223: {  	[hbm4b:s2+s3] =	stream.indirect_vreg.scatter [tilespmem:s31], [sflag:$0x6], $0x80, v3, vm0, $0xb8;
	[tilespmem:$0x18100] =	vst v63  }
0x224: {  	s1 =	simm.s32 $0x14900  }
0x225: {  	[hbm4b:s5+s3] =	stream.indirect_vreg.scatter [tilespmem:s1], [sflag:$0x6], $0x80, v3, vm0, $0xb8;
	[tilespmem:$0x18100] =	vst v63  }
0x226: {  	s12 =	simm.s32 $0x15100  }
0x227: {  	[hbm4b:s6+s3] =	stream.indirect_vreg.scatter [tilespmem:s12], [sflag:$0x6], $0x80, v3, vm0, $0xb8;
	[tilespmem:$0x18100] =	vst v63  }
0x228: {  	s14 =	simm.s32 $0x15900  }
0x229: {  	[hbm4b:s7+s3] =	stream.indirect_vreg.scatter [tilespmem:s14], [sflag:$0x6], $0x80, v3, vm0, $0xb8;
	[tilespmem:$0x18100] =	vst v63  }
0x22a: {  	s15 =	simm.s32 $0x16100  }
0x22b: {  	[hbm4b:s8+s3] =	stream.indirect_vreg.scatter [tilespmem:s15], [sflag:$0x6], $0x80, v3, vm0, $0xb8;
	[tilespmem:$0x18100] =	vst v63  }
0x22c: {  	s20 =	simm.s32 $0x16900  }
0x22d: {  	[hbm4b:s9+s3] =	stream.indirect_vreg.scatter [tilespmem:s20], [sflag:$0x6], $0x80, v3, vm0, $0xb8;
	[tilespmem:$0x18100] =	vst v63  }
0x22e: {  	s21 =	simm.s32 $0x17100  }
0x22f: {  	[hbm4b:s10+s3] =	stream.indirect_vreg.scatter [tilespmem:s21], [sflag:$0x6], $0x80, v3, vm0, $0xb8;
	[tilespmem:$0x18100] =	vst v63  }
0x230: {  	s22 =	simm.s32 $0x17900  }
0x231: {  	[hbm4b:s11+s3] =	stream.indirect_vreg.scatter [tilespmem:s22], [sflag:$0x6], $0x80, v3, vm0, $0xb8;
	[tilespmem:$0x18100] =	vst v63  }
0x232: {  	_ =	swait.ge [sflag:s18], $0x8000  }
0x233: {  	[sflag:s18] =	ssyncset.done $0x0  }
0x234: {  	s0 =	simm.s32 $0x8100;
	s23 =	rddreg [dreg:$0x11];
	[sflag:s18] =	ssyncadd.s32 $0xFFFF8000  }
0x235: {  	[tilespmem:s0], [sflag:$0x2] =	stream.linear.gather [hbm4b:s23+s3], $0x8000, $0x38;
	[tilespmem:$0x18100] =	vst v63  }
0x236: {  	_ =	swait.ge [sflag:s16], $0x8000  }
0x237: {  	[sflag:s16] =	ssyncset.done $0x0  }
0x238: {  	[sflag:s16] =	ssyncadd.s32 $0xFFFF8000  }
0x239: {  	v3 =	vld [tilespmem:$0xC0];
	_ =	sdelay $0x4  }
0x23a: {  	v60 =	vshll.u32 v3, $0x4  }
0x23b: {  	v3 =	vand.u32 $0x7, v3;
	v4 =	vand.u32 $0xFFFFFF80, v60  }
0x23c: {  	v3 =	vor.u32 v3, v4  }
0x23d: {  	v4 =	vperm.xlane v3, v0;
	_ =	sdelay $0x1  }
0x23e: {  	v4 =	vadd.s32 v1, v4;
	_ =	sdelay $0x4  }
0x23f: {  	[hbm4b:s2+s3] =	stream.indirect_vreg.scatter [tilespmem:s28], [sflag:$0x4], $0x80, v4, vm0, $0xb8;
	[tilespmem:$0x18100] =	vst v63  }
0x240: {  	s24 =	simm.s32 $0x900  }
0x241: {  	[hbm4b:s5+s3] =	stream.indirect_vreg.scatter [tilespmem:s24], [sflag:$0x4], $0x80, v4, vm0, $0xb8;
	[tilespmem:$0x18100] =	vst v63  }
0x242: {  	s22 =	simm.s32 $0x1100  }
0x243: {  	[hbm4b:s6+s3] =	stream.indirect_vreg.scatter [tilespmem:s22], [sflag:$0x4], $0x80, v4, vm0, $0xb8;
	[tilespmem:$0x18100] =	vst v63  }
0x244: {  	s12 =	simm.s32 $0x1900  }
0x245: {  	[hbm4b:s7+s3] =	stream.indirect_vreg.scatter [tilespmem:s12], [sflag:$0x4], $0x80, v4, vm0, $0xb8;
	[tilespmem:$0x18100] =	vst v63  }
0x246: {  	s25 =	simm.s32 $0x2100  }
0x247: {  	[hbm4b:s8+s3] =	stream.indirect_vreg.scatter [tilespmem:s25], [sflag:$0x4], $0x80, v4, vm0, $0xb8;
	[tilespmem:$0x18100] =	vst v63  }
0x248: {  	s1 =	simm.s32 $0x2900;
	v3 =	vperm.xlane v3, v2  }
0x249: {  	[hbm4b:s9+s3] =	stream.indirect_vreg.scatter [tilespmem:s1], [sflag:$0x4], $0x80, v4, vm0, $0xb8;
	[tilespmem:$0x18100] =	vst v63  }
0x24a: {  	s4 =	simm.s32 $0x3100;
	v3 =	vadd.s32 v1, v3  }
0x24b: {  	[hbm4b:s10+s3] =	stream.indirect_vreg.scatter [tilespmem:s4], [sflag:$0x4], $0x80, v4, vm0, $0xb8;
	[tilespmem:$0x18100] =	vst v63  }
0x24c: {  	s23 =	simm.s32 $0x3900  }
0x24d: {  	[hbm4b:s11+s3] =	stream.indirect_vreg.scatter [tilespmem:s23], [sflag:$0x4], $0x80, v4, vm0, $0xb8;
	[tilespmem:$0x18100] =	vst v63  }
0x24e: {  	s14 =	simm.s32 $0x4100  }
0x24f: {  	[hbm4b:s2+s3] =	stream.indirect_vreg.scatter [tilespmem:s14], [sflag:$0x4], $0x80, v3, vm0, $0xb8;
	[tilespmem:$0x18100] =	vst v63  }
0x250: {  	s26 =	simm.s32 $0x4900  }
0x251: {  	[hbm4b:s5+s3] =	stream.indirect_vreg.scatter [tilespmem:s26], [sflag:$0x4], $0x80, v3, vm0, $0xb8;
	[tilespmem:$0x18100] =	vst v63  }
0x252: {  	s25 =	simm.s32 $0x5100  }
0x253: {  	[hbm4b:s6+s3] =	stream.indirect_vreg.scatter [tilespmem:s25], [sflag:$0x4], $0x80, v3, vm0, $0xb8;
	[tilespmem:$0x18100] =	vst v63  }
0x254: {  	s15 =	simm.s32 $0x5900  }
0x255: {  	[hbm4b:s7+s3] =	stream.indirect_vreg.scatter [tilespmem:s15], [sflag:$0x4], $0x80, v3, vm0, $0xb8;
	[tilespmem:$0x18100] =	vst v63  }
0x256: {  	s21 =	simm.s32 $0x6100  }
0x257: {  	[hbm4b:s8+s3] =	stream.indirect_vreg.scatter [tilespmem:s21], [sflag:$0x4], $0x80, v3, vm0, $0xb8;
	[tilespmem:$0x18100] =	vst v63  }
0x258: {  	s24 =	simm.s32 $0x6900  }
0x259: {  	[hbm4b:s9+s3] =	stream.indirect_vreg.scatter [tilespmem:s24], [sflag:$0x4], $0x80, v3, vm0, $0xb8;
	[tilespmem:$0x18100] =	vst v63  }
0x25a: {  	s26 =	simm.s32 $0x7100  }
0x25b: {  	[hbm4b:s10+s3] =	stream.indirect_vreg.scatter [tilespmem:s26], [sflag:$0x4], $0x80, v3, vm0, $0xb8;
	[tilespmem:$0x18100] =	vst v63  }
0x25c: {  	s4 =	simm.s32 $0x7900  }
0x25d: {  	[hbm4b:s11+s3] =	stream.indirect_vreg.scatter [tilespmem:s4], [sflag:$0x4], $0x80, v3, vm0, $0xb8;
	[tilespmem:$0x18100] =	vst v63  }
0x25e: {  	_ =	swait.ge [sflag:s19], $0x8000  }
0x25f: {  	[sflag:s19] =	ssyncset.done $0x0  }
0x260: {  	s30 =	simm.s32 $0x10100;
	s20 =	rddreg [dreg:$0x12];
	[sflag:s19] =	ssyncadd.s32 $0xFFFF8000  }
0x261: {  	[tilespmem:s30], [sflag:$0x3] =	stream.linear.gather [hbm4b:s20+s3], $0x8000, $0x38;
	[tilespmem:$0x18100] =	vst v63  }
0x262: {  	_ =	swait.ge [sflag:s29], $0x8000  }
0x263: {  	[sflag:s29] =	ssyncset.done $0x0  }
0x264: {  	[sflag:s29] =	ssyncadd.s32 $0xFFFF8000  }
0x265: {  	v3 =	vld [tilespmem:$0xD0];
	_ =	sdelay $0x4  }
0x266: {  	v61 =	vshll.u32 v3, $0x4  }
0x267: {  	v3 =	vand.u32 $0x7, v3;
	v4 =	vand.u32 $0xFFFFFF80, v61  }
0x268: {  	v3 =	vor.u32 v3, v4  }
0x269: {  	v4 =	vperm.xlane v3, v0;
	_ =	sdelay $0x1  }
0x26a: {  	v4 =	vadd.s32 v1, v4;
	_ =	sdelay $0x4  }
0x26b: {  	[hbm4b:s2+s3] =	stream.indirect_vreg.scatter [tilespmem:s0], [sflag:$0x5], $0x80, v4, vm0, $0xb8;
	[tilespmem:$0x18100] =	vst v63  }
0x26c: {  	s20 =	simm.s32 $0x8900  }
0x26d: {  	[hbm4b:s5+s3] =	stream.indirect_vreg.scatter [tilespmem:s20], [sflag:$0x5], $0x80, v4, vm0, $0xb8;
	[tilespmem:$0x18100] =	vst v63  }
0x26e: {  	s20 =	simm.s32 $0x9100  }
0x26f: {  	[hbm4b:s6+s3] =	stream.indirect_vreg.scatter [tilespmem:s20], [sflag:$0x5], $0x80, v4, vm0, $0xb8;
	[tilespmem:$0x18100] =	vst v63  }
0x270: {  	s20 =	simm.s32 $0x9900  }
0x271: {  	[hbm4b:s7+s3] =	stream.indirect_vreg.scatter [tilespmem:s20], [sflag:$0x5], $0x80, v4, vm0, $0xb8;
	[tilespmem:$0x18100] =	vst v63  }
0x272: {  	s20 =	simm.s32 $0xA100  }
0x273: {  	[hbm4b:s8+s3] =	stream.indirect_vreg.scatter [tilespmem:s20], [sflag:$0x5], $0x80, v4, vm0, $0xb8;
	[tilespmem:$0x18100] =	vst v63  }
0x274: {  	v3 =	vperm.xlane v3, v2;
	s20 =	simm.s32 $0xA900  }
0x275: {  	[hbm4b:s9+s3] =	stream.indirect_vreg.scatter [tilespmem:s20], [sflag:$0x5], $0x80, v4, vm0, $0xb8;
	[tilespmem:$0x18100] =	vst v63  }
0x276: {  	v3 =	vadd.s32 v1, v3;
	s20 =	simm.s32 $0xB100  }
0x277: {  	[hbm4b:s10+s3] =	stream.indirect_vreg.scatter [tilespmem:s20], [sflag:$0x5], $0x80, v4, vm0, $0xb8;
	[tilespmem:$0x18100] =	vst v63  }
0x278: {  	s20 =	simm.s32 $0xB900  }
0x279: {  	[hbm4b:s11+s3] =	stream.indirect_vreg.scatter [tilespmem:s20], [sflag:$0x5], $0x80, v4, vm0, $0xb8;
	[tilespmem:$0x18100] =	vst v63  }
0x27a: {  	s20 =	simm.s32 $0xC100  }
0x27b: {  	[hbm4b:s2+s3] =	stream.indirect_vreg.scatter [tilespmem:s20], [sflag:$0x5], $0x80, v3, vm0, $0xb8;
	[tilespmem:$0x18100] =	vst v63  }
0x27c: {  	s20 =	simm.s32 $0xC900  }
0x27d: {  	[hbm4b:s5+s3] =	stream.indirect_vreg.scatter [tilespmem:s20], [sflag:$0x5], $0x80, v3, vm0, $0xb8;
	[tilespmem:$0x18100] =	vst v63  }
0x27e: {  	s20 =	simm.s32 $0xD100  }
0x27f: {  	[hbm4b:s6+s3] =	stream.indirect_vreg.scatter [tilespmem:s20], [sflag:$0x5], $0x80, v3, vm0, $0xb8;
	[tilespmem:$0x18100] =	vst v63  }
0x280: {  	s20 =	simm.s32 $0xD900  }
0x281: {  	[hbm4b:s7+s3] =	stream.indirect_vreg.scatter [tilespmem:s20], [sflag:$0x5], $0x80, v3, vm0, $0xb8;
	[tilespmem:$0x18100] =	vst v63  }
0x282: {  	s20 =	simm.s32 $0xE100  }
0x283: {  	[hbm4b:s8+s3] =	stream.indirect_vreg.scatter [tilespmem:s20], [sflag:$0x5], $0x80, v3, vm0, $0xb8;
	[tilespmem:$0x18100] =	vst v63  }
0x284: {  	s20 =	simm.s32 $0xE900  }
0x285: {  	[hbm4b:s9+s3] =	stream.indirect_vreg.scatter [tilespmem:s20], [sflag:$0x5], $0x80, v3, vm0, $0xb8;
	[tilespmem:$0x18100] =	vst v63  }
0x286: {  	s20 =	simm.s32 $0xF100  }
0x287: {  	[hbm4b:s10+s3] =	stream.indirect_vreg.scatter [tilespmem:s20], [sflag:$0x5], $0x80, v3, vm0, $0xb8;
	[tilespmem:$0x18100] =	vst v63  }
0x288: {  	s20 =	simm.s32 $0xF900  }
0x289: {  	[hbm4b:s11+s3] =	stream.indirect_vreg.scatter [tilespmem:s20], [sflag:$0x5], $0x80, v3, vm0, $0xb8;
	[tilespmem:$0x18100] =	vst v63  }
0x28a: {  	s0 =	rddreg [dreg:$0x15];
	_ =	swait.ge [sflag:s13], $0x8000  }
0x28b: {  	[sflag:s13] =	ssyncset.done $0x0  }
0x28c: {  	s20 =	rddreg [dreg:$0x13];
	[sflag:s13] =	ssyncadd.s32 $0xFFFF8000  }
0x28d: {  	[tilespmem:s28], [sflag:$0x1] =	stream.linear.gather [hbm4b:s20+s3], $0x8000, $0x38;
	[tilespmem:$0x18100] =	vst v63  }
0x28e: {  	_ =	swait.ge [sflag:s17], $0x8000  }
0x28f: {  	[sflag:s17] =	ssyncset.done $0x0  }
0x290: {  	[sflag:s17] =	ssyncadd.s32 $0xFFFF8000  }
0x291: {  	v3 =	vld [tilespmem:$0xE0];
	_ =	sdelay $0x4  }
0x292: {  	v62 =	vshll.u32 v3, $0x4  }
0x293: {  	v3 =	vand.u32 $0x7, v3;
	v4 =	vand.u32 $0xFFFFFF80, v62  }
0x294: {  	v3 =	vor.u32 v3, v4  }
0x295: {  	v4 =	vperm.xlane v3, v0;
	_ =	sdelay $0x1  }
0x296: {  	v4 =	vadd.s32 v1, v4;
	_ =	sdelay $0x4  }
0x297: {  	[hbm4b:s2+s3] =	stream.indirect_vreg.scatter [tilespmem:s30], [sflag:$0x6], $0x80, v4, vm0, $0xb8;
	[tilespmem:$0x18100] =	vst v63  }
0x298: {  	s30 =	simm.s32 $0x10900  }
0x299: {  	[hbm4b:s5+s3] =	stream.indirect_vreg.scatter [tilespmem:s30], [sflag:$0x6], $0x80, v4, vm0, $0xb8;
	[tilespmem:$0x18100] =	vst v63  }
0x29a: {  	s30 =	simm.s32 $0x11100  }
0x29b: {  	[hbm4b:s6+s3] =	stream.indirect_vreg.scatter [tilespmem:s30], [sflag:$0x6], $0x80, v4, vm0, $0xb8;
	[tilespmem:$0x18100] =	vst v63  }
0x29c: {  	s30 =	simm.s32 $0x11900  }
0x29d: {  	[hbm4b:s7+s3] =	stream.indirect_vreg.scatter [tilespmem:s30], [sflag:$0x6], $0x80, v4, vm0, $0xb8;
	[tilespmem:$0x18100] =	vst v63  }
0x29e: {  	s30 =	simm.s32 $0x12100  }
0x29f: {  	[hbm4b:s8+s3] =	stream.indirect_vreg.scatter [tilespmem:s30], [sflag:$0x6], $0x80, v4, vm0, $0xb8;
	[tilespmem:$0x18100] =	vst v63  }
0x2a0: {  	v3 =	vperm.xlane v3, v2;
	s30 =	simm.s32 $0x12900  }
0x2a1: {  	[hbm4b:s9+s3] =	stream.indirect_vreg.scatter [tilespmem:s30], [sflag:$0x6], $0x80, v4, vm0, $0xb8;
	[tilespmem:$0x18100] =	vst v63  }
0x2a2: {  	v3 =	vadd.s32 v1, v3;
	s30 =	simm.s32 $0x13100  }
0x2a3: {  	[hbm4b:s10+s3] =	stream.indirect_vreg.scatter [tilespmem:s30], [sflag:$0x6], $0x80, v4, vm0, $0xb8;
	[tilespmem:$0x18100] =	vst v63  }
0x2a4: {  	s30 =	simm.s32 $0x13900  }
0x2a5: {  	[hbm4b:s11+s3] =	stream.indirect_vreg.scatter [tilespmem:s30], [sflag:$0x6], $0x80, v4, vm0, $0xb8;
	[tilespmem:$0x18100] =	vst v63  }
0x2a6: {  	s30 =	simm.s32 $0x14100  }
0x2a7: {  	[hbm4b:s2+s3] =	stream.indirect_vreg.scatter [tilespmem:s30], [sflag:$0x6], $0x80, v3, vm0, $0xb8;
	[tilespmem:$0x18100] =	vst v63  }
0x2a8: {  	s30 =	simm.s32 $0x14900  }
0x2a9: {  	[hbm4b:s5+s3] =	stream.indirect_vreg.scatter [tilespmem:s30], [sflag:$0x6], $0x80, v3, vm0, $0xb8;
	[tilespmem:$0x18100] =	vst v63  }
0x2aa: {  	s30 =	simm.s32 $0x15100  }
0x2ab: {  	[hbm4b:s6+s3] =	stream.indirect_vreg.scatter [tilespmem:s30], [sflag:$0x6], $0x80, v3, vm0, $0xb8;
	[tilespmem:$0x18100] =	vst v63  }
0x2ac: {  	s30 =	simm.s32 $0x15900  }
0x2ad: {  	[hbm4b:s7+s3] =	stream.indirect_vreg.scatter [tilespmem:s30], [sflag:$0x6], $0x80, v3, vm0, $0xb8;
	[tilespmem:$0x18100] =	vst v63  }
0x2ae: {  	s30 =	simm.s32 $0x16100  }
0x2af: {  	[hbm4b:s8+s3] =	stream.indirect_vreg.scatter [tilespmem:s30], [sflag:$0x6], $0x80, v3, vm0, $0xb8;
	[tilespmem:$0x18100] =	vst v63  }
0x2b0: {  	s30 =	simm.s32 $0x16900  }
0x2b1: {  	[hbm4b:s9+s3] =	stream.indirect_vreg.scatter [tilespmem:s30], [sflag:$0x6], $0x80, v3, vm0, $0xb8;
	[tilespmem:$0x18100] =	vst v63  }
0x2b2: {  	s30 =	simm.s32 $0x17100  }
0x2b3: {  	[hbm4b:s10+s3] =	stream.indirect_vreg.scatter [tilespmem:s30], [sflag:$0x6], $0x80, v3, vm0, $0xb8;
	[tilespmem:$0x18100] =	vst v63  }
0x2b4: {  	s30 =	simm.s32 $0x17900  }
0x2b5: {  	[hbm4b:s11+s3] =	stream.indirect_vreg.scatter [tilespmem:s30], [sflag:$0x6], $0x80, v3, vm0, $0xb8;
	[tilespmem:$0x18100] =	vst v63  }
0x2b6: {  	_ =	swait.ge [sflag:s16], $0x8000  }
0x2b7: {  	[sflag:s16] =	ssyncset.done $0x0  }
0x2b8: {  	[sflag:s16] =	ssyncadd.s32 $0xFFFF8000  }
0x2b9: {  	v3 =	vld [tilespmem:$0xF0];
	_ =	sdelay $0x4  }
0x2ba: {  	v63 =	vshll.u32 v3, $0x4  }
0x2bb: {  	v3 =	vand.u32 $0x7, v3;
	v4 =	vand.u32 $0xFFFFFF80, v63  }
0x2bc: {  	v3 =	vor.u32 v3, v4  }
0x2bd: {  	v4 =	vperm.xlane v3, v0;
	_ =	sdelay $0x1  }
0x2be: {  	v4 =	vadd.s32 v1, v4;
	_ =	sdelay $0x4  }
0x2bf: {  	[hbm4b:s2+s3] =	stream.indirect_vreg.scatter [tilespmem:s28], [sflag:$0x4], $0x80, v4, vm0, $0xb8;
	[tilespmem:$0x18100] =	vst v63  }
0x2c0: {  	s31 =	simm.s32 $0x900  }
0x2c1: {  	[hbm4b:s5+s3] =	stream.indirect_vreg.scatter [tilespmem:s31], [sflag:$0x4], $0x80, v4, vm0, $0xb8;
	[tilespmem:$0x18100] =	vst v63  }
0x2c2: {  	_ = 	snop  }
0x2c3: {  	[hbm4b:s6+s3] =	stream.indirect_vreg.scatter [tilespmem:s22], [sflag:$0x4], $0x80, v4, vm0, $0xb8;
	[tilespmem:$0x18100] =	vst v63  }
0x2c4: {  	_ = 	snop  }
0x2c5: {  	[hbm4b:s7+s3] =	stream.indirect_vreg.scatter [tilespmem:s12], [sflag:$0x4], $0x80, v4, vm0, $0xb8;
	[tilespmem:$0x18100] =	vst v63  }
0x2c6: {  	s22 =	simm.s32 $0x2100  }
0x2c7: {  	[hbm4b:s8+s3] =	stream.indirect_vreg.scatter [tilespmem:s22], [sflag:$0x4], $0x80, v4, vm0, $0xb8;
	[tilespmem:$0x18100] =	vst v63  }
0x2c8: {  	v3 =	vperm.xlane v3, v2  }
0x2c9: {  	[hbm4b:s9+s3] =	stream.indirect_vreg.scatter [tilespmem:s1], [sflag:$0x4], $0x80, v4, vm0, $0xb8;
	[tilespmem:$0x18100] =	vst v63  }
0x2ca: {  	s30 =	simm.s32 $0x3100;
	v3 =	vadd.s32 v1, v3  }
0x2cb: {  	[hbm4b:s10+s3] =	stream.indirect_vreg.scatter [tilespmem:s30], [sflag:$0x4], $0x80, v4, vm0, $0xb8;
	[tilespmem:$0x18100] =	vst v63  }
0x2cc: {  	_ = 	snop  }
0x2cd: {  	[hbm4b:s11+s3] =	stream.indirect_vreg.scatter [tilespmem:s23], [sflag:$0x4], $0x80, v4, vm0, $0xb8;
	[tilespmem:$0x18100] =	vst v63  }
0x2ce: {  	_ = 	snop  }
0x2cf: {  	[hbm4b:s2+s3] =	stream.indirect_vreg.scatter [tilespmem:s14], [sflag:$0x4], $0x80, v3, vm0, $0xb8;
	[tilespmem:$0x18100] =	vst v63  }
0x2d0: {  	s31 =	simm.s32 $0x4900  }
0x2d1: {  	[hbm4b:s5+s3] =	stream.indirect_vreg.scatter [tilespmem:s31], [sflag:$0x4], $0x80, v3, vm0, $0xb8;
	[tilespmem:$0x18100] =	vst v63  }
0x2d2: {  	_ = 	snop  }
0x2d3: {  	[hbm4b:s6+s3] =	stream.indirect_vreg.scatter [tilespmem:s25], [sflag:$0x4], $0x80, v3, vm0, $0xb8;
	[tilespmem:$0x18100] =	vst v63  }
0x2d4: {  	_ = 	snop  }
0x2d5: {  	[hbm4b:s7+s3] =	stream.indirect_vreg.scatter [tilespmem:s15], [sflag:$0x4], $0x80, v3, vm0, $0xb8;
	[tilespmem:$0x18100] =	vst v63  }
0x2d6: {  	_ = 	snop  }
0x2d7: {  	[hbm4b:s8+s3] =	stream.indirect_vreg.scatter [tilespmem:s21], [sflag:$0x4], $0x80, v3, vm0, $0xb8;
	[tilespmem:$0x18100] =	vst v63  }
0x2d8: {  	_ = 	snop  }
0x2d9: {  	[hbm4b:s9+s3] =	stream.indirect_vreg.scatter [tilespmem:s24], [sflag:$0x4], $0x80, v3, vm0, $0xb8;
	[tilespmem:$0x18100] =	vst v63  }
0x2da: {  	_ = 	snop  }
0x2db: {  	[hbm4b:s10+s3] =	stream.indirect_vreg.scatter [tilespmem:s26], [sflag:$0x4], $0x80, v3, vm0, $0xb8;
	[tilespmem:$0x18100] =	vst v63  }
0x2dc: {  	_ = 	snop  }
0x2dd: {  	[hbm4b:s11+s3] =	stream.indirect_vreg.scatter [tilespmem:s4], [sflag:$0x4], $0x80, v3, vm0, $0xb8;
	[tilespmem:$0x18100] =	vst v63  }
0x2de: {  	_ =	swait.ge [sflag:s18], $0x8000  }
0x2df: {  	[sflag:s18] =	ssyncset.done $0x0  }
0x2e0: {  	[sflag:s18] =	ssyncadd.s32 $0xFFFF8000  }
0x2e1: {  	p0 =	sne.s32 s0, $0x1;
	_ =	swait.ge [sflag:s19], $0x8000  }
.Ltmp0:
0x2e2: {  	[sflag:s19] =	ssyncset.done $0x0;
	(pc) =	sbr.rel @p0 .LBB2_1-.Ltmp0, $4  }
0x2e3: {  	[sflag:s19] =	ssyncadd.s32 $0xFFFF8000  }
0x2e4: {  	_ =	swait.ge [sflag:s13], $0x8000  }
0x2e5: {  	[sflag:s13] =	ssyncset.done $0x0  }
0x2e6: {  	s0 =	sadd.s32 $0xFFFFFFFF, s0;
	[sflag:s13] =	ssyncadd.s32 $0xFFFF8000  }
0x2e7: {  	_ =	sfence.sel $0x180000  }
0x2e8: {  	[bflag:$0x0] =	sbarrier.arrive $0xFFFF  }
0x2e9: {  	_ =	strace $0x90000047  }
0x2ea: {  	s0 =	stileid.u32;
	[bflag:$0x2] =	sbarrier.arrive $0xFFFF  }
0x2eb: {  	p0 =	sne.s32 s0, $0x0;
	s0 =	rddreg [dreg:$0x3]  }
0x2ec: {  	s0 =	sadd.s32 @!p0 $0x100000, s0  }
0x2ed: {  	[sflag:s0] =	ssyncadd.tile.s32 @!p0 $0x1;
	_ =	shalt  }
.Lfunc_end2:
_tile_overlayer_lowered:
.L_overlay_start_2:
0x2ee: {  	(tag) =	ssettag $0x2  }
0x2ef: {  	s0 =	rddreg [dreg:$0x0];
	s2 =	stileid.u32  }
0x2f0: {  	s1 =	rddreg [dreg:$0x1];
	p0 =	sne.s32 s2, $0x0  }
0x2f1: {  	s3 =	rddreg [dreg:$0x2];
	[bflag:$0x3] =	sbarrier.arrive $0xFFFF;
	s2 =	simm.s32 @!p0 $0x1C07  }
0x2f2: {  	[timem:s3], [sflag:s2] =	dma.local @!p0 [hbm:s0], s1  }
0x2f3: {  	s0 =	simm.s32 @!p0 $0x7  }
0x2f4: {  	_ =	swait.ge @!p0 [sflag:s0], s1  }
0x2f5: {  	s1 =	ssub.s32 @!p0 $0x0, s1;
	[sflag:s0] =	ssyncset.done @!p0 $0x0  }
0x2f6: {  	[sflag:s0] =	ssyncadd.s32 @!p0 s1  }
0x2f7: {  	[bflag:$0x3] =	sbarrier.arrive $0xFFFF  }
0x2f8: {  	_ =	shalt  }

// kernel: kernel.9.cloned.1.call-start
scs
__scs_entry_jumppad:
0x0: {  	(pc) =	sbr.rel $0x88, $3  }
0x1: {  	(tag) =	ssettag $0x0;
	lr =	simm.s32 $0x1  }
0x2: {  	[smem:$0x3F9D] =	sst lr;
	_ =	strace $0xD0000000  }
0x3: {  	_ = 	snop  }
0x4: {  	_ = 	snop  }
0x5: {  	_ = 	snop  }
0x6: {  	_ = 	snop  }
0x7: {  	_ = 	snop  }
__scs_overlays_trampoline_lowered:
0x8: {  	[smem:$0x3FAC] =	sst s0  }
0x9: {  	[smem:$0x3FAD] =	sst s1  }
0xa: {  	[smem:$0x3FAE] =	sst s2  }
0xb: {  	[smem:$0x3FAF] =	sst s3  }
0xc: {  	[smem:$0x3FB0] =	sst s4  }
0xd: {  	[smem:$0x3FB1] =	sst s5  }
0xe: {  	[smem:$0x3FB2] =	sst s6  }
0xf: {  	[smem:$0x3FB3] =	sst s7  }
0x10: {  	[smem:$0x3FB4] =	sst s8  }
0x11: {  	[smem:$0x3FB5] =	sst s9;
	s0 =	simm.s32 @!p0 $0x0  }
0x12: {  	s1 =	sld [smem:$0x3F9B];
	s0 =	simm.s32 @p0 $0x1  }
0x13: {  	[smem:$0x3FB6] =	sst s0;
	s0 =	simm.s32 @!p1 $0x0  }
0x14: {  	s2 =	sld [smem:$0x3F9A];
	s0 =	simm.s32 @p1 $0x1  }
0x15: {  	[smem:$0x3FB7] =	sst s0;
	s0 =	simm.s32 @!p2 $0x0  }
0x16: {  	s3 =	sld [smem:$0x3FDB];
	s0 =	simm.s32 @p2 $0x1  }
0x17: {  	s4 =	simm.s32 $0x1BF5;
	[smem:$0x3FB9] =	sst s0  }
0x18: {  	s0 =	sld [smem:$0x3F9C];
	_ =	swait.ge [sflag:s4], $0x0  }
0x19: {  	s7 =	sld [smem:$0x3F9D]  }
0x1a: {  	s8 =	sadd.s32 $0xFFFFE003, lr  }
0x1b: {  	s9 =	sadd.s32 $0xFFFFFEF7, lr;
	s5 =	simm.s32 $0xFFFFFFFF;
	p2 =	slt.u32 s8, $0xFFFFF086  }
0x1c: {  	p1 =	slt.u32 s9, $0xF7A;
	s5 =	simm.s32 @!p2 $0x0  }
0x1d: {  	s5 =	simm.s32 @p1 $0x1;
	p0 =	seq.s32 s7, s2  }
0x1e: {  	s7 =	smul.u32 @!p0 $0xF7A, s2;
	p2 =	seq.s32 @!p0 s5, $0x0  }
0x1f: {  	s9 =	smul.u32 $0xF7A, s1;
	s8 =	simm.s32 @!p0 $0x1BF5;
	p2 =	por !p2, p0  }
0x20: {  	[sflag:s8] =	ssyncset.s32 @!p0 $0xFFFFF086;
	s6 =	sadd.s32 @!p0 s3, s7;
	s7 =	simm.s32 @!p0 $0x108  }
0x21: {  	s3 =	sadd.s32 s3, s9;
	s6 =	sadd.s32 @!p0 $0x88, s6;
	s7 =	simm.s32 @p2 $0x1082  }
0x22: {  	[simem:s7], [sflag:s8] =	dma.local @!p0 [hbm:s6], $0xF7A  }
0x23: {  	s9 =	sor.u32 $0xD0000000, s2;
	s6 =	simm.s32 $0x108;
	_ =	swait.ge @!p0 [sflag:s8], $0x0  }
0x24: {  	s3 =	sadd.s32 $0x88, s3;
	s6 =	simm.s32 @!p1 $0x1082;
	[sflag:s4] =	ssyncset.s32 $0xFFFFF086  }
0x25: {  	[simem:s6], [sflag:s4] =	dma.local [hbm:s3], $0xF7A  }
0x26: {  	[smem:$0x3F9D] =	sst s1;
	(tag) =	ssettag s2;
	_ =	strace s9  }
0x27: {  	s1 =	sld [smem:$0x3FAD]  }
0x28: {  	s2 =	sld [smem:$0x3FAE]  }
0x29: {  	s4 =	sld [smem:$0x3FB0]  }
0x2a: {  	p0 =	seq.s32 s5, $0x0;
	s5 =	sld [smem:$0x3FB1]  }
0x2b: {  	s6 =	sld [smem:$0x3FB2]  }
0x2c: {  	s7 =	sld [smem:$0x3FB3]  }
0x2d: {  	s3 =	simm.s32 $0x108;
	s8 =	sld [smem:$0x3FB4]  }
0x2e: {  	s3 =	simm.s32 @!p0 $0x1082;
	s9 =	sld [smem:$0x3FB5]  }
0x2f: {  	lr =	sadd.s32 s0, s3;
	s0 =	sld [smem:$0x3FAC]  }
0x30: {  	s3 =	sld [smem:$0x3FAF]  }
0x31: {  	[smem:$0x3FB8] =	sst s10  }
0x32: {  	s10 =	sld [smem:$0x3FB6];
	_ =	sdelay $0x3  }
0x33: {  	p0 =	seq.s32 s10, $0x1;
	s10 =	sld [smem:$0x3FB8];
	_ =	sdelay $0x3  }
0x34: {  	[smem:$0x3FB8] =	sst s10  }
0x35: {  	s10 =	sld [smem:$0x3FB7];
	_ =	sdelay $0x3  }
0x36: {  	p1 =	seq.s32 s10, $0x1;
	s10 =	sld [smem:$0x3FB8];
	_ =	sdelay $0x3  }
0x37: {  	[smem:$0x3FB8] =	sst s10  }
0x38: {  	s10 =	sld [smem:$0x3FB9]  }
0x39: {  	_ = 	snop;
	(pc) =	sbr.ind lr, $3  }
0x3a: {  	_ = 	snop  }
0x3b: {  	_ = 	snop  }
0x3c: {  	p2 =	seq.s32 s10, $0x1;
	s10 =	sld [smem:$0x3FB8]  }
0x3d: {  	_ =	shalt  }
0x3e: {  	_ =	shalt  }
0x3f: {  	_ =	shalt  }
0x40: {  	_ =	shalt  }
0x41: {  	_ =	shalt  }
0x42: {  	_ =	shalt  }
0x43: {  	_ =	shalt  }
0x44: {  	_ =	shalt  }
0x45: {  	_ =	shalt  }
0x46: {  	_ =	shalt  }
0x47: {  	_ =	shalt  }
0x48: {  	_ =	shalt  }
0x49: {  	_ =	shalt  }
0x4a: {  	_ =	shalt  }
0x4b: {  	_ =	shalt  }
0x4c: {  	_ =	shalt  }
0x4d: {  	_ =	shalt  }
0x4e: {  	_ =	shalt  }
0x4f: {  	_ =	shalt  }
0x50: {  	_ =	shalt  }
0x51: {  	_ =	shalt  }
0x52: {  	_ =	shalt  }
0x53: {  	_ =	shalt  }
0x54: {  	_ =	shalt  }
0x55: {  	_ =	shalt  }
0x56: {  	_ =	shalt  }
0x57: {  	_ =	shalt  }
0x58: {  	_ =	shalt  }
0x59: {  	_ =	shalt  }
0x5a: {  	_ =	shalt  }
0x5b: {  	_ =	shalt  }
0x5c: {  	_ =	shalt  }
0x5d: {  	_ =	shalt  }
0x5e: {  	_ =	shalt  }
0x5f: {  	_ =	shalt  }
0x60: {  	_ =	shalt  }
0x61: {  	_ =	shalt  }
0x62: {  	_ =	shalt  }
0x63: {  	_ =	shalt  }
0x64: {  	_ =	shalt  }
0x65: {  	_ =	shalt  }
0x66: {  	_ =	shalt  }
0x67: {  	_ =	shalt  }
0x68: {  	_ =	shalt  }
0x69: {  	_ =	shalt  }
0x6a: {  	_ =	shalt  }
0x6b: {  	_ =	shalt  }
0x6c: {  	_ =	shalt  }
0x6d: {  	_ =	shalt  }
0x6e: {  	_ =	shalt  }
0x6f: {  	_ =	shalt  }
0x70: {  	_ =	shalt  }
0x71: {  	_ =	shalt  }
0x72: {  	_ =	shalt  }
0x73: {  	_ =	shalt  }
0x74: {  	_ =	shalt  }
0x75: {  	_ =	shalt  }
0x76: {  	_ =	shalt  }
0x77: {  	_ =	shalt  }
0x78: {  	_ =	shalt  }
0x79: {  	_ =	shalt  }
0x7a: {  	_ =	shalt  }
0x7b: {  	_ =	shalt  }
0x7c: {  	_ =	shalt  }
0x7d: {  	_ =	shalt  }
0x7e: {  	_ =	shalt  }
0x7f: {  	_ =	shalt  }
0x80: {  	_ =	shalt  }
0x81: {  	_ =	shalt  }
0x82: {  	_ =	shalt  }
0x83: {  	_ =	shalt  }
0x84: {  	_ =	shalt  }
0x85: {  	_ =	shalt  }
0x86: {  	_ =	shalt  }
0x87: {  	_ =	shalt  }
.Lfunc_end0:
.L_simem_size_0:
called_computation.1_lowered:
.L_overlay_start_0:
0x88: {  	s2 =	sld [smem:$0x3FD9]  }
0x89: {  	s3 =	sld [smem:$0x3FFE];
	_ =	sdelay $0x1  }
0x8a: {  	s1 =	srdreg.scid  }
0x8b: {  	s0 =	sand.u32 $0x1, s1  }
0x8c: {  	s17 =	sshll.u32 s0, $0xA;
	s2 =	sadd.s32 s3, s2  }
0x8d: {  	s2 =	sadd.s32 s2, s17  }
0x8e: {  	[smem:$0x3FC4] =	sst s2  }
0x8f: {  	_ = 	snop  }
0x90: {  	s2 =	sld [smem:$0x3FD0];
	(tm) =	ssettm $0x1  }
0x91: {  	s18 =	sld [smem:$0x3FFB];
	_ =	sdelay $0x3  }
0x92: {  	_ =	strace s18  }
0x93: {  	s3 =	sld [smem:$0x3FFC];
	_ =	sdelay $0x3  }
0x94: {  	_ =	strace s3  }
0x95: {  	s3 =	sld [smem:$0x3FFD];
	_ =	sdelay $0x3  }
0x96: {  	_ =	strace s3  }
0x97: {  	_ =	strace $0x8FFFFFFF  }
0x98: {  	s19 =	sld [smem:$0x3FDB];
	_ =	sdelay $0x1  }
0x99: {  	s4 =	simm.s32 $_scs_section_size  }
0x9a: {  	s5 =	simm.s32 $_size__tile_overlayer_lowered;
	s6 =	simm.s32 $_tile_overlayer_lowered  }
0x9b: {  	s22 =	simm.s32 $0x1BFF;
	s21 =	sshll.u32 s6, $0x1;
	s3 =	sadd.s32 s4, s19  }
0x9c: {  	s7 =	simm.s32 $0x0;
	s20 =	sshll.u32 s5, $0x1;
	s5 =	sadd.s32 s21, s3  }
0x9d: {  	[timem:s7], [sflag:s22] =	dma.local [hbm:s5], s20  }
0x9e: {  	_ =	swait.ge [sflag:s22], s20  }
0x9f: {  	s4 =	ssub.s32 $0x0, s20;
	[sflag:s22] =	ssyncset.done $0x0  }
0xa0: {  	[sflag:s22] =	ssyncadd.s32 s4;
	_ =	sdelay $0x1  }
0xa1: {  	s23 =	simm.s32 $0x1B8B  }
0xa2: {  	_ =	swait.ge [sflag:s23], $0x1  }
0xa3: {  	[sflag:s23] =	ssyncset.done $0x0  }
0xa4: {  	s25 =	simm.s32 $0x1B8E;
	s24 =	sld [smem:$0x3FFE];
	[sflag:s23] =	ssyncadd.s32 $0xFFFFFFFF  }
0xa5: {  	s26 =	simm.s32 $execute0_lowered;
	[smem:$0x3FD2] =	sst s25  }
0xa6: {  	s5 =	sshll.u32 s26, $0x1;
	_ =	strace $0x80000049;
	[dreg:$0x1] =	wrdreg $0xFFFFFFFF  }
0xa7: {  	s28 =	simm.s32 $_size_execute0_lowered;
	s3 =	sadd.s32 s3, s5;
	[dreg:$0x0] =	wrdreg $0x0  }
0xa8: {  	s5 =	sshll.u32 s28, $0x1;
	[dreg:$0x2] =	wrdreg s3  }
0xa9: {  	[dreg:$0x3] =	wrdreg s5  }
0xaa: {  	[dreg:$0x4] =	wrdreg $0xC0  }
0xab: {  	_ =	task [dreg:s7], $0x5FFFF  }
0xac: {  	[dreg:$0x1] =	wrdreg $0xFFFFFFFF  }
0xad: {  	[dreg:$0x0] =	wrdreg $0x60  }
0xae: {  	[dreg:$0x2] =	wrdreg s24  }
0xaf: {  	[dreg:$0x3] =	wrdreg s2  }
0xb0: {  	[dreg:$0x4] =	wrdreg $0x9  }
0xb1: {  	_ =	task.clear_ibuf [dreg:s7], $0x5FFFF;
	_ =	strace $0x90000049  }
0xb2: {  	s29 =	simm.s32 $0x9;
	_ =	strace $0x8000004B  }
0xb3: {  	_ =	swait.ge [sflag:s29], $0x1  }
0xb4: {  	[sflag:s29] =	ssyncadd.s32 $0xFFFFFFFF  }
0xb5: {  	_ =	strace $0x9000004B  }
0xb6: {  	_ =	sfence  }
0xb7: {  	s30 =	sld [smem:$0x0];
	_ =	sdelay $0x2  }
0xb8: {  	s31 =	sshll.u32 s1, $0xD;
	s1 =	sshrl.u32 s1, $0x2  }
0xb9: {  	s3 =	sand.u32 $0x4000, s31;
	s1 =	sadd.s32 s1, s30  }
0xba: {  	s0 =	sor.u32 s3, s0;
	s1 =	sshll.u32 s1, $0x11  }
0xbb: {  	s0 =	sor.u32 s1, s0  }
0xbc: {  	s0 =	sadd.s32 $0x8F2B, s0  }
0xbd: {  	[sflag:s0] =	ssyncadd.remote.s32 $0x1  }
0xbe: {  	_ =	sfence.sel $0xFFFF  }
0xbf: {  	[dreg:$0x0] =	wrdreg $0xFFFFFFFF;
	(pc) =	sbr.abs _section_cstart, $3  }
0xc0: {  	[dreg:$0x1] =	wrdreg $0xFFFFFFFF  }
0xc1: {  	_ =	task.clear_ibuf [dreg:s7], $0x2FFFF;
	_ =	strace $0x9FFFFFFF  }
0xc2: {  	(tm) =	ssettm $0x7FFFFFFF  }
0xc3: {  	_ =	shalt  }
tec
execute0_lowered:
.L_overlay_start_1:
0x0: {  	(tag) =	ssettag $0x1  }
0x1: {  	s0 =	srdreg.scid  }
0x2: {  	s2 =	stileid.u32;
	s0 =	sand.u32 $0x1, s0  }
0x3: {  	s1 =	rddreg [dreg:$0x0];
	s2 =	sshll.u32 s2, $0x9;
	s3 =	sshll.u32 s0, $0x8  }
0x4: {  	s4 =	rddreg [dreg:$0x1];
	s3 =	sor.u32 s3, s2  }
0x5: {  	s2 =	simm.s32 $0x0;
	s5 =	sshrl.u32 s3, $0x3;
	s3 =	sshll.u32 s3, $0x8  }
0x6: {  	[smem:$0x7FF] =	sst s2;
	s5 =	sadd.s32 s5, s1;
	s12 =	sadd.s32 s4, s3  }
0x7: {  	_ =	strace $0x8000004A;
	s5 =	sadd.s32 $0x1800, s5;
	[dreg:$0x13] =	wrdreg s12  }
0x8: {  	s3 =	sadd.s32 $0x1000, s12;
	[dreg:$0x3] =	wrdreg s5  }
0x9: {  	s16 =	sadd.s32 $0x2000, s12;
	[dreg:$0x4] =	wrdreg s3  }
0xa: {  	s17 =	sadd.s32 $0x3000, s12;
	[dreg:$0x5] =	wrdreg s16  }
0xb: {  	s18 =	sadd.s32 $0x4000, s12;
	[dreg:$0x6] =	wrdreg s17  }
0xc: {  	s13 =	simm.s32 $0x1;
	s19 =	sadd.s32 $0x5000, s12;
	[dreg:$0x7] =	wrdreg s18  }
0xd: {  	s15 =	simm.s32 $0x3;
	s20 =	sadd.s32 $0x6000, s12;
	[dreg:$0x8] =	wrdreg s19  }
0xe: {  	s6 =	sadd.s32 $0x2E00, s1;
	s22 =	sadd.s32 $0x7000, s12;
	[dreg:$0x9] =	wrdreg s20  }
0xf: {  	s7 =	sadd.s32 $0x2F00, s1;
	s23 =	sadd.s32 $0x8000, s12;
	[dreg:$0xa] =	wrdreg s22  }
0x10: {  	s8 =	sadd.s32 $0x3000, s1;
	s24 =	sadd.s32 $0x9000, s12;
	[dreg:$0xb] =	wrdreg s23  }
0x11: {  	s9 =	sadd.s32 $0x3100, s1;
	s25 =	sadd.s32 $0xA000, s12;
	[dreg:$0xc] =	wrdreg s24  }
0x12: {  	s10 =	sadd.s32 $0x3200, s1;
	s26 =	sadd.s32 $0xB000, s12;
	[dreg:$0xd] =	wrdreg s25  }
0x13: {  	s11 =	sadd.s32 $0x3300, s1;
	s28 =	sadd.s32 $0xC000, s12;
	[dreg:$0xe] =	wrdreg s26  }
0x14: {  	s0 =	ssub.s32 $0x2, s0;
	s29 =	sadd.s32 $0xD000, s12;
	[dreg:$0xf] =	wrdreg s28  }
0x15: {  	s21 =	sshrl.u32 s0, $0x1;
	s30 =	sadd.s32 $0xE000, s12;
	[dreg:$0x10] =	wrdreg s29  }
0x16: {  	s0 =	ssub.s32 s0, s21;
	s31 =	sadd.s32 $0xF000, s12;
	[dreg:$0x11] =	wrdreg s30  }
0x17: {  	v2 =	vlaneseq.u32;
	s4 =	sadd.s32 $0x2C00, s1;
	s5 =	sadd.s32 $0x2D00, s1;
	[dreg:$0x12] =	wrdreg s31  }
0x18: {  	vm0 =	vmmov $0xffff;
	v1 =	vshrl.u32 v2, $0x3;
	s1 =	smax.u32 s0, $0x1;
	s19 =	simm.s32 $0x2;
	s0 =	simm.s32 $0x4  }
0x19: {  	v0 =	vand.u32 $0x7, v2;
	v2 =	vor.u32 $0x8, v2;
	v1 =	vmul.u32 $0x8, v1;
	s16 =	simm.s32 $0x5;
	s17 =	simm.s32 $0x6;
	s20 =	simm.s32 $0x100  }
.LBB2_1:
0x1a: {  	[dreg:$0x14] =	wrdreg s1  }
0x1b: {  	s18 =	rddreg [dreg:$0x3];
	s31 =	simm.s32 $0x7  }
0x1c: {  	[tilespmem:s2], [sflag:$0x7] =	stream.linear.gather [hbm4b:s18+s2], $0x100, $0x38;
	[tilespmem:$0x18100] =	vst v63  }
0x1d: {  	_ =	swait.ge [sflag:s31], $0x100  }
0x1e: {  	[sflag:s31] =	ssyncset.done $0x0  }
0x1f: {  	[sflag:s31] =	ssyncadd.s32 $0xFFFFFF00  }
0x20: {  	v3 =	vld [tilespmem:$0x0];
	_ =	sdelay $0x4  }
0x21: {  	v4 =	vshll.u32 v3, $0x4  }
0x22: {  	v3 =	vand.u32 $0x7, v3;
	v4 =	vand.u32 $0xFFFFFF80, v4  }
0x23: {  	v3 =	vor.u32 v3, v4  }
0x24: {  	v4 =	vperm.xlane v3, v0;
	_ =	sdelay $0x1  }
0x25: {  	v4 =	vadd.s32 v1, v4;
	_ =	sdelay $0x4  }
0x26: {  	[tilespmem:s20], [sflag:$0x1] =	stream.indirect_vreg.gather [hbm4b:s4+s2], $0x80, v4, vm0, $0xb8;
	[tilespmem:$0x18100] =	vst v63  }
0x27: {  	s1 =	simm.s32 $0x900  }
0x28: {  	[tilespmem:s1], [sflag:$0x1] =	stream.indirect_vreg.gather [hbm4b:s5+s2], $0x80, v4, vm0, $0xb8;
	[tilespmem:$0x18100] =	vst v63  }
0x29: {  	s3 =	simm.s32 $0x1100  }
0x2a: {  	[tilespmem:s3], [sflag:$0x1] =	stream.indirect_vreg.gather [hbm4b:s6+s2], $0x80, v4, vm0, $0xb8;
	[tilespmem:$0x18100] =	vst v63  }
0x2b: {  	s12 =	simm.s32 $0x1900  }
0x2c: {  	[tilespmem:s12], [sflag:$0x1] =	stream.indirect_vreg.gather [hbm4b:s7+s2], $0x80, v4, vm0, $0xb8;
	[tilespmem:$0x18100] =	vst v63  }
0x2d: {  	s14 =	simm.s32 $0x2100  }
0x2e: {  	[tilespmem:s14], [sflag:$0x1] =	stream.indirect_vreg.gather [hbm4b:s8+s2], $0x80, v4, vm0, $0xb8;
	[tilespmem:$0x18100] =	vst v63  }
0x2f: {  	s21 =	simm.s32 $0x2900;
	v3 =	vperm.xlane v3, v2  }
0x30: {  	[tilespmem:s21], [sflag:$0x1] =	stream.indirect_vreg.gather [hbm4b:s9+s2], $0x80, v4, vm0, $0xb8;
	[tilespmem:$0x18100] =	vst v63  }
0x31: {  	s22 =	simm.s32 $0x3100;
	v3 =	vadd.s32 v1, v3  }
0x32: {  	[tilespmem:s22], [sflag:$0x1] =	stream.indirect_vreg.gather [hbm4b:s10+s2], $0x80, v4, vm0, $0xb8;
	[tilespmem:$0x18100] =	vst v63  }
0x33: {  	s23 =	simm.s32 $0x3900  }
0x34: {  	[tilespmem:s23], [sflag:$0x1] =	stream.indirect_vreg.gather [hbm4b:s11+s2], $0x80, v4, vm0, $0xb8;
	[tilespmem:$0x18100] =	vst v63  }
0x35: {  	s24 =	simm.s32 $0x4100  }
0x36: {  	[tilespmem:s24], [sflag:$0x1] =	stream.indirect_vreg.gather [hbm4b:s4+s2], $0x80, v3, vm0, $0xb8;
	[tilespmem:$0x18100] =	vst v63  }
0x37: {  	s25 =	simm.s32 $0x4900  }
0x38: {  	[tilespmem:s25], [sflag:$0x1] =	stream.indirect_vreg.gather [hbm4b:s5+s2], $0x80, v3, vm0, $0xb8;
	[tilespmem:$0x18100] =	vst v63  }
0x39: {  	s26 =	simm.s32 $0x5100  }
0x3a: {  	[tilespmem:s26], [sflag:$0x1] =	stream.indirect_vreg.gather [hbm4b:s6+s2], $0x80, v3, vm0, $0xb8;
	[tilespmem:$0x18100] =	vst v63  }
0x3b: {  	s28 =	simm.s32 $0x5900  }
0x3c: {  	[tilespmem:s28], [sflag:$0x1] =	stream.indirect_vreg.gather [hbm4b:s7+s2], $0x80, v3, vm0, $0xb8;
	[tilespmem:$0x18100] =	vst v63  }
0x3d: {  	s29 =	simm.s32 $0x6100  }
0x3e: {  	[tilespmem:s29], [sflag:$0x1] =	stream.indirect_vreg.gather [hbm4b:s8+s2], $0x80, v3, vm0, $0xb8;
	[tilespmem:$0x18100] =	vst v63  }
0x3f: {  	s1 =	simm.s32 $0x6900  }
0x40: {  	[tilespmem:s1], [sflag:$0x1] =	stream.indirect_vreg.gather [hbm4b:s9+s2], $0x80, v3, vm0, $0xb8;
	[tilespmem:$0x18100] =	vst v63  }
0x41: {  	s14 =	simm.s32 $0x7100  }
0x42: {  	[tilespmem:s14], [sflag:$0x1] =	stream.indirect_vreg.gather [hbm4b:s10+s2], $0x80, v3, vm0, $0xb8;
	[tilespmem:$0x18100] =	vst v63  }
0x43: {  	s21 =	simm.s32 $0x7900  }
0x44: {  	[tilespmem:s21], [sflag:$0x1] =	stream.indirect_vreg.gather [hbm4b:s11+s2], $0x80, v3, vm0, $0xb8;
	[tilespmem:$0x18100] =	vst v63  }
0x45: {  	v3 =	vld [tilespmem:$0x10];
	_ =	sdelay $0x4  }
0x46: {  	v49 =	vshll.u32 v3, $0x4  }
0x47: {  	v3 =	vand.u32 $0x7, v3;
	v4 =	vand.u32 $0xFFFFFF80, v49  }
0x48: {  	v3 =	vor.u32 v3, v4  }
0x49: {  	v4 =	vperm.xlane v3, v0;
	_ =	sdelay $0x1  }
0x4a: {  	v4 =	vadd.s32 v1, v4;
	_ =	sdelay $0x3  }
0x4b: {  	s22 =	simm.s32 $0x8100  }
0x4c: {  	[tilespmem:s22], [sflag:$0x2] =	stream.indirect_vreg.gather [hbm4b:s4+s2], $0x80, v4, vm0, $0xb8;
	[tilespmem:$0x18100] =	vst v63  }
0x4d: {  	s14 =	simm.s32 $0x8900  }
0x4e: {  	[tilespmem:s14], [sflag:$0x2] =	stream.indirect_vreg.gather [hbm4b:s5+s2], $0x80, v4, vm0, $0xb8;
	[tilespmem:$0x18100] =	vst v63  }
0x4f: {  	s1 =	simm.s32 $0x9100  }
0x50: {  	[tilespmem:s1], [sflag:$0x2] =	stream.indirect_vreg.gather [hbm4b:s6+s2], $0x80, v4, vm0, $0xb8;
	[tilespmem:$0x18100] =	vst v63  }
0x51: {  	s18 =	simm.s32 $0x9900  }
0x52: {  	[tilespmem:s18], [sflag:$0x2] =	stream.indirect_vreg.gather [hbm4b:s7+s2], $0x80, v4, vm0, $0xb8;
	[tilespmem:$0x18100] =	vst v63  }
0x53: {  	s22 =	simm.s32 $0xA100  }
0x54: {  	[tilespmem:s22], [sflag:$0x2] =	stream.indirect_vreg.gather [hbm4b:s8+s2], $0x80, v4, vm0, $0xb8;
	[tilespmem:$0x18100] =	vst v63  }
0x55: {  	v3 =	vperm.xlane v3, v2;
	s1 =	simm.s32 $0xA900  }
0x56: {  	[tilespmem:s1], [sflag:$0x2] =	stream.indirect_vreg.gather [hbm4b:s9+s2], $0x80, v4, vm0, $0xb8;
	[tilespmem:$0x18100] =	vst v63  }
0x57: {  	v3 =	vadd.s32 v1, v3;
	s18 =	simm.s32 $0xB100  }
0x58: {  	[tilespmem:s18], [sflag:$0x2] =	stream.indirect_vreg.gather [hbm4b:s10+s2], $0x80, v4, vm0, $0xb8;
	[tilespmem:$0x18100] =	vst v63  }
0x59: {  	s1 =	simm.s32 $0xB900  }
0x5a: {  	[tilespmem:s1], [sflag:$0x2] =	stream.indirect_vreg.gather [hbm4b:s11+s2], $0x80, v4, vm0, $0xb8;
	[tilespmem:$0x18100] =	vst v63  }
0x5b: {  	s18 =	simm.s32 $0xC100  }
0x5c: {  	[tilespmem:s18], [sflag:$0x2] =	stream.indirect_vreg.gather [hbm4b:s4+s2], $0x80, v3, vm0, $0xb8;
	[tilespmem:$0x18100] =	vst v63  }
0x5d: {  	s1 =	simm.s32 $0xC900  }
0x5e: {  	[tilespmem:s1], [sflag:$0x2] =	stream.indirect_vreg.gather [hbm4b:s5+s2], $0x80, v3, vm0, $0xb8;
	[tilespmem:$0x18100] =	vst v63  }
0x5f: {  	s18 =	simm.s32 $0xD100  }
0x60: {  	[tilespmem:s18], [sflag:$0x2] =	stream.indirect_vreg.gather [hbm4b:s6+s2], $0x80, v3, vm0, $0xb8;
	[tilespmem:$0x18100] =	vst v63  }
0x61: {  	s1 =	simm.s32 $0xD900  }
0x62: {  	[tilespmem:s1], [sflag:$0x2] =	stream.indirect_vreg.gather [hbm4b:s7+s2], $0x80, v3, vm0, $0xb8;
	[tilespmem:$0x18100] =	vst v63  }
0x63: {  	s18 =	simm.s32 $0xE100  }
0x64: {  	[tilespmem:s18], [sflag:$0x2] =	stream.indirect_vreg.gather [hbm4b:s8+s2], $0x80, v3, vm0, $0xb8;
	[tilespmem:$0x18100] =	vst v63  }
0x65: {  	s1 =	simm.s32 $0xE900  }
0x66: {  	[tilespmem:s1], [sflag:$0x2] =	stream.indirect_vreg.gather [hbm4b:s9+s2], $0x80, v3, vm0, $0xb8;
	[tilespmem:$0x18100] =	vst v63  }
0x67: {  	s18 =	simm.s32 $0xF100  }
0x68: {  	[tilespmem:s18], [sflag:$0x2] =	stream.indirect_vreg.gather [hbm4b:s10+s2], $0x80, v3, vm0, $0xb8;
	[tilespmem:$0x18100] =	vst v63  }
0x69: {  	s1 =	simm.s32 $0xF900  }
0x6a: {  	[tilespmem:s1], [sflag:$0x2] =	stream.indirect_vreg.gather [hbm4b:s11+s2], $0x80, v3, vm0, $0xb8;
	[tilespmem:$0x18100] =	vst v63  }
0x6b: {  	_ =	swait.ge [sflag:s13], $0x8000  }
0x6c: {  	[sflag:s13] =	ssyncset.done $0x0  }
0x6d: {  	s14 =	rddreg [dreg:$0x13];
	[sflag:s13] =	ssyncadd.s32 $0xFFFF8000  }
0x6e: {  	[hbm4b:s14+s2] =	stream.linear.scatter [tilespmem:s20], [sflag:$0x4], $0x8000, $0x38;
	[tilespmem:$0x18100] =	vst v63  }
0x6f: {  	v3 =	vld [tilespmem:$0x20];
	_ =	sdelay $0x4  }
0x70: {  	v50 =	vshll.u32 v3, $0x4  }
0x71: {  	v3 =	vand.u32 $0x7, v3;
	v4 =	vand.u32 $0xFFFFFF80, v50  }
0x72: {  	v3 =	vor.u32 v3, v4  }
0x73: {  	v4 =	vperm.xlane v3, v0;
	_ =	sdelay $0x1  }
0x74: {  	v4 =	vadd.s32 v1, v4;
	_ =	sdelay $0x3  }
0x75: {  	s18 =	simm.s32 $0x10100  }
0x76: {  	[tilespmem:s18], [sflag:$0x3] =	stream.indirect_vreg.gather [hbm4b:s4+s2], $0x80, v4, vm0, $0xb8;
	[tilespmem:$0x18100] =	vst v63  }
0x77: {  	s1 =	simm.s32 $0x10900  }
0x78: {  	[tilespmem:s1], [sflag:$0x3] =	stream.indirect_vreg.gather [hbm4b:s5+s2], $0x80, v4, vm0, $0xb8;
	[tilespmem:$0x18100] =	vst v63  }
0x79: {  	s1 =	simm.s32 $0x11100  }
0x7a: {  	[tilespmem:s1], [sflag:$0x3] =	stream.indirect_vreg.gather [hbm4b:s6+s2], $0x80, v4, vm0, $0xb8;
	[tilespmem:$0x18100] =	vst v63  }
0x7b: {  	s1 =	simm.s32 $0x11900  }
0x7c: {  	[tilespmem:s1], [sflag:$0x3] =	stream.indirect_vreg.gather [hbm4b:s7+s2], $0x80, v4, vm0, $0xb8;
	[tilespmem:$0x18100] =	vst v63  }
0x7d: {  	s1 =	simm.s32 $0x12100  }
0x7e: {  	[tilespmem:s1], [sflag:$0x3] =	stream.indirect_vreg.gather [hbm4b:s8+s2], $0x80, v4, vm0, $0xb8;
	[tilespmem:$0x18100] =	vst v63  }
0x7f: {  	v3 =	vperm.xlane v3, v2;
	s1 =	simm.s32 $0x12900  }
0x80: {  	[tilespmem:s1], [sflag:$0x3] =	stream.indirect_vreg.gather [hbm4b:s9+s2], $0x80, v4, vm0, $0xb8;
	[tilespmem:$0x18100] =	vst v63  }
0x81: {  	v3 =	vadd.s32 v1, v3;
	s1 =	simm.s32 $0x13100  }
0x82: {  	[tilespmem:s1], [sflag:$0x3] =	stream.indirect_vreg.gather [hbm4b:s10+s2], $0x80, v4, vm0, $0xb8;
	[tilespmem:$0x18100] =	vst v63  }
0x83: {  	s1 =	simm.s32 $0x13900  }
0x84: {  	[tilespmem:s1], [sflag:$0x3] =	stream.indirect_vreg.gather [hbm4b:s11+s2], $0x80, v4, vm0, $0xb8;
	[tilespmem:$0x18100] =	vst v63  }
0x85: {  	s1 =	simm.s32 $0x14100  }
0x86: {  	[tilespmem:s1], [sflag:$0x3] =	stream.indirect_vreg.gather [hbm4b:s4+s2], $0x80, v3, vm0, $0xb8;
	[tilespmem:$0x18100] =	vst v63  }
0x87: {  	s1 =	simm.s32 $0x14900  }
0x88: {  	[tilespmem:s1], [sflag:$0x3] =	stream.indirect_vreg.gather [hbm4b:s5+s2], $0x80, v3, vm0, $0xb8;
	[tilespmem:$0x18100] =	vst v63  }
0x89: {  	s1 =	simm.s32 $0x15100  }
0x8a: {  	[tilespmem:s1], [sflag:$0x3] =	stream.indirect_vreg.gather [hbm4b:s6+s2], $0x80, v3, vm0, $0xb8;
	[tilespmem:$0x18100] =	vst v63  }
0x8b: {  	s1 =	simm.s32 $0x15900  }
0x8c: {  	[tilespmem:s1], [sflag:$0x3] =	stream.indirect_vreg.gather [hbm4b:s7+s2], $0x80, v3, vm0, $0xb8;
	[tilespmem:$0x18100] =	vst v63  }
0x8d: {  	s1 =	simm.s32 $0x16100  }
0x8e: {  	[tilespmem:s1], [sflag:$0x3] =	stream.indirect_vreg.gather [hbm4b:s8+s2], $0x80, v3, vm0, $0xb8;
	[tilespmem:$0x18100] =	vst v63  }
0x8f: {  	s1 =	simm.s32 $0x16900  }
0x90: {  	[tilespmem:s1], [sflag:$0x3] =	stream.indirect_vreg.gather [hbm4b:s9+s2], $0x80, v3, vm0, $0xb8;
	[tilespmem:$0x18100] =	vst v63  }
0x91: {  	s1 =	simm.s32 $0x17100  }
0x92: {  	[tilespmem:s1], [sflag:$0x3] =	stream.indirect_vreg.gather [hbm4b:s10+s2], $0x80, v3, vm0, $0xb8;
	[tilespmem:$0x18100] =	vst v63  }
0x93: {  	s1 =	simm.s32 $0x17900  }
0x94: {  	[tilespmem:s1], [sflag:$0x3] =	stream.indirect_vreg.gather [hbm4b:s11+s2], $0x80, v3, vm0, $0xb8;
	[tilespmem:$0x18100] =	vst v63  }
0x95: {  	_ =	swait.ge [sflag:s19], $0x8000  }
0x96: {  	[sflag:s19] =	ssyncset.done $0x0  }
0x97: {  	s1 =	simm.s32 $0x8100;
	s18 =	rddreg [dreg:$0x4];
	[sflag:s19] =	ssyncadd.s32 $0xFFFF8000  }
0x98: {  	[hbm4b:s18+s2] =	stream.linear.scatter [tilespmem:s1], [sflag:$0x5], $0x8000, $0x38;
	[tilespmem:$0x18100] =	vst v63  }
0x99: {  	_ =	swait.ge [sflag:s0], $0x8000  }
0x9a: {  	[sflag:s0] =	ssyncset.done $0x0  }
0x9b: {  	[sflag:s0] =	ssyncadd.s32 $0xFFFF8000  }
0x9c: {  	v3 =	vld [tilespmem:$0x30];
	_ =	sdelay $0x4  }
0x9d: {  	v51 =	vshll.u32 v3, $0x4  }
0x9e: {  	v3 =	vand.u32 $0x7, v3;
	v4 =	vand.u32 $0xFFFFFF80, v51  }
0x9f: {  	v3 =	vor.u32 v3, v4  }
0xa0: {  	v4 =	vperm.xlane v3, v0;
	_ =	sdelay $0x1  }
0xa1: {  	v4 =	vadd.s32 v1, v4;
	_ =	sdelay $0x4  }
0xa2: {  	[tilespmem:s20], [sflag:$0x1] =	stream.indirect_vreg.gather [hbm4b:s4+s2], $0x80, v4, vm0, $0xb8;
	[tilespmem:$0x18100] =	vst v63  }
0xa3: {  	s30 =	simm.s32 $0x900  }
0xa4: {  	[tilespmem:s30], [sflag:$0x1] =	stream.indirect_vreg.gather [hbm4b:s5+s2], $0x80, v4, vm0, $0xb8;
	[tilespmem:$0x18100] =	vst v63  }
0xa5: {  	s30 =	simm.s32 $0x1100  }
0xa6: {  	[tilespmem:s30], [sflag:$0x1] =	stream.indirect_vreg.gather [hbm4b:s6+s2], $0x80, v4, vm0, $0xb8;
	[tilespmem:$0x18100] =	vst v63  }
0xa7: {  	s30 =	simm.s32 $0x1900  }
0xa8: {  	[tilespmem:s30], [sflag:$0x1] =	stream.indirect_vreg.gather [hbm4b:s7+s2], $0x80, v4, vm0, $0xb8;
	[tilespmem:$0x18100] =	vst v63  }
0xa9: {  	s31 =	simm.s32 $0x2100  }
0xaa: {  	[tilespmem:s31], [sflag:$0x1] =	stream.indirect_vreg.gather [hbm4b:s8+s2], $0x80, v4, vm0, $0xb8;
	[tilespmem:$0x18100] =	vst v63  }
0xab: {  	s12 =	simm.s32 $0x2900;
	v3 =	vperm.xlane v3, v2  }
0xac: {  	[tilespmem:s12], [sflag:$0x1] =	stream.indirect_vreg.gather [hbm4b:s9+s2], $0x80, v4, vm0, $0xb8;
	[tilespmem:$0x18100] =	vst v63  }
0xad: {  	v3 =	vadd.s32 v1, v3;
	s30 =	simm.s32 $0x3100  }
0xae: {  	[tilespmem:s30], [sflag:$0x1] =	stream.indirect_vreg.gather [hbm4b:s10+s2], $0x80, v4, vm0, $0xb8;
	[tilespmem:$0x18100] =	vst v63  }
0xaf: {  	s31 =	simm.s32 $0x3900  }
0xb0: {  	[tilespmem:s31], [sflag:$0x1] =	stream.indirect_vreg.gather [hbm4b:s11+s2], $0x80, v4, vm0, $0xb8;
	[tilespmem:$0x18100] =	vst v63  }
0xb1: {  	s3 =	simm.s32 $0x4100  }
0xb2: {  	[tilespmem:s3], [sflag:$0x1] =	stream.indirect_vreg.gather [hbm4b:s4+s2], $0x80, v3, vm0, $0xb8;
	[tilespmem:$0x18100] =	vst v63  }
0xb3: {  	s23 =	simm.s32 $0x4900  }
0xb4: {  	[tilespmem:s23], [sflag:$0x1] =	stream.indirect_vreg.gather [hbm4b:s5+s2], $0x80, v3, vm0, $0xb8;
	[tilespmem:$0x18100] =	vst v63  }
0xb5: {  	s24 =	simm.s32 $0x5100  }
0xb6: {  	[tilespmem:s24], [sflag:$0x1] =	stream.indirect_vreg.gather [hbm4b:s6+s2], $0x80, v3, vm0, $0xb8;
	[tilespmem:$0x18100] =	vst v63  }
0xb7: {  	s25 =	simm.s32 $0x5900  }
0xb8: {  	[tilespmem:s25], [sflag:$0x1] =	stream.indirect_vreg.gather [hbm4b:s7+s2], $0x80, v3, vm0, $0xb8;
	[tilespmem:$0x18100] =	vst v63  }
0xb9: {  	s26 =	simm.s32 $0x6100  }
0xba: {  	[tilespmem:s26], [sflag:$0x1] =	stream.indirect_vreg.gather [hbm4b:s8+s2], $0x80, v3, vm0, $0xb8;
	[tilespmem:$0x18100] =	vst v63  }
0xbb: {  	s28 =	simm.s32 $0x6900  }
0xbc: {  	[tilespmem:s28], [sflag:$0x1] =	stream.indirect_vreg.gather [hbm4b:s9+s2], $0x80, v3, vm0, $0xb8;
	[tilespmem:$0x18100] =	vst v63  }
0xbd: {  	s29 =	simm.s32 $0x7100  }
0xbe: {  	[tilespmem:s29], [sflag:$0x1] =	stream.indirect_vreg.gather [hbm4b:s10+s2], $0x80, v3, vm0, $0xb8;
	[tilespmem:$0x18100] =	vst v63  }
0xbf: {  	s21 =	simm.s32 $0x7900  }
0xc0: {  	[tilespmem:s21], [sflag:$0x1] =	stream.indirect_vreg.gather [hbm4b:s11+s2], $0x80, v3, vm0, $0xb8;
	[tilespmem:$0x18100] =	vst v63  }
0xc1: {  	_ =	swait.ge [sflag:s15], $0x8000  }
0xc2: {  	[sflag:s15] =	ssyncset.done $0x0  }
0xc3: {  	s14 =	simm.s32 $0x10100;
	s12 =	rddreg [dreg:$0x5];
	[sflag:s15] =	ssyncadd.s32 $0xFFFF8000  }
0xc4: {  	[hbm4b:s12+s2] =	stream.linear.scatter [tilespmem:s14], [sflag:$0x6], $0x8000, $0x38;
	[tilespmem:$0x18100] =	vst v63  }
0xc5: {  	_ =	swait.ge [sflag:s16], $0x8000  }
0xc6: {  	[sflag:s16] =	ssyncset.done $0x0  }
0xc7: {  	[sflag:s16] =	ssyncadd.s32 $0xFFFF8000  }
0xc8: {  	v3 =	vld [tilespmem:$0x40];
	_ =	sdelay $0x4  }
0xc9: {  	v52 =	vshll.u32 v3, $0x4  }
0xca: {  	v3 =	vand.u32 $0x7, v3;
	v4 =	vand.u32 $0xFFFFFF80, v52  }
0xcb: {  	v3 =	vor.u32 v3, v4  }
0xcc: {  	v4 =	vperm.xlane v3, v0;
	_ =	sdelay $0x1  }
0xcd: {  	v4 =	vadd.s32 v1, v4;
	_ =	sdelay $0x4  }
0xce: {  	[tilespmem:s1], [sflag:$0x2] =	stream.indirect_vreg.gather [hbm4b:s4+s2], $0x80, v4, vm0, $0xb8;
	[tilespmem:$0x18100] =	vst v63  }
0xcf: {  	s18 =	simm.s32 $0x8900  }
0xd0: {  	[tilespmem:s18], [sflag:$0x2] =	stream.indirect_vreg.gather [hbm4b:s5+s2], $0x80, v4, vm0, $0xb8;
	[tilespmem:$0x18100] =	vst v63  }
0xd1: {  	s23 =	simm.s32 $0x9100  }
0xd2: {  	[tilespmem:s23], [sflag:$0x2] =	stream.indirect_vreg.gather [hbm4b:s6+s2], $0x80, v4, vm0, $0xb8;
	[tilespmem:$0x18100] =	vst v63  }
0xd3: {  	s24 =	simm.s32 $0x9900  }
0xd4: {  	[tilespmem:s24], [sflag:$0x2] =	stream.indirect_vreg.gather [hbm4b:s7+s2], $0x80, v4, vm0, $0xb8;
	[tilespmem:$0x18100] =	vst v63  }
0xd5: {  	s22 =	simm.s32 $0xA100  }
0xd6: {  	[tilespmem:s22], [sflag:$0x2] =	stream.indirect_vreg.gather [hbm4b:s8+s2], $0x80, v4, vm0, $0xb8;
	[tilespmem:$0x18100] =	vst v63  }
0xd7: {  	s21 =	simm.s32 $0xA900;
	v3 =	vperm.xlane v3, v2  }
0xd8: {  	[tilespmem:s21], [sflag:$0x2] =	stream.indirect_vreg.gather [hbm4b:s9+s2], $0x80, v4, vm0, $0xb8;
	[tilespmem:$0x18100] =	vst v63  }
0xd9: {  	s25 =	simm.s32 $0xB100;
	v3 =	vadd.s32 v1, v3  }
0xda: {  	[tilespmem:s25], [sflag:$0x2] =	stream.indirect_vreg.gather [hbm4b:s10+s2], $0x80, v4, vm0, $0xb8;
	[tilespmem:$0x18100] =	vst v63  }
0xdb: {  	s26 =	simm.s32 $0xB900  }
0xdc: {  	[tilespmem:s26], [sflag:$0x2] =	stream.indirect_vreg.gather [hbm4b:s11+s2], $0x80, v4, vm0, $0xb8;
	[tilespmem:$0x18100] =	vst v63  }
0xdd: {  	s28 =	simm.s32 $0xC100  }
0xde: {  	[tilespmem:s28], [sflag:$0x2] =	stream.indirect_vreg.gather [hbm4b:s4+s2], $0x80, v3, vm0, $0xb8;
	[tilespmem:$0x18100] =	vst v63  }
0xdf: {  	s29 =	simm.s32 $0xC900  }
0xe0: {  	[tilespmem:s29], [sflag:$0x2] =	stream.indirect_vreg.gather [hbm4b:s5+s2], $0x80, v3, vm0, $0xb8;
	[tilespmem:$0x18100] =	vst v63  }
0xe1: {  	s30 =	simm.s32 $0xD100  }
0xe2: {  	[tilespmem:s30], [sflag:$0x2] =	stream.indirect_vreg.gather [hbm4b:s6+s2], $0x80, v3, vm0, $0xb8;
	[tilespmem:$0x18100] =	vst v63  }
0xe3: {  	s31 =	simm.s32 $0xD900  }
0xe4: {  	[tilespmem:s31], [sflag:$0x2] =	stream.indirect_vreg.gather [hbm4b:s7+s2], $0x80, v3, vm0, $0xb8;
	[tilespmem:$0x18100] =	vst v63  }
0xe5: {  	s22 =	simm.s32 $0xE100  }
0xe6: {  	[tilespmem:s22], [sflag:$0x2] =	stream.indirect_vreg.gather [hbm4b:s8+s2], $0x80, v3, vm0, $0xb8;
	[tilespmem:$0x18100] =	vst v63  }
0xe7: {  	s21 =	simm.s32 $0xE900  }
0xe8: {  	[tilespmem:s21], [sflag:$0x2] =	stream.indirect_vreg.gather [hbm4b:s9+s2], $0x80, v3, vm0, $0xb8;
	[tilespmem:$0x18100] =	vst v63  }
0xe9: {  	s22 =	simm.s32 $0xF100  }
0xea: {  	[tilespmem:s22], [sflag:$0x2] =	stream.indirect_vreg.gather [hbm4b:s10+s2], $0x80, v3, vm0, $0xb8;
	[tilespmem:$0x18100] =	vst v63  }
0xeb: {  	s14 =	simm.s32 $0xF900  }
0xec: {  	[tilespmem:s14], [sflag:$0x2] =	stream.indirect_vreg.gather [hbm4b:s11+s2], $0x80, v3, vm0, $0xb8;
	[tilespmem:$0x18100] =	vst v63  }
0xed: {  	_ =	swait.ge [sflag:s13], $0x8000  }
0xee: {  	[sflag:s13] =	ssyncset.done $0x0  }
0xef: {  	s1 =	rddreg [dreg:$0x6];
	[sflag:s13] =	ssyncadd.s32 $0xFFFF8000  }
0xf0: {  	[hbm4b:s1+s2] =	stream.linear.scatter [tilespmem:s20], [sflag:$0x4], $0x8000, $0x38;
	[tilespmem:$0x18100] =	vst v63  }
0xf1: {  	_ =	swait.ge [sflag:s17], $0x8000  }
0xf2: {  	[sflag:s17] =	ssyncset.done $0x0  }
0xf3: {  	[sflag:s17] =	ssyncadd.s32 $0xFFFF8000  }
0xf4: {  	v3 =	vld [tilespmem:$0x50];
	_ =	sdelay $0x4  }
0xf5: {  	v53 =	vshll.u32 v3, $0x4  }
0xf6: {  	v3 =	vand.u32 $0x7, v3;
	v4 =	vand.u32 $0xFFFFFF80, v53  }
0xf7: {  	v3 =	vor.u32 v3, v4  }
0xf8: {  	v4 =	vperm.xlane v3, v0;
	_ =	sdelay $0x1  }
0xf9: {  	v4 =	vadd.s32 v1, v4;
	_ =	sdelay $0x3  }
0xfa: {  	s3 =	simm.s32 $0x10100  }
0xfb: {  	[tilespmem:s3], [sflag:$0x3] =	stream.indirect_vreg.gather [hbm4b:s4+s2], $0x80, v4, vm0, $0xb8;
	[tilespmem:$0x18100] =	vst v63  }
0xfc: {  	s18 =	simm.s32 $0x10900  }
0xfd: {  	[tilespmem:s18], [sflag:$0x3] =	stream.indirect_vreg.gather [hbm4b:s5+s2], $0x80, v4, vm0, $0xb8;
	[tilespmem:$0x18100] =	vst v63  }
0xfe: {  	s18 =	simm.s32 $0x11100  }
0xff: {  	[tilespmem:s18], [sflag:$0x3] =	stream.indirect_vreg.gather [hbm4b:s6+s2], $0x80, v4, vm0, $0xb8;
	[tilespmem:$0x18100] =	vst v63  }
0x100: {  	s18 =	simm.s32 $0x11900  }
0x101: {  	[tilespmem:s18], [sflag:$0x3] =	stream.indirect_vreg.gather [hbm4b:s7+s2], $0x80, v4, vm0, $0xb8;
	[tilespmem:$0x18100] =	vst v63  }
0x102: {  	s18 =	simm.s32 $0x12100  }
0x103: {  	[tilespmem:s18], [sflag:$0x3] =	stream.indirect_vreg.gather [hbm4b:s8+s2], $0x80, v4, vm0, $0xb8;
	[tilespmem:$0x18100] =	vst v63  }
0x104: {  	v3 =	vperm.xlane v3, v2;
	s18 =	simm.s32 $0x12900  }
0x105: {  	[tilespmem:s18], [sflag:$0x3] =	stream.indirect_vreg.gather [hbm4b:s9+s2], $0x80, v4, vm0, $0xb8;
	[tilespmem:$0x18100] =	vst v63  }
0x106: {  	v3 =	vadd.s32 v1, v3;
	s18 =	simm.s32 $0x13100  }
0x107: {  	[tilespmem:s18], [sflag:$0x3] =	stream.indirect_vreg.gather [hbm4b:s10+s2], $0x80, v4, vm0, $0xb8;
	[tilespmem:$0x18100] =	vst v63  }
0x108: {  	s18 =	simm.s32 $0x13900  }
0x109: {  	[tilespmem:s18], [sflag:$0x3] =	stream.indirect_vreg.gather [hbm4b:s11+s2], $0x80, v4, vm0, $0xb8;
	[tilespmem:$0x18100] =	vst v63  }
0x10a: {  	s18 =	simm.s32 $0x14100  }
0x10b: {  	[tilespmem:s18], [sflag:$0x3] =	stream.indirect_vreg.gather [hbm4b:s4+s2], $0x80, v3, vm0, $0xb8;
	[tilespmem:$0x18100] =	vst v63  }
0x10c: {  	s18 =	simm.s32 $0x14900  }
0x10d: {  	[tilespmem:s18], [sflag:$0x3] =	stream.indirect_vreg.gather [hbm4b:s5+s2], $0x80, v3, vm0, $0xb8;
	[tilespmem:$0x18100] =	vst v63  }
0x10e: {  	s18 =	simm.s32 $0x15100  }
0x10f: {  	[tilespmem:s18], [sflag:$0x3] =	stream.indirect_vreg.gather [hbm4b:s6+s2], $0x80, v3, vm0, $0xb8;
	[tilespmem:$0x18100] =	vst v63  }
0x110: {  	s18 =	simm.s32 $0x15900  }
0x111: {  	[tilespmem:s18], [sflag:$0x3] =	stream.indirect_vreg.gather [hbm4b:s7+s2], $0x80, v3, vm0, $0xb8;
	[tilespmem:$0x18100] =	vst v63  }
0x112: {  	s18 =	simm.s32 $0x16100  }
0x113: {  	[tilespmem:s18], [sflag:$0x3] =	stream.indirect_vreg.gather [hbm4b:s8+s2], $0x80, v3, vm0, $0xb8;
	[tilespmem:$0x18100] =	vst v63  }
0x114: {  	s18 =	simm.s32 $0x16900  }
0x115: {  	[tilespmem:s18], [sflag:$0x3] =	stream.indirect_vreg.gather [hbm4b:s9+s2], $0x80, v3, vm0, $0xb8;
	[tilespmem:$0x18100] =	vst v63  }
0x116: {  	s18 =	simm.s32 $0x17100  }
0x117: {  	[tilespmem:s18], [sflag:$0x3] =	stream.indirect_vreg.gather [hbm4b:s10+s2], $0x80, v3, vm0, $0xb8;
	[tilespmem:$0x18100] =	vst v63  }
0x118: {  	s18 =	simm.s32 $0x17900  }
0x119: {  	[tilespmem:s18], [sflag:$0x3] =	stream.indirect_vreg.gather [hbm4b:s11+s2], $0x80, v3, vm0, $0xb8;
	[tilespmem:$0x18100] =	vst v63  }
0x11a: {  	_ =	swait.ge [sflag:s19], $0x8000  }
0x11b: {  	[sflag:s19] =	ssyncset.done $0x0  }
0x11c: {  	s12 =	simm.s32 $0x8100;
	s3 =	rddreg [dreg:$0x7];
	[sflag:s19] =	ssyncadd.s32 $0xFFFF8000  }
0x11d: {  	[hbm4b:s3+s2] =	stream.linear.scatter [tilespmem:s12], [sflag:$0x5], $0x8000, $0x38;
	[tilespmem:$0x18100] =	vst v63  }
0x11e: {  	_ =	swait.ge [sflag:s0], $0x8000  }
0x11f: {  	[sflag:s0] =	ssyncset.done $0x0  }
0x120: {  	[sflag:s0] =	ssyncadd.s32 $0xFFFF8000  }
0x121: {  	v3 =	vld [tilespmem:$0x60];
	_ =	sdelay $0x4  }
0x122: {  	v54 =	vshll.u32 v3, $0x4  }
0x123: {  	v3 =	vand.u32 $0x7, v3;
	v4 =	vand.u32 $0xFFFFFF80, v54  }
0x124: {  	v3 =	vor.u32 v3, v4  }
0x125: {  	v4 =	vperm.xlane v3, v0;
	_ =	sdelay $0x1  }
0x126: {  	v4 =	vadd.s32 v1, v4;
	_ =	sdelay $0x4  }
0x127: {  	[tilespmem:s20], [sflag:$0x1] =	stream.indirect_vreg.gather [hbm4b:s4+s2], $0x80, v4, vm0, $0xb8;
	[tilespmem:$0x18100] =	vst v63  }
0x128: {  	s18 =	simm.s32 $0x900  }
0x129: {  	[tilespmem:s18], [sflag:$0x1] =	stream.indirect_vreg.gather [hbm4b:s5+s2], $0x80, v4, vm0, $0xb8;
	[tilespmem:$0x18100] =	vst v63  }
0x12a: {  	s18 =	simm.s32 $0x1100  }
0x12b: {  	[tilespmem:s18], [sflag:$0x1] =	stream.indirect_vreg.gather [hbm4b:s6+s2], $0x80, v4, vm0, $0xb8;
	[tilespmem:$0x18100] =	vst v63  }
0x12c: {  	s18 =	simm.s32 $0x1900  }
0x12d: {  	[tilespmem:s18], [sflag:$0x1] =	stream.indirect_vreg.gather [hbm4b:s7+s2], $0x80, v4, vm0, $0xb8;
	[tilespmem:$0x18100] =	vst v63  }
0x12e: {  	s18 =	simm.s32 $0x2100  }
0x12f: {  	[tilespmem:s18], [sflag:$0x1] =	stream.indirect_vreg.gather [hbm4b:s8+s2], $0x80, v4, vm0, $0xb8;
	[tilespmem:$0x18100] =	vst v63  }
0x130: {  	v3 =	vperm.xlane v3, v2;
	s18 =	simm.s32 $0x2900  }
0x131: {  	[tilespmem:s18], [sflag:$0x1] =	stream.indirect_vreg.gather [hbm4b:s9+s2], $0x80, v4, vm0, $0xb8;
	[tilespmem:$0x18100] =	vst v63  }
0x132: {  	v3 =	vadd.s32 v1, v3;
	s18 =	simm.s32 $0x3100  }
0x133: {  	[tilespmem:s18], [sflag:$0x1] =	stream.indirect_vreg.gather [hbm4b:s10+s2], $0x80, v4, vm0, $0xb8;
	[tilespmem:$0x18100] =	vst v63  }
0x134: {  	s18 =	simm.s32 $0x3900  }
0x135: {  	[tilespmem:s18], [sflag:$0x1] =	stream.indirect_vreg.gather [hbm4b:s11+s2], $0x80, v4, vm0, $0xb8;
	[tilespmem:$0x18100] =	vst v63  }
0x136: {  	s18 =	simm.s32 $0x4100  }
0x137: {  	[tilespmem:s18], [sflag:$0x1] =	stream.indirect_vreg.gather [hbm4b:s4+s2], $0x80, v3, vm0, $0xb8;
	[tilespmem:$0x18100] =	vst v63  }
0x138: {  	s18 =	simm.s32 $0x4900  }
0x139: {  	[tilespmem:s18], [sflag:$0x1] =	stream.indirect_vreg.gather [hbm4b:s5+s2], $0x80, v3, vm0, $0xb8;
	[tilespmem:$0x18100] =	vst v63  }
0x13a: {  	s18 =	simm.s32 $0x5100  }
0x13b: {  	[tilespmem:s18], [sflag:$0x1] =	stream.indirect_vreg.gather [hbm4b:s6+s2], $0x80, v3, vm0, $0xb8;
	[tilespmem:$0x18100] =	vst v63  }
0x13c: {  	s18 =	simm.s32 $0x5900  }
0x13d: {  	[tilespmem:s18], [sflag:$0x1] =	stream.indirect_vreg.gather [hbm4b:s7+s2], $0x80, v3, vm0, $0xb8;
	[tilespmem:$0x18100] =	vst v63  }
0x13e: {  	s18 =	simm.s32 $0x6100  }
0x13f: {  	[tilespmem:s18], [sflag:$0x1] =	stream.indirect_vreg.gather [hbm4b:s8+s2], $0x80, v3, vm0, $0xb8;
	[tilespmem:$0x18100] =	vst v63  }
0x140: {  	s18 =	simm.s32 $0x6900  }
0x141: {  	[tilespmem:s18], [sflag:$0x1] =	stream.indirect_vreg.gather [hbm4b:s9+s2], $0x80, v3, vm0, $0xb8;
	[tilespmem:$0x18100] =	vst v63  }
0x142: {  	s18 =	simm.s32 $0x7100  }
0x143: {  	[tilespmem:s18], [sflag:$0x1] =	stream.indirect_vreg.gather [hbm4b:s10+s2], $0x80, v3, vm0, $0xb8;
	[tilespmem:$0x18100] =	vst v63  }
0x144: {  	s18 =	simm.s32 $0x7900  }
0x145: {  	[tilespmem:s18], [sflag:$0x1] =	stream.indirect_vreg.gather [hbm4b:s11+s2], $0x80, v3, vm0, $0xb8;
	[tilespmem:$0x18100] =	vst v63  }
0x146: {  	_ =	swait.ge [sflag:s15], $0x8000  }
0x147: {  	[sflag:s15] =	ssyncset.done $0x0  }
0x148: {  	s1 =	simm.s32 $0x10100;
	s12 =	rddreg [dreg:$0x8];
	[sflag:s15] =	ssyncadd.s32 $0xFFFF8000  }
0x149: {  	[hbm4b:s12+s2] =	stream.linear.scatter [tilespmem:s1], [sflag:$0x6], $0x8000, $0x38;
	[tilespmem:$0x18100] =	vst v63  }
0x14a: {  	_ =	swait.ge [sflag:s16], $0x8000  }
0x14b: {  	[sflag:s16] =	ssyncset.done $0x0  }
0x14c: {  	[sflag:s16] =	ssyncadd.s32 $0xFFFF8000  }
0x14d: {  	v3 =	vld [tilespmem:$0x70];
	_ =	sdelay $0x4  }
0x14e: {  	v55 =	vshll.u32 v3, $0x4  }
0x14f: {  	v3 =	vand.u32 $0x7, v3;
	v4 =	vand.u32 $0xFFFFFF80, v55  }
0x150: {  	v3 =	vor.u32 v3, v4  }
0x151: {  	v4 =	vperm.xlane v3, v0;
	_ =	sdelay $0x1  }
0x152: {  	v4 =	vadd.s32 v1, v4;
	_ =	sdelay $0x3  }
0x153: {  	s3 =	simm.s32 $0x8100  }
0x154: {  	[tilespmem:s3], [sflag:$0x2] =	stream.indirect_vreg.gather [hbm4b:s4+s2], $0x80, v4, vm0, $0xb8;
	[tilespmem:$0x18100] =	vst v63  }
0x155: {  	s18 =	simm.s32 $0x8900  }
0x156: {  	[tilespmem:s18], [sflag:$0x2] =	stream.indirect_vreg.gather [hbm4b:s5+s2], $0x80, v4, vm0, $0xb8;
	[tilespmem:$0x18100] =	vst v63  }
0x157: {  	_ = 	snop  }
0x158: {  	[tilespmem:s23], [sflag:$0x2] =	stream.indirect_vreg.gather [hbm4b:s6+s2], $0x80, v4, vm0, $0xb8;
	[tilespmem:$0x18100] =	vst v63  }
0x159: {  	_ = 	snop  }
0x15a: {  	[tilespmem:s24], [sflag:$0x2] =	stream.indirect_vreg.gather [hbm4b:s7+s2], $0x80, v4, vm0, $0xb8;
	[tilespmem:$0x18100] =	vst v63  }
0x15b: {  	s18 =	simm.s32 $0xA100  }
0x15c: {  	[tilespmem:s18], [sflag:$0x2] =	stream.indirect_vreg.gather [hbm4b:s8+s2], $0x80, v4, vm0, $0xb8;
	[tilespmem:$0x18100] =	vst v63  }
0x15d: {  	v3 =	vperm.xlane v3, v2;
	s18 =	simm.s32 $0xA900  }
0x15e: {  	[tilespmem:s18], [sflag:$0x2] =	stream.indirect_vreg.gather [hbm4b:s9+s2], $0x80, v4, vm0, $0xb8;
	[tilespmem:$0x18100] =	vst v63  }
0x15f: {  	v3 =	vadd.s32 v1, v3  }
0x160: {  	[tilespmem:s25], [sflag:$0x2] =	stream.indirect_vreg.gather [hbm4b:s10+s2], $0x80, v4, vm0, $0xb8;
	[tilespmem:$0x18100] =	vst v63  }
0x161: {  	_ = 	snop  }
0x162: {  	[tilespmem:s26], [sflag:$0x2] =	stream.indirect_vreg.gather [hbm4b:s11+s2], $0x80, v4, vm0, $0xb8;
	[tilespmem:$0x18100] =	vst v63  }
0x163: {  	_ = 	snop  }
0x164: {  	[tilespmem:s28], [sflag:$0x2] =	stream.indirect_vreg.gather [hbm4b:s4+s2], $0x80, v3, vm0, $0xb8;
	[tilespmem:$0x18100] =	vst v63  }
0x165: {  	_ = 	snop  }
0x166: {  	[tilespmem:s29], [sflag:$0x2] =	stream.indirect_vreg.gather [hbm4b:s5+s2], $0x80, v3, vm0, $0xb8;
	[tilespmem:$0x18100] =	vst v63  }
0x167: {  	_ = 	snop  }
0x168: {  	[tilespmem:s30], [sflag:$0x2] =	stream.indirect_vreg.gather [hbm4b:s6+s2], $0x80, v3, vm0, $0xb8;
	[tilespmem:$0x18100] =	vst v63  }
0x169: {  	_ = 	snop  }
0x16a: {  	[tilespmem:s31], [sflag:$0x2] =	stream.indirect_vreg.gather [hbm4b:s7+s2], $0x80, v3, vm0, $0xb8;
	[tilespmem:$0x18100] =	vst v63  }
0x16b: {  	s18 =	simm.s32 $0xE100  }
0x16c: {  	[tilespmem:s18], [sflag:$0x2] =	stream.indirect_vreg.gather [hbm4b:s8+s2], $0x80, v3, vm0, $0xb8;
	[tilespmem:$0x18100] =	vst v63  }
0x16d: {  	_ = 	snop  }
0x16e: {  	[tilespmem:s21], [sflag:$0x2] =	stream.indirect_vreg.gather [hbm4b:s9+s2], $0x80, v3, vm0, $0xb8;
	[tilespmem:$0x18100] =	vst v63  }
0x16f: {  	_ = 	snop  }
0x170: {  	[tilespmem:s22], [sflag:$0x2] =	stream.indirect_vreg.gather [hbm4b:s10+s2], $0x80, v3, vm0, $0xb8;
	[tilespmem:$0x18100] =	vst v63  }
0x171: {  	_ = 	snop  }
0x172: {  	[tilespmem:s14], [sflag:$0x2] =	stream.indirect_vreg.gather [hbm4b:s11+s2], $0x80, v3, vm0, $0xb8;
	[tilespmem:$0x18100] =	vst v63  }
0x173: {  	_ =	swait.ge [sflag:s13], $0x8000  }
0x174: {  	[sflag:s13] =	ssyncset.done $0x0  }
0x175: {  	s14 =	rddreg [dreg:$0x9];
	[sflag:s13] =	ssyncadd.s32 $0xFFFF8000  }
0x176: {  	[hbm4b:s14+s2] =	stream.linear.scatter [tilespmem:s20], [sflag:$0x4], $0x8000, $0x38;
	[tilespmem:$0x18100] =	vst v63  }
0x177: {  	_ =	swait.ge [sflag:s17], $0x8000  }
0x178: {  	[sflag:s17] =	ssyncset.done $0x0  }
0x179: {  	[sflag:s17] =	ssyncadd.s32 $0xFFFF8000  }
0x17a: {  	v3 =	vld [tilespmem:$0x80];
	_ =	sdelay $0x4  }
0x17b: {  	v56 =	vshll.u32 v3, $0x4  }
0x17c: {  	v3 =	vand.u32 $0x7, v3;
	v4 =	vand.u32 $0xFFFFFF80, v56  }
0x17d: {  	v3 =	vor.u32 v3, v4  }
0x17e: {  	v4 =	vperm.xlane v3, v0;
	_ =	sdelay $0x1  }
0x17f: {  	v4 =	vadd.s32 v1, v4;
	_ =	sdelay $0x3  }
0x180: {  	s12 =	simm.s32 $0x10100  }
0x181: {  	[tilespmem:s12], [sflag:$0x3] =	stream.indirect_vreg.gather [hbm4b:s4+s2], $0x80, v4, vm0, $0xb8;
	[tilespmem:$0x18100] =	vst v63  }
0x182: {  	s18 =	simm.s32 $0x10900  }
0x183: {  	[tilespmem:s18], [sflag:$0x3] =	stream.indirect_vreg.gather [hbm4b:s5+s2], $0x80, v4, vm0, $0xb8;
	[tilespmem:$0x18100] =	vst v63  }
0x184: {  	s18 =	simm.s32 $0x11100  }
0x185: {  	[tilespmem:s18], [sflag:$0x3] =	stream.indirect_vreg.gather [hbm4b:s6+s2], $0x80, v4, vm0, $0xb8;
	[tilespmem:$0x18100] =	vst v63  }
0x186: {  	s18 =	simm.s32 $0x11900  }
0x187: {  	[tilespmem:s18], [sflag:$0x3] =	stream.indirect_vreg.gather [hbm4b:s7+s2], $0x80, v4, vm0, $0xb8;
	[tilespmem:$0x18100] =	vst v63  }
0x188: {  	s18 =	simm.s32 $0x12100  }
0x189: {  	[tilespmem:s18], [sflag:$0x3] =	stream.indirect_vreg.gather [hbm4b:s8+s2], $0x80, v4, vm0, $0xb8;
	[tilespmem:$0x18100] =	vst v63  }
0x18a: {  	v3 =	vperm.xlane v3, v2;
	s18 =	simm.s32 $0x12900  }
0x18b: {  	[tilespmem:s18], [sflag:$0x3] =	stream.indirect_vreg.gather [hbm4b:s9+s2], $0x80, v4, vm0, $0xb8;
	[tilespmem:$0x18100] =	vst v63  }
0x18c: {  	v3 =	vadd.s32 v1, v3;
	s18 =	simm.s32 $0x13100  }
0x18d: {  	[tilespmem:s18], [sflag:$0x3] =	stream.indirect_vreg.gather [hbm4b:s10+s2], $0x80, v4, vm0, $0xb8;
	[tilespmem:$0x18100] =	vst v63  }
0x18e: {  	s18 =	simm.s32 $0x13900  }
0x18f: {  	[tilespmem:s18], [sflag:$0x3] =	stream.indirect_vreg.gather [hbm4b:s11+s2], $0x80, v4, vm0, $0xb8;
	[tilespmem:$0x18100] =	vst v63  }
0x190: {  	s18 =	simm.s32 $0x14100  }
0x191: {  	[tilespmem:s18], [sflag:$0x3] =	stream.indirect_vreg.gather [hbm4b:s4+s2], $0x80, v3, vm0, $0xb8;
	[tilespmem:$0x18100] =	vst v63  }
0x192: {  	s18 =	simm.s32 $0x14900  }
0x193: {  	[tilespmem:s18], [sflag:$0x3] =	stream.indirect_vreg.gather [hbm4b:s5+s2], $0x80, v3, vm0, $0xb8;
	[tilespmem:$0x18100] =	vst v63  }
0x194: {  	s18 =	simm.s32 $0x15100  }
0x195: {  	[tilespmem:s18], [sflag:$0x3] =	stream.indirect_vreg.gather [hbm4b:s6+s2], $0x80, v3, vm0, $0xb8;
	[tilespmem:$0x18100] =	vst v63  }
0x196: {  	s18 =	simm.s32 $0x15900  }
0x197: {  	[tilespmem:s18], [sflag:$0x3] =	stream.indirect_vreg.gather [hbm4b:s7+s2], $0x80, v3, vm0, $0xb8;
	[tilespmem:$0x18100] =	vst v63  }
0x198: {  	s18 =	simm.s32 $0x16100  }
0x199: {  	[tilespmem:s18], [sflag:$0x3] =	stream.indirect_vreg.gather [hbm4b:s8+s2], $0x80, v3, vm0, $0xb8;
	[tilespmem:$0x18100] =	vst v63  }
0x19a: {  	s18 =	simm.s32 $0x16900  }
0x19b: {  	[tilespmem:s18], [sflag:$0x3] =	stream.indirect_vreg.gather [hbm4b:s9+s2], $0x80, v3, vm0, $0xb8;
	[tilespmem:$0x18100] =	vst v63  }
0x19c: {  	s18 =	simm.s32 $0x17100  }
0x19d: {  	[tilespmem:s18], [sflag:$0x3] =	stream.indirect_vreg.gather [hbm4b:s10+s2], $0x80, v3, vm0, $0xb8;
	[tilespmem:$0x18100] =	vst v63  }
0x19e: {  	s18 =	simm.s32 $0x17900  }
0x19f: {  	[tilespmem:s18], [sflag:$0x3] =	stream.indirect_vreg.gather [hbm4b:s11+s2], $0x80, v3, vm0, $0xb8;
	[tilespmem:$0x18100] =	vst v63  }
0x1a0: {  	_ =	swait.ge [sflag:s19], $0x8000  }
0x1a1: {  	[sflag:s19] =	ssyncset.done $0x0  }
0x1a2: {  	s14 =	rddreg [dreg:$0xa];
	[sflag:s19] =	ssyncadd.s32 $0xFFFF8000  }
0x1a3: {  	[hbm4b:s14+s2] =	stream.linear.scatter [tilespmem:s3], [sflag:$0x5], $0x8000, $0x38;
	[tilespmem:$0x18100] =	vst v63  }
0x1a4: {  	_ =	swait.ge [sflag:s0], $0x8000  }
0x1a5: {  	[sflag:s0] =	ssyncset.done $0x0  }
0x1a6: {  	[sflag:s0] =	ssyncadd.s32 $0xFFFF8000  }
0x1a7: {  	v3 =	vld [tilespmem:$0x90];
	_ =	sdelay $0x4  }
0x1a8: {  	v57 =	vshll.u32 v3, $0x4  }
0x1a9: {  	v3 =	vand.u32 $0x7, v3;
	v4 =	vand.u32 $0xFFFFFF80, v57  }
0x1aa: {  	v3 =	vor.u32 v3, v4  }
0x1ab: {  	v4 =	vperm.xlane v3, v0;
	_ =	sdelay $0x1  }
0x1ac: {  	v4 =	vadd.s32 v1, v4;
	_ =	sdelay $0x4  }
0x1ad: {  	[tilespmem:s20], [sflag:$0x1] =	stream.indirect_vreg.gather [hbm4b:s4+s2], $0x80, v4, vm0, $0xb8;
	[tilespmem:$0x18100] =	vst v63  }
0x1ae: {  	s18 =	simm.s32 $0x900  }
0x1af: {  	[tilespmem:s18], [sflag:$0x1] =	stream.indirect_vreg.gather [hbm4b:s5+s2], $0x80, v4, vm0, $0xb8;
	[tilespmem:$0x18100] =	vst v63  }
0x1b0: {  	s18 =	simm.s32 $0x1100  }
0x1b1: {  	[tilespmem:s18], [sflag:$0x1] =	stream.indirect_vreg.gather [hbm4b:s6+s2], $0x80, v4, vm0, $0xb8;
	[tilespmem:$0x18100] =	vst v63  }
0x1b2: {  	s18 =	simm.s32 $0x1900  }
0x1b3: {  	[tilespmem:s18], [sflag:$0x1] =	stream.indirect_vreg.gather [hbm4b:s7+s2], $0x80, v4, vm0, $0xb8;
	[tilespmem:$0x18100] =	vst v63  }
0x1b4: {  	s18 =	simm.s32 $0x2100  }
0x1b5: {  	[tilespmem:s18], [sflag:$0x1] =	stream.indirect_vreg.gather [hbm4b:s8+s2], $0x80, v4, vm0, $0xb8;
	[tilespmem:$0x18100] =	vst v63  }
0x1b6: {  	v3 =	vperm.xlane v3, v2;
	s18 =	simm.s32 $0x2900  }
0x1b7: {  	[tilespmem:s18], [sflag:$0x1] =	stream.indirect_vreg.gather [hbm4b:s9+s2], $0x80, v4, vm0, $0xb8;
	[tilespmem:$0x18100] =	vst v63  }
0x1b8: {  	v3 =	vadd.s32 v1, v3;
	s18 =	simm.s32 $0x3100  }
0x1b9: {  	[tilespmem:s18], [sflag:$0x1] =	stream.indirect_vreg.gather [hbm4b:s10+s2], $0x80, v4, vm0, $0xb8;
	[tilespmem:$0x18100] =	vst v63  }
0x1ba: {  	s18 =	simm.s32 $0x3900  }
0x1bb: {  	[tilespmem:s18], [sflag:$0x1] =	stream.indirect_vreg.gather [hbm4b:s11+s2], $0x80, v4, vm0, $0xb8;
	[tilespmem:$0x18100] =	vst v63  }
0x1bc: {  	s18 =	simm.s32 $0x4100  }
0x1bd: {  	[tilespmem:s18], [sflag:$0x1] =	stream.indirect_vreg.gather [hbm4b:s4+s2], $0x80, v3, vm0, $0xb8;
	[tilespmem:$0x18100] =	vst v63  }
0x1be: {  	s18 =	simm.s32 $0x4900  }
0x1bf: {  	[tilespmem:s18], [sflag:$0x1] =	stream.indirect_vreg.gather [hbm4b:s5+s2], $0x80, v3, vm0, $0xb8;
	[tilespmem:$0x18100] =	vst v63  }
0x1c0: {  	s18 =	simm.s32 $0x5100  }
0x1c1: {  	[tilespmem:s18], [sflag:$0x1] =	stream.indirect_vreg.gather [hbm4b:s6+s2], $0x80, v3, vm0, $0xb8;
	[tilespmem:$0x18100] =	vst v63  }
0x1c2: {  	s18 =	simm.s32 $0x5900  }
0x1c3: {  	[tilespmem:s18], [sflag:$0x1] =	stream.indirect_vreg.gather [hbm4b:s7+s2], $0x80, v3, vm0, $0xb8;
	[tilespmem:$0x18100] =	vst v63  }
0x1c4: {  	s18 =	simm.s32 $0x6100  }
0x1c5: {  	[tilespmem:s18], [sflag:$0x1] =	stream.indirect_vreg.gather [hbm4b:s8+s2], $0x80, v3, vm0, $0xb8;
	[tilespmem:$0x18100] =	vst v63  }
0x1c6: {  	s18 =	simm.s32 $0x6900  }
0x1c7: {  	[tilespmem:s18], [sflag:$0x1] =	stream.indirect_vreg.gather [hbm4b:s9+s2], $0x80, v3, vm0, $0xb8;
	[tilespmem:$0x18100] =	vst v63  }
0x1c8: {  	s18 =	simm.s32 $0x7100  }
0x1c9: {  	[tilespmem:s18], [sflag:$0x1] =	stream.indirect_vreg.gather [hbm4b:s10+s2], $0x80, v3, vm0, $0xb8;
	[tilespmem:$0x18100] =	vst v63  }
0x1ca: {  	s18 =	simm.s32 $0x7900  }
0x1cb: {  	[tilespmem:s18], [sflag:$0x1] =	stream.indirect_vreg.gather [hbm4b:s11+s2], $0x80, v3, vm0, $0xb8;
	[tilespmem:$0x18100] =	vst v63  }
0x1cc: {  	_ =	swait.ge [sflag:s15], $0x8000  }
0x1cd: {  	[sflag:s15] =	ssyncset.done $0x0  }
0x1ce: {  	s12 =	simm.s32 $0x10100;
	s14 =	rddreg [dreg:$0xb];
	[sflag:s15] =	ssyncadd.s32 $0xFFFF8000  }
0x1cf: {  	[hbm4b:s14+s2] =	stream.linear.scatter [tilespmem:s12], [sflag:$0x6], $0x8000, $0x38;
	[tilespmem:$0x18100] =	vst v63  }
0x1d0: {  	_ =	swait.ge [sflag:s16], $0x8000  }
0x1d1: {  	[sflag:s16] =	ssyncset.done $0x0  }
0x1d2: {  	[sflag:s16] =	ssyncadd.s32 $0xFFFF8000  }
0x1d3: {  	v3 =	vld [tilespmem:$0xA0];
	_ =	sdelay $0x4  }
0x1d4: {  	v58 =	vshll.u32 v3, $0x4  }
0x1d5: {  	v3 =	vand.u32 $0x7, v3;
	v4 =	vand.u32 $0xFFFFFF80, v58  }
0x1d6: {  	v3 =	vor.u32 v3, v4  }
0x1d7: {  	v4 =	vperm.xlane v3, v0;
	_ =	sdelay $0x1  }
0x1d8: {  	v4 =	vadd.s32 v1, v4;
	_ =	sdelay $0x4  }
0x1d9: {  	[tilespmem:s3], [sflag:$0x2] =	stream.indirect_vreg.gather [hbm4b:s4+s2], $0x80, v4, vm0, $0xb8;
	[tilespmem:$0x18100] =	vst v63  }
0x1da: {  	s1 =	simm.s32 $0x8900  }
0x1db: {  	[tilespmem:s1], [sflag:$0x2] =	stream.indirect_vreg.gather [hbm4b:s5+s2], $0x80, v4, vm0, $0xb8;
	[tilespmem:$0x18100] =	vst v63  }
0x1dc: {  	s23 =	simm.s32 $0x9100  }
0x1dd: {  	[tilespmem:s23], [sflag:$0x2] =	stream.indirect_vreg.gather [hbm4b:s6+s2], $0x80, v4, vm0, $0xb8;
	[tilespmem:$0x18100] =	vst v63  }
0x1de: {  	s24 =	simm.s32 $0x9900  }
0x1df: {  	[tilespmem:s24], [sflag:$0x2] =	stream.indirect_vreg.gather [hbm4b:s7+s2], $0x80, v4, vm0, $0xb8;
	[tilespmem:$0x18100] =	vst v63  }
0x1e0: {  	s24 =	simm.s32 $0xA100  }
0x1e1: {  	[tilespmem:s24], [sflag:$0x2] =	stream.indirect_vreg.gather [hbm4b:s8+s2], $0x80, v4, vm0, $0xb8;
	[tilespmem:$0x18100] =	vst v63  }
0x1e2: {  	v3 =	vperm.xlane v3, v2;
	s24 =	simm.s32 $0xA900  }
0x1e3: {  	[tilespmem:s24], [sflag:$0x2] =	stream.indirect_vreg.gather [hbm4b:s9+s2], $0x80, v4, vm0, $0xb8;
	[tilespmem:$0x18100] =	vst v63  }
0x1e4: {  	s25 =	simm.s32 $0xB100;
	v3 =	vadd.s32 v1, v3  }
0x1e5: {  	[tilespmem:s25], [sflag:$0x2] =	stream.indirect_vreg.gather [hbm4b:s10+s2], $0x80, v4, vm0, $0xb8;
	[tilespmem:$0x18100] =	vst v63  }
0x1e6: {  	s26 =	simm.s32 $0xB900  }
0x1e7: {  	[tilespmem:s26], [sflag:$0x2] =	stream.indirect_vreg.gather [hbm4b:s11+s2], $0x80, v4, vm0, $0xb8;
	[tilespmem:$0x18100] =	vst v63  }
0x1e8: {  	s28 =	simm.s32 $0xC100  }
0x1e9: {  	[tilespmem:s28], [sflag:$0x2] =	stream.indirect_vreg.gather [hbm4b:s4+s2], $0x80, v3, vm0, $0xb8;
	[tilespmem:$0x18100] =	vst v63  }
0x1ea: {  	s29 =	simm.s32 $0xC900  }
0x1eb: {  	[tilespmem:s29], [sflag:$0x2] =	stream.indirect_vreg.gather [hbm4b:s5+s2], $0x80, v3, vm0, $0xb8;
	[tilespmem:$0x18100] =	vst v63  }
0x1ec: {  	s30 =	simm.s32 $0xD100  }
0x1ed: {  	[tilespmem:s30], [sflag:$0x2] =	stream.indirect_vreg.gather [hbm4b:s6+s2], $0x80, v3, vm0, $0xb8;
	[tilespmem:$0x18100] =	vst v63  }
0x1ee: {  	s31 =	simm.s32 $0xD900  }
0x1ef: {  	[tilespmem:s31], [sflag:$0x2] =	stream.indirect_vreg.gather [hbm4b:s7+s2], $0x80, v3, vm0, $0xb8;
	[tilespmem:$0x18100] =	vst v63  }
0x1f0: {  	s31 =	simm.s32 $0xE100  }
0x1f1: {  	[tilespmem:s31], [sflag:$0x2] =	stream.indirect_vreg.gather [hbm4b:s8+s2], $0x80, v3, vm0, $0xb8;
	[tilespmem:$0x18100] =	vst v63  }
0x1f2: {  	s21 =	simm.s32 $0xE900  }
0x1f3: {  	[tilespmem:s21], [sflag:$0x2] =	stream.indirect_vreg.gather [hbm4b:s9+s2], $0x80, v3, vm0, $0xb8;
	[tilespmem:$0x18100] =	vst v63  }
0x1f4: {  	s22 =	simm.s32 $0xF100  }
0x1f5: {  	[tilespmem:s22], [sflag:$0x2] =	stream.indirect_vreg.gather [hbm4b:s10+s2], $0x80, v3, vm0, $0xb8;
	[tilespmem:$0x18100] =	vst v63  }
0x1f6: {  	s18 =	simm.s32 $0xF900  }
0x1f7: {  	[tilespmem:s18], [sflag:$0x2] =	stream.indirect_vreg.gather [hbm4b:s11+s2], $0x80, v3, vm0, $0xb8;
	[tilespmem:$0x18100] =	vst v63  }
0x1f8: {  	_ =	swait.ge [sflag:s13], $0x8000  }
0x1f9: {  	[sflag:s13] =	ssyncset.done $0x0  }
0x1fa: {  	s18 =	rddreg [dreg:$0xc];
	[sflag:s13] =	ssyncadd.s32 $0xFFFF8000  }
0x1fb: {  	[hbm4b:s18+s2] =	stream.linear.scatter [tilespmem:s20], [sflag:$0x4], $0x8000, $0x38;
	[tilespmem:$0x18100] =	vst v63  }
0x1fc: {  	_ =	swait.ge [sflag:s17], $0x8000  }
0x1fd: {  	[sflag:s17] =	ssyncset.done $0x0  }
0x1fe: {  	[sflag:s17] =	ssyncadd.s32 $0xFFFF8000  }
0x1ff: {  	v3 =	vld [tilespmem:$0xB0];
	_ =	sdelay $0x4  }
0x200: {  	v59 =	vshll.u32 v3, $0x4  }
0x201: {  	v3 =	vand.u32 $0x7, v3;
	v4 =	vand.u32 $0xFFFFFF80, v59  }
0x202: {  	v3 =	vor.u32 v3, v4  }
0x203: {  	v4 =	vperm.xlane v3, v0;
	_ =	sdelay $0x1  }
0x204: {  	v4 =	vadd.s32 v1, v4;
	_ =	sdelay $0x4  }
0x205: {  	[tilespmem:s12], [sflag:$0x3] =	stream.indirect_vreg.gather [hbm4b:s4+s2], $0x80, v4, vm0, $0xb8;
	[tilespmem:$0x18100] =	vst v63  }
0x206: {  	s18 =	simm.s32 $0x10900  }
0x207: {  	[tilespmem:s18], [sflag:$0x3] =	stream.indirect_vreg.gather [hbm4b:s5+s2], $0x80, v4, vm0, $0xb8;
	[tilespmem:$0x18100] =	vst v63  }
0x208: {  	s18 =	simm.s32 $0x11100  }
0x209: {  	[tilespmem:s18], [sflag:$0x3] =	stream.indirect_vreg.gather [hbm4b:s6+s2], $0x80, v4, vm0, $0xb8;
	[tilespmem:$0x18100] =	vst v63  }
0x20a: {  	s18 =	simm.s32 $0x11900  }
0x20b: {  	[tilespmem:s18], [sflag:$0x3] =	stream.indirect_vreg.gather [hbm4b:s7+s2], $0x80, v4, vm0, $0xb8;
	[tilespmem:$0x18100] =	vst v63  }
0x20c: {  	s18 =	simm.s32 $0x12100  }
0x20d: {  	[tilespmem:s18], [sflag:$0x3] =	stream.indirect_vreg.gather [hbm4b:s8+s2], $0x80, v4, vm0, $0xb8;
	[tilespmem:$0x18100] =	vst v63  }
0x20e: {  	v3 =	vperm.xlane v3, v2;
	s18 =	simm.s32 $0x12900  }
0x20f: {  	[tilespmem:s18], [sflag:$0x3] =	stream.indirect_vreg.gather [hbm4b:s9+s2], $0x80, v4, vm0, $0xb8;
	[tilespmem:$0x18100] =	vst v63  }
0x210: {  	v3 =	vadd.s32 v1, v3;
	s18 =	simm.s32 $0x13100  }
0x211: {  	[tilespmem:s18], [sflag:$0x3] =	stream.indirect_vreg.gather [hbm4b:s10+s2], $0x80, v4, vm0, $0xb8;
	[tilespmem:$0x18100] =	vst v63  }
0x212: {  	s18 =	simm.s32 $0x13900  }
0x213: {  	[tilespmem:s18], [sflag:$0x3] =	stream.indirect_vreg.gather [hbm4b:s11+s2], $0x80, v4, vm0, $0xb8;
	[tilespmem:$0x18100] =	vst v63  }
0x214: {  	s18 =	simm.s32 $0x14100  }
0x215: {  	[tilespmem:s18], [sflag:$0x3] =	stream.indirect_vreg.gather [hbm4b:s4+s2], $0x80, v3, vm0, $0xb8;
	[tilespmem:$0x18100] =	vst v63  }
0x216: {  	s18 =	simm.s32 $0x14900  }
0x217: {  	[tilespmem:s18], [sflag:$0x3] =	stream.indirect_vreg.gather [hbm4b:s5+s2], $0x80, v3, vm0, $0xb8;
	[tilespmem:$0x18100] =	vst v63  }
0x218: {  	s18 =	simm.s32 $0x15100  }
0x219: {  	[tilespmem:s18], [sflag:$0x3] =	stream.indirect_vreg.gather [hbm4b:s6+s2], $0x80, v3, vm0, $0xb8;
	[tilespmem:$0x18100] =	vst v63  }
0x21a: {  	s18 =	simm.s32 $0x15900  }
0x21b: {  	[tilespmem:s18], [sflag:$0x3] =	stream.indirect_vreg.gather [hbm4b:s7+s2], $0x80, v3, vm0, $0xb8;
	[tilespmem:$0x18100] =	vst v63  }
0x21c: {  	s18 =	simm.s32 $0x16100  }
0x21d: {  	[tilespmem:s18], [sflag:$0x3] =	stream.indirect_vreg.gather [hbm4b:s8+s2], $0x80, v3, vm0, $0xb8;
	[tilespmem:$0x18100] =	vst v63  }
0x21e: {  	s18 =	simm.s32 $0x16900  }
0x21f: {  	[tilespmem:s18], [sflag:$0x3] =	stream.indirect_vreg.gather [hbm4b:s9+s2], $0x80, v3, vm0, $0xb8;
	[tilespmem:$0x18100] =	vst v63  }
0x220: {  	s18 =	simm.s32 $0x17100  }
0x221: {  	[tilespmem:s18], [sflag:$0x3] =	stream.indirect_vreg.gather [hbm4b:s10+s2], $0x80, v3, vm0, $0xb8;
	[tilespmem:$0x18100] =	vst v63  }
0x222: {  	s18 =	simm.s32 $0x17900  }
0x223: {  	[tilespmem:s18], [sflag:$0x3] =	stream.indirect_vreg.gather [hbm4b:s11+s2], $0x80, v3, vm0, $0xb8;
	[tilespmem:$0x18100] =	vst v63  }
0x224: {  	_ =	swait.ge [sflag:s19], $0x8000  }
0x225: {  	[sflag:s19] =	ssyncset.done $0x0  }
0x226: {  	s18 =	rddreg [dreg:$0xd];
	[sflag:s19] =	ssyncadd.s32 $0xFFFF8000  }
0x227: {  	[hbm4b:s18+s2] =	stream.linear.scatter [tilespmem:s3], [sflag:$0x5], $0x8000, $0x38;
	[tilespmem:$0x18100] =	vst v63  }
0x228: {  	_ =	swait.ge [sflag:s0], $0x8000  }
0x229: {  	[sflag:s0] =	ssyncset.done $0x0  }
0x22a: {  	[sflag:s0] =	ssyncadd.s32 $0xFFFF8000  }
0x22b: {  	v3 =	vld [tilespmem:$0xC0];
	_ =	sdelay $0x4  }
0x22c: {  	v60 =	vshll.u32 v3, $0x4  }
0x22d: {  	v3 =	vand.u32 $0x7, v3;
	v4 =	vand.u32 $0xFFFFFF80, v60  }
0x22e: {  	v3 =	vor.u32 v3, v4  }
0x22f: {  	v4 =	vperm.xlane v3, v0;
	_ =	sdelay $0x1  }
0x230: {  	v4 =	vadd.s32 v1, v4;
	_ =	sdelay $0x4  }
0x231: {  	[tilespmem:s20], [sflag:$0x1] =	stream.indirect_vreg.gather [hbm4b:s4+s2], $0x80, v4, vm0, $0xb8;
	[tilespmem:$0x18100] =	vst v63  }
0x232: {  	s18 =	simm.s32 $0x900  }
0x233: {  	[tilespmem:s18], [sflag:$0x1] =	stream.indirect_vreg.gather [hbm4b:s5+s2], $0x80, v4, vm0, $0xb8;
	[tilespmem:$0x18100] =	vst v63  }
0x234: {  	s18 =	simm.s32 $0x1100  }
0x235: {  	[tilespmem:s18], [sflag:$0x1] =	stream.indirect_vreg.gather [hbm4b:s6+s2], $0x80, v4, vm0, $0xb8;
	[tilespmem:$0x18100] =	vst v63  }
0x236: {  	s18 =	simm.s32 $0x1900  }
0x237: {  	[tilespmem:s18], [sflag:$0x1] =	stream.indirect_vreg.gather [hbm4b:s7+s2], $0x80, v4, vm0, $0xb8;
	[tilespmem:$0x18100] =	vst v63  }
0x238: {  	s18 =	simm.s32 $0x2100  }
0x239: {  	[tilespmem:s18], [sflag:$0x1] =	stream.indirect_vreg.gather [hbm4b:s8+s2], $0x80, v4, vm0, $0xb8;
	[tilespmem:$0x18100] =	vst v63  }
0x23a: {  	v3 =	vperm.xlane v3, v2;
	s18 =	simm.s32 $0x2900  }
0x23b: {  	[tilespmem:s18], [sflag:$0x1] =	stream.indirect_vreg.gather [hbm4b:s9+s2], $0x80, v4, vm0, $0xb8;
	[tilespmem:$0x18100] =	vst v63  }
0x23c: {  	v3 =	vadd.s32 v1, v3;
	s18 =	simm.s32 $0x3100  }
0x23d: {  	[tilespmem:s18], [sflag:$0x1] =	stream.indirect_vreg.gather [hbm4b:s10+s2], $0x80, v4, vm0, $0xb8;
	[tilespmem:$0x18100] =	vst v63  }
0x23e: {  	s18 =	simm.s32 $0x3900  }
0x23f: {  	[tilespmem:s18], [sflag:$0x1] =	stream.indirect_vreg.gather [hbm4b:s11+s2], $0x80, v4, vm0, $0xb8;
	[tilespmem:$0x18100] =	vst v63  }
0x240: {  	s18 =	simm.s32 $0x4100  }
0x241: {  	[tilespmem:s18], [sflag:$0x1] =	stream.indirect_vreg.gather [hbm4b:s4+s2], $0x80, v3, vm0, $0xb8;
	[tilespmem:$0x18100] =	vst v63  }
0x242: {  	s18 =	simm.s32 $0x4900  }
0x243: {  	[tilespmem:s18], [sflag:$0x1] =	stream.indirect_vreg.gather [hbm4b:s5+s2], $0x80, v3, vm0, $0xb8;
	[tilespmem:$0x18100] =	vst v63  }
0x244: {  	s18 =	simm.s32 $0x5100  }
0x245: {  	[tilespmem:s18], [sflag:$0x1] =	stream.indirect_vreg.gather [hbm4b:s6+s2], $0x80, v3, vm0, $0xb8;
	[tilespmem:$0x18100] =	vst v63  }
0x246: {  	s18 =	simm.s32 $0x5900  }
0x247: {  	[tilespmem:s18], [sflag:$0x1] =	stream.indirect_vreg.gather [hbm4b:s7+s2], $0x80, v3, vm0, $0xb8;
	[tilespmem:$0x18100] =	vst v63  }
0x248: {  	s18 =	simm.s32 $0x6100  }
0x249: {  	[tilespmem:s18], [sflag:$0x1] =	stream.indirect_vreg.gather [hbm4b:s8+s2], $0x80, v3, vm0, $0xb8;
	[tilespmem:$0x18100] =	vst v63  }
0x24a: {  	s18 =	simm.s32 $0x6900  }
0x24b: {  	[tilespmem:s18], [sflag:$0x1] =	stream.indirect_vreg.gather [hbm4b:s9+s2], $0x80, v3, vm0, $0xb8;
	[tilespmem:$0x18100] =	vst v63  }
0x24c: {  	s18 =	simm.s32 $0x7100  }
0x24d: {  	[tilespmem:s18], [sflag:$0x1] =	stream.indirect_vreg.gather [hbm4b:s10+s2], $0x80, v3, vm0, $0xb8;
	[tilespmem:$0x18100] =	vst v63  }
0x24e: {  	s18 =	simm.s32 $0x7900  }
0x24f: {  	[tilespmem:s18], [sflag:$0x1] =	stream.indirect_vreg.gather [hbm4b:s11+s2], $0x80, v3, vm0, $0xb8;
	[tilespmem:$0x18100] =	vst v63  }
0x250: {  	_ =	swait.ge [sflag:s15], $0x8000  }
0x251: {  	[sflag:s15] =	ssyncset.done $0x0  }
0x252: {  	s18 =	rddreg [dreg:$0xe];
	[sflag:s15] =	ssyncadd.s32 $0xFFFF8000  }
0x253: {  	[hbm4b:s18+s2] =	stream.linear.scatter [tilespmem:s12], [sflag:$0x6], $0x8000, $0x38;
	[tilespmem:$0x18100] =	vst v63  }
0x254: {  	_ =	swait.ge [sflag:s16], $0x8000  }
0x255: {  	[sflag:s16] =	ssyncset.done $0x0  }
0x256: {  	[sflag:s16] =	ssyncadd.s32 $0xFFFF8000  }
0x257: {  	v3 =	vld [tilespmem:$0xD0];
	_ =	sdelay $0x4  }
0x258: {  	v61 =	vshll.u32 v3, $0x4  }
0x259: {  	v3 =	vand.u32 $0x7, v3;
	v4 =	vand.u32 $0xFFFFFF80, v61  }
0x25a: {  	v3 =	vor.u32 v3, v4  }
0x25b: {  	v4 =	vperm.xlane v3, v0;
	_ =	sdelay $0x1  }
0x25c: {  	v4 =	vadd.s32 v1, v4;
	_ =	sdelay $0x4  }
0x25d: {  	[tilespmem:s3], [sflag:$0x2] =	stream.indirect_vreg.gather [hbm4b:s4+s2], $0x80, v4, vm0, $0xb8;
	[tilespmem:$0x18100] =	vst v63  }
0x25e: {  	s1 =	simm.s32 $0x8900  }
0x25f: {  	[tilespmem:s1], [sflag:$0x2] =	stream.indirect_vreg.gather [hbm4b:s5+s2], $0x80, v4, vm0, $0xb8;
	[tilespmem:$0x18100] =	vst v63  }
0x260: {  	s14 =	simm.s32 $0x9100  }
0x261: {  	[tilespmem:s14], [sflag:$0x2] =	stream.indirect_vreg.gather [hbm4b:s6+s2], $0x80, v4, vm0, $0xb8;
	[tilespmem:$0x18100] =	vst v63  }
0x262: {  	s23 =	simm.s32 $0x9900  }
0x263: {  	[tilespmem:s23], [sflag:$0x2] =	stream.indirect_vreg.gather [hbm4b:s7+s2], $0x80, v4, vm0, $0xb8;
	[tilespmem:$0x18100] =	vst v63  }
0x264: {  	s23 =	simm.s32 $0xA100  }
0x265: {  	[tilespmem:s23], [sflag:$0x2] =	stream.indirect_vreg.gather [hbm4b:s8+s2], $0x80, v4, vm0, $0xb8;
	[tilespmem:$0x18100] =	vst v63  }
0x266: {  	v3 =	vperm.xlane v3, v2;
	s14 =	simm.s32 $0xA900  }
0x267: {  	[tilespmem:s14], [sflag:$0x2] =	stream.indirect_vreg.gather [hbm4b:s9+s2], $0x80, v4, vm0, $0xb8;
	[tilespmem:$0x18100] =	vst v63  }
0x268: {  	s24 =	simm.s32 $0xB100;
	v3 =	vadd.s32 v1, v3  }
0x269: {  	[tilespmem:s24], [sflag:$0x2] =	stream.indirect_vreg.gather [hbm4b:s10+s2], $0x80, v4, vm0, $0xb8;
	[tilespmem:$0x18100] =	vst v63  }
0x26a: {  	s25 =	simm.s32 $0xB900  }
0x26b: {  	[tilespmem:s25], [sflag:$0x2] =	stream.indirect_vreg.gather [hbm4b:s11+s2], $0x80, v4, vm0, $0xb8;
	[tilespmem:$0x18100] =	vst v63  }
0x26c: {  	s26 =	simm.s32 $0xC100  }
0x26d: {  	[tilespmem:s26], [sflag:$0x2] =	stream.indirect_vreg.gather [hbm4b:s4+s2], $0x80, v3, vm0, $0xb8;
	[tilespmem:$0x18100] =	vst v63  }
0x26e: {  	s28 =	simm.s32 $0xC900  }
0x26f: {  	[tilespmem:s28], [sflag:$0x2] =	stream.indirect_vreg.gather [hbm4b:s5+s2], $0x80, v3, vm0, $0xb8;
	[tilespmem:$0x18100] =	vst v63  }
0x270: {  	s29 =	simm.s32 $0xD100  }
0x271: {  	[tilespmem:s29], [sflag:$0x2] =	stream.indirect_vreg.gather [hbm4b:s6+s2], $0x80, v3, vm0, $0xb8;
	[tilespmem:$0x18100] =	vst v63  }
0x272: {  	s30 =	simm.s32 $0xD900  }
0x273: {  	[tilespmem:s30], [sflag:$0x2] =	stream.indirect_vreg.gather [hbm4b:s7+s2], $0x80, v3, vm0, $0xb8;
	[tilespmem:$0x18100] =	vst v63  }
0x274: {  	s31 =	simm.s32 $0xE100  }
0x275: {  	[tilespmem:s31], [sflag:$0x2] =	stream.indirect_vreg.gather [hbm4b:s8+s2], $0x80, v3, vm0, $0xb8;
	[tilespmem:$0x18100] =	vst v63  }
0x276: {  	s21 =	simm.s32 $0xE900  }
0x277: {  	[tilespmem:s21], [sflag:$0x2] =	stream.indirect_vreg.gather [hbm4b:s9+s2], $0x80, v3, vm0, $0xb8;
	[tilespmem:$0x18100] =	vst v63  }
0x278: {  	s22 =	simm.s32 $0xF100  }
0x279: {  	[tilespmem:s22], [sflag:$0x2] =	stream.indirect_vreg.gather [hbm4b:s10+s2], $0x80, v3, vm0, $0xb8;
	[tilespmem:$0x18100] =	vst v63  }
0x27a: {  	s18 =	simm.s32 $0xF900  }
0x27b: {  	[tilespmem:s18], [sflag:$0x2] =	stream.indirect_vreg.gather [hbm4b:s11+s2], $0x80, v3, vm0, $0xb8;
	[tilespmem:$0x18100] =	vst v63  }
0x27c: {  	_ =	swait.ge [sflag:s13], $0x8000  }
0x27d: {  	[sflag:s13] =	ssyncset.done $0x0  }
0x27e: {  	s21 =	rddreg [dreg:$0xf];
	[sflag:s13] =	ssyncadd.s32 $0xFFFF8000  }
0x27f: {  	[hbm4b:s21+s2] =	stream.linear.scatter [tilespmem:s20], [sflag:$0x4], $0x8000, $0x38;
	[tilespmem:$0x18100] =	vst v63  }
0x280: {  	_ =	swait.ge [sflag:s17], $0x8000  }
0x281: {  	[sflag:s17] =	ssyncset.done $0x0  }
0x282: {  	[sflag:s17] =	ssyncadd.s32 $0xFFFF8000  }
0x283: {  	v3 =	vld [tilespmem:$0xE0];
	_ =	sdelay $0x4  }
0x284: {  	v62 =	vshll.u32 v3, $0x4  }
0x285: {  	v3 =	vand.u32 $0x7, v3;
	v4 =	vand.u32 $0xFFFFFF80, v62  }
0x286: {  	v3 =	vor.u32 v3, v4  }
0x287: {  	v4 =	vperm.xlane v3, v0;
	_ =	sdelay $0x1  }
0x288: {  	v4 =	vadd.s32 v1, v4;
	_ =	sdelay $0x4  }
0x289: {  	[tilespmem:s12], [sflag:$0x3] =	stream.indirect_vreg.gather [hbm4b:s4+s2], $0x80, v4, vm0, $0xb8;
	[tilespmem:$0x18100] =	vst v63  }
0x28a: {  	s22 =	simm.s32 $0x10900  }
0x28b: {  	[tilespmem:s22], [sflag:$0x3] =	stream.indirect_vreg.gather [hbm4b:s5+s2], $0x80, v4, vm0, $0xb8;
	[tilespmem:$0x18100] =	vst v63  }
0x28c: {  	s23 =	simm.s32 $0x11100  }
0x28d: {  	[tilespmem:s23], [sflag:$0x3] =	stream.indirect_vreg.gather [hbm4b:s6+s2], $0x80, v4, vm0, $0xb8;
	[tilespmem:$0x18100] =	vst v63  }
0x28e: {  	s24 =	simm.s32 $0x11900  }
0x28f: {  	[tilespmem:s24], [sflag:$0x3] =	stream.indirect_vreg.gather [hbm4b:s7+s2], $0x80, v4, vm0, $0xb8;
	[tilespmem:$0x18100] =	vst v63  }
0x290: {  	s25 =	simm.s32 $0x12100  }
0x291: {  	[tilespmem:s25], [sflag:$0x3] =	stream.indirect_vreg.gather [hbm4b:s8+s2], $0x80, v4, vm0, $0xb8;
	[tilespmem:$0x18100] =	vst v63  }
0x292: {  	s26 =	simm.s32 $0x12900;
	v3 =	vperm.xlane v3, v2  }
0x293: {  	[tilespmem:s26], [sflag:$0x3] =	stream.indirect_vreg.gather [hbm4b:s9+s2], $0x80, v4, vm0, $0xb8;
	[tilespmem:$0x18100] =	vst v63  }
0x294: {  	s28 =	simm.s32 $0x13100;
	v3 =	vadd.s32 v1, v3  }
0x295: {  	[tilespmem:s28], [sflag:$0x3] =	stream.indirect_vreg.gather [hbm4b:s10+s2], $0x80, v4, vm0, $0xb8;
	[tilespmem:$0x18100] =	vst v63  }
0x296: {  	s29 =	simm.s32 $0x13900  }
0x297: {  	[tilespmem:s29], [sflag:$0x3] =	stream.indirect_vreg.gather [hbm4b:s11+s2], $0x80, v4, vm0, $0xb8;
	[tilespmem:$0x18100] =	vst v63  }
0x298: {  	s30 =	simm.s32 $0x14100  }
0x299: {  	[tilespmem:s30], [sflag:$0x3] =	stream.indirect_vreg.gather [hbm4b:s4+s2], $0x80, v3, vm0, $0xb8;
	[tilespmem:$0x18100] =	vst v63  }
0x29a: {  	s31 =	simm.s32 $0x14900  }
0x29b: {  	[tilespmem:s31], [sflag:$0x3] =	stream.indirect_vreg.gather [hbm4b:s5+s2], $0x80, v3, vm0, $0xb8;
	[tilespmem:$0x18100] =	vst v63  }
0x29c: {  	s14 =	simm.s32 $0x15100  }
0x29d: {  	[tilespmem:s14], [sflag:$0x3] =	stream.indirect_vreg.gather [hbm4b:s6+s2], $0x80, v3, vm0, $0xb8;
	[tilespmem:$0x18100] =	vst v63  }
0x29e: {  	s18 =	simm.s32 $0x15900  }
0x29f: {  	[tilespmem:s18], [sflag:$0x3] =	stream.indirect_vreg.gather [hbm4b:s7+s2], $0x80, v3, vm0, $0xb8;
	[tilespmem:$0x18100] =	vst v63  }
0x2a0: {  	s21 =	simm.s32 $0x16100  }
0x2a1: {  	[tilespmem:s21], [sflag:$0x3] =	stream.indirect_vreg.gather [hbm4b:s8+s2], $0x80, v3, vm0, $0xb8;
	[tilespmem:$0x18100] =	vst v63  }
0x2a2: {  	s22 =	simm.s32 $0x16900  }
0x2a3: {  	[tilespmem:s22], [sflag:$0x3] =	stream.indirect_vreg.gather [hbm4b:s9+s2], $0x80, v3, vm0, $0xb8;
	[tilespmem:$0x18100] =	vst v63  }
0x2a4: {  	s23 =	simm.s32 $0x17100  }
0x2a5: {  	[tilespmem:s23], [sflag:$0x3] =	stream.indirect_vreg.gather [hbm4b:s10+s2], $0x80, v3, vm0, $0xb8;
	[tilespmem:$0x18100] =	vst v63  }
0x2a6: {  	s24 =	simm.s32 $0x17900  }
0x2a7: {  	[tilespmem:s24], [sflag:$0x3] =	stream.indirect_vreg.gather [hbm4b:s11+s2], $0x80, v3, vm0, $0xb8;
	[tilespmem:$0x18100] =	vst v63  }
0x2a8: {  	_ =	swait.ge [sflag:s19], $0x8000  }
0x2a9: {  	[sflag:s19] =	ssyncset.done $0x0  }
0x2aa: {  	s25 =	rddreg [dreg:$0x10];
	[sflag:s19] =	ssyncadd.s32 $0xFFFF8000  }
0x2ab: {  	[hbm4b:s25+s2] =	stream.linear.scatter [tilespmem:s3], [sflag:$0x5], $0x8000, $0x38;
	[tilespmem:$0x18100] =	vst v63  }
0x2ac: {  	s1 =	rddreg [dreg:$0x14];
	_ =	swait.ge [sflag:s0], $0x8000  }
0x2ad: {  	[sflag:s0] =	ssyncset.done $0x0  }
0x2ae: {  	[sflag:s0] =	ssyncadd.s32 $0xFFFF8000  }
0x2af: {  	v3 =	vld [tilespmem:$0xF0];
	_ =	sdelay $0x4  }
0x2b0: {  	v63 =	vshll.u32 v3, $0x4  }
0x2b1: {  	v3 =	vand.u32 $0x7, v3;
	v4 =	vand.u32 $0xFFFFFF80, v63  }
0x2b2: {  	v3 =	vor.u32 v3, v4  }
0x2b3: {  	v4 =	vperm.xlane v3, v0;
	_ =	sdelay $0x1  }
0x2b4: {  	v4 =	vadd.s32 v1, v4;
	_ =	sdelay $0x4  }
0x2b5: {  	[tilespmem:s20], [sflag:$0x1] =	stream.indirect_vreg.gather [hbm4b:s4+s2], $0x80, v4, vm0, $0xb8;
	[tilespmem:$0x18100] =	vst v63  }
0x2b6: {  	s26 =	simm.s32 $0x900  }
0x2b7: {  	[tilespmem:s26], [sflag:$0x1] =	stream.indirect_vreg.gather [hbm4b:s5+s2], $0x80, v4, vm0, $0xb8;
	[tilespmem:$0x18100] =	vst v63  }
0x2b8: {  	s28 =	simm.s32 $0x1100  }
0x2b9: {  	[tilespmem:s28], [sflag:$0x1] =	stream.indirect_vreg.gather [hbm4b:s6+s2], $0x80, v4, vm0, $0xb8;
	[tilespmem:$0x18100] =	vst v63  }
0x2ba: {  	s29 =	simm.s32 $0x1900  }
0x2bb: {  	[tilespmem:s29], [sflag:$0x1] =	stream.indirect_vreg.gather [hbm4b:s7+s2], $0x80, v4, vm0, $0xb8;
	[tilespmem:$0x18100] =	vst v63  }
0x2bc: {  	s30 =	simm.s32 $0x2100  }
0x2bd: {  	[tilespmem:s30], [sflag:$0x1] =	stream.indirect_vreg.gather [hbm4b:s8+s2], $0x80, v4, vm0, $0xb8;
	[tilespmem:$0x18100] =	vst v63  }
0x2be: {  	s31 =	simm.s32 $0x2900;
	v3 =	vperm.xlane v3, v2  }
0x2bf: {  	[tilespmem:s31], [sflag:$0x1] =	stream.indirect_vreg.gather [hbm4b:s9+s2], $0x80, v4, vm0, $0xb8;
	[tilespmem:$0x18100] =	vst v63  }
0x2c0: {  	s14 =	simm.s32 $0x3100;
	v3 =	vadd.s32 v1, v3  }
0x2c1: {  	[tilespmem:s14], [sflag:$0x1] =	stream.indirect_vreg.gather [hbm4b:s10+s2], $0x80, v4, vm0, $0xb8;
	[tilespmem:$0x18100] =	vst v63  }
0x2c2: {  	s18 =	simm.s32 $0x3900  }
0x2c3: {  	[tilespmem:s18], [sflag:$0x1] =	stream.indirect_vreg.gather [hbm4b:s11+s2], $0x80, v4, vm0, $0xb8;
	[tilespmem:$0x18100] =	vst v63  }
0x2c4: {  	s21 =	simm.s32 $0x4100  }
0x2c5: {  	[tilespmem:s21], [sflag:$0x1] =	stream.indirect_vreg.gather [hbm4b:s4+s2], $0x80, v3, vm0, $0xb8;
	[tilespmem:$0x18100] =	vst v63  }
0x2c6: {  	s22 =	simm.s32 $0x4900  }
0x2c7: {  	[tilespmem:s22], [sflag:$0x1] =	stream.indirect_vreg.gather [hbm4b:s5+s2], $0x80, v3, vm0, $0xb8;
	[tilespmem:$0x18100] =	vst v63  }
0x2c8: {  	s23 =	simm.s32 $0x5100  }
0x2c9: {  	[tilespmem:s23], [sflag:$0x1] =	stream.indirect_vreg.gather [hbm4b:s6+s2], $0x80, v3, vm0, $0xb8;
	[tilespmem:$0x18100] =	vst v63  }
0x2ca: {  	s24 =	simm.s32 $0x5900  }
0x2cb: {  	[tilespmem:s24], [sflag:$0x1] =	stream.indirect_vreg.gather [hbm4b:s7+s2], $0x80, v3, vm0, $0xb8;
	[tilespmem:$0x18100] =	vst v63  }
0x2cc: {  	s25 =	simm.s32 $0x6100  }
0x2cd: {  	[tilespmem:s25], [sflag:$0x1] =	stream.indirect_vreg.gather [hbm4b:s8+s2], $0x80, v3, vm0, $0xb8;
	[tilespmem:$0x18100] =	vst v63  }
0x2ce: {  	s26 =	simm.s32 $0x6900  }
0x2cf: {  	[tilespmem:s26], [sflag:$0x1] =	stream.indirect_vreg.gather [hbm4b:s9+s2], $0x80, v3, vm0, $0xb8;
	[tilespmem:$0x18100] =	vst v63  }
0x2d0: {  	s28 =	simm.s32 $0x7100  }
0x2d1: {  	[tilespmem:s28], [sflag:$0x1] =	stream.indirect_vreg.gather [hbm4b:s10+s2], $0x80, v3, vm0, $0xb8;
	[tilespmem:$0x18100] =	vst v63  }
0x2d2: {  	s29 =	simm.s32 $0x7900  }
0x2d3: {  	[tilespmem:s29], [sflag:$0x1] =	stream.indirect_vreg.gather [hbm4b:s11+s2], $0x80, v3, vm0, $0xb8;
	[tilespmem:$0x18100] =	vst v63  }
0x2d4: {  	_ =	swait.ge [sflag:s15], $0x8000  }
0x2d5: {  	[sflag:s15] =	ssyncset.done $0x0  }
0x2d6: {  	s30 =	rddreg [dreg:$0x11];
	[sflag:s15] =	ssyncadd.s32 $0xFFFF8000  }
0x2d7: {  	[hbm4b:s30+s2] =	stream.linear.scatter [tilespmem:s12], [sflag:$0x6], $0x8000, $0x38;
	[tilespmem:$0x18100] =	vst v63  }
0x2d8: {  	_ =	swait.ge [sflag:s13], $0x8000  }
0x2d9: {  	[sflag:s13] =	ssyncset.done $0x0  }
0x2da: {  	s31 =	rddreg [dreg:$0x12];
	[sflag:s13] =	ssyncadd.s32 $0xFFFF8000  }
0x2db: {  	[hbm4b:s31+s2] =	stream.linear.scatter [tilespmem:s20], [sflag:$0x4], $0x8000, $0x38;
	[tilespmem:$0x18100] =	vst v63  }
0x2dc: {  	_ =	swait.ge [sflag:s16], $0x8000  }
0x2dd: {  	[sflag:s16] =	ssyncset.done $0x0  }
0x2de: {  	[sflag:s16] =	ssyncadd.s32 $0xFFFF8000  }
0x2df: {  	p0 =	sne.s32 s1, $0x1;
	_ =	swait.ge [sflag:s17], $0x8000  }
.Ltmp0:
0x2e0: {  	[sflag:s17] =	ssyncset.done $0x0;
	(pc) =	sbr.rel @p0 .LBB2_1-.Ltmp0, $4  }
0x2e1: {  	[sflag:s17] =	ssyncadd.s32 $0xFFFF8000  }
0x2e2: {  	_ =	swait.ge [sflag:s0], $0x8000  }
0x2e3: {  	[sflag:s0] =	ssyncset.done $0x0  }
0x2e4: {  	s1 =	sadd.s32 $0xFFFFFFFF, s1;
	[sflag:s0] =	ssyncadd.s32 $0xFFFF8000  }
0x2e5: {  	_ =	sfence.sel $0x180000  }
0x2e6: {  	[bflag:$0x0] =	sbarrier.arrive $0xFFFF  }
0x2e7: {  	_ =	strace $0x9000004A  }
0x2e8: {  	s0 =	stileid.u32;
	[bflag:$0x2] =	sbarrier.arrive $0xFFFF  }
0x2e9: {  	p0 =	sne.s32 s0, $0x0;
	s0 =	rddreg [dreg:$0x2]  }
0x2ea: {  	s0 =	sadd.s32 @!p0 $0x100000, s0  }
0x2eb: {  	[sflag:s0] =	ssyncadd.tile.s32 @!p0 $0x1;
	_ =	shalt  }
.Lfunc_end2:
_tile_overlayer_lowered:
.L_overlay_start_2:
0x2ec: {  	(tag) =	ssettag $0x2  }
0x2ed: {  	s0 =	rddreg [dreg:$0x0];
	s2 =	stileid.u32  }
0x2ee: {  	s1 =	rddreg [dreg:$0x1];
	p0 =	sne.s32 s2, $0x0  }
0x2ef: {  	s3 =	rddreg [dreg:$0x2];
	[bflag:$0x3] =	sbarrier.arrive $0xFFFF;
	s2 =	simm.s32 @!p0 $0x1C07  }
0x2f0: {  	[timem:s3], [sflag:s2] =	dma.local @!p0 [hbm:s0], s1  }
0x2f1: {  	s0 =	simm.s32 @!p0 $0x7  }
0x2f2: {  	_ =	swait.ge @!p0 [sflag:s0], s1  }
0x2f3: {  	s1 =	ssub.s32 @!p0 $0x0, s1;
	[sflag:s0] =	ssyncset.done @!p0 $0x0  }
0x2f4: {  	[sflag:s0] =	ssyncadd.s32 @!p0 s1  }
0x2f5: {  	[bflag:$0x3] =	sbarrier.arrive $0xFFFF  }
0x2f6: {  	_ =	shalt  }

</sc_bundles>
